<compile_context>
chip_gen: v7x
topology: tpu7x:2x2x1
jax: 0.10.2.dev20260603
libtpu: 0.0.44.dev20260713+nightly
codegen_flags: <defaults>
</compile_context>

<pallas_src>
import functools

import jax
import jax.numpy as jnp
from jax import lax
from jax.experimental import pallas as pl
from jax.experimental.pallas import tpu as pltpu
from jax.experimental.pallas import tpu_sc as plsc

NC = 2
NS = 16
L = 16
NW = NC * NS

B = 16384
D = 32
BPW = B // NW
NG = 7813
GPW = 245
CAP = 1008
SCAP = 256 * L
KQ = 14
RS = 32


def _gather_kernel(uidx_hbm, iidx_hbm, u_t_hbm, i_t_hbm,
                   urows_hbm, vrows_hbm,
                   idx_vm, idx2_vm, sel_r, sel_b, sel2_r, sel2_b,
                   slots_r, slots_b, slots2_r, slots2_b,
                   olist_sm, olist2_sm, hist_sm, hist2_sm, gbuf, rowstage,
                   gsem, wsem):
    wid = lax.axis_index("s") * NC + lax.axis_index("c")
    rows0 = lax.iota(jnp.int32, L)
    SI = B // L // 8

    pltpu.sync_copy(uidx_hbm, idx_vm)
    pltpu.sync_copy(iidx_hbm, idx2_vm)

    def zero_hists(t, _):
        hist_sm[t] = 0
        hist2_sm[t] = 0
        return 0
    lax.fori_loop(0, 256, zero_hists, 0)

    def sel_iter(q, cnt, src_vm, dst_r, dst_b):
        chunks, csums = [], []
        for t in range(8):
            chunk = src_vm[pl.ds((q * 8 + t) * L, L)]
            g = lax.shift_right_logical(chunk, 7)
            own = (g & 31) == wid
            csums.append(plsc.cumsum(jnp.where(own, 1, 0).astype(jnp.int32)))
            chunks.append((chunk, own))
        for t in range(8):
            chunk, own = chunks[t]
            bpos = (q * 8 + t) * L + rows0
            dest = cnt + csums[t] - 1
            okm = own & (dest < CAP)
            plsc.store_scatter(dst_r, [dest], chunk, mask=okm)
            plsc.store_scatter(dst_b, [dest], bpos, mask=okm)
            cnt = cnt + csums[t][L - 1]
        return cnt

    def bin_iter(k, cnt, src_r, src_b, dst_r, dst_b, hist):
        chunk = src_r[pl.ds(k * L, L)]
        bchunk = src_b[pl.ds(k * L, L)]
        valid = (k * L + rows0) < cnt
        lgv = jnp.where(valid, lax.shift_right_logical(chunk, 12), 255)
        posv = jnp.zeros((L,), jnp.int32)
        for j in range(L):
            lg = lgv[j]
            c = hist[lg]
            hist[lg] = c + 1
            pj = jnp.full((L,), lg * L + c, jnp.int32)
            posv = jnp.where(rows0 == j, pj, posv)
        plsc.store_scatter(dst_r, [posv], chunk, mask=valid)
        plsc.store_scatter(dst_b, [posv], bchunk, mask=valid)

    def olist_build(hist, olist):
        def ol_body(t, n):
            c = hist[t]

            def put():
                olist[n] = t
                return n + 1
            return jax.lax.cond(c > 0, put, lambda: n)
        return lax.fori_loop(0, GPW, ol_body, jnp.int32(0))

    def fire(oi, t_hbm, olist):
        gi = olist[oi]
        gcol = (gi * 32 + wid) * 128
        gcol = pl.multiple_of(gcol, 128)
        pltpu.async_copy(t_hbm.at[:, pl.ds(gcol, 128)],
                         gbuf.at[lax.rem(oi, KQ)], gsem)

    def group_work(oi, gwc, t_hbm, rows_out_hbm, olist, hist, ocnt):
        slot = lax.rem(oi, KQ)
        pltpu.make_async_copy(t_hbm.at[:, pl.ds(0, 128)],
                              gbuf.at[slot], gsem).wait()
        gi = olist[oi]
        cg = hist[gi]
        sbase = gi * L

        @pl.when(oi + KQ < ocnt)
        def _():
            fire(oi + KQ, t_hbm, olist)

        def member(m, _):
            w = gwc + m

            @pl.when(w >= RS)
            def _():
                pltpu.make_async_copy(rowstage.at[0],
                                      rows_out_hbm.at[pl.ds(0, D)],
                                      wsem).wait()
            rmv = plsc.load_gather(slots_r if rows_out_hbm is urows_hbm
                                   else slots2_r,
                                   [jnp.full((L,), sbase, jnp.int32) + m])
            bmv = plsc.load_gather(slots_b if rows_out_hbm is urows_hbm
                                   else slots2_b,
                                   [jnp.full((L,), sbase, jnp.int32) + m])
            col = rmv & 127
            sv = jnp.full((L,), slot, jnp.int32)
            u0 = plsc.load_gather(gbuf, [sv, rows0, col])
            u1 = plsc.load_gather(gbuf, [sv, rows0 + L, col])
            rs = lax.rem(w, RS)
            rowstage[rs, pl.ds(0, L)] = u0
            rowstage[rs, pl.ds(L, L)] = u1
            b0 = bmv[0] * D
            pltpu.async_copy(rowstage.at[rs],
                             rows_out_hbm.at[pl.ds(b0, D)], wsem)
            return 0
        lax.fori_loop(0, cg, member, 0)
        return gwc + cg

    def final_drain(rows_out_hbm, wcnt):
        def fd(m, _):
            pltpu.make_async_copy(rowstage.at[0],
                                  rows_out_hbm.at[pl.ds(0, D)], wsem).wait()
            return 0
        lax.fori_loop(0, jnp.minimum(wcnt, RS), fd, 0)

    def sel_u(q, cnt):
        return sel_iter(q, cnt, idx_vm, sel_r, sel_b)
    cnt_u = lax.fori_loop(0, SI, sel_u, jnp.int32(0))

    def bin_u(k, _):
        bin_iter(k, cnt_u, sel_r, sel_b, slots_r, slots_b, hist_sm)
        return 0
    lax.fori_loop(0, (cnt_u + L - 1) // L, bin_u, 0)
    ocnt_u = olist_build(hist_sm, olist_sm)

    def prime_u(oi, _):
        @pl.when(oi < ocnt_u)
        def _():
            fire(oi, u_t_hbm, olist_sm)
        return 0
    lax.fori_loop(0, KQ, prime_u, 0)

    NI = SI + 64

    def walk_u(oi, carry):
        gwc, cnt_i = carry
        gwc = jax.lax.cond(
            oi < ocnt_u,
            lambda: group_work(oi, gwc, u_t_hbm, urows_hbm,
                               olist_sm, hist_sm, ocnt_u),
            lambda: gwc)
        cnt_i = jax.lax.cond(
            oi < SI,
            lambda: sel_iter(oi, cnt_i, idx2_vm, sel2_r, sel2_b),
            lambda: cnt_i)

        @pl.when((oi >= SI) & (oi - SI < (cnt_i + L - 1) // L))
        def _():
            bin_iter(oi - SI, cnt_i, sel2_r, sel2_b,
                     slots2_r, slots2_b, hist2_sm)
        return (gwc, cnt_i)

    loop_n = jnp.maximum(ocnt_u, NI)
    wcnt_u, _cnt_i = lax.fori_loop(0, loop_n, walk_u,
                                   (jnp.int32(0), jnp.int32(0)))
    final_drain(urows_hbm, wcnt_u)

    ocnt_i = olist_build(hist2_sm, olist2_sm)

    def prime_i(oi, _):
        @pl.when(oi < ocnt_i)
        def _():
            fire(oi, i_t_hbm, olist2_sm)
        return 0
    lax.fori_loop(0, KQ, prime_i, 0)

    def walk_i(oi, gwc):
        return group_work(oi, gwc, i_t_hbm, vrows_hbm,
                          olist2_sm, hist2_sm, ocnt_i)
    wcnt_i = lax.fori_loop(0, ocnt_i, walk_i, jnp.int32(0))
    final_drain(vrows_hbm, wcnt_i)


def _dot_kernel(urows_hbm, vrows_hbm, out_hbm, u_vm, v_vm, out_v, sem1, sem2):
    wid = lax.axis_index("s") * NC + lax.axis_index("c")
    base = wid * BPW
    c1 = pltpu.async_copy(urows_hbm.at[pl.ds(base * D, BPW * D)], u_vm, sem1)
    c2 = pltpu.async_copy(vrows_hbm.at[pl.ds(base * D, BPW * D)], v_vm, sem2)
    c1.wait()
    c2.wait()
    rows0 = lax.iota(jnp.int32, L)

    def gbody(g, _):
        fbase = g * L * D
        acc = jnp.zeros((L,), jnp.float32)
        for d in range(D):
            fidx = fbase + rows0 * D + d
            u = plsc.load_gather(u_vm, [fidx])
            v = plsc.load_gather(v_vm, [fidx])
            acc = acc + u * v
        out_v[pl.ds(g * L, L)] = acc
        return 0
    lax.fori_loop(0, BPW // L, gbody, 0)
    pltpu.sync_copy(out_v, out_hbm.at[pl.ds(base, BPW)])


@jax.jit
def _run(user_idx, item_idx, user_w, item_w):
    mesh = plsc.VectorSubcoreMesh(core_axis_name="c", subcore_axis_name="s")
    k1 = functools.partial(
        pl.kernel,
        out_type=(jax.ShapeDtypeStruct((B * D,), jnp.float32),
                  jax.ShapeDtypeStruct((B * D,), jnp.float32)),
        mesh=mesh,
        compiler_params=pltpu.CompilerParams(
            needs_layout_passes=False, use_tc_tiling_on_sc=True),
        scratch_types=[
            pltpu.VMEM((B,), jnp.int32),
            pltpu.VMEM((B,), jnp.int32),
            pltpu.VMEM((CAP,), jnp.int32),
            pltpu.VMEM((CAP,), jnp.int32),
            pltpu.VMEM((CAP,), jnp.int32),
            pltpu.VMEM((CAP,), jnp.int32),
            pltpu.VMEM((SCAP,), jnp.int32),
            pltpu.VMEM((SCAP,), jnp.int32),
            pltpu.VMEM((SCAP,), jnp.int32),
            pltpu.VMEM((SCAP,), jnp.int32),
            pltpu.SMEM((256,), jnp.int32),
            pltpu.SMEM((256,), jnp.int32),
            pltpu.SMEM((256,), jnp.int32),
            pltpu.SMEM((256,), jnp.int32),
            pltpu.VMEM((KQ, D, 128), jnp.float32),
            pltpu.VMEM((RS, D), jnp.float32),
            pltpu.SemaphoreType.DMA,
            pltpu.SemaphoreType.DMA,
        ],
    )(_gather_kernel)
    urows, vrows = k1(user_idx, item_idx, user_w.T, item_w.T)

    k2 = functools.partial(
        pl.kernel,
        out_type=jax.ShapeDtypeStruct((B,), jnp.float32),
        mesh=mesh,
        compiler_params=pltpu.CompilerParams(
            needs_layout_passes=False, use_tc_tiling_on_sc=True),
        scratch_types=[
            pltpu.VMEM((BPW * D,), jnp.float32),
            pltpu.VMEM((BPW * D,), jnp.float32),
            pltpu.VMEM((BPW,), jnp.float32),
            pltpu.SemaphoreType.DMA,
            pltpu.SemaphoreType.DMA,
        ],
    )(_dot_kernel)
    return k2(urows, vrows)


def kernel(user_idx, item_idx, user_w, item_w):
    return _run(user_idx, item_idx, user_w, item_w)

# --- scband reference (transcript-rebuilt; emitter-appended) ---
"""Pipeline reference for scband-nmf-20916490731838 (READ-ONLY COPY).

The authoritative reference and input builder live on the scoring server;
editing this copy changes nothing except your own understanding.
"""

import jax, jax.numpy as jnp
import numpy as np

USER_LEN = 1000000
ITEM_LEN = 1000000
LATENT_DIM = 32
BATCH = 16384

def setup_inputs(seed: int = 0) -> dict:
    key = jax.random.key(seed)
    k1, k2, k3, k4 = jax.random.split(key, 4)
    user_idx = jax.random.randint(k1, (BATCH,), 0, USER_LEN, dtype=jnp.int64) if jax.config.jax_enable_x64 else jax.random.randint(k1, (BATCH,), 0, USER_LEN, dtype=jnp.int32)
    item_idx = jax.random.randint(k2, (BATCH,), 0, ITEM_LEN, dtype=jnp.int32)
    user_idx = user_idx.astype(jnp.int32)
    # learned parameters: torch.rand -> uniform [0,1)
    user_w = jax.random.uniform(k3, (USER_LEN, LATENT_DIM), dtype=jnp.float32)
    item_w = jax.random.uniform(k4, (ITEM_LEN, LATENT_DIM), dtype=jnp.float32)
    return {"user_idx": user_idx, "item_idx": item_idx, "user_w": user_w, "item_w": item_w}

def reference(user_idx, item_idx, user_w, item_w):
    # gather rows from both embedding tables
    u = jnp.take(user_w, user_idx, axis=0)  # [B, D]
    v = jnp.take(item_w, item_idx, axis=0)  # [B, D]
    # einsum('bs,bs->b') == rowwise dot product
    out = jnp.einsum('bs,bs->b', u, v)
    # original casts to double; emulate with highest available float precision
    return out.astype(jnp.float64) if jax.config.jax_enable_x64 else out.astype(jnp.float32)

if __name__ == "__main__":
    import jax
    _d = setup_inputs()
    print(jax.jit(kernel)(*tuple(_d.values())))

</pallas_src>

<mosaic_0001>
#map = affine_map<(d0, d1) -> (0)>
module attributes {stable_mosaic.version = 14 : i64} {
  func.func @_dot_kernel(%arg0: i32, %arg1: i32, %arg2: memref<524288xf32, #tpu.memory_space<hbm>>, %arg3: memref<524288xf32, #tpu.memory_space<hbm>>, %arg4: memref<16384xf32, #tpu.memory_space<hbm>>, %arg5: memref<16384xf32, #tpu.memory_space<vmem>>, %arg6: memref<16384xf32, #tpu.memory_space<vmem>>, %arg7: memref<512xf32, #tpu.memory_space<vmem>>, %arg8: memref<!tpu.dma_semaphore, #tpu.memory_space<semaphore_mem>>, %arg9: memref<!tpu.dma_semaphore, #tpu.memory_space<semaphore_mem>>) attributes {dimension_semantics = [#tpu.dimension_semantics<core_parallel>, #tpu.dimension_semantics<subcore_parallel>], iteration_bounds = array<i64: 2, 16>, scalar_prefetch = 0 : i64, scratch_operands = 5 : i64, tpu.core_type = #tpu.core_type<sc_vector_subcore>, window_params = [{transform_indices = #map}, {transform_indices = #map}, {transform_indices = #map}]} {
    %mul3A = arith.constant 2 : i32
    %mul3A_0 = arith.muli %arg1, %mul3A : i32
    %add3A = arith.addi %mul3A_0, %arg0 : i32
    %mul3A_1 = arith.constant 512 : i32
    %mul3A_2 = arith.muli %add3A, %mul3A_1 : i32
    %mul3A_3 = arith.constant 32 : i32
    %mul3A_4 = arith.muli %mul3A_2, %mul3A_3 : i32
    %dma_start3A = tpu.memref_slice %arg2[%mul3A_4] : memref<524288xf32, #tpu.memory_space<hbm>> -> memref<16384xf32, #tpu.memory_space<hbm>>
    %dma_start3A_5 = tpu.memref_slice %arg2[%mul3A_4] : memref<524288xf32, #tpu.memory_space<hbm>> -> memref<16384xf32, #tpu.memory_space<hbm>>
    tpu.enqueue_dma source(%dma_start3A_5 : memref<16384xf32, #tpu.memory_space<hbm>>) target(%arg5 : memref<16384xf32, #tpu.memory_space<vmem>>) target_semaphore(%arg8 : memref<!tpu.dma_semaphore, #tpu.memory_space<semaphore_mem>>)
    %mul3A_6 = arith.constant 32 : i32
    %mul3A_7 = arith.muli %mul3A_2, %mul3A_6 : i32
    %dma_start3A_8 = tpu.memref_slice %arg3[%mul3A_7] : memref<524288xf32, #tpu.memory_space<hbm>> -> memref<16384xf32, #tpu.memory_space<hbm>>
    %dma_start3A_9 = tpu.memref_slice %arg3[%mul3A_7] : memref<524288xf32, #tpu.memory_space<hbm>> -> memref<16384xf32, #tpu.memory_space<hbm>>
    tpu.enqueue_dma source(%dma_start3A_9 : memref<16384xf32, #tpu.memory_space<hbm>>) target(%arg6 : memref<16384xf32, #tpu.memory_space<vmem>>) target_semaphore(%arg9 : memref<!tpu.dma_semaphore, #tpu.memory_space<semaphore_mem>>)
    %dma_wait3A = tpu.memref_slice %arg2[%mul3A_4] : memref<524288xf32, #tpu.memory_space<hbm>> -> memref<16384xf32, #tpu.memory_space<hbm>>
    %dma_wait3A_10 = tpu.memref_slice %arg2[%mul3A_4] : memref<524288xf32, #tpu.memory_space<hbm>> -> memref<16384xf32, #tpu.memory_space<hbm>>
    tpu.wait_dma2 semaphore(%arg8 : memref<!tpu.dma_semaphore, #tpu.memory_space<semaphore_mem>>) src(%dma_wait3A_10 : memref<16384xf32, #tpu.memory_space<hbm>>) dst(%arg5 : memref<16384xf32, #tpu.memory_space<vmem>>)
    %dma_wait3A_11 = tpu.memref_slice %arg3[%mul3A_7] : memref<524288xf32, #tpu.memory_space<hbm>> -> memref<16384xf32, #tpu.memory_space<hbm>>
    %dma_wait3A_12 = tpu.memref_slice %arg3[%mul3A_7] : memref<524288xf32, #tpu.memory_space<hbm>> -> memref<16384xf32, #tpu.memory_space<hbm>>
    tpu.wait_dma2 semaphore(%arg9 : memref<!tpu.dma_semaphore, #tpu.memory_space<semaphore_mem>>) src(%dma_wait3A_12 : memref<16384xf32, #tpu.memory_space<hbm>>) dst(%arg6 : memref<16384xf32, #tpu.memory_space<vmem>>)
    %iota3A = tpu.iota {dimensions = array<i32: 0>} : vector<16xi32>
    %scan3A = arith.constant 0 : i32
    %scan3A_13 = arith.constant 0 : i32
    %scan3A_14 = arith.constant 32 : i32
    %scan3A_15 = arith.addi %scan3A_13, %scan3A_14 : i32
    %scan3A_16 = arith.constant 1 : i32
    %scan3A_17 = scf.for %scan3A_19 = %scan3A_13 to %scan3A_15 step %scan3A_16 iter_args(%scan3A_20 = %scan3A) -> (i32)  : i32 {
      %mul3A_21 = arith.constant 16 : i32
      %mul3A_22 = arith.muli %scan3A_19, %mul3A_21 : i32
      %mul3A_23 = arith.constant 32 : i32
      %mul3A_24 = arith.muli %mul3A_22, %mul3A_23 : i32
      %broadcast_in_dim3A = arith.constant 0.000000e+00 : f32
      %broadcast_in_dim3A_25 = vector.broadcast %broadcast_in_dim3A : f32 to vector<16xf32>
      %mul3A_26 = arith.constant 32 : i32
      %mul3A_27 = vector.broadcast %mul3A_26 : i32 to vector<16xi32>
      %mul3A_28 = arith.muli %iota3A, %mul3A_27 : vector<16xi32>
      %add3A_29 = vector.broadcast %mul3A_24 : i32 to vector<16xi32>
      %add3A_30 = arith.addi %add3A_29, %mul3A_28 : vector<16xi32>
      %add3A_31 = arith.constant 0 : i32
      %add3A_32 = vector.broadcast %add3A_31 : i32 to vector<16xi32>
      %add3A_33 = arith.addi %add3A_30, %add3A_32 : vector<16xi32>
      %gather3A = tpu.vector_load_idx %arg5[%add3A_33] : memref<16384xf32, #tpu.memory_space<vmem>>[vector<16xi32>], vector<16xf32>,
      %gather3A_34 = tpu.vector_load_idx %arg6[%add3A_33] : memref<16384xf32, #tpu.memory_space<vmem>>[vector<16xi32>], vector<16xf32>,
      %mul3A_35 = arith.mulf %gather3A, %gather3A_34 : vector<16xf32>
      %add3A_36 = arith.addf %broadcast_in_dim3A_25, %mul3A_35 : vector<16xf32>
      %mul3A_37 = arith.constant 32 : i32
      %mul3A_38 = vector.broadcast %mul3A_37 : i32 to vector<16xi32>
      %mul3A_39 = arith.muli %iota3A, %mul3A_38 : vector<16xi32>
      %add3A_40 = vector.broadcast %mul3A_24 : i32 to vector<16xi32>
      %add3A_41 = arith.addi %add3A_40, %mul3A_39 : vector<16xi32>
      %add3A_42 = arith.constant 1 : i32
      %add3A_43 = vector.broadcast %add3A_42 : i32 to vector<16xi32>
      %add3A_44 = arith.addi %add3A_41, %add3A_43 : vector<16xi32>
      %gather3A_45 = tpu.vector_load_idx %arg5[%add3A_44] : memref<16384xf32, #tpu.memory_space<vmem>>[vector<16xi32>], vector<16xf32>,
      %gather3A_46 = tpu.vector_load_idx %arg6[%add3A_44] : memref<16384xf32, #tpu.memory_space<vmem>>[vector<16xi32>], vector<16xf32>,
      %mul3A_47 = arith.mulf %gather3A_45, %gather3A_46 : vector<16xf32>
      %add3A_48 = arith.addf %add3A_36, %mul3A_47 : vector<16xf32>
      %mul3A_49 = arith.constant 32 : i32
      %mul3A_50 = vector.broadcast %mul3A_49 : i32 to vector<16xi32>
      %mul3A_51 = arith.muli %iota3A, %mul3A_50 : vector<16xi32>
      %add3A_52 = vector.broadcast %mul3A_24 : i32 to vector<16xi32>
      %add3A_53 = arith.addi %add3A_52, %mul3A_51 : vector<16xi32>
      %add3A_54 = arith.constant 2 : i32
      %add3A_55 = vector.broadcast %add3A_54 : i32 to vector<16xi32>
      %add3A_56 = arith.addi %add3A_53, %add3A_55 : vector<16xi32>
      %gather3A_57 = tpu.vector_load_idx %arg5[%add3A_56] : memref<16384xf32, #tpu.memory_space<vmem>>[vector<16xi32>], vector<16xf32>,
      %gather3A_58 = tpu.vector_load_idx %arg6[%add3A_56] : memref<16384xf32, #tpu.memory_space<vmem>>[vector<16xi32>], vector<16xf32>,
      %mul3A_59 = arith.mulf %gather3A_57, %gather3A_58 : vector<16xf32>
      %add3A_60 = arith.addf %add3A_48, %mul3A_59 : vector<16xf32>
      %mul3A_61 = arith.constant 32 : i32
      %mul3A_62 = vector.broadcast %mul3A_61 : i32 to vector<16xi32>
      %mul3A_63 = arith.muli %iota3A, %mul3A_62 : vector<16xi32>
      %add3A_64 = vector.broadcast %mul3A_24 : i32 to vector<16xi32>
      %add3A_65 = arith.addi %add3A_64, %mul3A_63 : vector<16xi32>
      %add3A_66 = arith.constant 3 : i32
      %add3A_67 = vector.broadcast %add3A_66 : i32 to vector<16xi32>
      %add3A_68 = arith.addi %add3A_65, %add3A_67 : vector<16xi32>
      %gather3A_69 = tpu.vector_load_idx %arg5[%add3A_68] : memref<16384xf32, #tpu.memory_space<vmem>>[vector<16xi32>], vector<16xf32>,
      %gather3A_70 = tpu.vector_load_idx %arg6[%add3A_68] : memref<16384xf32, #tpu.memory_space<vmem>>[vector<16xi32>], vector<16xf32>,
      %mul3A_71 = arith.mulf %gather3A_69, %gather3A_70 : vector<16xf32>
      %add3A_72 = arith.addf %add3A_60, %mul3A_71 : vector<16xf32>
      %mul3A_73 = arith.constant 32 : i32
      %mul3A_74 = vector.broadcast %mul3A_73 : i32 to vector<16xi32>
      %mul3A_75 = arith.muli %iota3A, %mul3A_74 : vector<16xi32>
      %add3A_76 = vector.broadcast %mul3A_24 : i32 to vector<16xi32>
      %add3A_77 = arith.addi %add3A_76, %mul3A_75 : vector<16xi32>
      %add3A_78 = arith.constant 4 : i32
      %add3A_79 = vector.broadcast %add3A_78 : i32 to vector<16xi32>
      %add3A_80 = arith.addi %add3A_77, %add3A_79 : vector<16xi32>
      %gather3A_81 = tpu.vector_load_idx %arg5[%add3A_80] : memref<16384xf32, #tpu.memory_space<vmem>>[vector<16xi32>], vector<16xf32>,
      %gather3A_82 = tpu.vector_load_idx %arg6[%add3A_80] : memref<16384xf32, #tpu.memory_space<vmem>>[vector<16xi32>], vector<16xf32>,
      %mul3A_83 = arith.mulf %gather3A_81, %gather3A_82 : vector<16xf32>
      %add3A_84 = arith.addf %add3A_72, %mul3A_83 : vector<16xf32>
      %mul3A_85 = arith.constant 32 : i32
      %mul3A_86 = vector.broadcast %mul3A_85 : i32 to vector<16xi32>
      %mul3A_87 = arith.muli %iota3A, %mul3A_86 : vector<16xi32>
      %add3A_88 = vector.broadcast %mul3A_24 : i32 to vector<16xi32>
      %add3A_89 = arith.addi %add3A_88, %mul3A_87 : vector<16xi32>
      %add3A_90 = arith.constant 5 : i32
      %add3A_91 = vector.broadcast %add3A_90 : i32 to vector<16xi32>
      %add3A_92 = arith.addi %add3A_89, %add3A_91 : vector<16xi32>
      %gather3A_93 = tpu.vector_load_idx %arg5[%add3A_92] : memref<16384xf32, #tpu.memory_space<vmem>>[vector<16xi32>], vector<16xf32>,
      %gather3A_94 = tpu.vector_load_idx %arg6[%add3A_92] : memref<16384xf32, #tpu.memory_space<vmem>>[vector<16xi32>], vector<16xf32>,
      %mul3A_95 = arith.mulf %gather3A_93, %gather3A_94 : vector<16xf32>
      %add3A_96 = arith.addf %add3A_84, %mul3A_95 : vector<16xf32>
      %mul3A_97 = arith.constant 32 : i32
      %mul3A_98 = vector.broadcast %mul3A_97 : i32 to vector<16xi32>
      %mul3A_99 = arith.muli %iota3A, %mul3A_98 : vector<16xi32>
      %add3A_100 = vector.broadcast %mul3A_24 : i32 to vector<16xi32>
      %add3A_101 = arith.addi %add3A_100, %mul3A_99 : vector<16xi32>
      %add3A_102 = arith.constant 6 : i32
      %add3A_103 = vector.broadcast %add3A_102 : i32 to vector<16xi32>
      %add3A_104 = arith.addi %add3A_101, %add3A_103 : vector<16xi32>
      %gather3A_105 = tpu.vector_load_idx %arg5[%add3A_104] : memref<16384xf32, #tpu.memory_space<vmem>>[vector<16xi32>], vector<16xf32>,
      %gather3A_106 = tpu.vector_load_idx %arg6[%add3A_104] : memref<16384xf32, #tpu.memory_space<vmem>>[vector<16xi32>], vector<16xf32>,
      %mul3A_107 = arith.mulf %gather3A_105, %gather3A_106 : vector<16xf32>
      %add3A_108 = arith.addf %add3A_96, %mul3A_107 : vector<16xf32>
      %mul3A_109 = arith.constant 32 : i32
      %mul3A_110 = vector.broadcast %mul3A_109 : i32 to vector<16xi32>
      %mul3A_111 = arith.muli %iota3A, %mul3A_110 : vector<16xi32>
      %add3A_112 = vector.broadcast %mul3A_24 : i32 to vector<16xi32>
      %add3A_113 = arith.addi %add3A_112, %mul3A_111 : vector<16xi32>
      %add3A_114 = arith.constant 7 : i32
      %add3A_115 = vector.broadcast %add3A_114 : i32 to vector<16xi32>
      %add3A_116 = arith.addi %add3A_113, %add3A_115 : vector<16xi32>
      %gather3A_117 = tpu.vector_load_idx %arg5[%add3A_116] : memref<16384xf32, #tpu.memory_space<vmem>>[vector<16xi32>], vector<16xf32>,
      %gather3A_118 = tpu.vector_load_idx %arg6[%add3A_116] : memref<16384xf32, #tpu.memory_space<vmem>>[vector<16xi32>], vector<16xf32>,
      %mul3A_119 = arith.mulf %gather3A_117, %gather3A_118 : vector<16xf32>
      %add3A_120 = arith.addf %add3A_108, %mul3A_119 : vector<16xf32>
      %mul3A_121 = arith.constant 32 : i32
      %mul3A_122 = vector.broadcast %mul3A_121 : i32 to vector<16xi32>
      %mul3A_123 = arith.muli %iota3A, %mul3A_122 : vector<16xi32>
      %add3A_124 = vector.broadcast %mul3A_24 : i32 to vector<16xi32>
      %add3A_125 = arith.addi %add3A_124, %mul3A_123 : vector<16xi32>
      %add3A_126 = arith.constant 8 : i32
      %add3A_127 = vector.broadcast %add3A_126 : i32 to vector<16xi32>
      %add3A_128 = arith.addi %add3A_125, %add3A_127 : vector<16xi32>
      %gather3A_129 = tpu.vector_load_idx %arg5[%add3A_128] : memref<16384xf32, #tpu.memory_space<vmem>>[vector<16xi32>], vector<16xf32>,
      %gather3A_130 = tpu.vector_load_idx %arg6[%add3A_128] : memref<16384xf32, #tpu.memory_space<vmem>>[vector<16xi32>], vector<16xf32>,
      %mul3A_131 = arith.mulf %gather3A_129, %gather3A_130 : vector<16xf32>
      %add3A_132 = arith.addf %add3A_120, %mul3A_131 : vector<16xf32>
      %mul3A_133 = arith.constant 32 : i32
      %mul3A_134 = vector.broadcast %mul3A_133 : i32 to vector<16xi32>
      %mul3A_135 = arith.muli %iota3A, %mul3A_134 : vector<16xi32>
      %add3A_136 = vector.broadcast %mul3A_24 : i32 to vector<16xi32>
      %add3A_137 = arith.addi %add3A_136, %mul3A_135 : vector<16xi32>
      %add3A_138 = arith.constant 9 : i32
      %add3A_139 = vector.broadcast %add3A_138 : i32 to vector<16xi32>
      %add3A_140 = arith.addi %add3A_137, %add3A_139 : vector<16xi32>
      %gather3A_141 = tpu.vector_load_idx %arg5[%add3A_140] : memref<16384xf32, #tpu.memory_space<vmem>>[vector<16xi32>], vector<16xf32>,
      %gather3A_142 = tpu.vector_load_idx %arg6[%add3A_140] : memref<16384xf32, #tpu.memory_space<vmem>>[vector<16xi32>], vector<16xf32>,
      %mul3A_143 = arith.mulf %gather3A_141, %gather3A_142 : vector<16xf32>
      %add3A_144 = arith.addf %add3A_132, %mul3A_143 : vector<16xf32>
      %mul3A_145 = arith.constant 32 : i32
      %mul3A_146 = vector.broadcast %mul3A_145 : i32 to vector<16xi32>
      %mul3A_147 = arith.muli %iota3A, %mul3A_146 : vector<16xi32>
      %add3A_148 = vector.broadcast %mul3A_24 : i32 to vector<16xi32>
      %add3A_149 = arith.addi %add3A_148, %mul3A_147 : vector<16xi32>
      %add3A_150 = arith.constant 10 : i32
      %add3A_151 = vector.broadcast %add3A_150 : i32 to vector<16xi32>
      %add3A_152 = arith.addi %add3A_149, %add3A_151 : vector<16xi32>
      %gather3A_153 = tpu.vector_load_idx %arg5[%add3A_152] : memref<16384xf32, #tpu.memory_space<vmem>>[vector<16xi32>], vector<16xf32>,
      %gather3A_154 = tpu.vector_load_idx %arg6[%add3A_152] : memref<16384xf32, #tpu.memory_space<vmem>>[vector<16xi32>], vector<16xf32>,
      %mul3A_155 = arith.mulf %gather3A_153, %gather3A_154 : vector<16xf32>
      %add3A_156 = arith.addf %add3A_144, %mul3A_155 : vector<16xf32>
      %mul3A_157 = arith.constant 32 : i32
      %mul3A_158 = vector.broadcast %mul3A_157 : i32 to vector<16xi32>
      %mul3A_159 = arith.muli %iota3A, %mul3A_158 : vector<16xi32>
      %add3A_160 = vector.broadcast %mul3A_24 : i32 to vector<16xi32>
      %add3A_161 = arith.addi %add3A_160, %mul3A_159 : vector<16xi32>
      %add3A_162 = arith.constant 11 : i32
      %add3A_163 = vector.broadcast %add3A_162 : i32 to vector<16xi32>
      %add3A_164 = arith.addi %add3A_161, %add3A_163 : vector<16xi32>
      %gather3A_165 = tpu.vector_load_idx %arg5[%add3A_164] : memref<16384xf32, #tpu.memory_space<vmem>>[vector<16xi32>], vector<16xf32>,
      %gather3A_166 = tpu.vector_load_idx %arg6[%add3A_164] : memref<16384xf32, #tpu.memory_space<vmem>>[vector<16xi32>], vector<16xf32>,
      %mul3A_167 = arith.mulf %gather3A_165, %gather3A_166 : vector<16xf32>
      %add3A_168 = arith.addf %add3A_156, %mul3A_167 : vector<16xf32>
      %mul3A_169 = arith.constant 32 : i32
      %mul3A_170 = vector.broadcast %mul3A_169 : i32 to vector<16xi32>
      %mul3A_171 = arith.muli %iota3A, %mul3A_170 : vector<16xi32>
      %add3A_172 = vector.broadcast %mul3A_24 : i32 to vector<16xi32>
      %add3A_173 = arith.addi %add3A_172, %mul3A_171 : vector<16xi32>
      %add3A_174 = arith.constant 12 : i32
      %add3A_175 = vector.broadcast %add3A_174 : i32 to vector<16xi32>
      %add3A_176 = arith.addi %add3A_173, %add3A_175 : vector<16xi32>
      %gather3A_177 = tpu.vector_load_idx %arg5[%add3A_176] : memref<16384xf32, #tpu.memory_space<vmem>>[vector<16xi32>], vector<16xf32>,
      %gather3A_178 = tpu.vector_load_idx %arg6[%add3A_176] : memref<16384xf32, #tpu.memory_space<vmem>>[vector<16xi32>], vector<16xf32>,
      %mul3A_179 = arith.mulf %gather3A_177, %gather3A_178 : vector<16xf32>
      %add3A_180 = arith.addf %add3A_168, %mul3A_179 : vector<16xf32>
      %mul3A_181 = arith.constant 32 : i32
      %mul3A_182 = vector.broadcast %mul3A_181 : i32 to vector<16xi32>
      %mul3A_183 = arith.muli %iota3A, %mul3A_182 : vector<16xi32>
      %add3A_184 = vector.broadcast %mul3A_24 : i32 to vector<16xi32>
      %add3A_185 = arith.addi %add3A_184, %mul3A_183 : vector<16xi32>
      %add3A_186 = arith.constant 13 : i32
      %add3A_187 = vector.broadcast %add3A_186 : i32 to vector<16xi32>
      %add3A_188 = arith.addi %add3A_185, %add3A_187 : vector<16xi32>
      %gather3A_189 = tpu.vector_load_idx %arg5[%add3A_188] : memref<16384xf32, #tpu.memory_space<vmem>>[vector<16xi32>], vector<16xf32>,
      %gather3A_190 = tpu.vector_load_idx %arg6[%add3A_188] : memref<16384xf32, #tpu.memory_space<vmem>>[vector<16xi32>], vector<16xf32>,
      %mul3A_191 = arith.mulf %gather3A_189, %gather3A_190 : vector<16xf32>
      %add3A_192 = arith.addf %add3A_180, %mul3A_191 : vector<16xf32>
      %mul3A_193 = arith.constant 32 : i32
      %mul3A_194 = vector.broadcast %mul3A_193 : i32 to vector<16xi32>
      %mul3A_195 = arith.muli %iota3A, %mul3A_194 : vector<16xi32>
      %add3A_196 = vector.broadcast %mul3A_24 : i32 to vector<16xi32>
      %add3A_197 = arith.addi %add3A_196, %mul3A_195 : vector<16xi32>
      %add3A_198 = arith.constant 14 : i32
      %add3A_199 = vector.broadcast %add3A_198 : i32 to vector<16xi32>
      %add3A_200 = arith.addi %add3A_197, %add3A_199 : vector<16xi32>
      %gather3A_201 = tpu.vector_load_idx %arg5[%add3A_200] : memref<16384xf32, #tpu.memory_space<vmem>>[vector<16xi32>], vector<16xf32>,
      %gather3A_202 = tpu.vector_load_idx %arg6[%add3A_200] : memref<16384xf32, #tpu.memory_space<vmem>>[vector<16xi32>], vector<16xf32>,
      %mul3A_203 = arith.mulf %gather3A_201, %gather3A_202 : vector<16xf32>
      %add3A_204 = arith.addf %add3A_192, %mul3A_203 : vector<16xf32>
      %mul3A_205 = arith.constant 32 : i32
      %mul3A_206 = vector.broadcast %mul3A_205 : i32 to vector<16xi32>
      %mul3A_207 = arith.muli %iota3A, %mul3A_206 : vector<16xi32>
      %add3A_208 = vector.broadcast %mul3A_24 : i32 to vector<16xi32>
      %add3A_209 = arith.addi %add3A_208, %mul3A_207 : vector<16xi32>
      %add3A_210 = arith.constant 15 : i32
      %add3A_211 = vector.broadcast %add3A_210 : i32 to vector<16xi32>
      %add3A_212 = arith.addi %add3A_209, %add3A_211 : vector<16xi32>
      %gather3A_213 = tpu.vector_load_idx %arg5[%add3A_212] : memref<16384xf32, #tpu.memory_space<vmem>>[vector<16xi32>], vector<16xf32>,
      %gather3A_214 = tpu.vector_load_idx %arg6[%add3A_212] : memref<16384xf32, #tpu.memory_space<vmem>>[vector<16xi32>], vector<16xf32>,
      %mul3A_215 = arith.mulf %gather3A_213, %gather3A_214 : vector<16xf32>
      %add3A_216 = arith.addf %add3A_204, %mul3A_215 : vector<16xf32>
      %mul3A_217 = arith.constant 32 : i32
      %mul3A_218 = vector.broadcast %mul3A_217 : i32 to vector<16xi32>
      %mul3A_219 = arith.muli %iota3A, %mul3A_218 : vector<16xi32>
      %add3A_220 = vector.broadcast %mul3A_24 : i32 to vector<16xi32>
      %add3A_221 = arith.addi %add3A_220, %mul3A_219 : vector<16xi32>
      %add3A_222 = arith.constant 16 : i32
      %add3A_223 = vector.broadcast %add3A_222 : i32 to vector<16xi32>
      %add3A_224 = arith.addi %add3A_221, %add3A_223 : vector<16xi32>
      %gather3A_225 = tpu.vector_load_idx %arg5[%add3A_224] : memref<16384xf32, #tpu.memory_space<vmem>>[vector<16xi32>], vector<16xf32>,
      %gather3A_226 = tpu.vector_load_idx %arg6[%add3A_224] : memref<16384xf32, #tpu.memory_space<vmem>>[vector<16xi32>], vector<16xf32>,
      %mul3A_227 = arith.mulf %gather3A_225, %gather3A_226 : vector<16xf32>
      %add3A_228 = arith.addf %add3A_216, %mul3A_227 : vector<16xf32>
      %mul3A_229 = arith.constant 32 : i32
      %mul3A_230 = vector.broadcast %mul3A_229 : i32 to vector<16xi32>
      %mul3A_231 = arith.muli %iota3A, %mul3A_230 : vector<16xi32>
      %add3A_232 = vector.broadcast %mul3A_24 : i32 to vector<16xi32>
      %add3A_233 = arith.addi %add3A_232, %mul3A_231 : vector<16xi32>
      %add3A_234 = arith.constant 17 : i32
      %add3A_235 = vector.broadcast %add3A_234 : i32 to vector<16xi32>
      %add3A_236 = arith.addi %add3A_233, %add3A_235 : vector<16xi32>
      %gather3A_237 = tpu.vector_load_idx %arg5[%add3A_236] : memref<16384xf32, #tpu.memory_space<vmem>>[vector<16xi32>], vector<16xf32>,
      %gather3A_238 = tpu.vector_load_idx %arg6[%add3A_236] : memref<16384xf32, #tpu.memory_space<vmem>>[vector<16xi32>], vector<16xf32>,
      %mul3A_239 = arith.mulf %gather3A_237, %gather3A_238 : vector<16xf32>
      %add3A_240 = arith.addf %add3A_228, %mul3A_239 : vector<16xf32>
      %mul3A_241 = arith.constant 32 : i32
      %mul3A_242 = vector.broadcast %mul3A_241 : i32 to vector<16xi32>
      %mul3A_243 = arith.muli %iota3A, %mul3A_242 : vector<16xi32>
      %add3A_244 = vector.broadcast %mul3A_24 : i32 to vector<16xi32>
      %add3A_245 = arith.addi %add3A_244, %mul3A_243 : vector<16xi32>
      %add3A_246 = arith.constant 18 : i32
      %add3A_247 = vector.broadcast %add3A_246 : i32 to vector<16xi32>
      %add3A_248 = arith.addi %add3A_245, %add3A_247 : vector<16xi32>
      %gather3A_249 = tpu.vector_load_idx %arg5[%add3A_248] : memref<16384xf32, #tpu.memory_space<vmem>>[vector<16xi32>], vector<16xf32>,
      %gather3A_250 = tpu.vector_load_idx %arg6[%add3A_248] : memref<16384xf32, #tpu.memory_space<vmem>>[vector<16xi32>], vector<16xf32>,
      %mul3A_251 = arith.mulf %gather3A_249, %gather3A_250 : vector<16xf32>
      %add3A_252 = arith.addf %add3A_240, %mul3A_251 : vector<16xf32>
      %mul3A_253 = arith.constant 32 : i32
      %mul3A_254 = vector.broadcast %mul3A_253 : i32 to vector<16xi32>
      %mul3A_255 = arith.muli %iota3A, %mul3A_254 : vector<16xi32>
      %add3A_256 = vector.broadcast %mul3A_24 : i32 to vector<16xi32>
      %add3A_257 = arith.addi %add3A_256, %mul3A_255 : vector<16xi32>
      %add3A_258 = arith.constant 19 : i32
      %add3A_259 = vector.broadcast %add3A_258 : i32 to vector<16xi32>
      %add3A_260 = arith.addi %add3A_257, %add3A_259 : vector<16xi32>
      %gather3A_261 = tpu.vector_load_idx %arg5[%add3A_260] : memref<16384xf32, #tpu.memory_space<vmem>>[vector<16xi32>], vector<16xf32>,
      %gather3A_262 = tpu.vector_load_idx %arg6[%add3A_260] : memref<16384xf32, #tpu.memory_space<vmem>>[vector<16xi32>], vector<16xf32>,
      %mul3A_263 = arith.mulf %gather3A_261, %gather3A_262 : vector<16xf32>
      %add3A_264 = arith.addf %add3A_252, %mul3A_263 : vector<16xf32>
      %mul3A_265 = arith.constant 32 : i32
      %mul3A_266 = vector.broadcast %mul3A_265 : i32 to vector<16xi32>
      %mul3A_267 = arith.muli %iota3A, %mul3A_266 : vector<16xi32>
      %add3A_268 = vector.broadcast %mul3A_24 : i32 to vector<16xi32>
      %add3A_269 = arith.addi %add3A_268, %mul3A_267 : vector<16xi32>
      %add3A_270 = arith.constant 20 : i32
      %add3A_271 = vector.broadcast %add3A_270 : i32 to vector<16xi32>
      %add3A_272 = arith.addi %add3A_269, %add3A_271 : vector<16xi32>
      %gather3A_273 = tpu.vector_load_idx %arg5[%add3A_272] : memref<16384xf32, #tpu.memory_space<vmem>>[vector<16xi32>], vector<16xf32>,
      %gather3A_274 = tpu.vector_load_idx %arg6[%add3A_272] : memref<16384xf32, #tpu.memory_space<vmem>>[vector<16xi32>], vector<16xf32>,
      %mul3A_275 = arith.mulf %gather3A_273, %gather3A_274 : vector<16xf32>
      %add3A_276 = arith.addf %add3A_264, %mul3A_275 : vector<16xf32>
      %mul3A_277 = arith.constant 32 : i32
      %mul3A_278 = vector.broadcast %mul3A_277 : i32 to vector<16xi32>
      %mul3A_279 = arith.muli %iota3A, %mul3A_278 : vector<16xi32>
      %add3A_280 = vector.broadcast %mul3A_24 : i32 to vector<16xi32>
      %add3A_281 = arith.addi %add3A_280, %mul3A_279 : vector<16xi32>
      %add3A_282 = arith.constant 21 : i32
      %add3A_283 = vector.broadcast %add3A_282 : i32 to vector<16xi32>
      %add3A_284 = arith.addi %add3A_281, %add3A_283 : vector<16xi32>
      %gather3A_285 = tpu.vector_load_idx %arg5[%add3A_284] : memref<16384xf32, #tpu.memory_space<vmem>>[vector<16xi32>], vector<16xf32>,
      %gather3A_286 = tpu.vector_load_idx %arg6[%add3A_284] : memref<16384xf32, #tpu.memory_space<vmem>>[vector<16xi32>], vector<16xf32>,
      %mul3A_287 = arith.mulf %gather3A_285, %gather3A_286 : vector<16xf32>
      %add3A_288 = arith.addf %add3A_276, %mul3A_287 : vector<16xf32>
      %mul3A_289 = arith.constant 32 : i32
      %mul3A_290 = vector.broadcast %mul3A_289 : i32 to vector<16xi32>
      %mul3A_291 = arith.muli %iota3A, %mul3A_290 : vector<16xi32>
      %add3A_292 = vector.broadcast %mul3A_24 : i32 to vector<16xi32>
      %add3A_293 = arith.addi %add3A_292, %mul3A_291 : vector<16xi32>
      %add3A_294 = arith.constant 22 : i32
      %add3A_295 = vector.broadcast %add3A_294 : i32 to vector<16xi32>
      %add3A_296 = arith.addi %add3A_293, %add3A_295 : vector<16xi32>
      %gather3A_297 = tpu.vector_load_idx %arg5[%add3A_296] : memref<16384xf32, #tpu.memory_space<vmem>>[vector<16xi32>], vector<16xf32>,
      %gather3A_298 = tpu.vector_load_idx %arg6[%add3A_296] : memref<16384xf32, #tpu.memory_space<vmem>>[vector<16xi32>], vector<16xf32>,
      %mul3A_299 = arith.mulf %gather3A_297, %gather3A_298 : vector<16xf32>
      %add3A_300 = arith.addf %add3A_288, %mul3A_299 : vector<16xf32>
      %mul3A_301 = arith.constant 32 : i32
      %mul3A_302 = vector.broadcast %mul3A_301 : i32 to vector<16xi32>
      %mul3A_303 = arith.muli %iota3A, %mul3A_302 : vector<16xi32>
      %add3A_304 = vector.broadcast %mul3A_24 : i32 to vector<16xi32>
      %add3A_305 = arith.addi %add3A_304, %mul3A_303 : vector<16xi32>
      %add3A_306 = arith.constant 23 : i32
      %add3A_307 = vector.broadcast %add3A_306 : i32 to vector<16xi32>
      %add3A_308 = arith.addi %add3A_305, %add3A_307 : vector<16xi32>
      %gather3A_309 = tpu.vector_load_idx %arg5[%add3A_308] : memref<16384xf32, #tpu.memory_space<vmem>>[vector<16xi32>], vector<16xf32>,
      %gather3A_310 = tpu.vector_load_idx %arg6[%add3A_308] : memref<16384xf32, #tpu.memory_space<vmem>>[vector<16xi32>], vector<16xf32>,
      %mul3A_311 = arith.mulf %gather3A_309, %gather3A_310 : vector<16xf32>
      %add3A_312 = arith.addf %add3A_300, %mul3A_311 : vector<16xf32>
      %mul3A_313 = arith.constant 32 : i32
      %mul3A_314 = vector.broadcast %mul3A_313 : i32 to vector<16xi32>
      %mul3A_315 = arith.muli %iota3A, %mul3A_314 : vector<16xi32>
      %add3A_316 = vector.broadcast %mul3A_24 : i32 to vector<16xi32>
      %add3A_317 = arith.addi %add3A_316, %mul3A_315 : vector<16xi32>
      %add3A_318 = arith.constant 24 : i32
      %add3A_319 = vector.broadcast %add3A_318 : i32 to vector<16xi32>
      %add3A_320 = arith.addi %add3A_317, %add3A_319 : vector<16xi32>
      %gather3A_321 = tpu.vector_load_idx %arg5[%add3A_320] : memref<16384xf32, #tpu.memory_space<vmem>>[vector<16xi32>], vector<16xf32>,
      %gather3A_322 = tpu.vector_load_idx %arg6[%add3A_320] : memref<16384xf32, #tpu.memory_space<vmem>>[vector<16xi32>], vector<16xf32>,
      %mul3A_323 = arith.mulf %gather3A_321, %gather3A_322 : vector<16xf32>
      %add3A_324 = arith.addf %add3A_312, %mul3A_323 : vector<16xf32>
      %mul3A_325 = arith.constant 32 : i32
      %mul3A_326 = vector.broadcast %mul3A_325 : i32 to vector<16xi32>
      %mul3A_327 = arith.muli %iota3A, %mul3A_326 : vector<16xi32>
      %add3A_328 = vector.broadcast %mul3A_24 : i32 to vector<16xi32>
      %add3A_329 = arith.addi %add3A_328, %mul3A_327 : vector<16xi32>
      %add3A_330 = arith.constant 25 : i32
      %add3A_331 = vector.broadcast %add3A_330 : i32 to vector<16xi32>
      %add3A_332 = arith.addi %add3A_329, %add3A_331 : vector<16xi32>
      %gather3A_333 = tpu.vector_load_idx %arg5[%add3A_332] : memref<16384xf32, #tpu.memory_space<vmem>>[vector<16xi32>], vector<16xf32>,
      %gather3A_334 = tpu.vector_load_idx %arg6[%add3A_332] : memref<16384xf32, #tpu.memory_space<vmem>>[vector<16xi32>], vector<16xf32>,
      %mul3A_335 = arith.mulf %gather3A_333, %gather3A_334 : vector<16xf32>
      %add3A_336 = arith.addf %add3A_324, %mul3A_335 : vector<16xf32>
      %mul3A_337 = arith.constant 32 : i32
      %mul3A_338 = vector.broadcast %mul3A_337 : i32 to vector<16xi32>
      %mul3A_339 = arith.muli %iota3A, %mul3A_338 : vector<16xi32>
      %add3A_340 = vector.broadcast %mul3A_24 : i32 to vector<16xi32>
      %add3A_341 = arith.addi %add3A_340, %mul3A_339 : vector<16xi32>
      %add3A_342 = arith.constant 26 : i32
      %add3A_343 = vector.broadcast %add3A_342 : i32 to vector<16xi32>
      %add3A_344 = arith.addi %add3A_341, %add3A_343 : vector<16xi32>
      %gather3A_345 = tpu.vector_load_idx %arg5[%add3A_344] : memref<16384xf32, #tpu.memory_space<vmem>>[vector<16xi32>], vector<16xf32>,
      %gather3A_346 = tpu.vector_load_idx %arg6[%add3A_344] : memref<16384xf32, #tpu.memory_space<vmem>>[vector<16xi32>], vector<16xf32>,
      %mul3A_347 = arith.mulf %gather3A_345, %gather3A_346 : vector<16xf32>
      %add3A_348 = arith.addf %add3A_336, %mul3A_347 : vector<16xf32>
      %mul3A_349 = arith.constant 32 : i32
      %mul3A_350 = vector.broadcast %mul3A_349 : i32 to vector<16xi32>
      %mul3A_351 = arith.muli %iota3A, %mul3A_350 : vector<16xi32>
      %add3A_352 = vector.broadcast %mul3A_24 : i32 to vector<16xi32>
      %add3A_353 = arith.addi %add3A_352, %mul3A_351 : vector<16xi32>
      %add3A_354 = arith.constant 27 : i32
      %add3A_355 = vector.broadcast %add3A_354 : i32 to vector<16xi32>
      %add3A_356 = arith.addi %add3A_353, %add3A_355 : vector<16xi32>
      %gather3A_357 = tpu.vector_load_idx %arg5[%add3A_356] : memref<16384xf32, #tpu.memory_space<vmem>>[vector<16xi32>], vector<16xf32>,
      %gather3A_358 = tpu.vector_load_idx %arg6[%add3A_356] : memref<16384xf32, #tpu.memory_space<vmem>>[vector<16xi32>], vector<16xf32>,
      %mul3A_359 = arith.mulf %gather3A_357, %gather3A_358 : vector<16xf32>
      %add3A_360 = arith.addf %add3A_348, %mul3A_359 : vector<16xf32>
      %mul3A_361 = arith.constant 32 : i32
      %mul3A_362 = vector.broadcast %mul3A_361 : i32 to vector<16xi32>
      %mul3A_363 = arith.muli %iota3A, %mul3A_362 : vector<16xi32>
      %add3A_364 = vector.broadcast %mul3A_24 : i32 to vector<16xi32>
      %add3A_365 = arith.addi %add3A_364, %mul3A_363 : vector<16xi32>
      %add3A_366 = arith.constant 28 : i32
      %add3A_367 = vector.broadcast %add3A_366 : i32 to vector<16xi32>
      %add3A_368 = arith.addi %add3A_365, %add3A_367 : vector<16xi32>
      %gather3A_369 = tpu.vector_load_idx %arg5[%add3A_368] : memref<16384xf32, #tpu.memory_space<vmem>>[vector<16xi32>], vector<16xf32>,
      %gather3A_370 = tpu.vector_load_idx %arg6[%add3A_368] : memref<16384xf32, #tpu.memory_space<vmem>>[vector<16xi32>], vector<16xf32>,
      %mul3A_371 = arith.mulf %gather3A_369, %gather3A_370 : vector<16xf32>
      %add3A_372 = arith.addf %add3A_360, %mul3A_371 : vector<16xf32>
      %mul3A_373 = arith.constant 32 : i32
      %mul3A_374 = vector.broadcast %mul3A_373 : i32 to vector<16xi32>
      %mul3A_375 = arith.muli %iota3A, %mul3A_374 : vector<16xi32>
      %add3A_376 = vector.broadcast %mul3A_24 : i32 to vector<16xi32>
      %add3A_377 = arith.addi %add3A_376, %mul3A_375 : vector<16xi32>
      %add3A_378 = arith.constant 29 : i32
      %add3A_379 = vector.broadcast %add3A_378 : i32 to vector<16xi32>
      %add3A_380 = arith.addi %add3A_377, %add3A_379 : vector<16xi32>
      %gather3A_381 = tpu.vector_load_idx %arg5[%add3A_380] : memref<16384xf32, #tpu.memory_space<vmem>>[vector<16xi32>], vector<16xf32>,
      %gather3A_382 = tpu.vector_load_idx %arg6[%add3A_380] : memref<16384xf32, #tpu.memory_space<vmem>>[vector<16xi32>], vector<16xf32>,
      %mul3A_383 = arith.mulf %gather3A_381, %gather3A_382 : vector<16xf32>
      %add3A_384 = arith.addf %add3A_372, %mul3A_383 : vector<16xf32>
      %mul3A_385 = arith.constant 32 : i32
      %mul3A_386 = vector.broadcast %mul3A_385 : i32 to vector<16xi32>
      %mul3A_387 = arith.muli %iota3A, %mul3A_386 : vector<16xi32>
      %add3A_388 = vector.broadcast %mul3A_24 : i32 to vector<16xi32>
      %add3A_389 = arith.addi %add3A_388, %mul3A_387 : vector<16xi32>
      %add3A_390 = arith.constant 30 : i32
      %add3A_391 = vector.broadcast %add3A_390 : i32 to vector<16xi32>
      %add3A_392 = arith.addi %add3A_389, %add3A_391 : vector<16xi32>
      %gather3A_393 = tpu.vector_load_idx %arg5[%add3A_392] : memref<16384xf32, #tpu.memory_space<vmem>>[vector<16xi32>], vector<16xf32>,
      %gather3A_394 = tpu.vector_load_idx %arg6[%add3A_392] : memref<16384xf32, #tpu.memory_space<vmem>>[vector<16xi32>], vector<16xf32>,
      %mul3A_395 = arith.mulf %gather3A_393, %gather3A_394 : vector<16xf32>
      %add3A_396 = arith.addf %add3A_384, %mul3A_395 : vector<16xf32>
      %mul3A_397 = arith.constant 32 : i32
      %mul3A_398 = vector.broadcast %mul3A_397 : i32 to vector<16xi32>
      %mul3A_399 = arith.muli %iota3A, %mul3A_398 : vector<16xi32>
      %add3A_400 = vector.broadcast %mul3A_24 : i32 to vector<16xi32>
      %add3A_401 = arith.addi %add3A_400, %mul3A_399 : vector<16xi32>
      %add3A_402 = arith.constant 31 : i32
      %add3A_403 = vector.broadcast %add3A_402 : i32 to vector<16xi32>
      %add3A_404 = arith.addi %add3A_401, %add3A_403 : vector<16xi32>
      %gather3A_405 = tpu.vector_load_idx %arg5[%add3A_404] : memref<16384xf32, #tpu.memory_space<vmem>>[vector<16xi32>], vector<16xf32>,
      %gather3A_406 = tpu.vector_load_idx %arg6[%add3A_404] : memref<16384xf32, #tpu.memory_space<vmem>>[vector<16xi32>], vector<16xf32>,
      %mul3A_407 = arith.mulf %gather3A_405, %gather3A_406 : vector<16xf32>
      %add3A_408 = arith.addf %add3A_396, %mul3A_407 : vector<16xf32>
      %mul3A_409 = arith.constant 16 : i32
      %mul3A_410 = arith.muli %scan3A_19, %mul3A_409 : i32
      %swap3A = arith.index_cast %mul3A_410 : i32 to index
      %swap3A_411 = tpu.vector_load %arg7[%swap3A] {strides = array<i32>} : memref<512xf32, #tpu.memory_space<vmem>>, vector<16xf32>,
      tpu.vector_store %arg7[%swap3A], %add3A_408 {strides = array<i32>} : memref<512xf32, #tpu.memory_space<vmem>>, vector<16xf32>,
      %scan3A_412 = arith.constant 0 : i32
      scf.yield %scan3A_412 : i32
    }
    %scan3A_18 = arith.constant 32 : i32
    "tpu.region"() ({
      %run_scoped3A = tpu.sem_alloc : memref<!tpu.dma_semaphore, #tpu.memory_space<semaphore_mem>>
      %dma_start3A_19 = tpu.memref_slice %arg4[%mul3A_2] : memref<16384xf32, #tpu.memory_space<hbm>> -> memref<512xf32, #tpu.memory_space<hbm>>
      %dma_start3A_20 = tpu.memref_slice %arg4[%mul3A_2] : memref<16384xf32, #tpu.memory_space<hbm>> -> memref<512xf32, #tpu.memory_space<hbm>>
      tpu.enqueue_dma source(%arg7 : memref<512xf32, #tpu.memory_space<vmem>>) target(%dma_start3A_20 : memref<512xf32, #tpu.memory_space<hbm>>) target_semaphore(%run_scoped3A : memref<!tpu.dma_semaphore, #tpu.memory_space<semaphore_mem>>)
      %dma_wait3A_21 = tpu.memref_slice %arg4[%mul3A_2] : memref<16384xf32, #tpu.memory_space<hbm>> -> memref<512xf32, #tpu.memory_space<hbm>>
      %dma_wait3A_22 = tpu.memref_slice %arg4[%mul3A_2] : memref<16384xf32, #tpu.memory_space<hbm>> -> memref<512xf32, #tpu.memory_space<hbm>>
      tpu.wait_dma2 semaphore(%run_scoped3A : memref<!tpu.dma_semaphore, #tpu.memory_space<semaphore_mem>>) src(%arg7 : memref<512xf32, #tpu.memory_space<vmem>>) dst(%dma_wait3A_22 : memref<512xf32, #tpu.memory_space<hbm>>)
      tpu.yield
    }) : () -> ()
    return
  }
}

#map = affine_map<(d0, d1) -> (0)>
#map1 = affine_map<(d0, d1) -> (0, 0)>
module attributes {stable_mosaic.version = 14 : i64} {
  func.func @_gather_kernel(%arg0: i32, %arg1: i32, %arg2: memref<16384xi32, #tpu.memory_space<hbm>>, %arg3: memref<16384xi32, #tpu.memory_space<hbm>>, %arg4: memref<32x1000000xf32, #tpu.memory_space<hbm>>, %arg5: memref<32x1000000xf32, #tpu.memory_space<hbm>>, %arg6: memref<524288xf32, #tpu.memory_space<hbm>>, %arg7: memref<524288xf32, #tpu.memory_space<hbm>>, %arg8: memref<16384xi32, #tpu.memory_space<vmem>>, %arg9: memref<16384xi32, #tpu.memory_space<vmem>>, %arg10: memref<1008xi32, #tpu.memory_space<vmem>>, %arg11: memref<1008xi32, #tpu.memory_space<vmem>>, %arg12: memref<1008xi32, #tpu.memory_space<vmem>>, %arg13: memref<1008xi32, #tpu.memory_space<vmem>>, %arg14: memref<4096xi32, #tpu.memory_space<vmem>>, %arg15: memref<4096xi32, #tpu.memory_space<vmem>>, %arg16: memref<4096xi32, #tpu.memory_space<vmem>>, %arg17: memref<4096xi32, #tpu.memory_space<vmem>>, %arg18: memref<256xi32, #tpu.memory_space<smem>>, %arg19: memref<256xi32, #tpu.memory_space<smem>>, %arg20: memref<256xi32, #tpu.memory_space<smem>>, %arg21: memref<256xi32, #tpu.memory_space<smem>>, %arg22: memref<14x32x128xf32, #tpu.memory_space<vmem>>, %arg23: memref<32x32xf32, #tpu.memory_space<vmem>>, %arg24: memref<!tpu.dma_semaphore, #tpu.memory_space<semaphore_mem>>, %arg25: memref<!tpu.dma_semaphore, #tpu.memory_space<semaphore_mem>>) attributes {dimension_semantics = [#tpu.dimension_semantics<core_parallel>, #tpu.dimension_semantics<subcore_parallel>], iteration_bounds = array<i64: 2, 16>, scalar_prefetch = 0 : i64, scratch_operands = 18 : i64, tpu.core_type = #tpu.core_type<sc_vector_subcore>, window_params = [{transform_indices = #map}, {transform_indices = #map}, {transform_indices = #map1}, {transform_indices = #map1}, {transform_indices = #map}, {transform_indices = #map}]} {
    %mul3A = arith.constant 2 : i32
    %mul3A_0 = arith.muli %arg1, %mul3A : i32
    %add3A = arith.addi %mul3A_0, %arg0 : i32
    %iota3A = tpu.iota {dimensions = array<i32: 0>} : vector<16xi32>
    "tpu.region"() ({
      %run_scoped3A = tpu.sem_alloc : memref<!tpu.dma_semaphore, #tpu.memory_space<semaphore_mem>>
      tpu.enqueue_dma source(%arg2 : memref<16384xi32, #tpu.memory_space<hbm>>) target(%arg8 : memref<16384xi32, #tpu.memory_space<vmem>>) target_semaphore(%run_scoped3A : memref<!tpu.dma_semaphore, #tpu.memory_space<semaphore_mem>>)
      tpu.wait_dma2 semaphore(%run_scoped3A : memref<!tpu.dma_semaphore, #tpu.memory_space<semaphore_mem>>) src(%arg2 : memref<16384xi32, #tpu.memory_space<hbm>>) dst(%arg8 : memref<16384xi32, #tpu.memory_space<vmem>>)
      tpu.yield
    }) : () -> ()
    "tpu.region"() ({
      %run_scoped3A = tpu.sem_alloc : memref<!tpu.dma_semaphore, #tpu.memory_space<semaphore_mem>>
      tpu.enqueue_dma source(%arg3 : memref<16384xi32, #tpu.memory_space<hbm>>) target(%arg9 : memref<16384xi32, #tpu.memory_space<vmem>>) target_semaphore(%run_scoped3A : memref<!tpu.dma_semaphore, #tpu.memory_space<semaphore_mem>>)
      tpu.wait_dma2 semaphore(%run_scoped3A : memref<!tpu.dma_semaphore, #tpu.memory_space<semaphore_mem>>) src(%arg3 : memref<16384xi32, #tpu.memory_space<hbm>>) dst(%arg9 : memref<16384xi32, #tpu.memory_space<vmem>>)
      tpu.yield
    }) : () -> ()
    %scan3A = arith.constant 0 : i32
    %scan3A_1 = arith.constant 0 : i32
    %scan3A_2 = arith.constant 256 : i32
    %scan3A_3 = arith.addi %scan3A_1, %scan3A_2 : i32
    %scan3A_4 = arith.constant 1 : i32
    %scan3A_5 = scf.for %scan3A_126 = %scan3A_1 to %scan3A_3 step %scan3A_4 iter_args(%scan3A_127 = %scan3A) -> (i32)  : i32 {
      %swap3A = arith.constant 0 : i32
      %swap3A_128 = arith.index_cast %scan3A_126 : i32 to index
      %swap3A_129 = memref.load %arg20[%swap3A_128] : memref<256xi32, #tpu.memory_space<smem>>
      memref.store %swap3A, %arg20[%swap3A_128] : memref<256xi32, #tpu.memory_space<smem>>
      %swap3A_130 = arith.constant 0 : i32
      %swap3A_131 = arith.index_cast %scan3A_126 : i32 to index
      %swap3A_132 = memref.load %arg21[%swap3A_131] : memref<256xi32, #tpu.memory_space<smem>>
      memref.store %swap3A_130, %arg21[%swap3A_131] : memref<256xi32, #tpu.memory_space<smem>>
      %scan3A_133 = arith.constant 0 : i32
      scf.yield %scan3A_133 : i32
    }
    %scan3A_6 = arith.constant 256 : i32
    %scan3A_7 = arith.constant 0 : i32
    %scan3A_8 = arith.constant 0 : i32
    %scan3A_9 = arith.constant 128 : i32
    %scan3A_10 = arith.addi %scan3A_8, %scan3A_9 : i32
    %scan3A_11 = arith.constant 1 : i32
    %scan3A_12 = scf.for %scan3A_126 = %scan3A_8 to %scan3A_10 step %scan3A_11 iter_args(%scan3A_127 = %scan3A_7) -> (i32)  : i32 {
      %mul3A_128 = arith.constant 8 : i32
      %mul3A_129 = arith.muli %scan3A_126, %mul3A_128 : i32
      %add3A_130 = arith.constant 0 : i32
      %add3A_131 = arith.addi %mul3A_129, %add3A_130 : i32
      %mul3A_132 = arith.constant 16 : i32
      %mul3A_133 = arith.muli %add3A_131, %mul3A_132 : i32
      %get3A = arith.index_cast %mul3A_133 : i32 to index
      %get3A_134 = tpu.vector_load %arg8[%get3A] {strides = array<i32>} : memref<16384xi32, #tpu.memory_space<vmem>>, vector<16xi32>,
      %shift_right_logical3A = arith.constant 7 : i32
      %shift_right_logical3A_135 = vector.broadcast %shift_right_logical3A : i32 to vector<16xi32>
      %shift_right_logical3A_136 = arith.shrui %get3A_134, %shift_right_logical3A_135 : vector<16xi32>
      %and3A_137 = arith.constant 31 : i32
      %and3A_138 = vector.broadcast %and3A_137 : i32 to vector<16xi32>
      %and3A_139 = arith.andi %shift_right_logical3A_136, %and3A_138 : vector<16xi32>
      %eq3A = vector.broadcast %add3A : i32 to vector<16xi32>
      %eq3A_140 = arith.cmpi eq, %and3A_139, %eq3A : vector<16xi32>
      %jit3A_141 = arith.constant 1 : i32
      %jit3A_142 = arith.constant 0 : i32
      %broadcast_in_dim3A = vector.broadcast %jit3A_141 : i32 to vector<16xi32>
      %broadcast_in_dim3A_143 = vector.broadcast %jit3A_142 : i32 to vector<16xi32>
      %select_n3A_144 = arith.select %eq3A_140, %broadcast_in_dim3A, %broadcast_in_dim3A_143 : vector<16xi1>, vector<16xi32>
      %broadcast_in_dim3A_145 = arith.constant true
      %broadcast_in_dim3A_146 = vector.broadcast %broadcast_in_dim3A_145 : i1 to vector<16xi1>
      %masked_cumsum3A = tpu.scan <sum>, %select_n3A_144 masked %broadcast_in_dim3A_146 : vector<16xi32>, vector<16xi1> -> vector<16xi32>
      %mul3A_147 = arith.constant 8 : i32
      %mul3A_148 = arith.muli %scan3A_126, %mul3A_147 : i32
      %add3A_149 = arith.constant 1 : i32
      %add3A_150 = arith.addi %mul3A_148, %add3A_149 : i32
      %mul3A_151 = arith.constant 16 : i32
      %mul3A_152 = arith.muli %add3A_150, %mul3A_151 : i32
      %get3A_153 = arith.index_cast %mul3A_152 : i32 to index
      %get3A_154 = tpu.vector_load %arg8[%get3A_153] {strides = array<i32>} : memref<16384xi32, #tpu.memory_space<vmem>>, vector<16xi32>,
      %shift_right_logical3A_155 = arith.constant 7 : i32
      %shift_right_logical3A_156 = vector.broadcast %shift_right_logical3A_155 : i32 to vector<16xi32>
      %shift_right_logical3A_157 = arith.shrui %get3A_154, %shift_right_logical3A_156 : vector<16xi32>
      %and3A_158 = arith.constant 31 : i32
      %and3A_159 = vector.broadcast %and3A_158 : i32 to vector<16xi32>
      %and3A_160 = arith.andi %shift_right_logical3A_157, %and3A_159 : vector<16xi32>
      %eq3A_161 = vector.broadcast %add3A : i32 to vector<16xi32>
      %eq3A_162 = arith.cmpi eq, %and3A_160, %eq3A_161 : vector<16xi32>
      %jit3A_163 = arith.constant 1 : i32
      %jit3A_164 = arith.constant 0 : i32
      %broadcast_in_dim3A_165 = vector.broadcast %jit3A_163 : i32 to vector<16xi32>
      %broadcast_in_dim3A_166 = vector.broadcast %jit3A_164 : i32 to vector<16xi32>
      %select_n3A_167 = arith.select %eq3A_162, %broadcast_in_dim3A_165, %broadcast_in_dim3A_166 : vector<16xi1>, vector<16xi32>
      %broadcast_in_dim3A_168 = arith.constant true
      %broadcast_in_dim3A_169 = vector.broadcast %broadcast_in_dim3A_168 : i1 to vector<16xi1>
      %masked_cumsum3A_170 = tpu.scan <sum>, %select_n3A_167 masked %broadcast_in_dim3A_169 : vector<16xi32>, vector<16xi1> -> vector<16xi32>
      %mul3A_171 = arith.constant 8 : i32
      %mul3A_172 = arith.muli %scan3A_126, %mul3A_171 : i32
      %add3A_173 = arith.constant 2 : i32
      %add3A_174 = arith.addi %mul3A_172, %add3A_173 : i32
      %mul3A_175 = arith.constant 16 : i32
      %mul3A_176 = arith.muli %add3A_174, %mul3A_175 : i32
      %get3A_177 = arith.index_cast %mul3A_176 : i32 to index
      %get3A_178 = tpu.vector_load %arg8[%get3A_177] {strides = array<i32>} : memref<16384xi32, #tpu.memory_space<vmem>>, vector<16xi32>,
      %shift_right_logical3A_179 = arith.constant 7 : i32
      %shift_right_logical3A_180 = vector.broadcast %shift_right_logical3A_179 : i32 to vector<16xi32>
      %shift_right_logical3A_181 = arith.shrui %get3A_178, %shift_right_logical3A_180 : vector<16xi32>
      %and3A_182 = arith.constant 31 : i32
      %and3A_183 = vector.broadcast %and3A_182 : i32 to vector<16xi32>
      %and3A_184 = arith.andi %shift_right_logical3A_181, %and3A_183 : vector<16xi32>
      %eq3A_185 = vector.broadcast %add3A : i32 to vector<16xi32>
      %eq3A_186 = arith.cmpi eq, %and3A_184, %eq3A_185 : vector<16xi32>
      %jit3A_187 = arith.constant 1 : i32
      %jit3A_188 = arith.constant 0 : i32
      %broadcast_in_dim3A_189 = vector.broadcast %jit3A_187 : i32 to vector<16xi32>
      %broadcast_in_dim3A_190 = vector.broadcast %jit3A_188 : i32 to vector<16xi32>
      %select_n3A_191 = arith.select %eq3A_186, %broadcast_in_dim3A_189, %broadcast_in_dim3A_190 : vector<16xi1>, vector<16xi32>
      %broadcast_in_dim3A_192 = arith.constant true
      %broadcast_in_dim3A_193 = vector.broadcast %broadcast_in_dim3A_192 : i1 to vector<16xi1>
      %masked_cumsum3A_194 = tpu.scan <sum>, %select_n3A_191 masked %broadcast_in_dim3A_193 : vector<16xi32>, vector<16xi1> -> vector<16xi32>
      %mul3A_195 = arith.constant 8 : i32
      %mul3A_196 = arith.muli %scan3A_126, %mul3A_195 : i32
      %add3A_197 = arith.constant 3 : i32
      %add3A_198 = arith.addi %mul3A_196, %add3A_197 : i32
      %mul3A_199 = arith.constant 16 : i32
      %mul3A_200 = arith.muli %add3A_198, %mul3A_199 : i32
      %get3A_201 = arith.index_cast %mul3A_200 : i32 to index
      %get3A_202 = tpu.vector_load %arg8[%get3A_201] {strides = array<i32>} : memref<16384xi32, #tpu.memory_space<vmem>>, vector<16xi32>,
      %shift_right_logical3A_203 = arith.constant 7 : i32
      %shift_right_logical3A_204 = vector.broadcast %shift_right_logical3A_203 : i32 to vector<16xi32>
      %shift_right_logical3A_205 = arith.shrui %get3A_202, %shift_right_logical3A_204 : vector<16xi32>
      %and3A_206 = arith.constant 31 : i32
      %and3A_207 = vector.broadcast %and3A_206 : i32 to vector<16xi32>
      %and3A_208 = arith.andi %shift_right_logical3A_205, %and3A_207 : vector<16xi32>
      %eq3A_209 = vector.broadcast %add3A : i32 to vector<16xi32>
      %eq3A_210 = arith.cmpi eq, %and3A_208, %eq3A_209 : vector<16xi32>
      %jit3A_211 = arith.constant 1 : i32
      %jit3A_212 = arith.constant 0 : i32
      %broadcast_in_dim3A_213 = vector.broadcast %jit3A_211 : i32 to vector<16xi32>
      %broadcast_in_dim3A_214 = vector.broadcast %jit3A_212 : i32 to vector<16xi32>
      %select_n3A_215 = arith.select %eq3A_210, %broadcast_in_dim3A_213, %broadcast_in_dim3A_214 : vector<16xi1>, vector<16xi32>
      %broadcast_in_dim3A_216 = arith.constant true
      %broadcast_in_dim3A_217 = vector.broadcast %broadcast_in_dim3A_216 : i1 to vector<16xi1>
      %masked_cumsum3A_218 = tpu.scan <sum>, %select_n3A_215 masked %broadcast_in_dim3A_217 : vector<16xi32>, vector<16xi1> -> vector<16xi32>
      %mul3A_219 = arith.constant 8 : i32
      %mul3A_220 = arith.muli %scan3A_126, %mul3A_219 : i32
      %add3A_221 = arith.constant 4 : i32
      %add3A_222 = arith.addi %mul3A_220, %add3A_221 : i32
      %mul3A_223 = arith.constant 16 : i32
      %mul3A_224 = arith.muli %add3A_222, %mul3A_223 : i32
      %get3A_225 = arith.index_cast %mul3A_224 : i32 to index
      %get3A_226 = tpu.vector_load %arg8[%get3A_225] {strides = array<i32>} : memref<16384xi32, #tpu.memory_space<vmem>>, vector<16xi32>,
      %shift_right_logical3A_227 = arith.constant 7 : i32
      %shift_right_logical3A_228 = vector.broadcast %shift_right_logical3A_227 : i32 to vector<16xi32>
      %shift_right_logical3A_229 = arith.shrui %get3A_226, %shift_right_logical3A_228 : vector<16xi32>
      %and3A_230 = arith.constant 31 : i32
      %and3A_231 = vector.broadcast %and3A_230 : i32 to vector<16xi32>
      %and3A_232 = arith.andi %shift_right_logical3A_229, %and3A_231 : vector<16xi32>
      %eq3A_233 = vector.broadcast %add3A : i32 to vector<16xi32>
      %eq3A_234 = arith.cmpi eq, %and3A_232, %eq3A_233 : vector<16xi32>
      %jit3A_235 = arith.constant 1 : i32
      %jit3A_236 = arith.constant 0 : i32
      %broadcast_in_dim3A_237 = vector.broadcast %jit3A_235 : i32 to vector<16xi32>
      %broadcast_in_dim3A_238 = vector.broadcast %jit3A_236 : i32 to vector<16xi32>
      %select_n3A_239 = arith.select %eq3A_234, %broadcast_in_dim3A_237, %broadcast_in_dim3A_238 : vector<16xi1>, vector<16xi32>
      %broadcast_in_dim3A_240 = arith.constant true
      %broadcast_in_dim3A_241 = vector.broadcast %broadcast_in_dim3A_240 : i1 to vector<16xi1>
      %masked_cumsum3A_242 = tpu.scan <sum>, %select_n3A_239 masked %broadcast_in_dim3A_241 : vector<16xi32>, vector<16xi1> -> vector<16xi32>
      %mul3A_243 = arith.constant 8 : i32
      %mul3A_244 = arith.muli %scan3A_126, %mul3A_243 : i32
      %add3A_245 = arith.constant 5 : i32
      %add3A_246 = arith.addi %mul3A_244, %add3A_245 : i32
      %mul3A_247 = arith.constant 16 : i32
      %mul3A_248 = arith.muli %add3A_246, %mul3A_247 : i32
      %get3A_249 = arith.index_cast %mul3A_248 : i32 to index
      %get3A_250 = tpu.vector_load %arg8[%get3A_249] {strides = array<i32>} : memref<16384xi32, #tpu.memory_space<vmem>>, vector<16xi32>,
      %shift_right_logical3A_251 = arith.constant 7 : i32
      %shift_right_logical3A_252 = vector.broadcast %shift_right_logical3A_251 : i32 to vector<16xi32>
      %shift_right_logical3A_253 = arith.shrui %get3A_250, %shift_right_logical3A_252 : vector<16xi32>
      %and3A_254 = arith.constant 31 : i32
      %and3A_255 = vector.broadcast %and3A_254 : i32 to vector<16xi32>
      %and3A_256 = arith.andi %shift_right_logical3A_253, %and3A_255 : vector<16xi32>
      %eq3A_257 = vector.broadcast %add3A : i32 to vector<16xi32>
      %eq3A_258 = arith.cmpi eq, %and3A_256, %eq3A_257 : vector<16xi32>
      %jit3A_259 = arith.constant 1 : i32
      %jit3A_260 = arith.constant 0 : i32
      %broadcast_in_dim3A_261 = vector.broadcast %jit3A_259 : i32 to vector<16xi32>
      %broadcast_in_dim3A_262 = vector.broadcast %jit3A_260 : i32 to vector<16xi32>
      %select_n3A_263 = arith.select %eq3A_258, %broadcast_in_dim3A_261, %broadcast_in_dim3A_262 : vector<16xi1>, vector<16xi32>
      %broadcast_in_dim3A_264 = arith.constant true
      %broadcast_in_dim3A_265 = vector.broadcast %broadcast_in_dim3A_264 : i1 to vector<16xi1>
      %masked_cumsum3A_266 = tpu.scan <sum>, %select_n3A_263 masked %broadcast_in_dim3A_265 : vector<16xi32>, vector<16xi1> -> vector<16xi32>
      %mul3A_267 = arith.constant 8 : i32
      %mul3A_268 = arith.muli %scan3A_126, %mul3A_267 : i32
      %add3A_269 = arith.constant 6 : i32
      %add3A_270 = arith.addi %mul3A_268, %add3A_269 : i32
      %mul3A_271 = arith.constant 16 : i32
      %mul3A_272 = arith.muli %add3A_270, %mul3A_271 : i32
      %get3A_273 = arith.index_cast %mul3A_272 : i32 to index
      %get3A_274 = tpu.vector_load %arg8[%get3A_273] {strides = array<i32>} : memref<16384xi32, #tpu.memory_space<vmem>>, vector<16xi32>,
      %shift_right_logical3A_275 = arith.constant 7 : i32
      %shift_right_logical3A_276 = vector.broadcast %shift_right_logical3A_275 : i32 to vector<16xi32>
      %shift_right_logical3A_277 = arith.shrui %get3A_274, %shift_right_logical3A_276 : vector<16xi32>
      %and3A_278 = arith.constant 31 : i32
      %and3A_279 = vector.broadcast %and3A_278 : i32 to vector<16xi32>
      %and3A_280 = arith.andi %shift_right_logical3A_277, %and3A_279 : vector<16xi32>
      %eq3A_281 = vector.broadcast %add3A : i32 to vector<16xi32>
      %eq3A_282 = arith.cmpi eq, %and3A_280, %eq3A_281 : vector<16xi32>
      %jit3A_283 = arith.constant 1 : i32
      %jit3A_284 = arith.constant 0 : i32
      %broadcast_in_dim3A_285 = vector.broadcast %jit3A_283 : i32 to vector<16xi32>
      %broadcast_in_dim3A_286 = vector.broadcast %jit3A_284 : i32 to vector<16xi32>
      %select_n3A_287 = arith.select %eq3A_282, %broadcast_in_dim3A_285, %broadcast_in_dim3A_286 : vector<16xi1>, vector<16xi32>
      %broadcast_in_dim3A_288 = arith.constant true
      %broadcast_in_dim3A_289 = vector.broadcast %broadcast_in_dim3A_288 : i1 to vector<16xi1>
      %masked_cumsum3A_290 = tpu.scan <sum>, %select_n3A_287 masked %broadcast_in_dim3A_289 : vector<16xi32>, vector<16xi1> -> vector<16xi32>
      %mul3A_291 = arith.constant 8 : i32
      %mul3A_292 = arith.muli %scan3A_126, %mul3A_291 : i32
      %add3A_293 = arith.constant 7 : i32
      %add3A_294 = arith.addi %mul3A_292, %add3A_293 : i32
      %mul3A_295 = arith.constant 16 : i32
      %mul3A_296 = arith.muli %add3A_294, %mul3A_295 : i32
      %get3A_297 = arith.index_cast %mul3A_296 : i32 to index
      %get3A_298 = tpu.vector_load %arg8[%get3A_297] {strides = array<i32>} : memref<16384xi32, #tpu.memory_space<vmem>>, vector<16xi32>,
      %shift_right_logical3A_299 = arith.constant 7 : i32
      %shift_right_logical3A_300 = vector.broadcast %shift_right_logical3A_299 : i32 to vector<16xi32>
      %shift_right_logical3A_301 = arith.shrui %get3A_298, %shift_right_logical3A_300 : vector<16xi32>
      %and3A_302 = arith.constant 31 : i32
      %and3A_303 = vector.broadcast %and3A_302 : i32 to vector<16xi32>
      %and3A_304 = arith.andi %shift_right_logical3A_301, %and3A_303 : vector<16xi32>
      %eq3A_305 = vector.broadcast %add3A : i32 to vector<16xi32>
      %eq3A_306 = arith.cmpi eq, %and3A_304, %eq3A_305 : vector<16xi32>
      %jit3A_307 = arith.constant 1 : i32
      %jit3A_308 = arith.constant 0 : i32
      %broadcast_in_dim3A_309 = vector.broadcast %jit3A_307 : i32 to vector<16xi32>
      %broadcast_in_dim3A_310 = vector.broadcast %jit3A_308 : i32 to vector<16xi32>
      %select_n3A_311 = arith.select %eq3A_306, %broadcast_in_dim3A_309, %broadcast_in_dim3A_310 : vector<16xi1>, vector<16xi32>
      %broadcast_in_dim3A_312 = arith.constant true
      %broadcast_in_dim3A_313 = vector.broadcast %broadcast_in_dim3A_312 : i1 to vector<16xi1>
      %masked_cumsum3A_314 = tpu.scan <sum>, %select_n3A_311 masked %broadcast_in_dim3A_313 : vector<16xi32>, vector<16xi1> -> vector<16xi32>
      %mul3A_315 = arith.constant 8 : i32
      %mul3A_316 = arith.muli %scan3A_126, %mul3A_315 : i32
      %add3A_317 = arith.constant 0 : i32
      %add3A_318 = arith.addi %mul3A_316, %add3A_317 : i32
      %mul3A_319 = arith.constant 16 : i32
      %mul3A_320 = arith.muli %add3A_318, %mul3A_319 : i32
      %add3A_321 = vector.broadcast %mul3A_320 : i32 to vector<16xi32>
      %add3A_322 = arith.addi %add3A_321, %iota3A : vector<16xi32>
      %add3A_323 = vector.broadcast %scan3A_127 : i32 to vector<16xi32>
      %add3A_324 = arith.addi %add3A_323, %masked_cumsum3A : vector<16xi32>
      %sub3A_325 = arith.constant 1 : i32
      %sub3A_326 = vector.broadcast %sub3A_325 : i32 to vector<16xi32>
      %sub3A_327 = arith.subi %add3A_324, %sub3A_326 : vector<16xi32>
      %lt3A = arith.constant 1008 : i32
      %lt3A_328 = vector.broadcast %lt3A : i32 to vector<16xi32>
      %lt3A_329 = arith.cmpi slt, %sub3A_327, %lt3A_328 : vector<16xi32>
      %and3A_330 = arith.andi %eq3A_140, %lt3A_329 : vector<16xi1>
      tpu.vector_store_idx %arg10[%sub3A_327], %get3A_134 masked %and3A_330 : memref<1008xi32, #tpu.memory_space<vmem>>[vector<16xi32>], vector<16xi32>, vector<16xi1>
      tpu.vector_store_idx %arg11[%sub3A_327], %add3A_322 masked %and3A_330 : memref<1008xi32, #tpu.memory_space<vmem>>[vector<16xi32>], vector<16xi32>, vector<16xi1>
      %slice3A = vector.extract_strided_slice %masked_cumsum3A {offsets = [15], sizes = [1], strides = [1]} : vector<16xi32> to vector<1xi32>
      %squeeze3A = vector.extract %slice3A[0] : i32 from vector<1xi32>
      %add3A_331 = arith.addi %scan3A_127, %squeeze3A : i32
      %mul3A_332 = arith.constant 8 : i32
      %mul3A_333 = arith.muli %scan3A_126, %mul3A_332 : i32
      %add3A_334 = arith.constant 1 : i32
      %add3A_335 = arith.addi %mul3A_333, %add3A_334 : i32
      %mul3A_336 = arith.constant 16 : i32
      %mul3A_337 = arith.muli %add3A_335, %mul3A_336 : i32
      %add3A_338 = vector.broadcast %mul3A_337 : i32 to vector<16xi32>
      %add3A_339 = arith.addi %add3A_338, %iota3A : vector<16xi32>
      %add3A_340 = vector.broadcast %add3A_331 : i32 to vector<16xi32>
      %add3A_341 = arith.addi %add3A_340, %masked_cumsum3A_170 : vector<16xi32>
      %sub3A_342 = arith.constant 1 : i32
      %sub3A_343 = vector.broadcast %sub3A_342 : i32 to vector<16xi32>
      %sub3A_344 = arith.subi %add3A_341, %sub3A_343 : vector<16xi32>
      %lt3A_345 = arith.constant 1008 : i32
      %lt3A_346 = vector.broadcast %lt3A_345 : i32 to vector<16xi32>
      %lt3A_347 = arith.cmpi slt, %sub3A_344, %lt3A_346 : vector<16xi32>
      %and3A_348 = arith.andi %eq3A_162, %lt3A_347 : vector<16xi1>
      tpu.vector_store_idx %arg10[%sub3A_344], %get3A_154 masked %and3A_348 : memref<1008xi32, #tpu.memory_space<vmem>>[vector<16xi32>], vector<16xi32>, vector<16xi1>
      tpu.vector_store_idx %arg11[%sub3A_344], %add3A_339 masked %and3A_348 : memref<1008xi32, #tpu.memory_space<vmem>>[vector<16xi32>], vector<16xi32>, vector<16xi1>
      %slice3A_349 = vector.extract_strided_slice %masked_cumsum3A_170 {offsets = [15], sizes = [1], strides = [1]} : vector<16xi32> to vector<1xi32>
      %squeeze3A_350 = vector.extract %slice3A_349[0] : i32 from vector<1xi32>
      %add3A_351 = arith.addi %add3A_331, %squeeze3A_350 : i32
      %mul3A_352 = arith.constant 8 : i32
      %mul3A_353 = arith.muli %scan3A_126, %mul3A_352 : i32
      %add3A_354 = arith.constant 2 : i32
      %add3A_355 = arith.addi %mul3A_353, %add3A_354 : i32
      %mul3A_356 = arith.constant 16 : i32
      %mul3A_357 = arith.muli %add3A_355, %mul3A_356 : i32
      %add3A_358 = vector.broadcast %mul3A_357 : i32 to vector<16xi32>
      %add3A_359 = arith.addi %add3A_358, %iota3A : vector<16xi32>
      %add3A_360 = vector.broadcast %add3A_351 : i32 to vector<16xi32>
      %add3A_361 = arith.addi %add3A_360, %masked_cumsum3A_194 : vector<16xi32>
      %sub3A_362 = arith.constant 1 : i32
      %sub3A_363 = vector.broadcast %sub3A_362 : i32 to vector<16xi32>
      %sub3A_364 = arith.subi %add3A_361, %sub3A_363 : vector<16xi32>
      %lt3A_365 = arith.constant 1008 : i32
      %lt3A_366 = vector.broadcast %lt3A_365 : i32 to vector<16xi32>
      %lt3A_367 = arith.cmpi slt, %sub3A_364, %lt3A_366 : vector<16xi32>
      %and3A_368 = arith.andi %eq3A_186, %lt3A_367 : vector<16xi1>
      tpu.vector_store_idx %arg10[%sub3A_364], %get3A_178 masked %and3A_368 : memref<1008xi32, #tpu.memory_space<vmem>>[vector<16xi32>], vector<16xi32>, vector<16xi1>
      tpu.vector_store_idx %arg11[%sub3A_364], %add3A_359 masked %and3A_368 : memref<1008xi32, #tpu.memory_space<vmem>>[vector<16xi32>], vector<16xi32>, vector<16xi1>
      %slice3A_369 = vector.extract_strided_slice %masked_cumsum3A_194 {offsets = [15], sizes = [1], strides = [1]} : vector<16xi32> to vector<1xi32>
      %squeeze3A_370 = vector.extract %slice3A_369[0] : i32 from vector<1xi32>
      %add3A_371 = arith.addi %add3A_351, %squeeze3A_370 : i32
      %mul3A_372 = arith.constant 8 : i32
      %mul3A_373 = arith.muli %scan3A_126, %mul3A_372 : i32
      %add3A_374 = arith.constant 3 : i32
      %add3A_375 = arith.addi %mul3A_373, %add3A_374 : i32
      %mul3A_376 = arith.constant 16 : i32
      %mul3A_377 = arith.muli %add3A_375, %mul3A_376 : i32
      %add3A_378 = vector.broadcast %mul3A_377 : i32 to vector<16xi32>
      %add3A_379 = arith.addi %add3A_378, %iota3A : vector<16xi32>
      %add3A_380 = vector.broadcast %add3A_371 : i32 to vector<16xi32>
      %add3A_381 = arith.addi %add3A_380, %masked_cumsum3A_218 : vector<16xi32>
      %sub3A_382 = arith.constant 1 : i32
      %sub3A_383 = vector.broadcast %sub3A_382 : i32 to vector<16xi32>
      %sub3A_384 = arith.subi %add3A_381, %sub3A_383 : vector<16xi32>
      %lt3A_385 = arith.constant 1008 : i32
      %lt3A_386 = vector.broadcast %lt3A_385 : i32 to vector<16xi32>
      %lt3A_387 = arith.cmpi slt, %sub3A_384, %lt3A_386 : vector<16xi32>
      %and3A_388 = arith.andi %eq3A_210, %lt3A_387 : vector<16xi1>
      tpu.vector_store_idx %arg10[%sub3A_384], %get3A_202 masked %and3A_388 : memref<1008xi32, #tpu.memory_space<vmem>>[vector<16xi32>], vector<16xi32>, vector<16xi1>
      tpu.vector_store_idx %arg11[%sub3A_384], %add3A_379 masked %and3A_388 : memref<1008xi32, #tpu.memory_space<vmem>>[vector<16xi32>], vector<16xi32>, vector<16xi1>
      %slice3A_389 = vector.extract_strided_slice %masked_cumsum3A_218 {offsets = [15], sizes = [1], strides = [1]} : vector<16xi32> to vector<1xi32>
      %squeeze3A_390 = vector.extract %slice3A_389[0] : i32 from vector<1xi32>
      %add3A_391 = arith.addi %add3A_371, %squeeze3A_390 : i32
      %mul3A_392 = arith.constant 8 : i32
      %mul3A_393 = arith.muli %scan3A_126, %mul3A_392 : i32
      %add3A_394 = arith.constant 4 : i32
      %add3A_395 = arith.addi %mul3A_393, %add3A_394 : i32
      %mul3A_396 = arith.constant 16 : i32
      %mul3A_397 = arith.muli %add3A_395, %mul3A_396 : i32
      %add3A_398 = vector.broadcast %mul3A_397 : i32 to vector<16xi32>
      %add3A_399 = arith.addi %add3A_398, %iota3A : vector<16xi32>
      %add3A_400 = vector.broadcast %add3A_391 : i32 to vector<16xi32>
      %add3A_401 = arith.addi %add3A_400, %masked_cumsum3A_242 : vector<16xi32>
      %sub3A_402 = arith.constant 1 : i32
      %sub3A_403 = vector.broadcast %sub3A_402 : i32 to vector<16xi32>
      %sub3A_404 = arith.subi %add3A_401, %sub3A_403 : vector<16xi32>
      %lt3A_405 = arith.constant 1008 : i32
      %lt3A_406 = vector.broadcast %lt3A_405 : i32 to vector<16xi32>
      %lt3A_407 = arith.cmpi slt, %sub3A_404, %lt3A_406 : vector<16xi32>
      %and3A_408 = arith.andi %eq3A_234, %lt3A_407 : vector<16xi1>
      tpu.vector_store_idx %arg10[%sub3A_404], %get3A_226 masked %and3A_408 : memref<1008xi32, #tpu.memory_space<vmem>>[vector<16xi32>], vector<16xi32>, vector<16xi1>
      tpu.vector_store_idx %arg11[%sub3A_404], %add3A_399 masked %and3A_408 : memref<1008xi32, #tpu.memory_space<vmem>>[vector<16xi32>], vector<16xi32>, vector<16xi1>
      %slice3A_409 = vector.extract_strided_slice %masked_cumsum3A_242 {offsets = [15], sizes = [1], strides = [1]} : vector<16xi32> to vector<1xi32>
      %squeeze3A_410 = vector.extract %slice3A_409[0] : i32 from vector<1xi32>
      %add3A_411 = arith.addi %add3A_391, %squeeze3A_410 : i32
      %mul3A_412 = arith.constant 8 : i32
      %mul3A_413 = arith.muli %scan3A_126, %mul3A_412 : i32
      %add3A_414 = arith.constant 5 : i32
      %add3A_415 = arith.addi %mul3A_413, %add3A_414 : i32
      %mul3A_416 = arith.constant 16 : i32
      %mul3A_417 = arith.muli %add3A_415, %mul3A_416 : i32
      %add3A_418 = vector.broadcast %mul3A_417 : i32 to vector<16xi32>
      %add3A_419 = arith.addi %add3A_418, %iota3A : vector<16xi32>
      %add3A_420 = vector.broadcast %add3A_411 : i32 to vector<16xi32>
      %add3A_421 = arith.addi %add3A_420, %masked_cumsum3A_266 : vector<16xi32>
      %sub3A_422 = arith.constant 1 : i32
      %sub3A_423 = vector.broadcast %sub3A_422 : i32 to vector<16xi32>
      %sub3A_424 = arith.subi %add3A_421, %sub3A_423 : vector<16xi32>
      %lt3A_425 = arith.constant 1008 : i32
      %lt3A_426 = vector.broadcast %lt3A_425 : i32 to vector<16xi32>
      %lt3A_427 = arith.cmpi slt, %sub3A_424, %lt3A_426 : vector<16xi32>
      %and3A_428 = arith.andi %eq3A_258, %lt3A_427 : vector<16xi1>
      tpu.vector_store_idx %arg10[%sub3A_424], %get3A_250 masked %and3A_428 : memref<1008xi32, #tpu.memory_space<vmem>>[vector<16xi32>], vector<16xi32>, vector<16xi1>
      tpu.vector_store_idx %arg11[%sub3A_424], %add3A_419 masked %and3A_428 : memref<1008xi32, #tpu.memory_space<vmem>>[vector<16xi32>], vector<16xi32>, vector<16xi1>
      %slice3A_429 = vector.extract_strided_slice %masked_cumsum3A_266 {offsets = [15], sizes = [1], strides = [1]} : vector<16xi32> to vector<1xi32>
      %squeeze3A_430 = vector.extract %slice3A_429[0] : i32 from vector<1xi32>
      %add3A_431 = arith.addi %add3A_411, %squeeze3A_430 : i32
      %mul3A_432 = arith.constant 8 : i32
      %mul3A_433 = arith.muli %scan3A_126, %mul3A_432 : i32
      %add3A_434 = arith.constant 6 : i32
      %add3A_435 = arith.addi %mul3A_433, %add3A_434 : i32
      %mul3A_436 = arith.constant 16 : i32
      %mul3A_437 = arith.muli %add3A_435, %mul3A_436 : i32
      %add3A_438 = vector.broadcast %mul3A_437 : i32 to vector<16xi32>
      %add3A_439 = arith.addi %add3A_438, %iota3A : vector<16xi32>
      %add3A_440 = vector.broadcast %add3A_431 : i32 to vector<16xi32>
      %add3A_441 = arith.addi %add3A_440, %masked_cumsum3A_290 : vector<16xi32>
      %sub3A_442 = arith.constant 1 : i32
      %sub3A_443 = vector.broadcast %sub3A_442 : i32 to vector<16xi32>
      %sub3A_444 = arith.subi %add3A_441, %sub3A_443 : vector<16xi32>
      %lt3A_445 = arith.constant 1008 : i32
      %lt3A_446 = vector.broadcast %lt3A_445 : i32 to vector<16xi32>
      %lt3A_447 = arith.cmpi slt, %sub3A_444, %lt3A_446 : vector<16xi32>
      %and3A_448 = arith.andi %eq3A_282, %lt3A_447 : vector<16xi1>
      tpu.vector_store_idx %arg10[%sub3A_444], %get3A_274 masked %and3A_448 : memref<1008xi32, #tpu.memory_space<vmem>>[vector<16xi32>], vector<16xi32>, vector<16xi1>
      tpu.vector_store_idx %arg11[%sub3A_444], %add3A_439 masked %and3A_448 : memref<1008xi32, #tpu.memory_space<vmem>>[vector<16xi32>], vector<16xi32>, vector<16xi1>
      %slice3A_449 = vector.extract_strided_slice %masked_cumsum3A_290 {offsets = [15], sizes = [1], strides = [1]} : vector<16xi32> to vector<1xi32>
      %squeeze3A_450 = vector.extract %slice3A_449[0] : i32 from vector<1xi32>
      %add3A_451 = arith.addi %add3A_431, %squeeze3A_450 : i32
      %mul3A_452 = arith.constant 8 : i32
      %mul3A_453 = arith.muli %scan3A_126, %mul3A_452 : i32
      %add3A_454 = arith.constant 7 : i32
      %add3A_455 = arith.addi %mul3A_453, %add3A_454 : i32
      %mul3A_456 = arith.constant 16 : i32
      %mul3A_457 = arith.muli %add3A_455, %mul3A_456 : i32
      %add3A_458 = vector.broadcast %mul3A_457 : i32 to vector<16xi32>
      %add3A_459 = arith.addi %add3A_458, %iota3A : vector<16xi32>
      %add3A_460 = vector.broadcast %add3A_451 : i32 to vector<16xi32>
      %add3A_461 = arith.addi %add3A_460, %masked_cumsum3A_314 : vector<16xi32>
      %sub3A_462 = arith.constant 1 : i32
      %sub3A_463 = vector.broadcast %sub3A_462 : i32 to vector<16xi32>
      %sub3A_464 = arith.subi %add3A_461, %sub3A_463 : vector<16xi32>
      %lt3A_465 = arith.constant 1008 : i32
      %lt3A_466 = vector.broadcast %lt3A_465 : i32 to vector<16xi32>
      %lt3A_467 = arith.cmpi slt, %sub3A_464, %lt3A_466 : vector<16xi32>
      %and3A_468 = arith.andi %eq3A_306, %lt3A_467 : vector<16xi1>
      tpu.vector_store_idx %arg10[%sub3A_464], %get3A_298 masked %and3A_468 : memref<1008xi32, #tpu.memory_space<vmem>>[vector<16xi32>], vector<16xi32>, vector<16xi1>
      tpu.vector_store_idx %arg11[%sub3A_464], %add3A_459 masked %and3A_468 : memref<1008xi32, #tpu.memory_space<vmem>>[vector<16xi32>], vector<16xi32>, vector<16xi1>
      %slice3A_469 = vector.extract_strided_slice %masked_cumsum3A_314 {offsets = [15], sizes = [1], strides = [1]} : vector<16xi32> to vector<1xi32>
      %squeeze3A_470 = vector.extract %slice3A_469[0] : i32 from vector<1xi32>
      %add3A_471 = arith.addi %add3A_451, %squeeze3A_470 : i32
      scf.yield %add3A_471 : i32
    }
    %scan3A_13 = arith.constant 128 : i32
    %add3A_14 = arith.constant 16 : i32
    %add3A_15 = arith.addi %scan3A_12, %add3A_14 : i32
    %sub3A = arith.constant 1 : i32
    %sub3A_16 = arith.subi %add3A_15, %sub3A : i32
    %jit3A = arith.constant 16 : i32
    %div3A = arith.divsi %sub3A_16, %jit3A : i32
    %sign3A = arith.constant 0 : i32
    %sign3A_17 = arith.cmpi sgt, %sub3A_16, %sign3A : i32
    %sign3A_18 = arith.extui %sign3A_17 : i1 to i32
    %sign3A_19 = arith.constant 0 : i32
    %sign3A_20 = arith.cmpi slt, %sub3A_16, %sign3A_19 : i32
    %sign3A_21 = arith.extui %sign3A_20 : i1 to i32
    %sign3A_22 = arith.subi %sign3A_18, %sign3A_21 : i32
    %sign3A_23 = arith.constant 0 : i32
    %sign3A_24 = arith.cmpi sgt, %jit3A, %sign3A_23 : i32
    %sign3A_25 = arith.extui %sign3A_24 : i1 to i32
    %sign3A_26 = arith.constant 0 : i32
    %sign3A_27 = arith.cmpi slt, %jit3A, %sign3A_26 : i32
    %sign3A_28 = arith.extui %sign3A_27 : i1 to i32
    %sign3A_29 = arith.subi %sign3A_25, %sign3A_28 : i32
    %ne3A = arith.cmpi ne, %sign3A_22, %sign3A_29 : i32
    %rem3A = arith.remsi %sub3A_16, %jit3A : i32
    %ne3A_30 = arith.constant 0 : i32
    %ne3A_31 = arith.cmpi ne, %rem3A, %ne3A_30 : i32
    %and3A = arith.andi %ne3A, %ne3A_31 : i1
    %sub3A_32 = arith.constant 1 : i32
    %sub3A_33 = arith.subi %div3A, %sub3A_32 : i32
    %select_n3A = arith.select %and3A, %sub3A_33, %div3A : i32
    %while3A = arith.constant 0 : i32
    %while3A_34 = arith.constant 0 : i32
    %while3A_35 = arith.subi %select_n3A, %while3A : i32
    %while3A_36 = arith.addi %while3A, %while3A_35 : i32
    %while3A_37 = arith.constant 1 : i32
    %while3A_38 = arith.divsi %while3A_35, %while3A_37 : i32
    %while3A_39 = arith.muli %while3A_38, %while3A_37 : i32
    %while3A_40 = arith.addi %while3A, %while3A_39 : i32
    %while3A_41 = arith.constant 1 : i32
    %while3A_42 = scf.for %while3A_126 = %while3A to %while3A_40 step %while3A_41 iter_args(%while3A_127 = %while3A_34) -> (i32)  : i32 {
      %mul3A_128 = arith.constant 16 : i32
      %mul3A_129 = arith.muli %while3A_126, %mul3A_128 : i32
      %get3A = arith.index_cast %mul3A_129 : i32 to index
      %get3A_130 = tpu.vector_load %arg10[%get3A] {strides = array<i32>} : memref<1008xi32, #tpu.memory_space<vmem>>, vector<16xi32>,
      %mul3A_131 = arith.constant 16 : i32
      %mul3A_132 = arith.muli %while3A_126, %mul3A_131 : i32
      %get3A_133 = arith.index_cast %mul3A_132 : i32 to index
      %get3A_134 = tpu.vector_load %arg11[%get3A_133] {strides = array<i32>} : memref<1008xi32, #tpu.memory_space<vmem>>, vector<16xi32>,
      %mul3A_135 = arith.constant 16 : i32
      %mul3A_136 = arith.muli %while3A_126, %mul3A_135 : i32
      %add3A_137 = vector.broadcast %mul3A_136 : i32 to vector<16xi32>
      %add3A_138 = arith.addi %add3A_137, %iota3A : vector<16xi32>
      %lt3A = vector.broadcast %scan3A_12 : i32 to vector<16xi32>
      %lt3A_139 = arith.cmpi slt, %add3A_138, %lt3A : vector<16xi32>
      %shift_right_logical3A = arith.constant 12 : i32
      %shift_right_logical3A_140 = vector.broadcast %shift_right_logical3A : i32 to vector<16xi32>
      %shift_right_logical3A_141 = arith.shrui %get3A_130, %shift_right_logical3A_140 : vector<16xi32>
      %jit3A_142 = arith.constant 255 : i32
      %broadcast_in_dim3A = vector.broadcast %jit3A_142 : i32 to vector<16xi32>
      %select_n3A_143 = arith.select %lt3A_139, %shift_right_logical3A_141, %broadcast_in_dim3A : vector<16xi1>, vector<16xi32>
      %broadcast_in_dim3A_144 = arith.constant 0 : i32
      %broadcast_in_dim3A_145 = vector.broadcast %broadcast_in_dim3A_144 : i32 to vector<16xi32>
      %slice3A = vector.extract_strided_slice %select_n3A_143 {offsets = [0], sizes = [1], strides = [1]} : vector<16xi32> to vector<1xi32>
      %squeeze3A = vector.extract %slice3A[0] : i32 from vector<1xi32>
      %get3A_146 = arith.index_cast %squeeze3A : i32 to index
      %get3A_147 = memref.load %arg20[%get3A_146] : memref<256xi32, #tpu.memory_space<smem>>
      %add3A_148 = arith.constant 1 : i32
      %add3A_149 = arith.addi %get3A_147, %add3A_148 : i32
      %swap3A = arith.index_cast %squeeze3A : i32 to index
      %swap3A_150 = memref.load %arg20[%swap3A] : memref<256xi32, #tpu.memory_space<smem>>
      memref.store %add3A_149, %arg20[%swap3A] : memref<256xi32, #tpu.memory_space<smem>>
      %mul3A_151 = arith.constant 16 : i32
      %mul3A_152 = arith.muli %squeeze3A, %mul3A_151 : i32
      %add3A_153 = arith.addi %mul3A_152, %get3A_147 : i32
      %broadcast_in_dim3A_154 = vector.broadcast %add3A_153 : i32 to vector<16xi32>
      %eq3A = arith.constant 0 : i32
      %eq3A_155 = vector.broadcast %eq3A : i32 to vector<16xi32>
      %eq3A_156 = arith.cmpi eq, %iota3A, %eq3A_155 : vector<16xi32>
      %select_n3A_157 = arith.select %eq3A_156, %broadcast_in_dim3A_154, %broadcast_in_dim3A_145 : vector<16xi1>, vector<16xi32>
      %slice3A_158 = vector.extract_strided_slice %select_n3A_143 {offsets = [1], sizes = [1], strides = [1]} : vector<16xi32> to vector<1xi32>
      %squeeze3A_159 = vector.extract %slice3A_158[0] : i32 from vector<1xi32>
      %get3A_160 = arith.index_cast %squeeze3A_159 : i32 to index
      %get3A_161 = memref.load %arg20[%get3A_160] : memref<256xi32, #tpu.memory_space<smem>>
      %add3A_162 = arith.constant 1 : i32
      %add3A_163 = arith.addi %get3A_161, %add3A_162 : i32
      %swap3A_164 = arith.index_cast %squeeze3A_159 : i32 to index
      %swap3A_165 = memref.load %arg20[%swap3A_164] : memref<256xi32, #tpu.memory_space<smem>>
      memref.store %add3A_163, %arg20[%swap3A_164] : memref<256xi32, #tpu.memory_space<smem>>
      %mul3A_166 = arith.constant 16 : i32
      %mul3A_167 = arith.muli %squeeze3A_159, %mul3A_166 : i32
      %add3A_168 = arith.addi %mul3A_167, %get3A_161 : i32
      %broadcast_in_dim3A_169 = vector.broadcast %add3A_168 : i32 to vector<16xi32>
      %eq3A_170 = arith.constant 1 : i32
      %eq3A_171 = vector.broadcast %eq3A_170 : i32 to vector<16xi32>
      %eq3A_172 = arith.cmpi eq, %iota3A, %eq3A_171 : vector<16xi32>
      %select_n3A_173 = arith.select %eq3A_172, %broadcast_in_dim3A_169, %select_n3A_157 : vector<16xi1>, vector<16xi32>
      %slice3A_174 = vector.extract_strided_slice %select_n3A_143 {offsets = [2], sizes = [1], strides = [1]} : vector<16xi32> to vector<1xi32>
      %squeeze3A_175 = vector.extract %slice3A_174[0] : i32 from vector<1xi32>
      %get3A_176 = arith.index_cast %squeeze3A_175 : i32 to index
      %get3A_177 = memref.load %arg20[%get3A_176] : memref<256xi32, #tpu.memory_space<smem>>
      %add3A_178 = arith.constant 1 : i32
      %add3A_179 = arith.addi %get3A_177, %add3A_178 : i32
      %swap3A_180 = arith.index_cast %squeeze3A_175 : i32 to index
      %swap3A_181 = memref.load %arg20[%swap3A_180] : memref<256xi32, #tpu.memory_space<smem>>
      memref.store %add3A_179, %arg20[%swap3A_180] : memref<256xi32, #tpu.memory_space<smem>>
      %mul3A_182 = arith.constant 16 : i32
      %mul3A_183 = arith.muli %squeeze3A_175, %mul3A_182 : i32
      %add3A_184 = arith.addi %mul3A_183, %get3A_177 : i32
      %broadcast_in_dim3A_185 = vector.broadcast %add3A_184 : i32 to vector<16xi32>
      %eq3A_186 = arith.constant 2 : i32
      %eq3A_187 = vector.broadcast %eq3A_186 : i32 to vector<16xi32>
      %eq3A_188 = arith.cmpi eq, %iota3A, %eq3A_187 : vector<16xi32>
      %select_n3A_189 = arith.select %eq3A_188, %broadcast_in_dim3A_185, %select_n3A_173 : vector<16xi1>, vector<16xi32>
      %slice3A_190 = vector.extract_strided_slice %select_n3A_143 {offsets = [3], sizes = [1], strides = [1]} : vector<16xi32> to vector<1xi32>
      %squeeze3A_191 = vector.extract %slice3A_190[0] : i32 from vector<1xi32>
      %get3A_192 = arith.index_cast %squeeze3A_191 : i32 to index
      %get3A_193 = memref.load %arg20[%get3A_192] : memref<256xi32, #tpu.memory_space<smem>>
      %add3A_194 = arith.constant 1 : i32
      %add3A_195 = arith.addi %get3A_193, %add3A_194 : i32
      %swap3A_196 = arith.index_cast %squeeze3A_191 : i32 to index
      %swap3A_197 = memref.load %arg20[%swap3A_196] : memref<256xi32, #tpu.memory_space<smem>>
      memref.store %add3A_195, %arg20[%swap3A_196] : memref<256xi32, #tpu.memory_space<smem>>
      %mul3A_198 = arith.constant 16 : i32
      %mul3A_199 = arith.muli %squeeze3A_191, %mul3A_198 : i32
      %add3A_200 = arith.addi %mul3A_199, %get3A_193 : i32
      %broadcast_in_dim3A_201 = vector.broadcast %add3A_200 : i32 to vector<16xi32>
      %eq3A_202 = arith.constant 3 : i32
      %eq3A_203 = vector.broadcast %eq3A_202 : i32 to vector<16xi32>
      %eq3A_204 = arith.cmpi eq, %iota3A, %eq3A_203 : vector<16xi32>
      %select_n3A_205 = arith.select %eq3A_204, %broadcast_in_dim3A_201, %select_n3A_189 : vector<16xi1>, vector<16xi32>
      %slice3A_206 = vector.extract_strided_slice %select_n3A_143 {offsets = [4], sizes = [1], strides = [1]} : vector<16xi32> to vector<1xi32>
      %squeeze3A_207 = vector.extract %slice3A_206[0] : i32 from vector<1xi32>
      %get3A_208 = arith.index_cast %squeeze3A_207 : i32 to index
      %get3A_209 = memref.load %arg20[%get3A_208] : memref<256xi32, #tpu.memory_space<smem>>
      %add3A_210 = arith.constant 1 : i32
      %add3A_211 = arith.addi %get3A_209, %add3A_210 : i32
      %swap3A_212 = arith.index_cast %squeeze3A_207 : i32 to index
      %swap3A_213 = memref.load %arg20[%swap3A_212] : memref<256xi32, #tpu.memory_space<smem>>
      memref.store %add3A_211, %arg20[%swap3A_212] : memref<256xi32, #tpu.memory_space<smem>>
      %mul3A_214 = arith.constant 16 : i32
      %mul3A_215 = arith.muli %squeeze3A_207, %mul3A_214 : i32
      %add3A_216 = arith.addi %mul3A_215, %get3A_209 : i32
      %broadcast_in_dim3A_217 = vector.broadcast %add3A_216 : i32 to vector<16xi32>
      %eq3A_218 = arith.constant 4 : i32
      %eq3A_219 = vector.broadcast %eq3A_218 : i32 to vector<16xi32>
      %eq3A_220 = arith.cmpi eq, %iota3A, %eq3A_219 : vector<16xi32>
      %select_n3A_221 = arith.select %eq3A_220, %broadcast_in_dim3A_217, %select_n3A_205 : vector<16xi1>, vector<16xi32>
      %slice3A_222 = vector.extract_strided_slice %select_n3A_143 {offsets = [5], sizes = [1], strides = [1]} : vector<16xi32> to vector<1xi32>
      %squeeze3A_223 = vector.extract %slice3A_222[0] : i32 from vector<1xi32>
      %get3A_224 = arith.index_cast %squeeze3A_223 : i32 to index
      %get3A_225 = memref.load %arg20[%get3A_224] : memref<256xi32, #tpu.memory_space<smem>>
      %add3A_226 = arith.constant 1 : i32
      %add3A_227 = arith.addi %get3A_225, %add3A_226 : i32
      %swap3A_228 = arith.index_cast %squeeze3A_223 : i32 to index
      %swap3A_229 = memref.load %arg20[%swap3A_228] : memref<256xi32, #tpu.memory_space<smem>>
      memref.store %add3A_227, %arg20[%swap3A_228] : memref<256xi32, #tpu.memory_space<smem>>
      %mul3A_230 = arith.constant 16 : i32
      %mul3A_231 = arith.muli %squeeze3A_223, %mul3A_230 : i32
      %add3A_232 = arith.addi %mul3A_231, %get3A_225 : i32
      %broadcast_in_dim3A_233 = vector.broadcast %add3A_232 : i32 to vector<16xi32>
      %eq3A_234 = arith.constant 5 : i32
      %eq3A_235 = vector.broadcast %eq3A_234 : i32 to vector<16xi32>
      %eq3A_236 = arith.cmpi eq, %iota3A, %eq3A_235 : vector<16xi32>
      %select_n3A_237 = arith.select %eq3A_236, %broadcast_in_dim3A_233, %select_n3A_221 : vector<16xi1>, vector<16xi32>
      %slice3A_238 = vector.extract_strided_slice %select_n3A_143 {offsets = [6], sizes = [1], strides = [1]} : vector<16xi32> to vector<1xi32>
      %squeeze3A_239 = vector.extract %slice3A_238[0] : i32 from vector<1xi32>
      %get3A_240 = arith.index_cast %squeeze3A_239 : i32 to index
      %get3A_241 = memref.load %arg20[%get3A_240] : memref<256xi32, #tpu.memory_space<smem>>
      %add3A_242 = arith.constant 1 : i32
      %add3A_243 = arith.addi %get3A_241, %add3A_242 : i32
      %swap3A_244 = arith.index_cast %squeeze3A_239 : i32 to index
      %swap3A_245 = memref.load %arg20[%swap3A_244] : memref<256xi32, #tpu.memory_space<smem>>
      memref.store %add3A_243, %arg20[%swap3A_244] : memref<256xi32, #tpu.memory_space<smem>>
      %mul3A_246 = arith.constant 16 : i32
      %mul3A_247 = arith.muli %squeeze3A_239, %mul3A_246 : i32
      %add3A_248 = arith.addi %mul3A_247, %get3A_241 : i32
      %broadcast_in_dim3A_249 = vector.broadcast %add3A_248 : i32 to vector<16xi32>
      %eq3A_250 = arith.constant 6 : i32
      %eq3A_251 = vector.broadcast %eq3A_250 : i32 to vector<16xi32>
      %eq3A_252 = arith.cmpi eq, %iota3A, %eq3A_251 : vector<16xi32>
      %select_n3A_253 = arith.select %eq3A_252, %broadcast_in_dim3A_249, %select_n3A_237 : vector<16xi1>, vector<16xi32>
      %slice3A_254 = vector.extract_strided_slice %select_n3A_143 {offsets = [7], sizes = [1], strides = [1]} : vector<16xi32> to vector<1xi32>
      %squeeze3A_255 = vector.extract %slice3A_254[0] : i32 from vector<1xi32>
      %get3A_256 = arith.index_cast %squeeze3A_255 : i32 to index
      %get3A_257 = memref.load %arg20[%get3A_256] : memref<256xi32, #tpu.memory_space<smem>>
      %add3A_258 = arith.constant 1 : i32
      %add3A_259 = arith.addi %get3A_257, %add3A_258 : i32
      %swap3A_260 = arith.index_cast %squeeze3A_255 : i32 to index
      %swap3A_261 = memref.load %arg20[%swap3A_260] : memref<256xi32, #tpu.memory_space<smem>>
      memref.store %add3A_259, %arg20[%swap3A_260] : memref<256xi32, #tpu.memory_space<smem>>
      %mul3A_262 = arith.constant 16 : i32
      %mul3A_263 = arith.muli %squeeze3A_255, %mul3A_262 : i32
      %add3A_264 = arith.addi %mul3A_263, %get3A_257 : i32
      %broadcast_in_dim3A_265 = vector.broadcast %add3A_264 : i32 to vector<16xi32>
      %eq3A_266 = arith.constant 7 : i32
      %eq3A_267 = vector.broadcast %eq3A_266 : i32 to vector<16xi32>
      %eq3A_268 = arith.cmpi eq, %iota3A, %eq3A_267 : vector<16xi32>
      %select_n3A_269 = arith.select %eq3A_268, %broadcast_in_dim3A_265, %select_n3A_253 : vector<16xi1>, vector<16xi32>
      %slice3A_270 = vector.extract_strided_slice %select_n3A_143 {offsets = [8], sizes = [1], strides = [1]} : vector<16xi32> to vector<1xi32>
      %squeeze3A_271 = vector.extract %slice3A_270[0] : i32 from vector<1xi32>
      %get3A_272 = arith.index_cast %squeeze3A_271 : i32 to index
      %get3A_273 = memref.load %arg20[%get3A_272] : memref<256xi32, #tpu.memory_space<smem>>
      %add3A_274 = arith.constant 1 : i32
      %add3A_275 = arith.addi %get3A_273, %add3A_274 : i32
      %swap3A_276 = arith.index_cast %squeeze3A_271 : i32 to index
      %swap3A_277 = memref.load %arg20[%swap3A_276] : memref<256xi32, #tpu.memory_space<smem>>
      memref.store %add3A_275, %arg20[%swap3A_276] : memref<256xi32, #tpu.memory_space<smem>>
      %mul3A_278 = arith.constant 16 : i32
      %mul3A_279 = arith.muli %squeeze3A_271, %mul3A_278 : i32
      %add3A_280 = arith.addi %mul3A_279, %get3A_273 : i32
      %broadcast_in_dim3A_281 = vector.broadcast %add3A_280 : i32 to vector<16xi32>
      %eq3A_282 = arith.constant 8 : i32
      %eq3A_283 = vector.broadcast %eq3A_282 : i32 to vector<16xi32>
      %eq3A_284 = arith.cmpi eq, %iota3A, %eq3A_283 : vector<16xi32>
      %select_n3A_285 = arith.select %eq3A_284, %broadcast_in_dim3A_281, %select_n3A_269 : vector<16xi1>, vector<16xi32>
      %slice3A_286 = vector.extract_strided_slice %select_n3A_143 {offsets = [9], sizes = [1], strides = [1]} : vector<16xi32> to vector<1xi32>
      %squeeze3A_287 = vector.extract %slice3A_286[0] : i32 from vector<1xi32>
      %get3A_288 = arith.index_cast %squeeze3A_287 : i32 to index
      %get3A_289 = memref.load %arg20[%get3A_288] : memref<256xi32, #tpu.memory_space<smem>>
      %add3A_290 = arith.constant 1 : i32
      %add3A_291 = arith.addi %get3A_289, %add3A_290 : i32
      %swap3A_292 = arith.index_cast %squeeze3A_287 : i32 to index
      %swap3A_293 = memref.load %arg20[%swap3A_292] : memref<256xi32, #tpu.memory_space<smem>>
      memref.store %add3A_291, %arg20[%swap3A_292] : memref<256xi32, #tpu.memory_space<smem>>
      %mul3A_294 = arith.constant 16 : i32
      %mul3A_295 = arith.muli %squeeze3A_287, %mul3A_294 : i32
      %add3A_296 = arith.addi %mul3A_295, %get3A_289 : i32
      %broadcast_in_dim3A_297 = vector.broadcast %add3A_296 : i32 to vector<16xi32>
      %eq3A_298 = arith.constant 9 : i32
      %eq3A_299 = vector.broadcast %eq3A_298 : i32 to vector<16xi32>
      %eq3A_300 = arith.cmpi eq, %iota3A, %eq3A_299 : vector<16xi32>
      %select_n3A_301 = arith.select %eq3A_300, %broadcast_in_dim3A_297, %select_n3A_285 : vector<16xi1>, vector<16xi32>
      %slice3A_302 = vector.extract_strided_slice %select_n3A_143 {offsets = [10], sizes = [1], strides = [1]} : vector<16xi32> to vector<1xi32>
      %squeeze3A_303 = vector.extract %slice3A_302[0] : i32 from vector<1xi32>
      %get3A_304 = arith.index_cast %squeeze3A_303 : i32 to index
      %get3A_305 = memref.load %arg20[%get3A_304] : memref<256xi32, #tpu.memory_space<smem>>
      %add3A_306 = arith.constant 1 : i32
      %add3A_307 = arith.addi %get3A_305, %add3A_306 : i32
      %swap3A_308 = arith.index_cast %squeeze3A_303 : i32 to index
      %swap3A_309 = memref.load %arg20[%swap3A_308] : memref<256xi32, #tpu.memory_space<smem>>
      memref.store %add3A_307, %arg20[%swap3A_308] : memref<256xi32, #tpu.memory_space<smem>>
      %mul3A_310 = arith.constant 16 : i32
      %mul3A_311 = arith.muli %squeeze3A_303, %mul3A_310 : i32
      %add3A_312 = arith.addi %mul3A_311, %get3A_305 : i32
      %broadcast_in_dim3A_313 = vector.broadcast %add3A_312 : i32 to vector<16xi32>
      %eq3A_314 = arith.constant 10 : i32
      %eq3A_315 = vector.broadcast %eq3A_314 : i32 to vector<16xi32>
      %eq3A_316 = arith.cmpi eq, %iota3A, %eq3A_315 : vector<16xi32>
      %select_n3A_317 = arith.select %eq3A_316, %broadcast_in_dim3A_313, %select_n3A_301 : vector<16xi1>, vector<16xi32>
      %slice3A_318 = vector.extract_strided_slice %select_n3A_143 {offsets = [11], sizes = [1], strides = [1]} : vector<16xi32> to vector<1xi32>
      %squeeze3A_319 = vector.extract %slice3A_318[0] : i32 from vector<1xi32>
      %get3A_320 = arith.index_cast %squeeze3A_319 : i32 to index
      %get3A_321 = memref.load %arg20[%get3A_320] : memref<256xi32, #tpu.memory_space<smem>>
      %add3A_322 = arith.constant 1 : i32
      %add3A_323 = arith.addi %get3A_321, %add3A_322 : i32
      %swap3A_324 = arith.index_cast %squeeze3A_319 : i32 to index
      %swap3A_325 = memref.load %arg20[%swap3A_324] : memref<256xi32, #tpu.memory_space<smem>>
      memref.store %add3A_323, %arg20[%swap3A_324] : memref<256xi32, #tpu.memory_space<smem>>
      %mul3A_326 = arith.constant 16 : i32
      %mul3A_327 = arith.muli %squeeze3A_319, %mul3A_326 : i32
      %add3A_328 = arith.addi %mul3A_327, %get3A_321 : i32
      %broadcast_in_dim3A_329 = vector.broadcast %add3A_328 : i32 to vector<16xi32>
      %eq3A_330 = arith.constant 11 : i32
      %eq3A_331 = vector.broadcast %eq3A_330 : i32 to vector<16xi32>
      %eq3A_332 = arith.cmpi eq, %iota3A, %eq3A_331 : vector<16xi32>
      %select_n3A_333 = arith.select %eq3A_332, %broadcast_in_dim3A_329, %select_n3A_317 : vector<16xi1>, vector<16xi32>
      %slice3A_334 = vector.extract_strided_slice %select_n3A_143 {offsets = [12], sizes = [1], strides = [1]} : vector<16xi32> to vector<1xi32>
      %squeeze3A_335 = vector.extract %slice3A_334[0] : i32 from vector<1xi32>
      %get3A_336 = arith.index_cast %squeeze3A_335 : i32 to index
      %get3A_337 = memref.load %arg20[%get3A_336] : memref<256xi32, #tpu.memory_space<smem>>
      %add3A_338 = arith.constant 1 : i32
      %add3A_339 = arith.addi %get3A_337, %add3A_338 : i32
      %swap3A_340 = arith.index_cast %squeeze3A_335 : i32 to index
      %swap3A_341 = memref.load %arg20[%swap3A_340] : memref<256xi32, #tpu.memory_space<smem>>
      memref.store %add3A_339, %arg20[%swap3A_340] : memref<256xi32, #tpu.memory_space<smem>>
      %mul3A_342 = arith.constant 16 : i32
      %mul3A_343 = arith.muli %squeeze3A_335, %mul3A_342 : i32
      %add3A_344 = arith.addi %mul3A_343, %get3A_337 : i32
      %broadcast_in_dim3A_345 = vector.broadcast %add3A_344 : i32 to vector<16xi32>
      %eq3A_346 = arith.constant 12 : i32
      %eq3A_347 = vector.broadcast %eq3A_346 : i32 to vector<16xi32>
      %eq3A_348 = arith.cmpi eq, %iota3A, %eq3A_347 : vector<16xi32>
      %select_n3A_349 = arith.select %eq3A_348, %broadcast_in_dim3A_345, %select_n3A_333 : vector<16xi1>, vector<16xi32>
      %slice3A_350 = vector.extract_strided_slice %select_n3A_143 {offsets = [13], sizes = [1], strides = [1]} : vector<16xi32> to vector<1xi32>
      %squeeze3A_351 = vector.extract %slice3A_350[0] : i32 from vector<1xi32>
      %get3A_352 = arith.index_cast %squeeze3A_351 : i32 to index
      %get3A_353 = memref.load %arg20[%get3A_352] : memref<256xi32, #tpu.memory_space<smem>>
      %add3A_354 = arith.constant 1 : i32
      %add3A_355 = arith.addi %get3A_353, %add3A_354 : i32
      %swap3A_356 = arith.index_cast %squeeze3A_351 : i32 to index
      %swap3A_357 = memref.load %arg20[%swap3A_356] : memref<256xi32, #tpu.memory_space<smem>>
      memref.store %add3A_355, %arg20[%swap3A_356] : memref<256xi32, #tpu.memory_space<smem>>
      %mul3A_358 = arith.constant 16 : i32
      %mul3A_359 = arith.muli %squeeze3A_351, %mul3A_358 : i32
      %add3A_360 = arith.addi %mul3A_359, %get3A_353 : i32
      %broadcast_in_dim3A_361 = vector.broadcast %add3A_360 : i32 to vector<16xi32>
      %eq3A_362 = arith.constant 13 : i32
      %eq3A_363 = vector.broadcast %eq3A_362 : i32 to vector<16xi32>
      %eq3A_364 = arith.cmpi eq, %iota3A, %eq3A_363 : vector<16xi32>
      %select_n3A_365 = arith.select %eq3A_364, %broadcast_in_dim3A_361, %select_n3A_349 : vector<16xi1>, vector<16xi32>
      %slice3A_366 = vector.extract_strided_slice %select_n3A_143 {offsets = [14], sizes = [1], strides = [1]} : vector<16xi32> to vector<1xi32>
      %squeeze3A_367 = vector.extract %slice3A_366[0] : i32 from vector<1xi32>
      %get3A_368 = arith.index_cast %squeeze3A_367 : i32 to index
      %get3A_369 = memref.load %arg20[%get3A_368] : memref<256xi32, #tpu.memory_space<smem>>
      %add3A_370 = arith.constant 1 : i32
      %add3A_371 = arith.addi %get3A_369, %add3A_370 : i32
      %swap3A_372 = arith.index_cast %squeeze3A_367 : i32 to index
      %swap3A_373 = memref.load %arg20[%swap3A_372] : memref<256xi32, #tpu.memory_space<smem>>
      memref.store %add3A_371, %arg20[%swap3A_372] : memref<256xi32, #tpu.memory_space<smem>>
      %mul3A_374 = arith.constant 16 : i32
      %mul3A_375 = arith.muli %squeeze3A_367, %mul3A_374 : i32
      %add3A_376 = arith.addi %mul3A_375, %get3A_369 : i32
      %broadcast_in_dim3A_377 = vector.broadcast %add3A_376 : i32 to vector<16xi32>
      %eq3A_378 = arith.constant 14 : i32
      %eq3A_379 = vector.broadcast %eq3A_378 : i32 to vector<16xi32>
      %eq3A_380 = arith.cmpi eq, %iota3A, %eq3A_379 : vector<16xi32>
      %select_n3A_381 = arith.select %eq3A_380, %broadcast_in_dim3A_377, %select_n3A_365 : vector<16xi1>, vector<16xi32>
      %slice3A_382 = vector.extract_strided_slice %select_n3A_143 {offsets = [15], sizes = [1], strides = [1]} : vector<16xi32> to vector<1xi32>
      %squeeze3A_383 = vector.extract %slice3A_382[0] : i32 from vector<1xi32>
      %get3A_384 = arith.index_cast %squeeze3A_383 : i32 to index
      %get3A_385 = memref.load %arg20[%get3A_384] : memref<256xi32, #tpu.memory_space<smem>>
      %add3A_386 = arith.constant 1 : i32
      %add3A_387 = arith.addi %get3A_385, %add3A_386 : i32
      %swap3A_388 = arith.index_cast %squeeze3A_383 : i32 to index
      %swap3A_389 = memref.load %arg20[%swap3A_388] : memref<256xi32, #tpu.memory_space<smem>>
      memref.store %add3A_387, %arg20[%swap3A_388] : memref<256xi32, #tpu.memory_space<smem>>
      %mul3A_390 = arith.constant 16 : i32
      %mul3A_391 = arith.muli %squeeze3A_383, %mul3A_390 : i32
      %add3A_392 = arith.addi %mul3A_391, %get3A_385 : i32
      %broadcast_in_dim3A_393 = vector.broadcast %add3A_392 : i32 to vector<16xi32>
      %eq3A_394 = arith.constant 15 : i32
      %eq3A_395 = vector.broadcast %eq3A_394 : i32 to vector<16xi32>
      %eq3A_396 = arith.cmpi eq, %iota3A, %eq3A_395 : vector<16xi32>
      %select_n3A_397 = arith.select %eq3A_396, %broadcast_in_dim3A_393, %select_n3A_381 : vector<16xi1>, vector<16xi32>
      tpu.vector_store_idx %arg14[%select_n3A_397], %get3A_130 masked %lt3A_139 : memref<4096xi32, #tpu.memory_space<vmem>>[vector<16xi32>], vector<16xi32>, vector<16xi1>
      tpu.vector_store_idx %arg15[%select_n3A_397], %get3A_134 masked %lt3A_139 : memref<4096xi32, #tpu.memory_space<vmem>>[vector<16xi32>], vector<16xi32>, vector<16xi1>
      %while3A_398 = arith.constant 0 : i32
      scf.yield %while3A_398 : i32
    }
    %while3A_43 = arith.constant 1 : i32
    %while3A_44 = scf.for %while3A_126 = %while3A_40 to %while3A_36 step %while3A_43 iter_args(%while3A_127 = %while3A_42) -> (i32)  : i32 {
      %mul3A_128 = arith.constant 16 : i32
      %mul3A_129 = arith.muli %while3A_126, %mul3A_128 : i32
      %get3A = arith.index_cast %mul3A_129 : i32 to index
      %get3A_130 = tpu.vector_load %arg10[%get3A] {strides = array<i32>} : memref<1008xi32, #tpu.memory_space<vmem>>, vector<16xi32>,
      %mul3A_131 = arith.constant 16 : i32
      %mul3A_132 = arith.muli %while3A_126, %mul3A_131 : i32
      %get3A_133 = arith.index_cast %mul3A_132 : i32 to index
      %get3A_134 = tpu.vector_load %arg11[%get3A_133] {strides = array<i32>} : memref<1008xi32, #tpu.memory_space<vmem>>, vector<16xi32>,
      %mul3A_135 = arith.constant 16 : i32
      %mul3A_136 = arith.muli %while3A_126, %mul3A_135 : i32
      %add3A_137 = vector.broadcast %mul3A_136 : i32 to vector<16xi32>
      %add3A_138 = arith.addi %add3A_137, %iota3A : vector<16xi32>
      %lt3A = vector.broadcast %scan3A_12 : i32 to vector<16xi32>
      %lt3A_139 = arith.cmpi slt, %add3A_138, %lt3A : vector<16xi32>
      %shift_right_logical3A = arith.constant 12 : i32
      %shift_right_logical3A_140 = vector.broadcast %shift_right_logical3A : i32 to vector<16xi32>
      %shift_right_logical3A_141 = arith.shrui %get3A_130, %shift_right_logical3A_140 : vector<16xi32>
      %jit3A_142 = arith.constant 255 : i32
      %broadcast_in_dim3A = vector.broadcast %jit3A_142 : i32 to vector<16xi32>
      %select_n3A_143 = arith.select %lt3A_139, %shift_right_logical3A_141, %broadcast_in_dim3A : vector<16xi1>, vector<16xi32>
      %broadcast_in_dim3A_144 = arith.constant 0 : i32
      %broadcast_in_dim3A_145 = vector.broadcast %broadcast_in_dim3A_144 : i32 to vector<16xi32>
      %slice3A = vector.extract_strided_slice %select_n3A_143 {offsets = [0], sizes = [1], strides = [1]} : vector<16xi32> to vector<1xi32>
      %squeeze3A = vector.extract %slice3A[0] : i32 from vector<1xi32>
      %get3A_146 = arith.index_cast %squeeze3A : i32 to index
      %get3A_147 = memref.load %arg20[%get3A_146] : memref<256xi32, #tpu.memory_space<smem>>
      %add3A_148 = arith.constant 1 : i32
      %add3A_149 = arith.addi %get3A_147, %add3A_148 : i32
      %swap3A = arith.index_cast %squeeze3A : i32 to index
      %swap3A_150 = memref.load %arg20[%swap3A] : memref<256xi32, #tpu.memory_space<smem>>
      memref.store %add3A_149, %arg20[%swap3A] : memref<256xi32, #tpu.memory_space<smem>>
      %mul3A_151 = arith.constant 16 : i32
      %mul3A_152 = arith.muli %squeeze3A, %mul3A_151 : i32
      %add3A_153 = arith.addi %mul3A_152, %get3A_147 : i32
      %broadcast_in_dim3A_154 = vector.broadcast %add3A_153 : i32 to vector<16xi32>
      %eq3A = arith.constant 0 : i32
      %eq3A_155 = vector.broadcast %eq3A : i32 to vector<16xi32>
      %eq3A_156 = arith.cmpi eq, %iota3A, %eq3A_155 : vector<16xi32>
      %select_n3A_157 = arith.select %eq3A_156, %broadcast_in_dim3A_154, %broadcast_in_dim3A_145 : vector<16xi1>, vector<16xi32>
      %slice3A_158 = vector.extract_strided_slice %select_n3A_143 {offsets = [1], sizes = [1], strides = [1]} : vector<16xi32> to vector<1xi32>
      %squeeze3A_159 = vector.extract %slice3A_158[0] : i32 from vector<1xi32>
      %get3A_160 = arith.index_cast %squeeze3A_159 : i32 to index
      %get3A_161 = memref.load %arg20[%get3A_160] : memref<256xi32, #tpu.memory_space<smem>>
      %add3A_162 = arith.constant 1 : i32
      %add3A_163 = arith.addi %get3A_161, %add3A_162 : i32
      %swap3A_164 = arith.index_cast %squeeze3A_159 : i32 to index
      %swap3A_165 = memref.load %arg20[%swap3A_164] : memref<256xi32, #tpu.memory_space<smem>>
      memref.store %add3A_163, %arg20[%swap3A_164] : memref<256xi32, #tpu.memory_space<smem>>
      %mul3A_166 = arith.constant 16 : i32
      %mul3A_167 = arith.muli %squeeze3A_159, %mul3A_166 : i32
      %add3A_168 = arith.addi %mul3A_167, %get3A_161 : i32
      %broadcast_in_dim3A_169 = vector.broadcast %add3A_168 : i32 to vector<16xi32>
      %eq3A_170 = arith.constant 1 : i32
      %eq3A_171 = vector.broadcast %eq3A_170 : i32 to vector<16xi32>
      %eq3A_172 = arith.cmpi eq, %iota3A, %eq3A_171 : vector<16xi32>
      %select_n3A_173 = arith.select %eq3A_172, %broadcast_in_dim3A_169, %select_n3A_157 : vector<16xi1>, vector<16xi32>
      %slice3A_174 = vector.extract_strided_slice %select_n3A_143 {offsets = [2], sizes = [1], strides = [1]} : vector<16xi32> to vector<1xi32>
      %squeeze3A_175 = vector.extract %slice3A_174[0] : i32 from vector<1xi32>
      %get3A_176 = arith.index_cast %squeeze3A_175 : i32 to index
      %get3A_177 = memref.load %arg20[%get3A_176] : memref<256xi32, #tpu.memory_space<smem>>
      %add3A_178 = arith.constant 1 : i32
      %add3A_179 = arith.addi %get3A_177, %add3A_178 : i32
      %swap3A_180 = arith.index_cast %squeeze3A_175 : i32 to index
      %swap3A_181 = memref.load %arg20[%swap3A_180] : memref<256xi32, #tpu.memory_space<smem>>
      memref.store %add3A_179, %arg20[%swap3A_180] : memref<256xi32, #tpu.memory_space<smem>>
      %mul3A_182 = arith.constant 16 : i32
      %mul3A_183 = arith.muli %squeeze3A_175, %mul3A_182 : i32
      %add3A_184 = arith.addi %mul3A_183, %get3A_177 : i32
      %broadcast_in_dim3A_185 = vector.broadcast %add3A_184 : i32 to vector<16xi32>
      %eq3A_186 = arith.constant 2 : i32
      %eq3A_187 = vector.broadcast %eq3A_186 : i32 to vector<16xi32>
      %eq3A_188 = arith.cmpi eq, %iota3A, %eq3A_187 : vector<16xi32>
      %select_n3A_189 = arith.select %eq3A_188, %broadcast_in_dim3A_185, %select_n3A_173 : vector<16xi1>, vector<16xi32>
      %slice3A_190 = vector.extract_strided_slice %select_n3A_143 {offsets = [3], sizes = [1], strides = [1]} : vector<16xi32> to vector<1xi32>
      %squeeze3A_191 = vector.extract %slice3A_190[0] : i32 from vector<1xi32>
      %get3A_192 = arith.index_cast %squeeze3A_191 : i32 to index
      %get3A_193 = memref.load %arg20[%get3A_192] : memref<256xi32, #tpu.memory_space<smem>>
      %add3A_194 = arith.constant 1 : i32
      %add3A_195 = arith.addi %get3A_193, %add3A_194 : i32
      %swap3A_196 = arith.index_cast %squeeze3A_191 : i32 to index
      %swap3A_197 = memref.load %arg20[%swap3A_196] : memref<256xi32, #tpu.memory_space<smem>>
      memref.store %add3A_195, %arg20[%swap3A_196] : memref<256xi32, #tpu.memory_space<smem>>
      %mul3A_198 = arith.constant 16 : i32
      %mul3A_199 = arith.muli %squeeze3A_191, %mul3A_198 : i32
      %add3A_200 = arith.addi %mul3A_199, %get3A_193 : i32
      %broadcast_in_dim3A_201 = vector.broadcast %add3A_200 : i32 to vector<16xi32>
      %eq3A_202 = arith.constant 3 : i32
      %eq3A_203 = vector.broadcast %eq3A_202 : i32 to vector<16xi32>
      %eq3A_204 = arith.cmpi eq, %iota3A, %eq3A_203 : vector<16xi32>
      %select_n3A_205 = arith.select %eq3A_204, %broadcast_in_dim3A_201, %select_n3A_189 : vector<16xi1>, vector<16xi32>
      %slice3A_206 = vector.extract_strided_slice %select_n3A_143 {offsets = [4], sizes = [1], strides = [1]} : vector<16xi32> to vector<1xi32>
      %squeeze3A_207 = vector.extract %slice3A_206[0] : i32 from vector<1xi32>
      %get3A_208 = arith.index_cast %squeeze3A_207 : i32 to index
      %get3A_209 = memref.load %arg20[%get3A_208] : memref<256xi32, #tpu.memory_space<smem>>
      %add3A_210 = arith.constant 1 : i32
      %add3A_211 = arith.addi %get3A_209, %add3A_210 : i32
      %swap3A_212 = arith.index_cast %squeeze3A_207 : i32 to index
      %swap3A_213 = memref.load %arg20[%swap3A_212] : memref<256xi32, #tpu.memory_space<smem>>
      memref.store %add3A_211, %arg20[%swap3A_212] : memref<256xi32, #tpu.memory_space<smem>>
      %mul3A_214 = arith.constant 16 : i32
      %mul3A_215 = arith.muli %squeeze3A_207, %mul3A_214 : i32
      %add3A_216 = arith.addi %mul3A_215, %get3A_209 : i32
      %broadcast_in_dim3A_217 = vector.broadcast %add3A_216 : i32 to vector<16xi32>
      %eq3A_218 = arith.constant 4 : i32
      %eq3A_219 = vector.broadcast %eq3A_218 : i32 to vector<16xi32>
      %eq3A_220 = arith.cmpi eq, %iota3A, %eq3A_219 : vector<16xi32>
      %select_n3A_221 = arith.select %eq3A_220, %broadcast_in_dim3A_217, %select_n3A_205 : vector<16xi1>, vector<16xi32>
      %slice3A_222 = vector.extract_strided_slice %select_n3A_143 {offsets = [5], sizes = [1], strides = [1]} : vector<16xi32> to vector<1xi32>
      %squeeze3A_223 = vector.extract %slice3A_222[0] : i32 from vector<1xi32>
      %get3A_224 = arith.index_cast %squeeze3A_223 : i32 to index
      %get3A_225 = memref.load %arg20[%get3A_224] : memref<256xi32, #tpu.memory_space<smem>>
      %add3A_226 = arith.constant 1 : i32
      %add3A_227 = arith.addi %get3A_225, %add3A_226 : i32
      %swap3A_228 = arith.index_cast %squeeze3A_223 : i32 to index
      %swap3A_229 = memref.load %arg20[%swap3A_228] : memref<256xi32, #tpu.memory_space<smem>>
      memref.store %add3A_227, %arg20[%swap3A_228] : memref<256xi32, #tpu.memory_space<smem>>
      %mul3A_230 = arith.constant 16 : i32
      %mul3A_231 = arith.muli %squeeze3A_223, %mul3A_230 : i32
      %add3A_232 = arith.addi %mul3A_231, %get3A_225 : i32
      %broadcast_in_dim3A_233 = vector.broadcast %add3A_232 : i32 to vector<16xi32>
      %eq3A_234 = arith.constant 5 : i32
      %eq3A_235 = vector.broadcast %eq3A_234 : i32 to vector<16xi32>
      %eq3A_236 = arith.cmpi eq, %iota3A, %eq3A_235 : vector<16xi32>
      %select_n3A_237 = arith.select %eq3A_236, %broadcast_in_dim3A_233, %select_n3A_221 : vector<16xi1>, vector<16xi32>
      %slice3A_238 = vector.extract_strided_slice %select_n3A_143 {offsets = [6], sizes = [1], strides = [1]} : vector<16xi32> to vector<1xi32>
      %squeeze3A_239 = vector.extract %slice3A_238[0] : i32 from vector<1xi32>
      %get3A_240 = arith.index_cast %squeeze3A_239 : i32 to index
      %get3A_241 = memref.load %arg20[%get3A_240] : memref<256xi32, #tpu.memory_space<smem>>
      %add3A_242 = arith.constant 1 : i32
      %add3A_243 = arith.addi %get3A_241, %add3A_242 : i32
      %swap3A_244 = arith.index_cast %squeeze3A_239 : i32 to index
      %swap3A_245 = memref.load %arg20[%swap3A_244] : memref<256xi32, #tpu.memory_space<smem>>
      memref.store %add3A_243, %arg20[%swap3A_244] : memref<256xi32, #tpu.memory_space<smem>>
      %mul3A_246 = arith.constant 16 : i32
      %mul3A_247 = arith.muli %squeeze3A_239, %mul3A_246 : i32
      %add3A_248 = arith.addi %mul3A_247, %get3A_241 : i32
      %broadcast_in_dim3A_249 = vector.broadcast %add3A_248 : i32 to vector<16xi32>
      %eq3A_250 = arith.constant 6 : i32
      %eq3A_251 = vector.broadcast %eq3A_250 : i32 to vector<16xi32>
      %eq3A_252 = arith.cmpi eq, %iota3A, %eq3A_251 : vector<16xi32>
      %select_n3A_253 = arith.select %eq3A_252, %broadcast_in_dim3A_249, %select_n3A_237 : vector<16xi1>, vector<16xi32>
      %slice3A_254 = vector.extract_strided_slice %select_n3A_143 {offsets = [7], sizes = [1], strides = [1]} : vector<16xi32> to vector<1xi32>
      %squeeze3A_255 = vector.extract %slice3A_254[0] : i32 from vector<1xi32>
      %get3A_256 = arith.index_cast %squeeze3A_255 : i32 to index
      %get3A_257 = memref.load %arg20[%get3A_256] : memref<256xi32, #tpu.memory_space<smem>>
      %add3A_258 = arith.constant 1 : i32
      %add3A_259 = arith.addi %get3A_257, %add3A_258 : i32
      %swap3A_260 = arith.index_cast %squeeze3A_255 : i32 to index
      %swap3A_261 = memref.load %arg20[%swap3A_260] : memref<256xi32, #tpu.memory_space<smem>>
      memref.store %add3A_259, %arg20[%swap3A_260] : memref<256xi32, #tpu.memory_space<smem>>
      %mul3A_262 = arith.constant 16 : i32
      %mul3A_263 = arith.muli %squeeze3A_255, %mul3A_262 : i32
      %add3A_264 = arith.addi %mul3A_263, %get3A_257 : i32
      %broadcast_in_dim3A_265 = vector.broadcast %add3A_264 : i32 to vector<16xi32>
      %eq3A_266 = arith.constant 7 : i32
      %eq3A_267 = vector.broadcast %eq3A_266 : i32 to vector<16xi32>
      %eq3A_268 = arith.cmpi eq, %iota3A, %eq3A_267 : vector<16xi32>
      %select_n3A_269 = arith.select %eq3A_268, %broadcast_in_dim3A_265, %select_n3A_253 : vector<16xi1>, vector<16xi32>
      %slice3A_270 = vector.extract_strided_slice %select_n3A_143 {offsets = [8], sizes = [1], strides = [1]} : vector<16xi32> to vector<1xi32>
      %squeeze3A_271 = vector.extract %slice3A_270[0] : i32 from vector<1xi32>
      %get3A_272 = arith.index_cast %squeeze3A_271 : i32 to index
      %get3A_273 = memref.load %arg20[%get3A_272] : memref<256xi32, #tpu.memory_space<smem>>
      %add3A_274 = arith.constant 1 : i32
      %add3A_275 = arith.addi %get3A_273, %add3A_274 : i32
      %swap3A_276 = arith.index_cast %squeeze3A_271 : i32 to index
      %swap3A_277 = memref.load %arg20[%swap3A_276] : memref<256xi32, #tpu.memory_space<smem>>
      memref.store %add3A_275, %arg20[%swap3A_276] : memref<256xi32, #tpu.memory_space<smem>>
      %mul3A_278 = arith.constant 16 : i32
      %mul3A_279 = arith.muli %squeeze3A_271, %mul3A_278 : i32
      %add3A_280 = arith.addi %mul3A_279, %get3A_273 : i32
      %broadcast_in_dim3A_281 = vector.broadcast %add3A_280 : i32 to vector<16xi32>
      %eq3A_282 = arith.constant 8 : i32
      %eq3A_283 = vector.broadcast %eq3A_282 : i32 to vector<16xi32>
      %eq3A_284 = arith.cmpi eq, %iota3A, %eq3A_283 : vector<16xi32>
      %select_n3A_285 = arith.select %eq3A_284, %broadcast_in_dim3A_281, %select_n3A_269 : vector<16xi1>, vector<16xi32>
      %slice3A_286 = vector.extract_strided_slice %select_n3A_143 {offsets = [9], sizes = [1], strides = [1]} : vector<16xi32> to vector<1xi32>
      %squeeze3A_287 = vector.extract %slice3A_286[0] : i32 from vector<1xi32>
      %get3A_288 = arith.index_cast %squeeze3A_287 : i32 to index
      %get3A_289 = memref.load %arg20[%get3A_288] : memref<256xi32, #tpu.memory_space<smem>>
      %add3A_290 = arith.constant 1 : i32
      %add3A_291 = arith.addi %get3A_289, %add3A_290 : i32
      %swap3A_292 = arith.index_cast %squeeze3A_287 : i32 to index
      %swap3A_293 = memref.load %arg20[%swap3A_292] : memref<256xi32, #tpu.memory_space<smem>>
      memref.store %add3A_291, %arg20[%swap3A_292] : memref<256xi32, #tpu.memory_space<smem>>
      %mul3A_294 = arith.constant 16 : i32
      %mul3A_295 = arith.muli %squeeze3A_287, %mul3A_294 : i32
      %add3A_296 = arith.addi %mul3A_295, %get3A_289 : i32
      %broadcast_in_dim3A_297 = vector.broadcast %add3A_296 : i32 to vector<16xi32>
      %eq3A_298 = arith.constant 9 : i32
      %eq3A_299 = vector.broadcast %eq3A_298 : i32 to vector<16xi32>
      %eq3A_300 = arith.cmpi eq, %iota3A, %eq3A_299 : vector<16xi32>
      %select_n3A_301 = arith.select %eq3A_300, %broadcast_in_dim3A_297, %select_n3A_285 : vector<16xi1>, vector<16xi32>
      %slice3A_302 = vector.extract_strided_slice %select_n3A_143 {offsets = [10], sizes = [1], strides = [1]} : vector<16xi32> to vector<1xi32>
      %squeeze3A_303 = vector.extract %slice3A_302[0] : i32 from vector<1xi32>
      %get3A_304 = arith.index_cast %squeeze3A_303 : i32 to index
      %get3A_305 = memref.load %arg20[%get3A_304] : memref<256xi32, #tpu.memory_space<smem>>
      %add3A_306 = arith.constant 1 : i32
      %add3A_307 = arith.addi %get3A_305, %add3A_306 : i32
      %swap3A_308 = arith.index_cast %squeeze3A_303 : i32 to index
      %swap3A_309 = memref.load %arg20[%swap3A_308] : memref<256xi32, #tpu.memory_space<smem>>
      memref.store %add3A_307, %arg20[%swap3A_308] : memref<256xi32, #tpu.memory_space<smem>>
      %mul3A_310 = arith.constant 16 : i32
      %mul3A_311 = arith.muli %squeeze3A_303, %mul3A_310 : i32
      %add3A_312 = arith.addi %mul3A_311, %get3A_305 : i32
      %broadcast_in_dim3A_313 = vector.broadcast %add3A_312 : i32 to vector<16xi32>
      %eq3A_314 = arith.constant 10 : i32
      %eq3A_315 = vector.broadcast %eq3A_314 : i32 to vector<16xi32>
      %eq3A_316 = arith.cmpi eq, %iota3A, %eq3A_315 : vector<16xi32>
      %select_n3A_317 = arith.select %eq3A_316, %broadcast_in_dim3A_313, %select_n3A_301 : vector<16xi1>, vector<16xi32>
      %slice3A_318 = vector.extract_strided_slice %select_n3A_143 {offsets = [11], sizes = [1], strides = [1]} : vector<16xi32> to vector<1xi32>
      %squeeze3A_319 = vector.extract %slice3A_318[0] : i32 from vector<1xi32>
      %get3A_320 = arith.index_cast %squeeze3A_319 : i32 to index
      %get3A_321 = memref.load %arg20[%get3A_320] : memref<256xi32, #tpu.memory_space<smem>>
      %add3A_322 = arith.constant 1 : i32
      %add3A_323 = arith.addi %get3A_321, %add3A_322 : i32
      %swap3A_324 = arith.index_cast %squeeze3A_319 : i32 to index
      %swap3A_325 = memref.load %arg20[%swap3A_324] : memref<256xi32, #tpu.memory_space<smem>>
      memref.store %add3A_323, %arg20[%swap3A_324] : memref<256xi32, #tpu.memory_space<smem>>
      %mul3A_326 = arith.constant 16 : i32
      %mul3A_327 = arith.muli %squeeze3A_319, %mul3A_326 : i32
      %add3A_328 = arith.addi %mul3A_327, %get3A_321 : i32
      %broadcast_in_dim3A_329 = vector.broadcast %add3A_328 : i32 to vector<16xi32>
      %eq3A_330 = arith.constant 11 : i32
      %eq3A_331 = vector.broadcast %eq3A_330 : i32 to vector<16xi32>
      %eq3A_332 = arith.cmpi eq, %iota3A, %eq3A_331 : vector<16xi32>
      %select_n3A_333 = arith.select %eq3A_332, %broadcast_in_dim3A_329, %select_n3A_317 : vector<16xi1>, vector<16xi32>
      %slice3A_334 = vector.extract_strided_slice %select_n3A_143 {offsets = [12], sizes = [1], strides = [1]} : vector<16xi32> to vector<1xi32>
      %squeeze3A_335 = vector.extract %slice3A_334[0] : i32 from vector<1xi32>
      %get3A_336 = arith.index_cast %squeeze3A_335 : i32 to index
      %get3A_337 = memref.load %arg20[%get3A_336] : memref<256xi32, #tpu.memory_space<smem>>
      %add3A_338 = arith.constant 1 : i32
      %add3A_339 = arith.addi %get3A_337, %add3A_338 : i32
      %swap3A_340 = arith.index_cast %squeeze3A_335 : i32 to index
      %swap3A_341 = memref.load %arg20[%swap3A_340] : memref<256xi32, #tpu.memory_space<smem>>
      memref.store %add3A_339, %arg20[%swap3A_340] : memref<256xi32, #tpu.memory_space<smem>>
      %mul3A_342 = arith.constant 16 : i32
      %mul3A_343 = arith.muli %squeeze3A_335, %mul3A_342 : i32
      %add3A_344 = arith.addi %mul3A_343, %get3A_337 : i32
      %broadcast_in_dim3A_345 = vector.broadcast %add3A_344 : i32 to vector<16xi32>
      %eq3A_346 = arith.constant 12 : i32
      %eq3A_347 = vector.broadcast %eq3A_346 : i32 to vector<16xi32>
      %eq3A_348 = arith.cmpi eq, %iota3A, %eq3A_347 : vector<16xi32>
      %select_n3A_349 = arith.select %eq3A_348, %broadcast_in_dim3A_345, %select_n3A_333 : vector<16xi1>, vector<16xi32>
      %slice3A_350 = vector.extract_strided_slice %select_n3A_143 {offsets = [13], sizes = [1], strides = [1]} : vector<16xi32> to vector<1xi32>
      %squeeze3A_351 = vector.extract %slice3A_350[0] : i32 from vector<1xi32>
      %get3A_352 = arith.index_cast %squeeze3A_351 : i32 to index
      %get3A_353 = memref.load %arg20[%get3A_352] : memref<256xi32, #tpu.memory_space<smem>>
      %add3A_354 = arith.constant 1 : i32
      %add3A_355 = arith.addi %get3A_353, %add3A_354 : i32
      %swap3A_356 = arith.index_cast %squeeze3A_351 : i32 to index
      %swap3A_357 = memref.load %arg20[%swap3A_356] : memref<256xi32, #tpu.memory_space<smem>>
      memref.store %add3A_355, %arg20[%swap3A_356] : memref<256xi32, #tpu.memory_space<smem>>
      %mul3A_358 = arith.constant 16 : i32
      %mul3A_359 = arith.muli %squeeze3A_351, %mul3A_358 : i32
      %add3A_360 = arith.addi %mul3A_359, %get3A_353 : i32
      %broadcast_in_dim3A_361 = vector.broadcast %add3A_360 : i32 to vector<16xi32>
      %eq3A_362 = arith.constant 13 : i32
      %eq3A_363 = vector.broadcast %eq3A_362 : i32 to vector<16xi32>
      %eq3A_364 = arith.cmpi eq, %iota3A, %eq3A_363 : vector<16xi32>
      %select_n3A_365 = arith.select %eq3A_364, %broadcast_in_dim3A_361, %select_n3A_349 : vector<16xi1>, vector<16xi32>
      %slice3A_366 = vector.extract_strided_slice %select_n3A_143 {offsets = [14], sizes = [1], strides = [1]} : vector<16xi32> to vector<1xi32>
      %squeeze3A_367 = vector.extract %slice3A_366[0] : i32 from vector<1xi32>
      %get3A_368 = arith.index_cast %squeeze3A_367 : i32 to index
      %get3A_369 = memref.load %arg20[%get3A_368] : memref<256xi32, #tpu.memory_space<smem>>
      %add3A_370 = arith.constant 1 : i32
      %add3A_371 = arith.addi %get3A_369, %add3A_370 : i32
      %swap3A_372 = arith.index_cast %squeeze3A_367 : i32 to index
      %swap3A_373 = memref.load %arg20[%swap3A_372] : memref<256xi32, #tpu.memory_space<smem>>
      memref.store %add3A_371, %arg20[%swap3A_372] : memref<256xi32, #tpu.memory_space<smem>>
      %mul3A_374 = arith.constant 16 : i32
      %mul3A_375 = arith.muli %squeeze3A_367, %mul3A_374 : i32
      %add3A_376 = arith.addi %mul3A_375, %get3A_369 : i32
      %broadcast_in_dim3A_377 = vector.broadcast %add3A_376 : i32 to vector<16xi32>
      %eq3A_378 = arith.constant 14 : i32
      %eq3A_379 = vector.broadcast %eq3A_378 : i32 to vector<16xi32>
      %eq3A_380 = arith.cmpi eq, %iota3A, %eq3A_379 : vector<16xi32>
      %select_n3A_381 = arith.select %eq3A_380, %broadcast_in_dim3A_377, %select_n3A_365 : vector<16xi1>, vector<16xi32>
      %slice3A_382 = vector.extract_strided_slice %select_n3A_143 {offsets = [15], sizes = [1], strides = [1]} : vector<16xi32> to vector<1xi32>
      %squeeze3A_383 = vector.extract %slice3A_382[0] : i32 from vector<1xi32>
      %get3A_384 = arith.index_cast %squeeze3A_383 : i32 to index
      %get3A_385 = memref.load %arg20[%get3A_384] : memref<256xi32, #tpu.memory_space<smem>>
      %add3A_386 = arith.constant 1 : i32
      %add3A_387 = arith.addi %get3A_385, %add3A_386 : i32
      %swap3A_388 = arith.index_cast %squeeze3A_383 : i32 to index
      %swap3A_389 = memref.load %arg20[%swap3A_388] : memref<256xi32, #tpu.memory_space<smem>>
      memref.store %add3A_387, %arg20[%swap3A_388] : memref<256xi32, #tpu.memory_space<smem>>
      %mul3A_390 = arith.constant 16 : i32
      %mul3A_391 = arith.muli %squeeze3A_383, %mul3A_390 : i32
      %add3A_392 = arith.addi %mul3A_391, %get3A_385 : i32
      %broadcast_in_dim3A_393 = vector.broadcast %add3A_392 : i32 to vector<16xi32>
      %eq3A_394 = arith.constant 15 : i32
      %eq3A_395 = vector.broadcast %eq3A_394 : i32 to vector<16xi32>
      %eq3A_396 = arith.cmpi eq, %iota3A, %eq3A_395 : vector<16xi32>
      %select_n3A_397 = arith.select %eq3A_396, %broadcast_in_dim3A_393, %select_n3A_381 : vector<16xi1>, vector<16xi32>
      tpu.vector_store_idx %arg14[%select_n3A_397], %get3A_130 masked %lt3A_139 : memref<4096xi32, #tpu.memory_space<vmem>>[vector<16xi32>], vector<16xi32>, vector<16xi1>
      tpu.vector_store_idx %arg15[%select_n3A_397], %get3A_134 masked %lt3A_139 : memref<4096xi32, #tpu.memory_space<vmem>>[vector<16xi32>], vector<16xi32>, vector<16xi1>
      %while3A_398 = arith.constant 0 : i32
      scf.yield %while3A_398 : i32
    }
    %scan3A_45 = arith.constant 0 : i32
    %scan3A_46 = arith.constant 0 : i32
    %scan3A_47 = arith.constant 245 : i32
    %scan3A_48 = arith.addi %scan3A_46, %scan3A_47 : i32
    %scan3A_49 = arith.constant 1 : i32
    %scan3A_50 = scf.for %scan3A_126 = %scan3A_46 to %scan3A_48 step %scan3A_49 iter_args(%scan3A_127 = %scan3A_45) -> (i32)  : i32 {
      %get3A = arith.index_cast %scan3A_126 : i32 to index
      %get3A_128 = memref.load %arg20[%get3A] : memref<256xi32, #tpu.memory_space<smem>>
      %gt3A = arith.constant 0 : i32
      %gt3A_129 = arith.cmpi sgt, %get3A_128, %gt3A : i32
      %convert_element_type3A = arith.extui %gt3A_129 : i1 to i32
      %cond3A = arith.constant 0 : i32
      %cond3A_130 = arith.cmpi ne, %convert_element_type3A, %cond3A : i32
      %cond3A_131 = scf.if %cond3A_130 -> (i32) {
        %swap3A = arith.index_cast %scan3A_127 : i32 to index
        %swap3A_132 = memref.load %arg18[%swap3A] : memref<256xi32, #tpu.memory_space<smem>>
        memref.store %scan3A_126, %arg18[%swap3A] : memref<256xi32, #tpu.memory_space<smem>>
        %add3A_133 = arith.constant 1 : i32
        %add3A_134 = arith.addi %scan3A_127, %add3A_133 : i32
        scf.yield %add3A_134 : i32
      } else {
        scf.yield %scan3A_127 : i32
      }
      scf.yield %cond3A_131 : i32
    }
    %scan3A_51 = arith.constant 245 : i32
    %scan3A_52 = arith.constant 0 : i32
    %scan3A_53 = arith.constant 0 : i32
    %scan3A_54 = arith.constant 14 : i32
    %scan3A_55 = arith.addi %scan3A_53, %scan3A_54 : i32
    %scan3A_56 = arith.constant 1 : i32
    %scan3A_57 = scf.for %scan3A_126 = %scan3A_53 to %scan3A_55 step %scan3A_56 iter_args(%scan3A_127 = %scan3A_52) -> (i32)  : i32 {
      %lt3A = arith.cmpi slt, %scan3A_126, %scan3A_50 : i32
      %convert_element_type3A = arith.extui %lt3A : i1 to i32
      %cond3A = arith.constant 0 : i32
      %cond3A_128 = arith.cmpi ne, %convert_element_type3A, %cond3A : i32
      scf.if %cond3A_128 {
        %get3A = arith.index_cast %scan3A_126 : i32 to index
        %get3A_130 = memref.load %arg18[%get3A] : memref<256xi32, #tpu.memory_space<smem>>
        %mul3A_131 = arith.constant 32 : i32
        %mul3A_132 = arith.muli %get3A_130, %mul3A_131 : i32
        %add3A_133 = arith.addi %mul3A_132, %add3A : i32
        %mul3A_134 = arith.constant 128 : i32
        %mul3A_135 = arith.muli %add3A_133, %mul3A_134 : i32
        %multiple_of3A = tpu.assume_multiple %mul3A_135, 128 : i32
        %rem3A_136 = arith.constant 14 : i32
        %rem3A_137 = arith.remsi %scan3A_126, %rem3A_136 : i32
        %dma_start3A = arith.constant 0 : i32
        %dma_start3A_138 = arith.constant 0 : i32
        %dma_start3A_139 = tpu.memref_slice %arg22[%rem3A_137, %dma_start3A, %dma_start3A_138] : memref<14x32x128xf32, #tpu.memory_space<vmem>> -> memref<1x32x128xf32, #tpu.memory_space<vmem>>
        %dma_start3A_140 = tpu.memref_squeeze %dma_start3A_139 : memref<1x32x128xf32, #tpu.memory_space<vmem>> -> memref<32x128xf32, #tpu.memory_space<vmem>>
        %dma_start3A_141 = arith.constant 0 : i32
        %dma_start3A_142 = tpu.memref_slice %arg4[%dma_start3A_141, %multiple_of3A] : memref<32x1000000xf32, #tpu.memory_space<hbm>> -> memref<32x128xf32, #tpu.memory_space<hbm>>
        %dma_start3A_143 = arith.constant 0 : i32
        %dma_start3A_144 = arith.constant 0 : i32
        %dma_start3A_145 = tpu.memref_slice %arg22[%rem3A_137, %dma_start3A_143, %dma_start3A_144] : memref<14x32x128xf32, #tpu.memory_space<vmem>> -> memref<1x32x128xf32, #tpu.memory_space<vmem>>
        %dma_start3A_146 = tpu.memref_squeeze %dma_start3A_145 : memref<1x32x128xf32, #tpu.memory_space<vmem>> -> memref<32x128xf32, #tpu.memory_space<vmem>>
        %dma_start3A_147 = arith.constant 0 : i32
        %dma_start3A_148 = tpu.memref_slice %arg4[%dma_start3A_147, %multiple_of3A] : memref<32x1000000xf32, #tpu.memory_space<hbm>> -> memref<32x128xf32, #tpu.memory_space<hbm>>
        tpu.enqueue_dma source(%dma_start3A_148 : memref<32x128xf32, #tpu.memory_space<hbm>>) target(%dma_start3A_146 : memref<32x128xf32, #tpu.memory_space<vmem>>) target_semaphore(%arg24 : memref<!tpu.dma_semaphore, #tpu.memory_space<semaphore_mem>>)
      } else {
      }
      %scan3A_129 = arith.constant 0 : i32
      scf.yield %scan3A_129 : i32
    }
    %scan3A_58 = arith.constant 14 : i32
    %max3A = arith.constant 192 : i32
    %max3A_59 = arith.maxsi %scan3A_50, %max3A : i32
    %while3A_60 = arith.constant 0 : i32
    %while3A_61 = arith.constant 0 : i32
    %while3A_62 = arith.constant 0 : i32
    %while3A_63 = arith.subi %max3A_59, %while3A_60 : i32
    %while3A_64 = arith.addi %while3A_60, %while3A_63 : i32
    %while3A_65 = arith.constant 1 : i32
    %while3A_66 = arith.divsi %while3A_63, %while3A_65 : i32
    %while3A_67 = arith.muli %while3A_66, %while3A_65 : i32
    %while3A_68 = arith.addi %while3A_60, %while3A_67 : i32
    %while3A_69 = arith.constant 1 : i32
    %while3A_70:2 = scf.for %while3A_126 = %while3A_60 to %while3A_68 step %while3A_69 iter_args(%while3A_127 = %while3A_61, %while3A_128 = %while3A_62) -> (i32, i32)  : i32 {
      %lt3A = arith.cmpi slt, %while3A_126, %scan3A_50 : i32
      %convert_element_type3A = arith.extui %lt3A : i1 to i32
      %cond3A = arith.constant 0 : i32
      %cond3A_129 = arith.cmpi ne, %convert_element_type3A, %cond3A : i32
      %cond3A_130 = scf.if %cond3A_129 -> (i32) {
        %rem3A_173 = arith.constant 14 : i32
        %rem3A_174 = arith.remsi %while3A_126, %rem3A_173 : i32
        %dma_wait3A = arith.constant 0 : i32
        %dma_wait3A_175 = arith.constant 0 : i32
        %dma_wait3A_176 = tpu.memref_slice %arg22[%rem3A_174, %dma_wait3A, %dma_wait3A_175] : memref<14x32x128xf32, #tpu.memory_space<vmem>> -> memref<1x32x128xf32, #tpu.memory_space<vmem>>
        %dma_wait3A_177 = tpu.memref_squeeze %dma_wait3A_176 : memref<1x32x128xf32, #tpu.memory_space<vmem>> -> memref<32x128xf32, #tpu.memory_space<vmem>>
        %dma_wait3A_178 = arith.constant 0 : i32
        %dma_wait3A_179 = arith.constant 0 : i32
        %dma_wait3A_180 = tpu.memref_slice %arg4[%dma_wait3A_178, %dma_wait3A_179] : memref<32x1000000xf32, #tpu.memory_space<hbm>> -> memref<32x128xf32, #tpu.memory_space<hbm>>
        %dma_wait3A_181 = arith.constant 0 : i32
        %dma_wait3A_182 = arith.constant 0 : i32
        %dma_wait3A_183 = tpu.memref_slice %arg22[%rem3A_174, %dma_wait3A_181, %dma_wait3A_182] : memref<14x32x128xf32, #tpu.memory_space<vmem>> -> memref<1x32x128xf32, #tpu.memory_space<vmem>>
        %dma_wait3A_184 = tpu.memref_squeeze %dma_wait3A_183 : memref<1x32x128xf32, #tpu.memory_space<vmem>> -> memref<32x128xf32, #tpu.memory_space<vmem>>
        %dma_wait3A_185 = arith.constant 0 : i32
        %dma_wait3A_186 = arith.constant 0 : i32
        %dma_wait3A_187 = tpu.memref_slice %arg4[%dma_wait3A_185, %dma_wait3A_186] : memref<32x1000000xf32, #tpu.memory_space<hbm>> -> memref<32x128xf32, #tpu.memory_space<hbm>>
        tpu.wait_dma2 semaphore(%arg24 : memref<!tpu.dma_semaphore, #tpu.memory_space<semaphore_mem>>) src(%dma_wait3A_187 : memref<32x128xf32, #tpu.memory_space<hbm>>) dst(%dma_wait3A_184 : memref<32x128xf32, #tpu.memory_space<vmem>>)
        %get3A = arith.index_cast %while3A_126 : i32 to index
        %get3A_188 = memref.load %arg18[%get3A] : memref<256xi32, #tpu.memory_space<smem>>
        %get3A_189 = arith.index_cast %get3A_188 : i32 to index
        %get3A_190 = memref.load %arg20[%get3A_189] : memref<256xi32, #tpu.memory_space<smem>>
        %mul3A_191 = arith.constant 16 : i32
        %mul3A_192 = arith.muli %get3A_188, %mul3A_191 : i32
        %add3A_193 = arith.constant 14 : i32
        %add3A_194 = arith.addi %while3A_126, %add3A_193 : i32
        %lt3A_195 = arith.cmpi slt, %add3A_194, %scan3A_50 : i32
        %convert_element_type3A_196 = arith.extui %lt3A_195 : i1 to i32
        %cond3A_197 = arith.constant 0 : i32
        %cond3A_198 = arith.cmpi ne, %convert_element_type3A_196, %cond3A_197 : i32
        scf.if %cond3A_198 {
          %add3A_212 = arith.constant 14 : i32
          %add3A_213 = arith.addi %while3A_126, %add3A_212 : i32
          %get3A_214 = arith.index_cast %add3A_213 : i32 to index
          %get3A_215 = memref.load %arg18[%get3A_214] : memref<256xi32, #tpu.memory_space<smem>>
          %mul3A_216 = arith.constant 32 : i32
          %mul3A_217 = arith.muli %get3A_215, %mul3A_216 : i32
          %add3A_218 = arith.addi %mul3A_217, %add3A : i32
          %mul3A_219 = arith.constant 128 : i32
          %mul3A_220 = arith.muli %add3A_218, %mul3A_219 : i32
          %multiple_of3A = tpu.assume_multiple %mul3A_220, 128 : i32
          %rem3A_221 = arith.constant 14 : i32
          %rem3A_222 = arith.remsi %add3A_213, %rem3A_221 : i32
          %dma_start3A = arith.constant 0 : i32
          %dma_start3A_223 = arith.constant 0 : i32
          %dma_start3A_224 = tpu.memref_slice %arg22[%rem3A_222, %dma_start3A, %dma_start3A_223] : memref<14x32x128xf32, #tpu.memory_space<vmem>> -> memref<1x32x128xf32, #tpu.memory_space<vmem>>
          %dma_start3A_225 = tpu.memref_squeeze %dma_start3A_224 : memref<1x32x128xf32, #tpu.memory_space<vmem>> -> memref<32x128xf32, #tpu.memory_space<vmem>>
          %dma_start3A_226 = arith.constant 0 : i32
          %dma_start3A_227 = tpu.memref_slice %arg4[%dma_start3A_226, %multiple_of3A] : memref<32x1000000xf32, #tpu.memory_space<hbm>> -> memref<32x128xf32, #tpu.memory_space<hbm>>
          %dma_start3A_228 = arith.constant 0 : i32
          %dma_start3A_229 = arith.constant 0 : i32
          %dma_start3A_230 = tpu.memref_slice %arg22[%rem3A_222, %dma_start3A_228, %dma_start3A_229] : memref<14x32x128xf32, #tpu.memory_space<vmem>> -> memref<1x32x128xf32, #tpu.memory_space<vmem>>
          %dma_start3A_231 = tpu.memref_squeeze %dma_start3A_230 : memref<1x32x128xf32, #tpu.memory_space<vmem>> -> memref<32x128xf32, #tpu.memory_space<vmem>>
          %dma_start3A_232 = arith.constant 0 : i32
          %dma_start3A_233 = tpu.memref_slice %arg4[%dma_start3A_232, %multiple_of3A] : memref<32x1000000xf32, #tpu.memory_space<hbm>> -> memref<32x128xf32, #tpu.memory_space<hbm>>
          tpu.enqueue_dma source(%dma_start3A_233 : memref<32x128xf32, #tpu.memory_space<hbm>>) target(%dma_start3A_231 : memref<32x128xf32, #tpu.memory_space<vmem>>) target_semaphore(%arg24 : memref<!tpu.dma_semaphore, #tpu.memory_space<semaphore_mem>>)
        } else {
        }
        %while3A_199 = arith.constant 0 : i32
        %while3A_200 = arith.constant 0 : i32
        %while3A_201 = arith.subi %get3A_190, %while3A_199 : i32
        %while3A_202 = arith.addi %while3A_199, %while3A_201 : i32
        %while3A_203 = arith.constant 1 : i32
        %while3A_204 = arith.divsi %while3A_201, %while3A_203 : i32
        %while3A_205 = arith.muli %while3A_204, %while3A_203 : i32
        %while3A_206 = arith.addi %while3A_199, %while3A_205 : i32
        %while3A_207 = arith.constant 1 : i32
        %while3A_208 = scf.for %while3A_212 = %while3A_199 to %while3A_206 step %while3A_207 iter_args(%while3A_213 = %while3A_200) -> (i32)  : i32 {
          %add3A_214 = arith.addi %while3A_127, %while3A_212 : i32
          %ge3A_215 = arith.constant 32 : i32
          %ge3A_216 = arith.cmpi sge, %add3A_214, %ge3A_215 : i32
          %convert_element_type3A_217 = arith.extui %ge3A_216 : i1 to i32
          %cond3A_218 = arith.constant 0 : i32
          %cond3A_219 = arith.cmpi ne, %convert_element_type3A_217, %cond3A_218 : i32
          scf.if %cond3A_219 {
            %dma_wait3A_252 = arith.constant 0 : i32
            %dma_wait3A_253 = arith.constant 0 : i32
            %dma_wait3A_254 = tpu.memref_slice %arg23[%dma_wait3A_252, %dma_wait3A_253] : memref<32x32xf32, #tpu.memory_space<vmem>> -> memref<1x32xf32, #tpu.memory_space<vmem>>
            %dma_wait3A_255 = tpu.memref_squeeze %dma_wait3A_254 : memref<1x32xf32, #tpu.memory_space<vmem>> -> memref<32xf32, #tpu.memory_space<vmem>>
            %dma_wait3A_256 = arith.constant 0 : i32
            %dma_wait3A_257 = tpu.memref_slice %arg6[%dma_wait3A_256] : memref<524288xf32, #tpu.memory_space<hbm>> -> memref<32xf32, #tpu.memory_space<hbm>>
            %dma_wait3A_258 = arith.constant 0 : i32
            %dma_wait3A_259 = tpu.memref_slice %arg6[%dma_wait3A_258] : memref<524288xf32, #tpu.memory_space<hbm>> -> memref<32xf32, #tpu.memory_space<hbm>>
            %dma_wait3A_260 = arith.constant 0 : i32
            %dma_wait3A_261 = tpu.memref_slice %arg23[%dma_wait3A_252, %dma_wait3A_260] : memref<32x32xf32, #tpu.memory_space<vmem>> -> memref<1x32xf32, #tpu.memory_space<vmem>>
            %dma_wait3A_262 = tpu.memref_squeeze %dma_wait3A_261 : memref<1x32xf32, #tpu.memory_space<vmem>> -> memref<32xf32, #tpu.memory_space<vmem>>
            tpu.wait_dma2 semaphore(%arg25 : memref<!tpu.dma_semaphore, #tpu.memory_space<semaphore_mem>>) src(%dma_wait3A_262 : memref<32xf32, #tpu.memory_space<vmem>>) dst(%dma_wait3A_259 : memref<32xf32, #tpu.memory_space<hbm>>)
          } else {
          }
          %broadcast_in_dim3A = vector.broadcast %mul3A_192 : i32 to vector<16xi32>
          %add3A_220 = vector.broadcast %while3A_212 : i32 to vector<16xi32>
          %add3A_221 = arith.addi %broadcast_in_dim3A, %add3A_220 : vector<16xi32>
          %gather3A = tpu.vector_load_idx %arg14[%add3A_221] : memref<4096xi32, #tpu.memory_space<vmem>>[vector<16xi32>], vector<16xi32>,
          %broadcast_in_dim3A_222 = vector.broadcast %mul3A_192 : i32 to vector<16xi32>
          %add3A_223 = vector.broadcast %while3A_212 : i32 to vector<16xi32>
          %add3A_224 = arith.addi %broadcast_in_dim3A_222, %add3A_223 : vector<16xi32>
          %gather3A_225 = tpu.vector_load_idx %arg15[%add3A_224] : memref<4096xi32, #tpu.memory_space<vmem>>[vector<16xi32>], vector<16xi32>,
          %and3A_226 = arith.constant 127 : i32
          %and3A_227 = vector.broadcast %and3A_226 : i32 to vector<16xi32>
          %and3A_228 = arith.andi %gather3A, %and3A_227 : vector<16xi32>
          %broadcast_in_dim3A_229 = vector.broadcast %rem3A_174 : i32 to vector<16xi32>
          %gather3A_230 = tpu.vector_load_idx %arg22[%broadcast_in_dim3A_229, %iota3A, %and3A_228] : memref<14x32x128xf32, #tpu.memory_space<vmem>>[vector<16xi32>, vector<16xi32>, vector<16xi32>], vector<16xf32>,
          %add3A_231 = arith.constant 16 : i32
          %add3A_232 = vector.broadcast %add3A_231 : i32 to vector<16xi32>
          %add3A_233 = arith.addi %iota3A, %add3A_232 : vector<16xi32>
          %gather3A_234 = tpu.vector_load_idx %arg22[%broadcast_in_dim3A_229, %add3A_233, %and3A_228] : memref<14x32x128xf32, #tpu.memory_space<vmem>>[vector<16xi32>, vector<16xi32>, vector<16xi32>], vector<16xf32>,
          %rem3A_235 = arith.constant 32 : i32
          %rem3A_236 = arith.remsi %add3A_214, %rem3A_235 : i32
          %swap3A = arith.index_cast %rem3A_236 : i32 to index
          %swap3A_237 = arith.constant 0 : index
          %swap3A_238 = tpu.vector_load %arg23[%swap3A, %swap3A_237] {strides = array<i32>} : memref<32x32xf32, #tpu.memory_space<vmem>>, vector<16xf32>,
          tpu.vector_store %arg23[%swap3A, %swap3A_237], %gather3A_230 {strides = array<i32>} : memref<32x32xf32, #tpu.memory_space<vmem>>, vector<16xf32>,
          %swap3A_239 = arith.index_cast %rem3A_236 : i32 to index
          %swap3A_240 = arith.constant 16 : index
          %swap3A_241 = tpu.vector_load %arg23[%swap3A_239, %swap3A_240] {strides = array<i32>} : memref<32x32xf32, #tpu.memory_space<vmem>>, vector<16xf32>,
          tpu.vector_store %arg23[%swap3A_239, %swap3A_240], %gather3A_234 {strides = array<i32>} : memref<32x32xf32, #tpu.memory_space<vmem>>, vector<16xf32>,
          %slice3A = vector.extract_strided_slice %gather3A_225 {offsets = [0], sizes = [1], strides = [1]} : vector<16xi32> to vector<1xi32>
          %squeeze3A = vector.extract %slice3A[0] : i32 from vector<1xi32>
          %mul3A_242 = arith.constant 32 : i32
          %mul3A_243 = arith.muli %squeeze3A, %mul3A_242 : i32
          %dma_start3A = arith.constant 0 : i32
          %dma_start3A_244 = tpu.memref_slice %arg23[%rem3A_236, %dma_start3A] : memref<32x32xf32, #tpu.memory_space<vmem>> -> memref<1x32xf32, #tpu.memory_space<vmem>>
          %dma_start3A_245 = tpu.memref_squeeze %dma_start3A_244 : memref<1x32xf32, #tpu.memory_space<vmem>> -> memref<32xf32, #tpu.memory_space<vmem>>
          %dma_start3A_246 = tpu.memref_slice %arg6[%mul3A_243] : memref<524288xf32, #tpu.memory_space<hbm>> -> memref<32xf32, #tpu.memory_space<hbm>>
          %dma_start3A_247 = tpu.memref_slice %arg6[%mul3A_243] : memref<524288xf32, #tpu.memory_space<hbm>> -> memref<32xf32, #tpu.memory_space<hbm>>
          %dma_start3A_248 = arith.constant 0 : i32
          %dma_start3A_249 = tpu.memref_slice %arg23[%rem3A_236, %dma_start3A_248] : memref<32x32xf32, #tpu.memory_space<vmem>> -> memref<1x32xf32, #tpu.memory_space<vmem>>
          %dma_start3A_250 = tpu.memref_squeeze %dma_start3A_249 : memref<1x32xf32, #tpu.memory_space<vmem>> -> memref<32xf32, #tpu.memory_space<vmem>>
          tpu.enqueue_dma source(%dma_start3A_250 : memref<32xf32, #tpu.memory_space<vmem>>) target(%dma_start3A_247 : memref<32xf32, #tpu.memory_space<hbm>>) target_semaphore(%arg25 : memref<!tpu.dma_semaphore, #tpu.memory_space<semaphore_mem>>)
          %while3A_251 = arith.constant 0 : i32
          scf.yield %while3A_251 : i32
        }
        %while3A_209 = arith.constant 1 : i32
        %while3A_210 = scf.for %while3A_212 = %while3A_206 to %while3A_202 step %while3A_209 iter_args(%while3A_213 = %while3A_208) -> (i32)  : i32 {
          %add3A_214 = arith.addi %while3A_127, %while3A_212 : i32
          %ge3A_215 = arith.constant 32 : i32
          %ge3A_216 = arith.cmpi sge, %add3A_214, %ge3A_215 : i32
          %convert_element_type3A_217 = arith.extui %ge3A_216 : i1 to i32
          %cond3A_218 = arith.constant 0 : i32
          %cond3A_219 = arith.cmpi ne, %convert_element_type3A_217, %cond3A_218 : i32
          scf.if %cond3A_219 {
            %dma_wait3A_252 = arith.constant 0 : i32
            %dma_wait3A_253 = arith.constant 0 : i32
            %dma_wait3A_254 = tpu.memref_slice %arg23[%dma_wait3A_252, %dma_wait3A_253] : memref<32x32xf32, #tpu.memory_space<vmem>> -> memref<1x32xf32, #tpu.memory_space<vmem>>
            %dma_wait3A_255 = tpu.memref_squeeze %dma_wait3A_254 : memref<1x32xf32, #tpu.memory_space<vmem>> -> memref<32xf32, #tpu.memory_space<vmem>>
            %dma_wait3A_256 = arith.constant 0 : i32
            %dma_wait3A_257 = tpu.memref_slice %arg6[%dma_wait3A_256] : memref<524288xf32, #tpu.memory_space<hbm>> -> memref<32xf32, #tpu.memory_space<hbm>>
            %dma_wait3A_258 = arith.constant 0 : i32
            %dma_wait3A_259 = tpu.memref_slice %arg6[%dma_wait3A_258] : memref<524288xf32, #tpu.memory_space<hbm>> -> memref<32xf32, #tpu.memory_space<hbm>>
            %dma_wait3A_260 = arith.constant 0 : i32
            %dma_wait3A_261 = tpu.memref_slice %arg23[%dma_wait3A_252, %dma_wait3A_260] : memref<32x32xf32, #tpu.memory_space<vmem>> -> memref<1x32xf32, #tpu.memory_space<vmem>>
            %dma_wait3A_262 = tpu.memref_squeeze %dma_wait3A_261 : memref<1x32xf32, #tpu.memory_space<vmem>> -> memref<32xf32, #tpu.memory_space<vmem>>
            tpu.wait_dma2 semaphore(%arg25 : memref<!tpu.dma_semaphore, #tpu.memory_space<semaphore_mem>>) src(%dma_wait3A_262 : memref<32xf32, #tpu.memory_space<vmem>>) dst(%dma_wait3A_259 : memref<32xf32, #tpu.memory_space<hbm>>)
          } else {
          }
          %broadcast_in_dim3A = vector.broadcast %mul3A_192 : i32 to vector<16xi32>
          %add3A_220 = vector.broadcast %while3A_212 : i32 to vector<16xi32>
          %add3A_221 = arith.addi %broadcast_in_dim3A, %add3A_220 : vector<16xi32>
          %gather3A = tpu.vector_load_idx %arg14[%add3A_221] : memref<4096xi32, #tpu.memory_space<vmem>>[vector<16xi32>], vector<16xi32>,
          %broadcast_in_dim3A_222 = vector.broadcast %mul3A_192 : i32 to vector<16xi32>
          %add3A_223 = vector.broadcast %while3A_212 : i32 to vector<16xi32>
          %add3A_224 = arith.addi %broadcast_in_dim3A_222, %add3A_223 : vector<16xi32>
          %gather3A_225 = tpu.vector_load_idx %arg15[%add3A_224] : memref<4096xi32, #tpu.memory_space<vmem>>[vector<16xi32>], vector<16xi32>,
          %and3A_226 = arith.constant 127 : i32
          %and3A_227 = vector.broadcast %and3A_226 : i32 to vector<16xi32>
          %and3A_228 = arith.andi %gather3A, %and3A_227 : vector<16xi32>
          %broadcast_in_dim3A_229 = vector.broadcast %rem3A_174 : i32 to vector<16xi32>
          %gather3A_230 = tpu.vector_load_idx %arg22[%broadcast_in_dim3A_229, %iota3A, %and3A_228] : memref<14x32x128xf32, #tpu.memory_space<vmem>>[vector<16xi32>, vector<16xi32>, vector<16xi32>], vector<16xf32>,
          %add3A_231 = arith.constant 16 : i32
          %add3A_232 = vector.broadcast %add3A_231 : i32 to vector<16xi32>
          %add3A_233 = arith.addi %iota3A, %add3A_232 : vector<16xi32>
          %gather3A_234 = tpu.vector_load_idx %arg22[%broadcast_in_dim3A_229, %add3A_233, %and3A_228] : memref<14x32x128xf32, #tpu.memory_space<vmem>>[vector<16xi32>, vector<16xi32>, vector<16xi32>], vector<16xf32>,
          %rem3A_235 = arith.constant 32 : i32
          %rem3A_236 = arith.remsi %add3A_214, %rem3A_235 : i32
          %swap3A = arith.index_cast %rem3A_236 : i32 to index
          %swap3A_237 = arith.constant 0 : index
          %swap3A_238 = tpu.vector_load %arg23[%swap3A, %swap3A_237] {strides = array<i32>} : memref<32x32xf32, #tpu.memory_space<vmem>>, vector<16xf32>,
          tpu.vector_store %arg23[%swap3A, %swap3A_237], %gather3A_230 {strides = array<i32>} : memref<32x32xf32, #tpu.memory_space<vmem>>, vector<16xf32>,
          %swap3A_239 = arith.index_cast %rem3A_236 : i32 to index
          %swap3A_240 = arith.constant 16 : index
          %swap3A_241 = tpu.vector_load %arg23[%swap3A_239, %swap3A_240] {strides = array<i32>} : memref<32x32xf32, #tpu.memory_space<vmem>>, vector<16xf32>,
          tpu.vector_store %arg23[%swap3A_239, %swap3A_240], %gather3A_234 {strides = array<i32>} : memref<32x32xf32, #tpu.memory_space<vmem>>, vector<16xf32>,
          %slice3A = vector.extract_strided_slice %gather3A_225 {offsets = [0], sizes = [1], strides = [1]} : vector<16xi32> to vector<1xi32>
          %squeeze3A = vector.extract %slice3A[0] : i32 from vector<1xi32>
          %mul3A_242 = arith.constant 32 : i32
          %mul3A_243 = arith.muli %squeeze3A, %mul3A_242 : i32
          %dma_start3A = arith.constant 0 : i32
          %dma_start3A_244 = tpu.memref_slice %arg23[%rem3A_236, %dma_start3A] : memref<32x32xf32, #tpu.memory_space<vmem>> -> memref<1x32xf32, #tpu.memory_space<vmem>>
          %dma_start3A_245 = tpu.memref_squeeze %dma_start3A_244 : memref<1x32xf32, #tpu.memory_space<vmem>> -> memref<32xf32, #tpu.memory_space<vmem>>
          %dma_start3A_246 = tpu.memref_slice %arg6[%mul3A_243] : memref<524288xf32, #tpu.memory_space<hbm>> -> memref<32xf32, #tpu.memory_space<hbm>>
          %dma_start3A_247 = tpu.memref_slice %arg6[%mul3A_243] : memref<524288xf32, #tpu.memory_space<hbm>> -> memref<32xf32, #tpu.memory_space<hbm>>
          %dma_start3A_248 = arith.constant 0 : i32
          %dma_start3A_249 = tpu.memref_slice %arg23[%rem3A_236, %dma_start3A_248] : memref<32x32xf32, #tpu.memory_space<vmem>> -> memref<1x32xf32, #tpu.memory_space<vmem>>
          %dma_start3A_250 = tpu.memref_squeeze %dma_start3A_249 : memref<1x32xf32, #tpu.memory_space<vmem>> -> memref<32xf32, #tpu.memory_space<vmem>>
          tpu.enqueue_dma source(%dma_start3A_250 : memref<32xf32, #tpu.memory_space<vmem>>) target(%dma_start3A_247 : memref<32xf32, #tpu.memory_space<hbm>>) target_semaphore(%arg25 : memref<!tpu.dma_semaphore, #tpu.memory_space<semaphore_mem>>)
          %while3A_251 = arith.constant 0 : i32
          scf.yield %while3A_251 : i32
        }
        %add3A_211 = arith.addi %while3A_127, %get3A_190 : i32
        scf.yield %add3A_211 : i32
      } else {
        scf.yield %while3A_127 : i32
      }
      %lt3A_131 = arith.constant 128 : i32
      %lt3A_132 = arith.cmpi slt, %while3A_126, %lt3A_131 : i32
      %convert_element_type3A_133 = arith.extui %lt3A_132 : i1 to i32
      %cond3A_134 = arith.constant 0 : i32
      %cond3A_135 = arith.cmpi ne, %convert_element_type3A_133, %cond3A_134 : i32
      %cond3A_136 = scf.if %cond3A_135 -> (i32) {
        %mul3A_173 = arith.constant 8 : i32
        %mul3A_174 = arith.muli %while3A_126, %mul3A_173 : i32
        %add3A_175 = arith.constant 0 : i32
        %add3A_176 = arith.addi %mul3A_174, %add3A_175 : i32
        %mul3A_177 = arith.constant 16 : i32
        %mul3A_178 = arith.muli %add3A_176, %mul3A_177 : i32
        %get3A = arith.index_cast %mul3A_178 : i32 to index
        %get3A_179 = tpu.vector_load %arg9[%get3A] {strides = array<i32>} : memref<16384xi32, #tpu.memory_space<vmem>>, vector<16xi32>,
        %shift_right_logical3A = arith.constant 7 : i32
        %shift_right_logical3A_180 = vector.broadcast %shift_right_logical3A : i32 to vector<16xi32>
        %shift_right_logical3A_181 = arith.shrui %get3A_179, %shift_right_logical3A_180 : vector<16xi32>
        %and3A_182 = arith.constant 31 : i32
        %and3A_183 = vector.broadcast %and3A_182 : i32 to vector<16xi32>
        %and3A_184 = arith.andi %shift_right_logical3A_181, %and3A_183 : vector<16xi32>
        %eq3A = vector.broadcast %add3A : i32 to vector<16xi32>
        %eq3A_185 = arith.cmpi eq, %and3A_184, %eq3A : vector<16xi32>
        %jit3A_186 = arith.constant 1 : i32
        %jit3A_187 = arith.constant 0 : i32
        %broadcast_in_dim3A = vector.broadcast %jit3A_186 : i32 to vector<16xi32>
        %broadcast_in_dim3A_188 = vector.broadcast %jit3A_187 : i32 to vector<16xi32>
        %select_n3A_189 = arith.select %eq3A_185, %broadcast_in_dim3A, %broadcast_in_dim3A_188 : vector<16xi1>, vector<16xi32>
        %broadcast_in_dim3A_190 = arith.constant true
        %broadcast_in_dim3A_191 = vector.broadcast %broadcast_in_dim3A_190 : i1 to vector<16xi1>
        %masked_cumsum3A = tpu.scan <sum>, %select_n3A_189 masked %broadcast_in_dim3A_191 : vector<16xi32>, vector<16xi1> -> vector<16xi32>
        %mul3A_192 = arith.constant 8 : i32
        %mul3A_193 = arith.muli %while3A_126, %mul3A_192 : i32
        %add3A_194 = arith.constant 1 : i32
        %add3A_195 = arith.addi %mul3A_193, %add3A_194 : i32
        %mul3A_196 = arith.constant 16 : i32
        %mul3A_197 = arith.muli %add3A_195, %mul3A_196 : i32
        %get3A_198 = arith.index_cast %mul3A_197 : i32 to index
        %get3A_199 = tpu.vector_load %arg9[%get3A_198] {strides = array<i32>} : memref<16384xi32, #tpu.memory_space<vmem>>, vector<16xi32>,
        %shift_right_logical3A_200 = arith.constant 7 : i32
        %shift_right_logical3A_201 = vector.broadcast %shift_right_logical3A_200 : i32 to vector<16xi32>
        %shift_right_logical3A_202 = arith.shrui %get3A_199, %shift_right_logical3A_201 : vector<16xi32>
        %and3A_203 = arith.constant 31 : i32
        %and3A_204 = vector.broadcast %and3A_203 : i32 to vector<16xi32>
        %and3A_205 = arith.andi %shift_right_logical3A_202, %and3A_204 : vector<16xi32>
        %eq3A_206 = vector.broadcast %add3A : i32 to vector<16xi32>
        %eq3A_207 = arith.cmpi eq, %and3A_205, %eq3A_206 : vector<16xi32>
        %jit3A_208 = arith.constant 1 : i32
        %jit3A_209 = arith.constant 0 : i32
        %broadcast_in_dim3A_210 = vector.broadcast %jit3A_208 : i32 to vector<16xi32>
        %broadcast_in_dim3A_211 = vector.broadcast %jit3A_209 : i32 to vector<16xi32>
        %select_n3A_212 = arith.select %eq3A_207, %broadcast_in_dim3A_210, %broadcast_in_dim3A_211 : vector<16xi1>, vector<16xi32>
        %broadcast_in_dim3A_213 = arith.constant true
        %broadcast_in_dim3A_214 = vector.broadcast %broadcast_in_dim3A_213 : i1 to vector<16xi1>
        %masked_cumsum3A_215 = tpu.scan <sum>, %select_n3A_212 masked %broadcast_in_dim3A_214 : vector<16xi32>, vector<16xi1> -> vector<16xi32>
        %mul3A_216 = arith.constant 8 : i32
        %mul3A_217 = arith.muli %while3A_126, %mul3A_216 : i32
        %add3A_218 = arith.constant 2 : i32
        %add3A_219 = arith.addi %mul3A_217, %add3A_218 : i32
        %mul3A_220 = arith.constant 16 : i32
        %mul3A_221 = arith.muli %add3A_219, %mul3A_220 : i32
        %get3A_222 = arith.index_cast %mul3A_221 : i32 to index
        %get3A_223 = tpu.vector_load %arg9[%get3A_222] {strides = array<i32>} : memref<16384xi32, #tpu.memory_space<vmem>>, vector<16xi32>,
        %shift_right_logical3A_224 = arith.constant 7 : i32
        %shift_right_logical3A_225 = vector.broadcast %shift_right_logical3A_224 : i32 to vector<16xi32>
        %shift_right_logical3A_226 = arith.shrui %get3A_223, %shift_right_logical3A_225 : vector<16xi32>
        %and3A_227 = arith.constant 31 : i32
        %and3A_228 = vector.broadcast %and3A_227 : i32 to vector<16xi32>
        %and3A_229 = arith.andi %shift_right_logical3A_226, %and3A_228 : vector<16xi32>
        %eq3A_230 = vector.broadcast %add3A : i32 to vector<16xi32>
        %eq3A_231 = arith.cmpi eq, %and3A_229, %eq3A_230 : vector<16xi32>
        %jit3A_232 = arith.constant 1 : i32
        %jit3A_233 = arith.constant 0 : i32
        %broadcast_in_dim3A_234 = vector.broadcast %jit3A_232 : i32 to vector<16xi32>
        %broadcast_in_dim3A_235 = vector.broadcast %jit3A_233 : i32 to vector<16xi32>
        %select_n3A_236 = arith.select %eq3A_231, %broadcast_in_dim3A_234, %broadcast_in_dim3A_235 : vector<16xi1>, vector<16xi32>
        %broadcast_in_dim3A_237 = arith.constant true
        %broadcast_in_dim3A_238 = vector.broadcast %broadcast_in_dim3A_237 : i1 to vector<16xi1>
        %masked_cumsum3A_239 = tpu.scan <sum>, %select_n3A_236 masked %broadcast_in_dim3A_238 : vector<16xi32>, vector<16xi1> -> vector<16xi32>
        %mul3A_240 = arith.constant 8 : i32
        %mul3A_241 = arith.muli %while3A_126, %mul3A_240 : i32
        %add3A_242 = arith.constant 3 : i32
        %add3A_243 = arith.addi %mul3A_241, %add3A_242 : i32
        %mul3A_244 = arith.constant 16 : i32
        %mul3A_245 = arith.muli %add3A_243, %mul3A_244 : i32
        %get3A_246 = arith.index_cast %mul3A_245 : i32 to index
        %get3A_247 = tpu.vector_load %arg9[%get3A_246] {strides = array<i32>} : memref<16384xi32, #tpu.memory_space<vmem>>, vector<16xi32>,
        %shift_right_logical3A_248 = arith.constant 7 : i32
        %shift_right_logical3A_249 = vector.broadcast %shift_right_logical3A_248 : i32 to vector<16xi32>
        %shift_right_logical3A_250 = arith.shrui %get3A_247, %shift_right_logical3A_249 : vector<16xi32>
        %and3A_251 = arith.constant 31 : i32
        %and3A_252 = vector.broadcast %and3A_251 : i32 to vector<16xi32>
        %and3A_253 = arith.andi %shift_right_logical3A_250, %and3A_252 : vector<16xi32>
        %eq3A_254 = vector.broadcast %add3A : i32 to vector<16xi32>
        %eq3A_255 = arith.cmpi eq, %and3A_253, %eq3A_254 : vector<16xi32>
        %jit3A_256 = arith.constant 1 : i32
        %jit3A_257 = arith.constant 0 : i32
        %broadcast_in_dim3A_258 = vector.broadcast %jit3A_256 : i32 to vector<16xi32>
        %broadcast_in_dim3A_259 = vector.broadcast %jit3A_257 : i32 to vector<16xi32>
        %select_n3A_260 = arith.select %eq3A_255, %broadcast_in_dim3A_258, %broadcast_in_dim3A_259 : vector<16xi1>, vector<16xi32>
        %broadcast_in_dim3A_261 = arith.constant true
        %broadcast_in_dim3A_262 = vector.broadcast %broadcast_in_dim3A_261 : i1 to vector<16xi1>
        %masked_cumsum3A_263 = tpu.scan <sum>, %select_n3A_260 masked %broadcast_in_dim3A_262 : vector<16xi32>, vector<16xi1> -> vector<16xi32>
        %mul3A_264 = arith.constant 8 : i32
        %mul3A_265 = arith.muli %while3A_126, %mul3A_264 : i32
        %add3A_266 = arith.constant 4 : i32
        %add3A_267 = arith.addi %mul3A_265, %add3A_266 : i32
        %mul3A_268 = arith.constant 16 : i32
        %mul3A_269 = arith.muli %add3A_267, %mul3A_268 : i32
        %get3A_270 = arith.index_cast %mul3A_269 : i32 to index
        %get3A_271 = tpu.vector_load %arg9[%get3A_270] {strides = array<i32>} : memref<16384xi32, #tpu.memory_space<vmem>>, vector<16xi32>,
        %shift_right_logical3A_272 = arith.constant 7 : i32
        %shift_right_logical3A_273 = vector.broadcast %shift_right_logical3A_272 : i32 to vector<16xi32>
        %shift_right_logical3A_274 = arith.shrui %get3A_271, %shift_right_logical3A_273 : vector<16xi32>
        %and3A_275 = arith.constant 31 : i32
        %and3A_276 = vector.broadcast %and3A_275 : i32 to vector<16xi32>
        %and3A_277 = arith.andi %shift_right_logical3A_274, %and3A_276 : vector<16xi32>
        %eq3A_278 = vector.broadcast %add3A : i32 to vector<16xi32>
        %eq3A_279 = arith.cmpi eq, %and3A_277, %eq3A_278 : vector<16xi32>
        %jit3A_280 = arith.constant 1 : i32
        %jit3A_281 = arith.constant 0 : i32
        %broadcast_in_dim3A_282 = vector.broadcast %jit3A_280 : i32 to vector<16xi32>
        %broadcast_in_dim3A_283 = vector.broadcast %jit3A_281 : i32 to vector<16xi32>
        %select_n3A_284 = arith.select %eq3A_279, %broadcast_in_dim3A_282, %broadcast_in_dim3A_283 : vector<16xi1>, vector<16xi32>
        %broadcast_in_dim3A_285 = arith.constant true
        %broadcast_in_dim3A_286 = vector.broadcast %broadcast_in_dim3A_285 : i1 to vector<16xi1>
        %masked_cumsum3A_287 = tpu.scan <sum>, %select_n3A_284 masked %broadcast_in_dim3A_286 : vector<16xi32>, vector<16xi1> -> vector<16xi32>
        %mul3A_288 = arith.constant 8 : i32
        %mul3A_289 = arith.muli %while3A_126, %mul3A_288 : i32
        %add3A_290 = arith.constant 5 : i32
        %add3A_291 = arith.addi %mul3A_289, %add3A_290 : i32
        %mul3A_292 = arith.constant 16 : i32
        %mul3A_293 = arith.muli %add3A_291, %mul3A_292 : i32
        %get3A_294 = arith.index_cast %mul3A_293 : i32 to index
        %get3A_295 = tpu.vector_load %arg9[%get3A_294] {strides = array<i32>} : memref<16384xi32, #tpu.memory_space<vmem>>, vector<16xi32>,
        %shift_right_logical3A_296 = arith.constant 7 : i32
        %shift_right_logical3A_297 = vector.broadcast %shift_right_logical3A_296 : i32 to vector<16xi32>
        %shift_right_logical3A_298 = arith.shrui %get3A_295, %shift_right_logical3A_297 : vector<16xi32>
        %and3A_299 = arith.constant 31 : i32
        %and3A_300 = vector.broadcast %and3A_299 : i32 to vector<16xi32>
        %and3A_301 = arith.andi %shift_right_logical3A_298, %and3A_300 : vector<16xi32>
        %eq3A_302 = vector.broadcast %add3A : i32 to vector<16xi32>
        %eq3A_303 = arith.cmpi eq, %and3A_301, %eq3A_302 : vector<16xi32>
        %jit3A_304 = arith.constant 1 : i32
        %jit3A_305 = arith.constant 0 : i32
        %broadcast_in_dim3A_306 = vector.broadcast %jit3A_304 : i32 to vector<16xi32>
        %broadcast_in_dim3A_307 = vector.broadcast %jit3A_305 : i32 to vector<16xi32>
        %select_n3A_308 = arith.select %eq3A_303, %broadcast_in_dim3A_306, %broadcast_in_dim3A_307 : vector<16xi1>, vector<16xi32>
        %broadcast_in_dim3A_309 = arith.constant true
        %broadcast_in_dim3A_310 = vector.broadcast %broadcast_in_dim3A_309 : i1 to vector<16xi1>
        %masked_cumsum3A_311 = tpu.scan <sum>, %select_n3A_308 masked %broadcast_in_dim3A_310 : vector<16xi32>, vector<16xi1> -> vector<16xi32>
        %mul3A_312 = arith.constant 8 : i32
        %mul3A_313 = arith.muli %while3A_126, %mul3A_312 : i32
        %add3A_314 = arith.constant 6 : i32
        %add3A_315 = arith.addi %mul3A_313, %add3A_314 : i32
        %mul3A_316 = arith.constant 16 : i32
        %mul3A_317 = arith.muli %add3A_315, %mul3A_316 : i32
        %get3A_318 = arith.index_cast %mul3A_317 : i32 to index
        %get3A_319 = tpu.vector_load %arg9[%get3A_318] {strides = array<i32>} : memref<16384xi32, #tpu.memory_space<vmem>>, vector<16xi32>,
        %shift_right_logical3A_320 = arith.constant 7 : i32
        %shift_right_logical3A_321 = vector.broadcast %shift_right_logical3A_320 : i32 to vector<16xi32>
        %shift_right_logical3A_322 = arith.shrui %get3A_319, %shift_right_logical3A_321 : vector<16xi32>
        %and3A_323 = arith.constant 31 : i32
        %and3A_324 = vector.broadcast %and3A_323 : i32 to vector<16xi32>
        %and3A_325 = arith.andi %shift_right_logical3A_322, %and3A_324 : vector<16xi32>
        %eq3A_326 = vector.broadcast %add3A : i32 to vector<16xi32>
        %eq3A_327 = arith.cmpi eq, %and3A_325, %eq3A_326 : vector<16xi32>
        %jit3A_328 = arith.constant 1 : i32
        %jit3A_329 = arith.constant 0 : i32
        %broadcast_in_dim3A_330 = vector.broadcast %jit3A_328 : i32 to vector<16xi32>
        %broadcast_in_dim3A_331 = vector.broadcast %jit3A_329 : i32 to vector<16xi32>
        %select_n3A_332 = arith.select %eq3A_327, %broadcast_in_dim3A_330, %broadcast_in_dim3A_331 : vector<16xi1>, vector<16xi32>
        %broadcast_in_dim3A_333 = arith.constant true
        %broadcast_in_dim3A_334 = vector.broadcast %broadcast_in_dim3A_333 : i1 to vector<16xi1>
        %masked_cumsum3A_335 = tpu.scan <sum>, %select_n3A_332 masked %broadcast_in_dim3A_334 : vector<16xi32>, vector<16xi1> -> vector<16xi32>
        %mul3A_336 = arith.constant 8 : i32
        %mul3A_337 = arith.muli %while3A_126, %mul3A_336 : i32
        %add3A_338 = arith.constant 7 : i32
        %add3A_339 = arith.addi %mul3A_337, %add3A_338 : i32
        %mul3A_340 = arith.constant 16 : i32
        %mul3A_341 = arith.muli %add3A_339, %mul3A_340 : i32
        %get3A_342 = arith.index_cast %mul3A_341 : i32 to index
        %get3A_343 = tpu.vector_load %arg9[%get3A_342] {strides = array<i32>} : memref<16384xi32, #tpu.memory_space<vmem>>, vector<16xi32>,
        %shift_right_logical3A_344 = arith.constant 7 : i32
        %shift_right_logical3A_345 = vector.broadcast %shift_right_logical3A_344 : i32 to vector<16xi32>
        %shift_right_logical3A_346 = arith.shrui %get3A_343, %shift_right_logical3A_345 : vector<16xi32>
        %and3A_347 = arith.constant 31 : i32
        %and3A_348 = vector.broadcast %and3A_347 : i32 to vector<16xi32>
        %and3A_349 = arith.andi %shift_right_logical3A_346, %and3A_348 : vector<16xi32>
        %eq3A_350 = vector.broadcast %add3A : i32 to vector<16xi32>
        %eq3A_351 = arith.cmpi eq, %and3A_349, %eq3A_350 : vector<16xi32>
        %jit3A_352 = arith.constant 1 : i32
        %jit3A_353 = arith.constant 0 : i32
        %broadcast_in_dim3A_354 = vector.broadcast %jit3A_352 : i32 to vector<16xi32>
        %broadcast_in_dim3A_355 = vector.broadcast %jit3A_353 : i32 to vector<16xi32>
        %select_n3A_356 = arith.select %eq3A_351, %broadcast_in_dim3A_354, %broadcast_in_dim3A_355 : vector<16xi1>, vector<16xi32>
        %broadcast_in_dim3A_357 = arith.constant true
        %broadcast_in_dim3A_358 = vector.broadcast %broadcast_in_dim3A_357 : i1 to vector<16xi1>
        %masked_cumsum3A_359 = tpu.scan <sum>, %select_n3A_356 masked %broadcast_in_dim3A_358 : vector<16xi32>, vector<16xi1> -> vector<16xi32>
        %mul3A_360 = arith.constant 8 : i32
        %mul3A_361 = arith.muli %while3A_126, %mul3A_360 : i32
        %add3A_362 = arith.constant 0 : i32
        %add3A_363 = arith.addi %mul3A_361, %add3A_362 : i32
        %mul3A_364 = arith.constant 16 : i32
        %mul3A_365 = arith.muli %add3A_363, %mul3A_364 : i32
        %add3A_366 = vector.broadcast %mul3A_365 : i32 to vector<16xi32>
        %add3A_367 = arith.addi %add3A_366, %iota3A : vector<16xi32>
        %add3A_368 = vector.broadcast %while3A_128 : i32 to vector<16xi32>
        %add3A_369 = arith.addi %add3A_368, %masked_cumsum3A : vector<16xi32>
        %sub3A_370 = arith.constant 1 : i32
        %sub3A_371 = vector.broadcast %sub3A_370 : i32 to vector<16xi32>
        %sub3A_372 = arith.subi %add3A_369, %sub3A_371 : vector<16xi32>
        %lt3A_373 = arith.constant 1008 : i32
        %lt3A_374 = vector.broadcast %lt3A_373 : i32 to vector<16xi32>
        %lt3A_375 = arith.cmpi slt, %sub3A_372, %lt3A_374 : vector<16xi32>
        %and3A_376 = arith.andi %eq3A_185, %lt3A_375 : vector<16xi1>
        tpu.vector_store_idx %arg12[%sub3A_372], %get3A_179 masked %and3A_376 : memref<1008xi32, #tpu.memory_space<vmem>>[vector<16xi32>], vector<16xi32>, vector<16xi1>
        tpu.vector_store_idx %arg13[%sub3A_372], %add3A_367 masked %and3A_376 : memref<1008xi32, #tpu.memory_space<vmem>>[vector<16xi32>], vector<16xi32>, vector<16xi1>
        %slice3A = vector.extract_strided_slice %masked_cumsum3A {offsets = [15], sizes = [1], strides = [1]} : vector<16xi32> to vector<1xi32>
        %squeeze3A = vector.extract %slice3A[0] : i32 from vector<1xi32>
        %add3A_377 = arith.addi %while3A_128, %squeeze3A : i32
        %mul3A_378 = arith.constant 8 : i32
        %mul3A_379 = arith.muli %while3A_126, %mul3A_378 : i32
        %add3A_380 = arith.constant 1 : i32
        %add3A_381 = arith.addi %mul3A_379, %add3A_380 : i32
        %mul3A_382 = arith.constant 16 : i32
        %mul3A_383 = arith.muli %add3A_381, %mul3A_382 : i32
        %add3A_384 = vector.broadcast %mul3A_383 : i32 to vector<16xi32>
        %add3A_385 = arith.addi %add3A_384, %iota3A : vector<16xi32>
        %add3A_386 = vector.broadcast %add3A_377 : i32 to vector<16xi32>
        %add3A_387 = arith.addi %add3A_386, %masked_cumsum3A_215 : vector<16xi32>
        %sub3A_388 = arith.constant 1 : i32
        %sub3A_389 = vector.broadcast %sub3A_388 : i32 to vector<16xi32>
        %sub3A_390 = arith.subi %add3A_387, %sub3A_389 : vector<16xi32>
        %lt3A_391 = arith.constant 1008 : i32
        %lt3A_392 = vector.broadcast %lt3A_391 : i32 to vector<16xi32>
        %lt3A_393 = arith.cmpi slt, %sub3A_390, %lt3A_392 : vector<16xi32>
        %and3A_394 = arith.andi %eq3A_207, %lt3A_393 : vector<16xi1>
        tpu.vector_store_idx %arg12[%sub3A_390], %get3A_199 masked %and3A_394 : memref<1008xi32, #tpu.memory_space<vmem>>[vector<16xi32>], vector<16xi32>, vector<16xi1>
        tpu.vector_store_idx %arg13[%sub3A_390], %add3A_385 masked %and3A_394 : memref<1008xi32, #tpu.memory_space<vmem>>[vector<16xi32>], vector<16xi32>, vector<16xi1>
        %slice3A_395 = vector.extract_strided_slice %masked_cumsum3A_215 {offsets = [15], sizes = [1], strides = [1]} : vector<16xi32> to vector<1xi32>
        %squeeze3A_396 = vector.extract %slice3A_395[0] : i32 from vector<1xi32>
        %add3A_397 = arith.addi %add3A_377, %squeeze3A_396 : i32
        %mul3A_398 = arith.constant 8 : i32
        %mul3A_399 = arith.muli %while3A_126, %mul3A_398 : i32
        %add3A_400 = arith.constant 2 : i32
        %add3A_401 = arith.addi %mul3A_399, %add3A_400 : i32
        %mul3A_402 = arith.constant 16 : i32
        %mul3A_403 = arith.muli %add3A_401, %mul3A_402 : i32
        %add3A_404 = vector.broadcast %mul3A_403 : i32 to vector<16xi32>
        %add3A_405 = arith.addi %add3A_404, %iota3A : vector<16xi32>
        %add3A_406 = vector.broadcast %add3A_397 : i32 to vector<16xi32>
        %add3A_407 = arith.addi %add3A_406, %masked_cumsum3A_239 : vector<16xi32>
        %sub3A_408 = arith.constant 1 : i32
        %sub3A_409 = vector.broadcast %sub3A_408 : i32 to vector<16xi32>
        %sub3A_410 = arith.subi %add3A_407, %sub3A_409 : vector<16xi32>
        %lt3A_411 = arith.constant 1008 : i32
        %lt3A_412 = vector.broadcast %lt3A_411 : i32 to vector<16xi32>
        %lt3A_413 = arith.cmpi slt, %sub3A_410, %lt3A_412 : vector<16xi32>
        %and3A_414 = arith.andi %eq3A_231, %lt3A_413 : vector<16xi1>
        tpu.vector_store_idx %arg12[%sub3A_410], %get3A_223 masked %and3A_414 : memref<1008xi32, #tpu.memory_space<vmem>>[vector<16xi32>], vector<16xi32>, vector<16xi1>
        tpu.vector_store_idx %arg13[%sub3A_410], %add3A_405 masked %and3A_414 : memref<1008xi32, #tpu.memory_space<vmem>>[vector<16xi32>], vector<16xi32>, vector<16xi1>
        %slice3A_415 = vector.extract_strided_slice %masked_cumsum3A_239 {offsets = [15], sizes = [1], strides = [1]} : vector<16xi32> to vector<1xi32>
        %squeeze3A_416 = vector.extract %slice3A_415[0] : i32 from vector<1xi32>
        %add3A_417 = arith.addi %add3A_397, %squeeze3A_416 : i32
        %mul3A_418 = arith.constant 8 : i32
        %mul3A_419 = arith.muli %while3A_126, %mul3A_418 : i32
        %add3A_420 = arith.constant 3 : i32
        %add3A_421 = arith.addi %mul3A_419, %add3A_420 : i32
        %mul3A_422 = arith.constant 16 : i32
        %mul3A_423 = arith.muli %add3A_421, %mul3A_422 : i32
        %add3A_424 = vector.broadcast %mul3A_423 : i32 to vector<16xi32>
        %add3A_425 = arith.addi %add3A_424, %iota3A : vector<16xi32>
        %add3A_426 = vector.broadcast %add3A_417 : i32 to vector<16xi32>
        %add3A_427 = arith.addi %add3A_426, %masked_cumsum3A_263 : vector<16xi32>
        %sub3A_428 = arith.constant 1 : i32
        %sub3A_429 = vector.broadcast %sub3A_428 : i32 to vector<16xi32>
        %sub3A_430 = arith.subi %add3A_427, %sub3A_429 : vector<16xi32>
        %lt3A_431 = arith.constant 1008 : i32
        %lt3A_432 = vector.broadcast %lt3A_431 : i32 to vector<16xi32>
        %lt3A_433 = arith.cmpi slt, %sub3A_430, %lt3A_432 : vector<16xi32>
        %and3A_434 = arith.andi %eq3A_255, %lt3A_433 : vector<16xi1>
        tpu.vector_store_idx %arg12[%sub3A_430], %get3A_247 masked %and3A_434 : memref<1008xi32, #tpu.memory_space<vmem>>[vector<16xi32>], vector<16xi32>, vector<16xi1>
        tpu.vector_store_idx %arg13[%sub3A_430], %add3A_425 masked %and3A_434 : memref<1008xi32, #tpu.memory_space<vmem>>[vector<16xi32>], vector<16xi32>, vector<16xi1>
        %slice3A_435 = vector.extract_strided_slice %masked_cumsum3A_263 {offsets = [15], sizes = [1], strides = [1]} : vector<16xi32> to vector<1xi32>
        %squeeze3A_436 = vector.extract %slice3A_435[0] : i32 from vector<1xi32>
        %add3A_437 = arith.addi %add3A_417, %squeeze3A_436 : i32
        %mul3A_438 = arith.constant 8 : i32
        %mul3A_439 = arith.muli %while3A_126, %mul3A_438 : i32
        %add3A_440 = arith.constant 4 : i32
        %add3A_441 = arith.addi %mul3A_439, %add3A_440 : i32
        %mul3A_442 = arith.constant 16 : i32
        %mul3A_443 = arith.muli %add3A_441, %mul3A_442 : i32
        %add3A_444 = vector.broadcast %mul3A_443 : i32 to vector<16xi32>
        %add3A_445 = arith.addi %add3A_444, %iota3A : vector<16xi32>
        %add3A_446 = vector.broadcast %add3A_437 : i32 to vector<16xi32>
        %add3A_447 = arith.addi %add3A_446, %masked_cumsum3A_287 : vector<16xi32>
        %sub3A_448 = arith.constant 1 : i32
        %sub3A_449 = vector.broadcast %sub3A_448 : i32 to vector<16xi32>
        %sub3A_450 = arith.subi %add3A_447, %sub3A_449 : vector<16xi32>
        %lt3A_451 = arith.constant 1008 : i32
        %lt3A_452 = vector.broadcast %lt3A_451 : i32 to vector<16xi32>
        %lt3A_453 = arith.cmpi slt, %sub3A_450, %lt3A_452 : vector<16xi32>
        %and3A_454 = arith.andi %eq3A_279, %lt3A_453 : vector<16xi1>
        tpu.vector_store_idx %arg12[%sub3A_450], %get3A_271 masked %and3A_454 : memref<1008xi32, #tpu.memory_space<vmem>>[vector<16xi32>], vector<16xi32>, vector<16xi1>
        tpu.vector_store_idx %arg13[%sub3A_450], %add3A_445 masked %and3A_454 : memref<1008xi32, #tpu.memory_space<vmem>>[vector<16xi32>], vector<16xi32>, vector<16xi1>
        %slice3A_455 = vector.extract_strided_slice %masked_cumsum3A_287 {offsets = [15], sizes = [1], strides = [1]} : vector<16xi32> to vector<1xi32>
        %squeeze3A_456 = vector.extract %slice3A_455[0] : i32 from vector<1xi32>
        %add3A_457 = arith.addi %add3A_437, %squeeze3A_456 : i32
        %mul3A_458 = arith.constant 8 : i32
        %mul3A_459 = arith.muli %while3A_126, %mul3A_458 : i32
        %add3A_460 = arith.constant 5 : i32
        %add3A_461 = arith.addi %mul3A_459, %add3A_460 : i32
        %mul3A_462 = arith.constant 16 : i32
        %mul3A_463 = arith.muli %add3A_461, %mul3A_462 : i32
        %add3A_464 = vector.broadcast %mul3A_463 : i32 to vector<16xi32>
        %add3A_465 = arith.addi %add3A_464, %iota3A : vector<16xi32>
        %add3A_466 = vector.broadcast %add3A_457 : i32 to vector<16xi32>
        %add3A_467 = arith.addi %add3A_466, %masked_cumsum3A_311 : vector<16xi32>
        %sub3A_468 = arith.constant 1 : i32
        %sub3A_469 = vector.broadcast %sub3A_468 : i32 to vector<16xi32>
        %sub3A_470 = arith.subi %add3A_467, %sub3A_469 : vector<16xi32>
        %lt3A_471 = arith.constant 1008 : i32
        %lt3A_472 = vector.broadcast %lt3A_471 : i32 to vector<16xi32>
        %lt3A_473 = arith.cmpi slt, %sub3A_470, %lt3A_472 : vector<16xi32>
        %and3A_474 = arith.andi %eq3A_303, %lt3A_473 : vector<16xi1>
        tpu.vector_store_idx %arg12[%sub3A_470], %get3A_295 masked %and3A_474 : memref<1008xi32, #tpu.memory_space<vmem>>[vector<16xi32>], vector<16xi32>, vector<16xi1>
        tpu.vector_store_idx %arg13[%sub3A_470], %add3A_465 masked %and3A_474 : memref<1008xi32, #tpu.memory_space<vmem>>[vector<16xi32>], vector<16xi32>, vector<16xi1>
        %slice3A_475 = vector.extract_strided_slice %masked_cumsum3A_311 {offsets = [15], sizes = [1], strides = [1]} : vector<16xi32> to vector<1xi32>
        %squeeze3A_476 = vector.extract %slice3A_475[0] : i32 from vector<1xi32>
        %add3A_477 = arith.addi %add3A_457, %squeeze3A_476 : i32
        %mul3A_478 = arith.constant 8 : i32
        %mul3A_479 = arith.muli %while3A_126, %mul3A_478 : i32
        %add3A_480 = arith.constant 6 : i32
        %add3A_481 = arith.addi %mul3A_479, %add3A_480 : i32
        %mul3A_482 = arith.constant 16 : i32
        %mul3A_483 = arith.muli %add3A_481, %mul3A_482 : i32
        %add3A_484 = vector.broadcast %mul3A_483 : i32 to vector<16xi32>
        %add3A_485 = arith.addi %add3A_484, %iota3A : vector<16xi32>
        %add3A_486 = vector.broadcast %add3A_477 : i32 to vector<16xi32>
        %add3A_487 = arith.addi %add3A_486, %masked_cumsum3A_335 : vector<16xi32>
        %sub3A_488 = arith.constant 1 : i32
        %sub3A_489 = vector.broadcast %sub3A_488 : i32 to vector<16xi32>
        %sub3A_490 = arith.subi %add3A_487, %sub3A_489 : vector<16xi32>
        %lt3A_491 = arith.constant 1008 : i32
        %lt3A_492 = vector.broadcast %lt3A_491 : i32 to vector<16xi32>
        %lt3A_493 = arith.cmpi slt, %sub3A_490, %lt3A_492 : vector<16xi32>
        %and3A_494 = arith.andi %eq3A_327, %lt3A_493 : vector<16xi1>
        tpu.vector_store_idx %arg12[%sub3A_490], %get3A_319 masked %and3A_494 : memref<1008xi32, #tpu.memory_space<vmem>>[vector<16xi32>], vector<16xi32>, vector<16xi1>
        tpu.vector_store_idx %arg13[%sub3A_490], %add3A_485 masked %and3A_494 : memref<1008xi32, #tpu.memory_space<vmem>>[vector<16xi32>], vector<16xi32>, vector<16xi1>
        %slice3A_495 = vector.extract_strided_slice %masked_cumsum3A_335 {offsets = [15], sizes = [1], strides = [1]} : vector<16xi32> to vector<1xi32>
        %squeeze3A_496 = vector.extract %slice3A_495[0] : i32 from vector<1xi32>
        %add3A_497 = arith.addi %add3A_477, %squeeze3A_496 : i32
        %mul3A_498 = arith.constant 8 : i32
        %mul3A_499 = arith.muli %while3A_126, %mul3A_498 : i32
        %add3A_500 = arith.constant 7 : i32
        %add3A_501 = arith.addi %mul3A_499, %add3A_500 : i32
        %mul3A_502 = arith.constant 16 : i32
        %mul3A_503 = arith.muli %add3A_501, %mul3A_502 : i32
        %add3A_504 = vector.broadcast %mul3A_503 : i32 to vector<16xi32>
        %add3A_505 = arith.addi %add3A_504, %iota3A : vector<16xi32>
        %add3A_506 = vector.broadcast %add3A_497 : i32 to vector<16xi32>
        %add3A_507 = arith.addi %add3A_506, %masked_cumsum3A_359 : vector<16xi32>
        %sub3A_508 = arith.constant 1 : i32
        %sub3A_509 = vector.broadcast %sub3A_508 : i32 to vector<16xi32>
        %sub3A_510 = arith.subi %add3A_507, %sub3A_509 : vector<16xi32>
        %lt3A_511 = arith.constant 1008 : i32
        %lt3A_512 = vector.broadcast %lt3A_511 : i32 to vector<16xi32>
        %lt3A_513 = arith.cmpi slt, %sub3A_510, %lt3A_512 : vector<16xi32>
        %and3A_514 = arith.andi %eq3A_351, %lt3A_513 : vector<16xi1>
        tpu.vector_store_idx %arg12[%sub3A_510], %get3A_343 masked %and3A_514 : memref<1008xi32, #tpu.memory_space<vmem>>[vector<16xi32>], vector<16xi32>, vector<16xi1>
        tpu.vector_store_idx %arg13[%sub3A_510], %add3A_505 masked %and3A_514 : memref<1008xi32, #tpu.memory_space<vmem>>[vector<16xi32>], vector<16xi32>, vector<16xi1>
        %slice3A_515 = vector.extract_strided_slice %masked_cumsum3A_359 {offsets = [15], sizes = [1], strides = [1]} : vector<16xi32> to vector<1xi32>
        %squeeze3A_516 = vector.extract %slice3A_515[0] : i32 from vector<1xi32>
        %add3A_517 = arith.addi %add3A_497, %squeeze3A_516 : i32
        scf.yield %add3A_517 : i32
      } else {
        scf.yield %while3A_128 : i32
      }
      %ge3A = arith.constant 128 : i32
      %ge3A_137 = arith.cmpi sge, %while3A_126, %ge3A : i32
      %sub3A_138 = arith.constant 128 : i32
      %sub3A_139 = arith.subi %while3A_126, %sub3A_138 : i32
      %add3A_140 = arith.constant 16 : i32
      %add3A_141 = arith.addi %cond3A_136, %add3A_140 : i32
      %sub3A_142 = arith.constant 1 : i32
      %sub3A_143 = arith.subi %add3A_141, %sub3A_142 : i32
      %jit3A_144 = arith.constant 16 : i32
      %div3A_145 = arith.divsi %sub3A_143, %jit3A_144 : i32
      %sign3A_146 = arith.constant 0 : i32
      %sign3A_147 = arith.cmpi sgt, %sub3A_143, %sign3A_146 : i32
      %sign3A_148 = arith.extui %sign3A_147 : i1 to i32
      %sign3A_149 = arith.constant 0 : i32
      %sign3A_150 = arith.cmpi slt, %sub3A_143, %sign3A_149 : i32
      %sign3A_151 = arith.extui %sign3A_150 : i1 to i32
      %sign3A_152 = arith.subi %sign3A_148, %sign3A_151 : i32
      %sign3A_153 = arith.constant 0 : i32
      %sign3A_154 = arith.cmpi sgt, %jit3A_144, %sign3A_153 : i32
      %sign3A_155 = arith.extui %sign3A_154 : i1 to i32
      %sign3A_156 = arith.constant 0 : i32
      %sign3A_157 = arith.cmpi slt, %jit3A_144, %sign3A_156 : i32
      %sign3A_158 = arith.extui %sign3A_157 : i1 to i32
      %sign3A_159 = arith.subi %sign3A_155, %sign3A_158 : i32
      %ne3A_160 = arith.cmpi ne, %sign3A_152, %sign3A_159 : i32
      %rem3A_161 = arith.remsi %sub3A_143, %jit3A_144 : i32
      %ne3A_162 = arith.constant 0 : i32
      %ne3A_163 = arith.cmpi ne, %rem3A_161, %ne3A_162 : i32
      %and3A_164 = arith.andi %ne3A_160, %ne3A_163 : i1
      %sub3A_165 = arith.constant 1 : i32
      %sub3A_166 = arith.subi %div3A_145, %sub3A_165 : i32
      %select_n3A_167 = arith.select %and3A_164, %sub3A_166, %div3A_145 : i32
      %lt3A_168 = arith.cmpi slt, %sub3A_139, %select_n3A_167 : i32
      %and3A_169 = arith.andi %ge3A_137, %lt3A_168 : i1
      %convert_element_type3A_170 = arith.extui %and3A_169 : i1 to i32
      %cond3A_171 = arith.constant 0 : i32
      %cond3A_172 = arith.cmpi ne, %convert_element_type3A_170, %cond3A_171 : i32
      scf.if %cond3A_172 {
        %sub3A_173 = arith.constant 128 : i32
        %sub3A_174 = arith.subi %while3A_126, %sub3A_173 : i32
        %mul3A_175 = arith.constant 16 : i32
        %mul3A_176 = arith.muli %sub3A_174, %mul3A_175 : i32
        %get3A = arith.index_cast %mul3A_176 : i32 to index
        %get3A_177 = tpu.vector_load %arg12[%get3A] {strides = array<i32>} : memref<1008xi32, #tpu.memory_space<vmem>>, vector<16xi32>,
        %mul3A_178 = arith.constant 16 : i32
        %mul3A_179 = arith.muli %sub3A_174, %mul3A_178 : i32
        %get3A_180 = arith.index_cast %mul3A_179 : i32 to index
        %get3A_181 = tpu.vector_load %arg13[%get3A_180] {strides = array<i32>} : memref<1008xi32, #tpu.memory_space<vmem>>, vector<16xi32>,
        %mul3A_182 = arith.constant 16 : i32
        %mul3A_183 = arith.muli %sub3A_174, %mul3A_182 : i32
        %add3A_184 = vector.broadcast %mul3A_183 : i32 to vector<16xi32>
        %add3A_185 = arith.addi %add3A_184, %iota3A : vector<16xi32>
        %lt3A_186 = vector.broadcast %cond3A_136 : i32 to vector<16xi32>
        %lt3A_187 = arith.cmpi slt, %add3A_185, %lt3A_186 : vector<16xi32>
        %shift_right_logical3A = arith.constant 12 : i32
        %shift_right_logical3A_188 = vector.broadcast %shift_right_logical3A : i32 to vector<16xi32>
        %shift_right_logical3A_189 = arith.shrui %get3A_177, %shift_right_logical3A_188 : vector<16xi32>
        %jit3A_190 = arith.constant 255 : i32
        %broadcast_in_dim3A = vector.broadcast %jit3A_190 : i32 to vector<16xi32>
        %select_n3A_191 = arith.select %lt3A_187, %shift_right_logical3A_189, %broadcast_in_dim3A : vector<16xi1>, vector<16xi32>
        %broadcast_in_dim3A_192 = arith.constant 0 : i32
        %broadcast_in_dim3A_193 = vector.broadcast %broadcast_in_dim3A_192 : i32 to vector<16xi32>
        %slice3A = vector.extract_strided_slice %select_n3A_191 {offsets = [0], sizes = [1], strides = [1]} : vector<16xi32> to vector<1xi32>
        %squeeze3A = vector.extract %slice3A[0] : i32 from vector<1xi32>
        %get3A_194 = arith.index_cast %squeeze3A : i32 to index
        %get3A_195 = memref.load %arg21[%get3A_194] : memref<256xi32, #tpu.memory_space<smem>>
        %add3A_196 = arith.constant 1 : i32
        %add3A_197 = arith.addi %get3A_195, %add3A_196 : i32
        %swap3A = arith.index_cast %squeeze3A : i32 to index
        %swap3A_198 = memref.load %arg21[%swap3A] : memref<256xi32, #tpu.memory_space<smem>>
        memref.store %add3A_197, %arg21[%swap3A] : memref<256xi32, #tpu.memory_space<smem>>
        %mul3A_199 = arith.constant 16 : i32
        %mul3A_200 = arith.muli %squeeze3A, %mul3A_199 : i32
        %add3A_201 = arith.addi %mul3A_200, %get3A_195 : i32
        %broadcast_in_dim3A_202 = vector.broadcast %add3A_201 : i32 to vector<16xi32>
        %eq3A = arith.constant 0 : i32
        %eq3A_203 = vector.broadcast %eq3A : i32 to vector<16xi32>
        %eq3A_204 = arith.cmpi eq, %iota3A, %eq3A_203 : vector<16xi32>
        %select_n3A_205 = arith.select %eq3A_204, %broadcast_in_dim3A_202, %broadcast_in_dim3A_193 : vector<16xi1>, vector<16xi32>
        %slice3A_206 = vector.extract_strided_slice %select_n3A_191 {offsets = [1], sizes = [1], strides = [1]} : vector<16xi32> to vector<1xi32>
        %squeeze3A_207 = vector.extract %slice3A_206[0] : i32 from vector<1xi32>
        %get3A_208 = arith.index_cast %squeeze3A_207 : i32 to index
        %get3A_209 = memref.load %arg21[%get3A_208] : memref<256xi32, #tpu.memory_space<smem>>
        %add3A_210 = arith.constant 1 : i32
        %add3A_211 = arith.addi %get3A_209, %add3A_210 : i32
        %swap3A_212 = arith.index_cast %squeeze3A_207 : i32 to index
        %swap3A_213 = memref.load %arg21[%swap3A_212] : memref<256xi32, #tpu.memory_space<smem>>
        memref.store %add3A_211, %arg21[%swap3A_212] : memref<256xi32, #tpu.memory_space<smem>>
        %mul3A_214 = arith.constant 16 : i32
        %mul3A_215 = arith.muli %squeeze3A_207, %mul3A_214 : i32
        %add3A_216 = arith.addi %mul3A_215, %get3A_209 : i32
        %broadcast_in_dim3A_217 = vector.broadcast %add3A_216 : i32 to vector<16xi32>
        %eq3A_218 = arith.constant 1 : i32
        %eq3A_219 = vector.broadcast %eq3A_218 : i32 to vector<16xi32>
        %eq3A_220 = arith.cmpi eq, %iota3A, %eq3A_219 : vector<16xi32>
        %select_n3A_221 = arith.select %eq3A_220, %broadcast_in_dim3A_217, %select_n3A_205 : vector<16xi1>, vector<16xi32>
        %slice3A_222 = vector.extract_strided_slice %select_n3A_191 {offsets = [2], sizes = [1], strides = [1]} : vector<16xi32> to vector<1xi32>
        %squeeze3A_223 = vector.extract %slice3A_222[0] : i32 from vector<1xi32>
        %get3A_224 = arith.index_cast %squeeze3A_223 : i32 to index
        %get3A_225 = memref.load %arg21[%get3A_224] : memref<256xi32, #tpu.memory_space<smem>>
        %add3A_226 = arith.constant 1 : i32
        %add3A_227 = arith.addi %get3A_225, %add3A_226 : i32
        %swap3A_228 = arith.index_cast %squeeze3A_223 : i32 to index
        %swap3A_229 = memref.load %arg21[%swap3A_228] : memref<256xi32, #tpu.memory_space<smem>>
        memref.store %add3A_227, %arg21[%swap3A_228] : memref<256xi32, #tpu.memory_space<smem>>
        %mul3A_230 = arith.constant 16 : i32
        %mul3A_231 = arith.muli %squeeze3A_223, %mul3A_230 : i32
        %add3A_232 = arith.addi %mul3A_231, %get3A_225 : i32
        %broadcast_in_dim3A_233 = vector.broadcast %add3A_232 : i32 to vector<16xi32>
        %eq3A_234 = arith.constant 2 : i32
        %eq3A_235 = vector.broadcast %eq3A_234 : i32 to vector<16xi32>
        %eq3A_236 = arith.cmpi eq, %iota3A, %eq3A_235 : vector<16xi32>
        %select_n3A_237 = arith.select %eq3A_236, %broadcast_in_dim3A_233, %select_n3A_221 : vector<16xi1>, vector<16xi32>
        %slice3A_238 = vector.extract_strided_slice %select_n3A_191 {offsets = [3], sizes = [1], strides = [1]} : vector<16xi32> to vector<1xi32>
        %squeeze3A_239 = vector.extract %slice3A_238[0] : i32 from vector<1xi32>
        %get3A_240 = arith.index_cast %squeeze3A_239 : i32 to index
        %get3A_241 = memref.load %arg21[%get3A_240] : memref<256xi32, #tpu.memory_space<smem>>
        %add3A_242 = arith.constant 1 : i32
        %add3A_243 = arith.addi %get3A_241, %add3A_242 : i32
        %swap3A_244 = arith.index_cast %squeeze3A_239 : i32 to index
        %swap3A_245 = memref.load %arg21[%swap3A_244] : memref<256xi32, #tpu.memory_space<smem>>
        memref.store %add3A_243, %arg21[%swap3A_244] : memref<256xi32, #tpu.memory_space<smem>>
        %mul3A_246 = arith.constant 16 : i32
        %mul3A_247 = arith.muli %squeeze3A_239, %mul3A_246 : i32
        %add3A_248 = arith.addi %mul3A_247, %get3A_241 : i32
        %broadcast_in_dim3A_249 = vector.broadcast %add3A_248 : i32 to vector<16xi32>
        %eq3A_250 = arith.constant 3 : i32
        %eq3A_251 = vector.broadcast %eq3A_250 : i32 to vector<16xi32>
        %eq3A_252 = arith.cmpi eq, %iota3A, %eq3A_251 : vector<16xi32>
        %select_n3A_253 = arith.select %eq3A_252, %broadcast_in_dim3A_249, %select_n3A_237 : vector<16xi1>, vector<16xi32>
        %slice3A_254 = vector.extract_strided_slice %select_n3A_191 {offsets = [4], sizes = [1], strides = [1]} : vector<16xi32> to vector<1xi32>
        %squeeze3A_255 = vector.extract %slice3A_254[0] : i32 from vector<1xi32>
        %get3A_256 = arith.index_cast %squeeze3A_255 : i32 to index
        %get3A_257 = memref.load %arg21[%get3A_256] : memref<256xi32, #tpu.memory_space<smem>>
        %add3A_258 = arith.constant 1 : i32
        %add3A_259 = arith.addi %get3A_257, %add3A_258 : i32
        %swap3A_260 = arith.index_cast %squeeze3A_255 : i32 to index
        %swap3A_261 = memref.load %arg21[%swap3A_260] : memref<256xi32, #tpu.memory_space<smem>>
        memref.store %add3A_259, %arg21[%swap3A_260] : memref<256xi32, #tpu.memory_space<smem>>
        %mul3A_262 = arith.constant 16 : i32
        %mul3A_263 = arith.muli %squeeze3A_255, %mul3A_262 : i32
        %add3A_264 = arith.addi %mul3A_263, %get3A_257 : i32
        %broadcast_in_dim3A_265 = vector.broadcast %add3A_264 : i32 to vector<16xi32>
        %eq3A_266 = arith.constant 4 : i32
        %eq3A_267 = vector.broadcast %eq3A_266 : i32 to vector<16xi32>
        %eq3A_268 = arith.cmpi eq, %iota3A, %eq3A_267 : vector<16xi32>
        %select_n3A_269 = arith.select %eq3A_268, %broadcast_in_dim3A_265, %select_n3A_253 : vector<16xi1>, vector<16xi32>
        %slice3A_270 = vector.extract_strided_slice %select_n3A_191 {offsets = [5], sizes = [1], strides = [1]} : vector<16xi32> to vector<1xi32>
        %squeeze3A_271 = vector.extract %slice3A_270[0] : i32 from vector<1xi32>
        %get3A_272 = arith.index_cast %squeeze3A_271 : i32 to index
        %get3A_273 = memref.load %arg21[%get3A_272] : memref<256xi32, #tpu.memory_space<smem>>
        %add3A_274 = arith.constant 1 : i32
        %add3A_275 = arith.addi %get3A_273, %add3A_274 : i32
        %swap3A_276 = arith.index_cast %squeeze3A_271 : i32 to index
        %swap3A_277 = memref.load %arg21[%swap3A_276] : memref<256xi32, #tpu.memory_space<smem>>
        memref.store %add3A_275, %arg21[%swap3A_276] : memref<256xi32, #tpu.memory_space<smem>>
        %mul3A_278 = arith.constant 16 : i32
        %mul3A_279 = arith.muli %squeeze3A_271, %mul3A_278 : i32
        %add3A_280 = arith.addi %mul3A_279, %get3A_273 : i32
        %broadcast_in_dim3A_281 = vector.broadcast %add3A_280 : i32 to vector<16xi32>
        %eq3A_282 = arith.constant 5 : i32
        %eq3A_283 = vector.broadcast %eq3A_282 : i32 to vector<16xi32>
        %eq3A_284 = arith.cmpi eq, %iota3A, %eq3A_283 : vector<16xi32>
        %select_n3A_285 = arith.select %eq3A_284, %broadcast_in_dim3A_281, %select_n3A_269 : vector<16xi1>, vector<16xi32>
        %slice3A_286 = vector.extract_strided_slice %select_n3A_191 {offsets = [6], sizes = [1], strides = [1]} : vector<16xi32> to vector<1xi32>
        %squeeze3A_287 = vector.extract %slice3A_286[0] : i32 from vector<1xi32>
        %get3A_288 = arith.index_cast %squeeze3A_287 : i32 to index
        %get3A_289 = memref.load %arg21[%get3A_288] : memref<256xi32, #tpu.memory_space<smem>>
        %add3A_290 = arith.constant 1 : i32
        %add3A_291 = arith.addi %get3A_289, %add3A_290 : i32
        %swap3A_292 = arith.index_cast %squeeze3A_287 : i32 to index
        %swap3A_293 = memref.load %arg21[%swap3A_292] : memref<256xi32, #tpu.memory_space<smem>>
        memref.store %add3A_291, %arg21[%swap3A_292] : memref<256xi32, #tpu.memory_space<smem>>
        %mul3A_294 = arith.constant 16 : i32
        %mul3A_295 = arith.muli %squeeze3A_287, %mul3A_294 : i32
        %add3A_296 = arith.addi %mul3A_295, %get3A_289 : i32
        %broadcast_in_dim3A_297 = vector.broadcast %add3A_296 : i32 to vector<16xi32>
        %eq3A_298 = arith.constant 6 : i32
        %eq3A_299 = vector.broadcast %eq3A_298 : i32 to vector<16xi32>
        %eq3A_300 = arith.cmpi eq, %iota3A, %eq3A_299 : vector<16xi32>
        %select_n3A_301 = arith.select %eq3A_300, %broadcast_in_dim3A_297, %select_n3A_285 : vector<16xi1>, vector<16xi32>
        %slice3A_302 = vector.extract_strided_slice %select_n3A_191 {offsets = [7], sizes = [1], strides = [1]} : vector<16xi32> to vector<1xi32>
        %squeeze3A_303 = vector.extract %slice3A_302[0] : i32 from vector<1xi32>
        %get3A_304 = arith.index_cast %squeeze3A_303 : i32 to index
        %get3A_305 = memref.load %arg21[%get3A_304] : memref<256xi32, #tpu.memory_space<smem>>
        %add3A_306 = arith.constant 1 : i32
        %add3A_307 = arith.addi %get3A_305, %add3A_306 : i32
        %swap3A_308 = arith.index_cast %squeeze3A_303 : i32 to index
        %swap3A_309 = memref.load %arg21[%swap3A_308] : memref<256xi32, #tpu.memory_space<smem>>
        memref.store %add3A_307, %arg21[%swap3A_308] : memref<256xi32, #tpu.memory_space<smem>>
        %mul3A_310 = arith.constant 16 : i32
        %mul3A_311 = arith.muli %squeeze3A_303, %mul3A_310 : i32
        %add3A_312 = arith.addi %mul3A_311, %get3A_305 : i32
        %broadcast_in_dim3A_313 = vector.broadcast %add3A_312 : i32 to vector<16xi32>
        %eq3A_314 = arith.constant 7 : i32
        %eq3A_315 = vector.broadcast %eq3A_314 : i32 to vector<16xi32>
        %eq3A_316 = arith.cmpi eq, %iota3A, %eq3A_315 : vector<16xi32>
        %select_n3A_317 = arith.select %eq3A_316, %broadcast_in_dim3A_313, %select_n3A_301 : vector<16xi1>, vector<16xi32>
        %slice3A_318 = vector.extract_strided_slice %select_n3A_191 {offsets = [8], sizes = [1], strides = [1]} : vector<16xi32> to vector<1xi32>
        %squeeze3A_319 = vector.extract %slice3A_318[0] : i32 from vector<1xi32>
        %get3A_320 = arith.index_cast %squeeze3A_319 : i32 to index
        %get3A_321 = memref.load %arg21[%get3A_320] : memref<256xi32, #tpu.memory_space<smem>>
        %add3A_322 = arith.constant 1 : i32
        %add3A_323 = arith.addi %get3A_321, %add3A_322 : i32
        %swap3A_324 = arith.index_cast %squeeze3A_319 : i32 to index
        %swap3A_325 = memref.load %arg21[%swap3A_324] : memref<256xi32, #tpu.memory_space<smem>>
        memref.store %add3A_323, %arg21[%swap3A_324] : memref<256xi32, #tpu.memory_space<smem>>
        %mul3A_326 = arith.constant 16 : i32
        %mul3A_327 = arith.muli %squeeze3A_319, %mul3A_326 : i32
        %add3A_328 = arith.addi %mul3A_327, %get3A_321 : i32
        %broadcast_in_dim3A_329 = vector.broadcast %add3A_328 : i32 to vector<16xi32>
        %eq3A_330 = arith.constant 8 : i32
        %eq3A_331 = vector.broadcast %eq3A_330 : i32 to vector<16xi32>
        %eq3A_332 = arith.cmpi eq, %iota3A, %eq3A_331 : vector<16xi32>
        %select_n3A_333 = arith.select %eq3A_332, %broadcast_in_dim3A_329, %select_n3A_317 : vector<16xi1>, vector<16xi32>
        %slice3A_334 = vector.extract_strided_slice %select_n3A_191 {offsets = [9], sizes = [1], strides = [1]} : vector<16xi32> to vector<1xi32>
        %squeeze3A_335 = vector.extract %slice3A_334[0] : i32 from vector<1xi32>
        %get3A_336 = arith.index_cast %squeeze3A_335 : i32 to index
        %get3A_337 = memref.load %arg21[%get3A_336] : memref<256xi32, #tpu.memory_space<smem>>
        %add3A_338 = arith.constant 1 : i32
        %add3A_339 = arith.addi %get3A_337, %add3A_338 : i32
        %swap3A_340 = arith.index_cast %squeeze3A_335 : i32 to index
        %swap3A_341 = memref.load %arg21[%swap3A_340] : memref<256xi32, #tpu.memory_space<smem>>
        memref.store %add3A_339, %arg21[%swap3A_340] : memref<256xi32, #tpu.memory_space<smem>>
        %mul3A_342 = arith.constant 16 : i32
        %mul3A_343 = arith.muli %squeeze3A_335, %mul3A_342 : i32
        %add3A_344 = arith.addi %mul3A_343, %get3A_337 : i32
        %broadcast_in_dim3A_345 = vector.broadcast %add3A_344 : i32 to vector<16xi32>
        %eq3A_346 = arith.constant 9 : i32
        %eq3A_347 = vector.broadcast %eq3A_346 : i32 to vector<16xi32>
        %eq3A_348 = arith.cmpi eq, %iota3A, %eq3A_347 : vector<16xi32>
        %select_n3A_349 = arith.select %eq3A_348, %broadcast_in_dim3A_345, %select_n3A_333 : vector<16xi1>, vector<16xi32>
        %slice3A_350 = vector.extract_strided_slice %select_n3A_191 {offsets = [10], sizes = [1], strides = [1]} : vector<16xi32> to vector<1xi32>
        %squeeze3A_351 = vector.extract %slice3A_350[0] : i32 from vector<1xi32>
        %get3A_352 = arith.index_cast %squeeze3A_351 : i32 to index
        %get3A_353 = memref.load %arg21[%get3A_352] : memref<256xi32, #tpu.memory_space<smem>>
        %add3A_354 = arith.constant 1 : i32
        %add3A_355 = arith.addi %get3A_353, %add3A_354 : i32
        %swap3A_356 = arith.index_cast %squeeze3A_351 : i32 to index
        %swap3A_357 = memref.load %arg21[%swap3A_356] : memref<256xi32, #tpu.memory_space<smem>>
        memref.store %add3A_355, %arg21[%swap3A_356] : memref<256xi32, #tpu.memory_space<smem>>
        %mul3A_358 = arith.constant 16 : i32
        %mul3A_359 = arith.muli %squeeze3A_351, %mul3A_358 : i32
        %add3A_360 = arith.addi %mul3A_359, %get3A_353 : i32
        %broadcast_in_dim3A_361 = vector.broadcast %add3A_360 : i32 to vector<16xi32>
        %eq3A_362 = arith.constant 10 : i32
        %eq3A_363 = vector.broadcast %eq3A_362 : i32 to vector<16xi32>
        %eq3A_364 = arith.cmpi eq, %iota3A, %eq3A_363 : vector<16xi32>
        %select_n3A_365 = arith.select %eq3A_364, %broadcast_in_dim3A_361, %select_n3A_349 : vector<16xi1>, vector<16xi32>
        %slice3A_366 = vector.extract_strided_slice %select_n3A_191 {offsets = [11], sizes = [1], strides = [1]} : vector<16xi32> to vector<1xi32>
        %squeeze3A_367 = vector.extract %slice3A_366[0] : i32 from vector<1xi32>
        %get3A_368 = arith.index_cast %squeeze3A_367 : i32 to index
        %get3A_369 = memref.load %arg21[%get3A_368] : memref<256xi32, #tpu.memory_space<smem>>
        %add3A_370 = arith.constant 1 : i32
        %add3A_371 = arith.addi %get3A_369, %add3A_370 : i32
        %swap3A_372 = arith.index_cast %squeeze3A_367 : i32 to index
        %swap3A_373 = memref.load %arg21[%swap3A_372] : memref<256xi32, #tpu.memory_space<smem>>
        memref.store %add3A_371, %arg21[%swap3A_372] : memref<256xi32, #tpu.memory_space<smem>>
        %mul3A_374 = arith.constant 16 : i32
        %mul3A_375 = arith.muli %squeeze3A_367, %mul3A_374 : i32
        %add3A_376 = arith.addi %mul3A_375, %get3A_369 : i32
        %broadcast_in_dim3A_377 = vector.broadcast %add3A_376 : i32 to vector<16xi32>
        %eq3A_378 = arith.constant 11 : i32
        %eq3A_379 = vector.broadcast %eq3A_378 : i32 to vector<16xi32>
        %eq3A_380 = arith.cmpi eq, %iota3A, %eq3A_379 : vector<16xi32>
        %select_n3A_381 = arith.select %eq3A_380, %broadcast_in_dim3A_377, %select_n3A_365 : vector<16xi1>, vector<16xi32>
        %slice3A_382 = vector.extract_strided_slice %select_n3A_191 {offsets = [12], sizes = [1], strides = [1]} : vector<16xi32> to vector<1xi32>
        %squeeze3A_383 = vector.extract %slice3A_382[0] : i32 from vector<1xi32>
        %get3A_384 = arith.index_cast %squeeze3A_383 : i32 to index
        %get3A_385 = memref.load %arg21[%get3A_384] : memref<256xi32, #tpu.memory_space<smem>>
        %add3A_386 = arith.constant 1 : i32
        %add3A_387 = arith.addi %get3A_385, %add3A_386 : i32
        %swap3A_388 = arith.index_cast %squeeze3A_383 : i32 to index
        %swap3A_389 = memref.load %arg21[%swap3A_388] : memref<256xi32, #tpu.memory_space<smem>>
        memref.store %add3A_387, %arg21[%swap3A_388] : memref<256xi32, #tpu.memory_space<smem>>
        %mul3A_390 = arith.constant 16 : i32
        %mul3A_391 = arith.muli %squeeze3A_383, %mul3A_390 : i32
        %add3A_392 = arith.addi %mul3A_391, %get3A_385 : i32
        %broadcast_in_dim3A_393 = vector.broadcast %add3A_392 : i32 to vector<16xi32>
        %eq3A_394 = arith.constant 12 : i32
        %eq3A_395 = vector.broadcast %eq3A_394 : i32 to vector<16xi32>
        %eq3A_396 = arith.cmpi eq, %iota3A, %eq3A_395 : vector<16xi32>
        %select_n3A_397 = arith.select %eq3A_396, %broadcast_in_dim3A_393, %select_n3A_381 : vector<16xi1>, vector<16xi32>
        %slice3A_398 = vector.extract_strided_slice %select_n3A_191 {offsets = [13], sizes = [1], strides = [1]} : vector<16xi32> to vector<1xi32>
        %squeeze3A_399 = vector.extract %slice3A_398[0] : i32 from vector<1xi32>
        %get3A_400 = arith.index_cast %squeeze3A_399 : i32 to index
        %get3A_401 = memref.load %arg21[%get3A_400] : memref<256xi32, #tpu.memory_space<smem>>
        %add3A_402 = arith.constant 1 : i32
        %add3A_403 = arith.addi %get3A_401, %add3A_402 : i32
        %swap3A_404 = arith.index_cast %squeeze3A_399 : i32 to index
        %swap3A_405 = memref.load %arg21[%swap3A_404] : memref<256xi32, #tpu.memory_space<smem>>
        memref.store %add3A_403, %arg21[%swap3A_404] : memref<256xi32, #tpu.memory_space<smem>>
        %mul3A_406 = arith.constant 16 : i32
        %mul3A_407 = arith.muli %squeeze3A_399, %mul3A_406 : i32
        %add3A_408 = arith.addi %mul3A_407, %get3A_401 : i32
        %broadcast_in_dim3A_409 = vector.broadcast %add3A_408 : i32 to vector<16xi32>
        %eq3A_410 = arith.constant 13 : i32
        %eq3A_411 = vector.broadcast %eq3A_410 : i32 to vector<16xi32>
        %eq3A_412 = arith.cmpi eq, %iota3A, %eq3A_411 : vector<16xi32>
        %select_n3A_413 = arith.select %eq3A_412, %broadcast_in_dim3A_409, %select_n3A_397 : vector<16xi1>, vector<16xi32>
        %slice3A_414 = vector.extract_strided_slice %select_n3A_191 {offsets = [14], sizes = [1], strides = [1]} : vector<16xi32> to vector<1xi32>
        %squeeze3A_415 = vector.extract %slice3A_414[0] : i32 from vector<1xi32>
        %get3A_416 = arith.index_cast %squeeze3A_415 : i32 to index
        %get3A_417 = memref.load %arg21[%get3A_416] : memref<256xi32, #tpu.memory_space<smem>>
        %add3A_418 = arith.constant 1 : i32
        %add3A_419 = arith.addi %get3A_417, %add3A_418 : i32
        %swap3A_420 = arith.index_cast %squeeze3A_415 : i32 to index
        %swap3A_421 = memref.load %arg21[%swap3A_420] : memref<256xi32, #tpu.memory_space<smem>>
        memref.store %add3A_419, %arg21[%swap3A_420] : memref<256xi32, #tpu.memory_space<smem>>
        %mul3A_422 = arith.constant 16 : i32
        %mul3A_423 = arith.muli %squeeze3A_415, %mul3A_422 : i32
        %add3A_424 = arith.addi %mul3A_423, %get3A_417 : i32
        %broadcast_in_dim3A_425 = vector.broadcast %add3A_424 : i32 to vector<16xi32>
        %eq3A_426 = arith.constant 14 : i32
        %eq3A_427 = vector.broadcast %eq3A_426 : i32 to vector<16xi32>
        %eq3A_428 = arith.cmpi eq, %iota3A, %eq3A_427 : vector<16xi32>
        %select_n3A_429 = arith.select %eq3A_428, %broadcast_in_dim3A_425, %select_n3A_413 : vector<16xi1>, vector<16xi32>
        %slice3A_430 = vector.extract_strided_slice %select_n3A_191 {offsets = [15], sizes = [1], strides = [1]} : vector<16xi32> to vector<1xi32>
        %squeeze3A_431 = vector.extract %slice3A_430[0] : i32 from vector<1xi32>
        %get3A_432 = arith.index_cast %squeeze3A_431 : i32 to index
        %get3A_433 = memref.load %arg21[%get3A_432] : memref<256xi32, #tpu.memory_space<smem>>
        %add3A_434 = arith.constant 1 : i32
        %add3A_435 = arith.addi %get3A_433, %add3A_434 : i32
        %swap3A_436 = arith.index_cast %squeeze3A_431 : i32 to index
        %swap3A_437 = memref.load %arg21[%swap3A_436] : memref<256xi32, #tpu.memory_space<smem>>
        memref.store %add3A_435, %arg21[%swap3A_436] : memref<256xi32, #tpu.memory_space<smem>>
        %mul3A_438 = arith.constant 16 : i32
        %mul3A_439 = arith.muli %squeeze3A_431, %mul3A_438 : i32
        %add3A_440 = arith.addi %mul3A_439, %get3A_433 : i32
        %broadcast_in_dim3A_441 = vector.broadcast %add3A_440 : i32 to vector<16xi32>
        %eq3A_442 = arith.constant 15 : i32
        %eq3A_443 = vector.broadcast %eq3A_442 : i32 to vector<16xi32>
        %eq3A_444 = arith.cmpi eq, %iota3A, %eq3A_443 : vector<16xi32>
        %select_n3A_445 = arith.select %eq3A_444, %broadcast_in_dim3A_441, %select_n3A_429 : vector<16xi1>, vector<16xi32>
        tpu.vector_store_idx %arg16[%select_n3A_445], %get3A_177 masked %lt3A_187 : memref<4096xi32, #tpu.memory_space<vmem>>[vector<16xi32>], vector<16xi32>, vector<16xi1>
        tpu.vector_store_idx %arg17[%select_n3A_445], %get3A_181 masked %lt3A_187 : memref<4096xi32, #tpu.memory_space<vmem>>[vector<16xi32>], vector<16xi32>, vector<16xi1>
      } else {
      }
      scf.yield %cond3A_130, %cond3A_136 : i32, i32
    }
    %while3A_71 = arith.constant 1 : i32
    %while3A_72:2 = scf.for %while3A_126 = %while3A_68 to %while3A_64 step %while3A_71 iter_args(%while3A_127 = %while3A_70#0, %while3A_128 = %while3A_70#1) -> (i32, i32)  : i32 {
      %lt3A = arith.cmpi slt, %while3A_126, %scan3A_50 : i32
      %convert_element_type3A = arith.extui %lt3A : i1 to i32
      %cond3A = arith.constant 0 : i32
      %cond3A_129 = arith.cmpi ne, %convert_element_type3A, %cond3A : i32
      %cond3A_130 = scf.if %cond3A_129 -> (i32) {
        %rem3A_173 = arith.constant 14 : i32
        %rem3A_174 = arith.remsi %while3A_126, %rem3A_173 : i32
        %dma_wait3A = arith.constant 0 : i32
        %dma_wait3A_175 = arith.constant 0 : i32
        %dma_wait3A_176 = tpu.memref_slice %arg22[%rem3A_174, %dma_wait3A, %dma_wait3A_175] : memref<14x32x128xf32, #tpu.memory_space<vmem>> -> memref<1x32x128xf32, #tpu.memory_space<vmem>>
        %dma_wait3A_177 = tpu.memref_squeeze %dma_wait3A_176 : memref<1x32x128xf32, #tpu.memory_space<vmem>> -> memref<32x128xf32, #tpu.memory_space<vmem>>
        %dma_wait3A_178 = arith.constant 0 : i32
        %dma_wait3A_179 = arith.constant 0 : i32
        %dma_wait3A_180 = tpu.memref_slice %arg4[%dma_wait3A_178, %dma_wait3A_179] : memref<32x1000000xf32, #tpu.memory_space<hbm>> -> memref<32x128xf32, #tpu.memory_space<hbm>>
        %dma_wait3A_181 = arith.constant 0 : i32
        %dma_wait3A_182 = arith.constant 0 : i32
        %dma_wait3A_183 = tpu.memref_slice %arg22[%rem3A_174, %dma_wait3A_181, %dma_wait3A_182] : memref<14x32x128xf32, #tpu.memory_space<vmem>> -> memref<1x32x128xf32, #tpu.memory_space<vmem>>
        %dma_wait3A_184 = tpu.memref_squeeze %dma_wait3A_183 : memref<1x32x128xf32, #tpu.memory_space<vmem>> -> memref<32x128xf32, #tpu.memory_space<vmem>>
        %dma_wait3A_185 = arith.constant 0 : i32
        %dma_wait3A_186 = arith.constant 0 : i32
        %dma_wait3A_187 = tpu.memref_slice %arg4[%dma_wait3A_185, %dma_wait3A_186] : memref<32x1000000xf32, #tpu.memory_space<hbm>> -> memref<32x128xf32, #tpu.memory_space<hbm>>
        tpu.wait_dma2 semaphore(%arg24 : memref<!tpu.dma_semaphore, #tpu.memory_space<semaphore_mem>>) src(%dma_wait3A_187 : memref<32x128xf32, #tpu.memory_space<hbm>>) dst(%dma_wait3A_184 : memref<32x128xf32, #tpu.memory_space<vmem>>)
        %get3A = arith.index_cast %while3A_126 : i32 to index
        %get3A_188 = memref.load %arg18[%get3A] : memref<256xi32, #tpu.memory_space<smem>>
        %get3A_189 = arith.index_cast %get3A_188 : i32 to index
        %get3A_190 = memref.load %arg20[%get3A_189] : memref<256xi32, #tpu.memory_space<smem>>
        %mul3A_191 = arith.constant 16 : i32
        %mul3A_192 = arith.muli %get3A_188, %mul3A_191 : i32
        %add3A_193 = arith.constant 14 : i32
        %add3A_194 = arith.addi %while3A_126, %add3A_193 : i32
        %lt3A_195 = arith.cmpi slt, %add3A_194, %scan3A_50 : i32
        %convert_element_type3A_196 = arith.extui %lt3A_195 : i1 to i32
        %cond3A_197 = arith.constant 0 : i32
        %cond3A_198 = arith.cmpi ne, %convert_element_type3A_196, %cond3A_197 : i32
        scf.if %cond3A_198 {
          %add3A_212 = arith.constant 14 : i32
          %add3A_213 = arith.addi %while3A_126, %add3A_212 : i32
          %get3A_214 = arith.index_cast %add3A_213 : i32 to index
          %get3A_215 = memref.load %arg18[%get3A_214] : memref<256xi32, #tpu.memory_space<smem>>
          %mul3A_216 = arith.constant 32 : i32
          %mul3A_217 = arith.muli %get3A_215, %mul3A_216 : i32
          %add3A_218 = arith.addi %mul3A_217, %add3A : i32
          %mul3A_219 = arith.constant 128 : i32
          %mul3A_220 = arith.muli %add3A_218, %mul3A_219 : i32
          %multiple_of3A = tpu.assume_multiple %mul3A_220, 128 : i32
          %rem3A_221 = arith.constant 14 : i32
          %rem3A_222 = arith.remsi %add3A_213, %rem3A_221 : i32
          %dma_start3A = arith.constant 0 : i32
          %dma_start3A_223 = arith.constant 0 : i32
          %dma_start3A_224 = tpu.memref_slice %arg22[%rem3A_222, %dma_start3A, %dma_start3A_223] : memref<14x32x128xf32, #tpu.memory_space<vmem>> -> memref<1x32x128xf32, #tpu.memory_space<vmem>>
          %dma_start3A_225 = tpu.memref_squeeze %dma_start3A_224 : memref<1x32x128xf32, #tpu.memory_space<vmem>> -> memref<32x128xf32, #tpu.memory_space<vmem>>
          %dma_start3A_226 = arith.constant 0 : i32
          %dma_start3A_227 = tpu.memref_slice %arg4[%dma_start3A_226, %multiple_of3A] : memref<32x1000000xf32, #tpu.memory_space<hbm>> -> memref<32x128xf32, #tpu.memory_space<hbm>>
          %dma_start3A_228 = arith.constant 0 : i32
          %dma_start3A_229 = arith.constant 0 : i32
          %dma_start3A_230 = tpu.memref_slice %arg22[%rem3A_222, %dma_start3A_228, %dma_start3A_229] : memref<14x32x128xf32, #tpu.memory_space<vmem>> -> memref<1x32x128xf32, #tpu.memory_space<vmem>>
          %dma_start3A_231 = tpu.memref_squeeze %dma_start3A_230 : memref<1x32x128xf32, #tpu.memory_space<vmem>> -> memref<32x128xf32, #tpu.memory_space<vmem>>
          %dma_start3A_232 = arith.constant 0 : i32
          %dma_start3A_233 = tpu.memref_slice %arg4[%dma_start3A_232, %multiple_of3A] : memref<32x1000000xf32, #tpu.memory_space<hbm>> -> memref<32x128xf32, #tpu.memory_space<hbm>>
          tpu.enqueue_dma source(%dma_start3A_233 : memref<32x128xf32, #tpu.memory_space<hbm>>) target(%dma_start3A_231 : memref<32x128xf32, #tpu.memory_space<vmem>>) target_semaphore(%arg24 : memref<!tpu.dma_semaphore, #tpu.memory_space<semaphore_mem>>)
        } else {
        }
        %while3A_199 = arith.constant 0 : i32
        %while3A_200 = arith.constant 0 : i32
        %while3A_201 = arith.subi %get3A_190, %while3A_199 : i32
        %while3A_202 = arith.addi %while3A_199, %while3A_201 : i32
        %while3A_203 = arith.constant 1 : i32
        %while3A_204 = arith.divsi %while3A_201, %while3A_203 : i32
        %while3A_205 = arith.muli %while3A_204, %while3A_203 : i32
        %while3A_206 = arith.addi %while3A_199, %while3A_205 : i32
        %while3A_207 = arith.constant 1 : i32
        %while3A_208 = scf.for %while3A_212 = %while3A_199 to %while3A_206 step %while3A_207 iter_args(%while3A_213 = %while3A_200) -> (i32)  : i32 {
          %add3A_214 = arith.addi %while3A_127, %while3A_212 : i32
          %ge3A_215 = arith.constant 32 : i32
          %ge3A_216 = arith.cmpi sge, %add3A_214, %ge3A_215 : i32
          %convert_element_type3A_217 = arith.extui %ge3A_216 : i1 to i32
          %cond3A_218 = arith.constant 0 : i32
          %cond3A_219 = arith.cmpi ne, %convert_element_type3A_217, %cond3A_218 : i32
          scf.if %cond3A_219 {
            %dma_wait3A_252 = arith.constant 0 : i32
            %dma_wait3A_253 = arith.constant 0 : i32
            %dma_wait3A_254 = tpu.memref_slice %arg23[%dma_wait3A_252, %dma_wait3A_253] : memref<32x32xf32, #tpu.memory_space<vmem>> -> memref<1x32xf32, #tpu.memory_space<vmem>>
            %dma_wait3A_255 = tpu.memref_squeeze %dma_wait3A_254 : memref<1x32xf32, #tpu.memory_space<vmem>> -> memref<32xf32, #tpu.memory_space<vmem>>
            %dma_wait3A_256 = arith.constant 0 : i32
            %dma_wait3A_257 = tpu.memref_slice %arg6[%dma_wait3A_256] : memref<524288xf32, #tpu.memory_space<hbm>> -> memref<32xf32, #tpu.memory_space<hbm>>
            %dma_wait3A_258 = arith.constant 0 : i32
            %dma_wait3A_259 = tpu.memref_slice %arg6[%dma_wait3A_258] : memref<524288xf32, #tpu.memory_space<hbm>> -> memref<32xf32, #tpu.memory_space<hbm>>
            %dma_wait3A_260 = arith.constant 0 : i32
            %dma_wait3A_261 = tpu.memref_slice %arg23[%dma_wait3A_252, %dma_wait3A_260] : memref<32x32xf32, #tpu.memory_space<vmem>> -> memref<1x32xf32, #tpu.memory_space<vmem>>
            %dma_wait3A_262 = tpu.memref_squeeze %dma_wait3A_261 : memref<1x32xf32, #tpu.memory_space<vmem>> -> memref<32xf32, #tpu.memory_space<vmem>>
            tpu.wait_dma2 semaphore(%arg25 : memref<!tpu.dma_semaphore, #tpu.memory_space<semaphore_mem>>) src(%dma_wait3A_262 : memref<32xf32, #tpu.memory_space<vmem>>) dst(%dma_wait3A_259 : memref<32xf32, #tpu.memory_space<hbm>>)
          } else {
          }
          %broadcast_in_dim3A = vector.broadcast %mul3A_192 : i32 to vector<16xi32>
          %add3A_220 = vector.broadcast %while3A_212 : i32 to vector<16xi32>
          %add3A_221 = arith.addi %broadcast_in_dim3A, %add3A_220 : vector<16xi32>
          %gather3A = tpu.vector_load_idx %arg14[%add3A_221] : memref<4096xi32, #tpu.memory_space<vmem>>[vector<16xi32>], vector<16xi32>,
          %broadcast_in_dim3A_222 = vector.broadcast %mul3A_192 : i32 to vector<16xi32>
          %add3A_223 = vector.broadcast %while3A_212 : i32 to vector<16xi32>
          %add3A_224 = arith.addi %broadcast_in_dim3A_222, %add3A_223 : vector<16xi32>
          %gather3A_225 = tpu.vector_load_idx %arg15[%add3A_224] : memref<4096xi32, #tpu.memory_space<vmem>>[vector<16xi32>], vector<16xi32>,
          %and3A_226 = arith.constant 127 : i32
          %and3A_227 = vector.broadcast %and3A_226 : i32 to vector<16xi32>
          %and3A_228 = arith.andi %gather3A, %and3A_227 : vector<16xi32>
          %broadcast_in_dim3A_229 = vector.broadcast %rem3A_174 : i32 to vector<16xi32>
          %gather3A_230 = tpu.vector_load_idx %arg22[%broadcast_in_dim3A_229, %iota3A, %and3A_228] : memref<14x32x128xf32, #tpu.memory_space<vmem>>[vector<16xi32>, vector<16xi32>, vector<16xi32>], vector<16xf32>,
          %add3A_231 = arith.constant 16 : i32
          %add3A_232 = vector.broadcast %add3A_231 : i32 to vector<16xi32>
          %add3A_233 = arith.addi %iota3A, %add3A_232 : vector<16xi32>
          %gather3A_234 = tpu.vector_load_idx %arg22[%broadcast_in_dim3A_229, %add3A_233, %and3A_228] : memref<14x32x128xf32, #tpu.memory_space<vmem>>[vector<16xi32>, vector<16xi32>, vector<16xi32>], vector<16xf32>,
          %rem3A_235 = arith.constant 32 : i32
          %rem3A_236 = arith.remsi %add3A_214, %rem3A_235 : i32
          %swap3A = arith.index_cast %rem3A_236 : i32 to index
          %swap3A_237 = arith.constant 0 : index
          %swap3A_238 = tpu.vector_load %arg23[%swap3A, %swap3A_237] {strides = array<i32>} : memref<32x32xf32, #tpu.memory_space<vmem>>, vector<16xf32>,
          tpu.vector_store %arg23[%swap3A, %swap3A_237], %gather3A_230 {strides = array<i32>} : memref<32x32xf32, #tpu.memory_space<vmem>>, vector<16xf32>,
          %swap3A_239 = arith.index_cast %rem3A_236 : i32 to index
          %swap3A_240 = arith.constant 16 : index
          %swap3A_241 = tpu.vector_load %arg23[%swap3A_239, %swap3A_240] {strides = array<i32>} : memref<32x32xf32, #tpu.memory_space<vmem>>, vector<16xf32>,
          tpu.vector_store %arg23[%swap3A_239, %swap3A_240], %gather3A_234 {strides = array<i32>} : memref<32x32xf32, #tpu.memory_space<vmem>>, vector<16xf32>,
          %slice3A = vector.extract_strided_slice %gather3A_225 {offsets = [0], sizes = [1], strides = [1]} : vector<16xi32> to vector<1xi32>
          %squeeze3A = vector.extract %slice3A[0] : i32 from vector<1xi32>
          %mul3A_242 = arith.constant 32 : i32
          %mul3A_243 = arith.muli %squeeze3A, %mul3A_242 : i32
          %dma_start3A = arith.constant 0 : i32
          %dma_start3A_244 = tpu.memref_slice %arg23[%rem3A_236, %dma_start3A] : memref<32x32xf32, #tpu.memory_space<vmem>> -> memref<1x32xf32, #tpu.memory_space<vmem>>
          %dma_start3A_245 = tpu.memref_squeeze %dma_start3A_244 : memref<1x32xf32, #tpu.memory_space<vmem>> -> memref<32xf32, #tpu.memory_space<vmem>>
          %dma_start3A_246 = tpu.memref_slice %arg6[%mul3A_243] : memref<524288xf32, #tpu.memory_space<hbm>> -> memref<32xf32, #tpu.memory_space<hbm>>
          %dma_start3A_247 = tpu.memref_slice %arg6[%mul3A_243] : memref<524288xf32, #tpu.memory_space<hbm>> -> memref<32xf32, #tpu.memory_space<hbm>>
          %dma_start3A_248 = arith.constant 0 : i32
          %dma_start3A_249 = tpu.memref_slice %arg23[%rem3A_236, %dma_start3A_248] : memref<32x32xf32, #tpu.memory_space<vmem>> -> memref<1x32xf32, #tpu.memory_space<vmem>>
          %dma_start3A_250 = tpu.memref_squeeze %dma_start3A_249 : memref<1x32xf32, #tpu.memory_space<vmem>> -> memref<32xf32, #tpu.memory_space<vmem>>
          tpu.enqueue_dma source(%dma_start3A_250 : memref<32xf32, #tpu.memory_space<vmem>>) target(%dma_start3A_247 : memref<32xf32, #tpu.memory_space<hbm>>) target_semaphore(%arg25 : memref<!tpu.dma_semaphore, #tpu.memory_space<semaphore_mem>>)
          %while3A_251 = arith.constant 0 : i32
          scf.yield %while3A_251 : i32
        }
        %while3A_209 = arith.constant 1 : i32
        %while3A_210 = scf.for %while3A_212 = %while3A_206 to %while3A_202 step %while3A_209 iter_args(%while3A_213 = %while3A_208) -> (i32)  : i32 {
          %add3A_214 = arith.addi %while3A_127, %while3A_212 : i32
          %ge3A_215 = arith.constant 32 : i32
          %ge3A_216 = arith.cmpi sge, %add3A_214, %ge3A_215 : i32
          %convert_element_type3A_217 = arith.extui %ge3A_216 : i1 to i32
          %cond3A_218 = arith.constant 0 : i32
          %cond3A_219 = arith.cmpi ne, %convert_element_type3A_217, %cond3A_218 : i32
          scf.if %cond3A_219 {
            %dma_wait3A_252 = arith.constant 0 : i32
            %dma_wait3A_253 = arith.constant 0 : i32
            %dma_wait3A_254 = tpu.memref_slice %arg23[%dma_wait3A_252, %dma_wait3A_253] : memref<32x32xf32, #tpu.memory_space<vmem>> -> memref<1x32xf32, #tpu.memory_space<vmem>>
            %dma_wait3A_255 = tpu.memref_squeeze %dma_wait3A_254 : memref<1x32xf32, #tpu.memory_space<vmem>> -> memref<32xf32, #tpu.memory_space<vmem>>
            %dma_wait3A_256 = arith.constant 0 : i32
            %dma_wait3A_257 = tpu.memref_slice %arg6[%dma_wait3A_256] : memref<524288xf32, #tpu.memory_space<hbm>> -> memref<32xf32, #tpu.memory_space<hbm>>
            %dma_wait3A_258 = arith.constant 0 : i32
            %dma_wait3A_259 = tpu.memref_slice %arg6[%dma_wait3A_258] : memref<524288xf32, #tpu.memory_space<hbm>> -> memref<32xf32, #tpu.memory_space<hbm>>
            %dma_wait3A_260 = arith.constant 0 : i32
            %dma_wait3A_261 = tpu.memref_slice %arg23[%dma_wait3A_252, %dma_wait3A_260] : memref<32x32xf32, #tpu.memory_space<vmem>> -> memref<1x32xf32, #tpu.memory_space<vmem>>
            %dma_wait3A_262 = tpu.memref_squeeze %dma_wait3A_261 : memref<1x32xf32, #tpu.memory_space<vmem>> -> memref<32xf32, #tpu.memory_space<vmem>>
            tpu.wait_dma2 semaphore(%arg25 : memref<!tpu.dma_semaphore, #tpu.memory_space<semaphore_mem>>) src(%dma_wait3A_262 : memref<32xf32, #tpu.memory_space<vmem>>) dst(%dma_wait3A_259 : memref<32xf32, #tpu.memory_space<hbm>>)
          } else {
          }
          %broadcast_in_dim3A = vector.broadcast %mul3A_192 : i32 to vector<16xi32>
          %add3A_220 = vector.broadcast %while3A_212 : i32 to vector<16xi32>
          %add3A_221 = arith.addi %broadcast_in_dim3A, %add3A_220 : vector<16xi32>
          %gather3A = tpu.vector_load_idx %arg14[%add3A_221] : memref<4096xi32, #tpu.memory_space<vmem>>[vector<16xi32>], vector<16xi32>,
          %broadcast_in_dim3A_222 = vector.broadcast %mul3A_192 : i32 to vector<16xi32>
          %add3A_223 = vector.broadcast %while3A_212 : i32 to vector<16xi32>
          %add3A_224 = arith.addi %broadcast_in_dim3A_222, %add3A_223 : vector<16xi32>
          %gather3A_225 = tpu.vector_load_idx %arg15[%add3A_224] : memref<4096xi32, #tpu.memory_space<vmem>>[vector<16xi32>], vector<16xi32>,
          %and3A_226 = arith.constant 127 : i32
          %and3A_227 = vector.broadcast %and3A_226 : i32 to vector<16xi32>
          %and3A_228 = arith.andi %gather3A, %and3A_227 : vector<16xi32>
          %broadcast_in_dim3A_229 = vector.broadcast %rem3A_174 : i32 to vector<16xi32>
          %gather3A_230 = tpu.vector_load_idx %arg22[%broadcast_in_dim3A_229, %iota3A, %and3A_228] : memref<14x32x128xf32, #tpu.memory_space<vmem>>[vector<16xi32>, vector<16xi32>, vector<16xi32>], vector<16xf32>,
          %add3A_231 = arith.constant 16 : i32
          %add3A_232 = vector.broadcast %add3A_231 : i32 to vector<16xi32>
          %add3A_233 = arith.addi %iota3A, %add3A_232 : vector<16xi32>
          %gather3A_234 = tpu.vector_load_idx %arg22[%broadcast_in_dim3A_229, %add3A_233, %and3A_228] : memref<14x32x128xf32, #tpu.memory_space<vmem>>[vector<16xi32>, vector<16xi32>, vector<16xi32>], vector<16xf32>,
          %rem3A_235 = arith.constant 32 : i32
          %rem3A_236 = arith.remsi %add3A_214, %rem3A_235 : i32
          %swap3A = arith.index_cast %rem3A_236 : i32 to index
          %swap3A_237 = arith.constant 0 : index
          %swap3A_238 = tpu.vector_load %arg23[%swap3A, %swap3A_237] {strides = array<i32>} : memref<32x32xf32, #tpu.memory_space<vmem>>, vector<16xf32>,
          tpu.vector_store %arg23[%swap3A, %swap3A_237], %gather3A_230 {strides = array<i32>} : memref<32x32xf32, #tpu.memory_space<vmem>>, vector<16xf32>,
          %swap3A_239 = arith.index_cast %rem3A_236 : i32 to index
          %swap3A_240 = arith.constant 16 : index
          %swap3A_241 = tpu.vector_load %arg23[%swap3A_239, %swap3A_240] {strides = array<i32>} : memref<32x32xf32, #tpu.memory_space<vmem>>, vector<16xf32>,
          tpu.vector_store %arg23[%swap3A_239, %swap3A_240], %gather3A_234 {strides = array<i32>} : memref<32x32xf32, #tpu.memory_space<vmem>>, vector<16xf32>,
          %slice3A = vector.extract_strided_slice %gather3A_225 {offsets = [0], sizes = [1], strides = [1]} : vector<16xi32> to vector<1xi32>
          %squeeze3A = vector.extract %slice3A[0] : i32 from vector<1xi32>
          %mul3A_242 = arith.constant 32 : i32
          %mul3A_243 = arith.muli %squeeze3A, %mul3A_242 : i32
          %dma_start3A = arith.constant 0 : i32
          %dma_start3A_244 = tpu.memref_slice %arg23[%rem3A_236, %dma_start3A] : memref<32x32xf32, #tpu.memory_space<vmem>> -> memref<1x32xf32, #tpu.memory_space<vmem>>
          %dma_start3A_245 = tpu.memref_squeeze %dma_start3A_244 : memref<1x32xf32, #tpu.memory_space<vmem>> -> memref<32xf32, #tpu.memory_space<vmem>>
          %dma_start3A_246 = tpu.memref_slice %arg6[%mul3A_243] : memref<524288xf32, #tpu.memory_space<hbm>> -> memref<32xf32, #tpu.memory_space<hbm>>
          %dma_start3A_247 = tpu.memref_slice %arg6[%mul3A_243] : memref<524288xf32, #tpu.memory_space<hbm>> -> memref<32xf32, #tpu.memory_space<hbm>>
          %dma_start3A_248 = arith.constant 0 : i32
          %dma_start3A_249 = tpu.memref_slice %arg23[%rem3A_236, %dma_start3A_248] : memref<32x32xf32, #tpu.memory_space<vmem>> -> memref<1x32xf32, #tpu.memory_space<vmem>>
          %dma_start3A_250 = tpu.memref_squeeze %dma_start3A_249 : memref<1x32xf32, #tpu.memory_space<vmem>> -> memref<32xf32, #tpu.memory_space<vmem>>
          tpu.enqueue_dma source(%dma_start3A_250 : memref<32xf32, #tpu.memory_space<vmem>>) target(%dma_start3A_247 : memref<32xf32, #tpu.memory_space<hbm>>) target_semaphore(%arg25 : memref<!tpu.dma_semaphore, #tpu.memory_space<semaphore_mem>>)
          %while3A_251 = arith.constant 0 : i32
          scf.yield %while3A_251 : i32
        }
        %add3A_211 = arith.addi %while3A_127, %get3A_190 : i32
        scf.yield %add3A_211 : i32
      } else {
        scf.yield %while3A_127 : i32
      }
      %lt3A_131 = arith.constant 128 : i32
      %lt3A_132 = arith.cmpi slt, %while3A_126, %lt3A_131 : i32
      %convert_element_type3A_133 = arith.extui %lt3A_132 : i1 to i32
      %cond3A_134 = arith.constant 0 : i32
      %cond3A_135 = arith.cmpi ne, %convert_element_type3A_133, %cond3A_134 : i32
      %cond3A_136 = scf.if %cond3A_135 -> (i32) {
        %mul3A_173 = arith.constant 8 : i32
        %mul3A_174 = arith.muli %while3A_126, %mul3A_173 : i32
        %add3A_175 = arith.constant 0 : i32
        %add3A_176 = arith.addi %mul3A_174, %add3A_175 : i32
        %mul3A_177 = arith.constant 16 : i32
        %mul3A_178 = arith.muli %add3A_176, %mul3A_177 : i32
        %get3A = arith.index_cast %mul3A_178 : i32 to index
        %get3A_179 = tpu.vector_load %arg9[%get3A] {strides = array<i32>} : memref<16384xi32, #tpu.memory_space<vmem>>, vector<16xi32>,
        %shift_right_logical3A = arith.constant 7 : i32
        %shift_right_logical3A_180 = vector.broadcast %shift_right_logical3A : i32 to vector<16xi32>
        %shift_right_logical3A_181 = arith.shrui %get3A_179, %shift_right_logical3A_180 : vector<16xi32>
        %and3A_182 = arith.constant 31 : i32
        %and3A_183 = vector.broadcast %and3A_182 : i32 to vector<16xi32>
        %and3A_184 = arith.andi %shift_right_logical3A_181, %and3A_183 : vector<16xi32>
        %eq3A = vector.broadcast %add3A : i32 to vector<16xi32>
        %eq3A_185 = arith.cmpi eq, %and3A_184, %eq3A : vector<16xi32>
        %jit3A_186 = arith.constant 1 : i32
        %jit3A_187 = arith.constant 0 : i32
        %broadcast_in_dim3A = vector.broadcast %jit3A_186 : i32 to vector<16xi32>
        %broadcast_in_dim3A_188 = vector.broadcast %jit3A_187 : i32 to vector<16xi32>
        %select_n3A_189 = arith.select %eq3A_185, %broadcast_in_dim3A, %broadcast_in_dim3A_188 : vector<16xi1>, vector<16xi32>
        %broadcast_in_dim3A_190 = arith.constant true
        %broadcast_in_dim3A_191 = vector.broadcast %broadcast_in_dim3A_190 : i1 to vector<16xi1>
        %masked_cumsum3A = tpu.scan <sum>, %select_n3A_189 masked %broadcast_in_dim3A_191 : vector<16xi32>, vector<16xi1> -> vector<16xi32>
        %mul3A_192 = arith.constant 8 : i32
        %mul3A_193 = arith.muli %while3A_126, %mul3A_192 : i32
        %add3A_194 = arith.constant 1 : i32
        %add3A_195 = arith.addi %mul3A_193, %add3A_194 : i32
        %mul3A_196 = arith.constant 16 : i32
        %mul3A_197 = arith.muli %add3A_195, %mul3A_196 : i32
        %get3A_198 = arith.index_cast %mul3A_197 : i32 to index
        %get3A_199 = tpu.vector_load %arg9[%get3A_198] {strides = array<i32>} : memref<16384xi32, #tpu.memory_space<vmem>>, vector<16xi32>,
        %shift_right_logical3A_200 = arith.constant 7 : i32
        %shift_right_logical3A_201 = vector.broadcast %shift_right_logical3A_200 : i32 to vector<16xi32>
        %shift_right_logical3A_202 = arith.shrui %get3A_199, %shift_right_logical3A_201 : vector<16xi32>
        %and3A_203 = arith.constant 31 : i32
        %and3A_204 = vector.broadcast %and3A_203 : i32 to vector<16xi32>
        %and3A_205 = arith.andi %shift_right_logical3A_202, %and3A_204 : vector<16xi32>
        %eq3A_206 = vector.broadcast %add3A : i32 to vector<16xi32>
        %eq3A_207 = arith.cmpi eq, %and3A_205, %eq3A_206 : vector<16xi32>
        %jit3A_208 = arith.constant 1 : i32
        %jit3A_209 = arith.constant 0 : i32
        %broadcast_in_dim3A_210 = vector.broadcast %jit3A_208 : i32 to vector<16xi32>
        %broadcast_in_dim3A_211 = vector.broadcast %jit3A_209 : i32 to vector<16xi32>
        %select_n3A_212 = arith.select %eq3A_207, %broadcast_in_dim3A_210, %broadcast_in_dim3A_211 : vector<16xi1>, vector<16xi32>
        %broadcast_in_dim3A_213 = arith.constant true
        %broadcast_in_dim3A_214 = vector.broadcast %broadcast_in_dim3A_213 : i1 to vector<16xi1>
        %masked_cumsum3A_215 = tpu.scan <sum>, %select_n3A_212 masked %broadcast_in_dim3A_214 : vector<16xi32>, vector<16xi1> -> vector<16xi32>
        %mul3A_216 = arith.constant 8 : i32
        %mul3A_217 = arith.muli %while3A_126, %mul3A_216 : i32
        %add3A_218 = arith.constant 2 : i32
        %add3A_219 = arith.addi %mul3A_217, %add3A_218 : i32
        %mul3A_220 = arith.constant 16 : i32
        %mul3A_221 = arith.muli %add3A_219, %mul3A_220 : i32
        %get3A_222 = arith.index_cast %mul3A_221 : i32 to index
        %get3A_223 = tpu.vector_load %arg9[%get3A_222] {strides = array<i32>} : memref<16384xi32, #tpu.memory_space<vmem>>, vector<16xi32>,
        %shift_right_logical3A_224 = arith.constant 7 : i32
        %shift_right_logical3A_225 = vector.broadcast %shift_right_logical3A_224 : i32 to vector<16xi32>
        %shift_right_logical3A_226 = arith.shrui %get3A_223, %shift_right_logical3A_225 : vector<16xi32>
        %and3A_227 = arith.constant 31 : i32
        %and3A_228 = vector.broadcast %and3A_227 : i32 to vector<16xi32>
        %and3A_229 = arith.andi %shift_right_logical3A_226, %and3A_228 : vector<16xi32>
        %eq3A_230 = vector.broadcast %add3A : i32 to vector<16xi32>
        %eq3A_231 = arith.cmpi eq, %and3A_229, %eq3A_230 : vector<16xi32>
        %jit3A_232 = arith.constant 1 : i32
        %jit3A_233 = arith.constant 0 : i32
        %broadcast_in_dim3A_234 = vector.broadcast %jit3A_232 : i32 to vector<16xi32>
        %broadcast_in_dim3A_235 = vector.broadcast %jit3A_233 : i32 to vector<16xi32>
        %select_n3A_236 = arith.select %eq3A_231, %broadcast_in_dim3A_234, %broadcast_in_dim3A_235 : vector<16xi1>, vector<16xi32>
        %broadcast_in_dim3A_237 = arith.constant true
        %broadcast_in_dim3A_238 = vector.broadcast %broadcast_in_dim3A_237 : i1 to vector<16xi1>
        %masked_cumsum3A_239 = tpu.scan <sum>, %select_n3A_236 masked %broadcast_in_dim3A_238 : vector<16xi32>, vector<16xi1> -> vector<16xi32>
        %mul3A_240 = arith.constant 8 : i32
        %mul3A_241 = arith.muli %while3A_126, %mul3A_240 : i32
        %add3A_242 = arith.constant 3 : i32
        %add3A_243 = arith.addi %mul3A_241, %add3A_242 : i32
        %mul3A_244 = arith.constant 16 : i32
        %mul3A_245 = arith.muli %add3A_243, %mul3A_244 : i32
        %get3A_246 = arith.index_cast %mul3A_245 : i32 to index
        %get3A_247 = tpu.vector_load %arg9[%get3A_246] {strides = array<i32>} : memref<16384xi32, #tpu.memory_space<vmem>>, vector<16xi32>,
        %shift_right_logical3A_248 = arith.constant 7 : i32
        %shift_right_logical3A_249 = vector.broadcast %shift_right_logical3A_248 : i32 to vector<16xi32>
        %shift_right_logical3A_250 = arith.shrui %get3A_247, %shift_right_logical3A_249 : vector<16xi32>
        %and3A_251 = arith.constant 31 : i32
        %and3A_252 = vector.broadcast %and3A_251 : i32 to vector<16xi32>
        %and3A_253 = arith.andi %shift_right_logical3A_250, %and3A_252 : vector<16xi32>
        %eq3A_254 = vector.broadcast %add3A : i32 to vector<16xi32>
        %eq3A_255 = arith.cmpi eq, %and3A_253, %eq3A_254 : vector<16xi32>
        %jit3A_256 = arith.constant 1 : i32
        %jit3A_257 = arith.constant 0 : i32
        %broadcast_in_dim3A_258 = vector.broadcast %jit3A_256 : i32 to vector<16xi32>
        %broadcast_in_dim3A_259 = vector.broadcast %jit3A_257 : i32 to vector<16xi32>
        %select_n3A_260 = arith.select %eq3A_255, %broadcast_in_dim3A_258, %broadcast_in_dim3A_259 : vector<16xi1>, vector<16xi32>
        %broadcast_in_dim3A_261 = arith.constant true
        %broadcast_in_dim3A_262 = vector.broadcast %broadcast_in_dim3A_261 : i1 to vector<16xi1>
        %masked_cumsum3A_263 = tpu.scan <sum>, %select_n3A_260 masked %broadcast_in_dim3A_262 : vector<16xi32>, vector<16xi1> -> vector<16xi32>
        %mul3A_264 = arith.constant 8 : i32
        %mul3A_265 = arith.muli %while3A_126, %mul3A_264 : i32
        %add3A_266 = arith.constant 4 : i32
        %add3A_267 = arith.addi %mul3A_265, %add3A_266 : i32
        %mul3A_268 = arith.constant 16 : i32
        %mul3A_269 = arith.muli %add3A_267, %mul3A_268 : i32
        %get3A_270 = arith.index_cast %mul3A_269 : i32 to index
        %get3A_271 = tpu.vector_load %arg9[%get3A_270] {strides = array<i32>} : memref<16384xi32, #tpu.memory_space<vmem>>, vector<16xi32>,
        %shift_right_logical3A_272 = arith.constant 7 : i32
        %shift_right_logical3A_273 = vector.broadcast %shift_right_logical3A_272 : i32 to vector<16xi32>
        %shift_right_logical3A_274 = arith.shrui %get3A_271, %shift_right_logical3A_273 : vector<16xi32>
        %and3A_275 = arith.constant 31 : i32
        %and3A_276 = vector.broadcast %and3A_275 : i32 to vector<16xi32>
        %and3A_277 = arith.andi %shift_right_logical3A_274, %and3A_276 : vector<16xi32>
        %eq3A_278 = vector.broadcast %add3A : i32 to vector<16xi32>
        %eq3A_279 = arith.cmpi eq, %and3A_277, %eq3A_278 : vector<16xi32>
        %jit3A_280 = arith.constant 1 : i32
        %jit3A_281 = arith.constant 0 : i32
        %broadcast_in_dim3A_282 = vector.broadcast %jit3A_280 : i32 to vector<16xi32>
        %broadcast_in_dim3A_283 = vector.broadcast %jit3A_281 : i32 to vector<16xi32>
        %select_n3A_284 = arith.select %eq3A_279, %broadcast_in_dim3A_282, %broadcast_in_dim3A_283 : vector<16xi1>, vector<16xi32>
        %broadcast_in_dim3A_285 = arith.constant true
        %broadcast_in_dim3A_286 = vector.broadcast %broadcast_in_dim3A_285 : i1 to vector<16xi1>
        %masked_cumsum3A_287 = tpu.scan <sum>, %select_n3A_284 masked %broadcast_in_dim3A_286 : vector<16xi32>, vector<16xi1> -> vector<16xi32>
        %mul3A_288 = arith.constant 8 : i32
        %mul3A_289 = arith.muli %while3A_126, %mul3A_288 : i32
        %add3A_290 = arith.constant 5 : i32
        %add3A_291 = arith.addi %mul3A_289, %add3A_290 : i32
        %mul3A_292 = arith.constant 16 : i32
        %mul3A_293 = arith.muli %add3A_291, %mul3A_292 : i32
        %get3A_294 = arith.index_cast %mul3A_293 : i32 to index
        %get3A_295 = tpu.vector_load %arg9[%get3A_294] {strides = array<i32>} : memref<16384xi32, #tpu.memory_space<vmem>>, vector<16xi32>,
        %shift_right_logical3A_296 = arith.constant 7 : i32
        %shift_right_logical3A_297 = vector.broadcast %shift_right_logical3A_296 : i32 to vector<16xi32>
        %shift_right_logical3A_298 = arith.shrui %get3A_295, %shift_right_logical3A_297 : vector<16xi32>
        %and3A_299 = arith.constant 31 : i32
        %and3A_300 = vector.broadcast %and3A_299 : i32 to vector<16xi32>
        %and3A_301 = arith.andi %shift_right_logical3A_298, %and3A_300 : vector<16xi32>
        %eq3A_302 = vector.broadcast %add3A : i32 to vector<16xi32>
        %eq3A_303 = arith.cmpi eq, %and3A_301, %eq3A_302 : vector<16xi32>
        %jit3A_304 = arith.constant 1 : i32
        %jit3A_305 = arith.constant 0 : i32
        %broadcast_in_dim3A_306 = vector.broadcast %jit3A_304 : i32 to vector<16xi32>
        %broadcast_in_dim3A_307 = vector.broadcast %jit3A_305 : i32 to vector<16xi32>
        %select_n3A_308 = arith.select %eq3A_303, %broadcast_in_dim3A_306, %broadcast_in_dim3A_307 : vector<16xi1>, vector<16xi32>
        %broadcast_in_dim3A_309 = arith.constant true
        %broadcast_in_dim3A_310 = vector.broadcast %broadcast_in_dim3A_309 : i1 to vector<16xi1>
        %masked_cumsum3A_311 = tpu.scan <sum>, %select_n3A_308 masked %broadcast_in_dim3A_310 : vector<16xi32>, vector<16xi1> -> vector<16xi32>
        %mul3A_312 = arith.constant 8 : i32
        %mul3A_313 = arith.muli %while3A_126, %mul3A_312 : i32
        %add3A_314 = arith.constant 6 : i32
        %add3A_315 = arith.addi %mul3A_313, %add3A_314 : i32
        %mul3A_316 = arith.constant 16 : i32
        %mul3A_317 = arith.muli %add3A_315, %mul3A_316 : i32
        %get3A_318 = arith.index_cast %mul3A_317 : i32 to index
        %get3A_319 = tpu.vector_load %arg9[%get3A_318] {strides = array<i32>} : memref<16384xi32, #tpu.memory_space<vmem>>, vector<16xi32>,
        %shift_right_logical3A_320 = arith.constant 7 : i32
        %shift_right_logical3A_321 = vector.broadcast %shift_right_logical3A_320 : i32 to vector<16xi32>
        %shift_right_logical3A_322 = arith.shrui %get3A_319, %shift_right_logical3A_321 : vector<16xi32>
        %and3A_323 = arith.constant 31 : i32
        %and3A_324 = vector.broadcast %and3A_323 : i32 to vector<16xi32>
        %and3A_325 = arith.andi %shift_right_logical3A_322, %and3A_324 : vector<16xi32>
        %eq3A_326 = vector.broadcast %add3A : i32 to vector<16xi32>
        %eq3A_327 = arith.cmpi eq, %and3A_325, %eq3A_326 : vector<16xi32>
        %jit3A_328 = arith.constant 1 : i32
        %jit3A_329 = arith.constant 0 : i32
        %broadcast_in_dim3A_330 = vector.broadcast %jit3A_328 : i32 to vector<16xi32>
        %broadcast_in_dim3A_331 = vector.broadcast %jit3A_329 : i32 to vector<16xi32>
        %select_n3A_332 = arith.select %eq3A_327, %broadcast_in_dim3A_330, %broadcast_in_dim3A_331 : vector<16xi1>, vector<16xi32>
        %broadcast_in_dim3A_333 = arith.constant true
        %broadcast_in_dim3A_334 = vector.broadcast %broadcast_in_dim3A_333 : i1 to vector<16xi1>
        %masked_cumsum3A_335 = tpu.scan <sum>, %select_n3A_332 masked %broadcast_in_dim3A_334 : vector<16xi32>, vector<16xi1> -> vector<16xi32>
        %mul3A_336 = arith.constant 8 : i32
        %mul3A_337 = arith.muli %while3A_126, %mul3A_336 : i32
        %add3A_338 = arith.constant 7 : i32
        %add3A_339 = arith.addi %mul3A_337, %add3A_338 : i32
        %mul3A_340 = arith.constant 16 : i32
        %mul3A_341 = arith.muli %add3A_339, %mul3A_340 : i32
        %get3A_342 = arith.index_cast %mul3A_341 : i32 to index
        %get3A_343 = tpu.vector_load %arg9[%get3A_342] {strides = array<i32>} : memref<16384xi32, #tpu.memory_space<vmem>>, vector<16xi32>,
        %shift_right_logical3A_344 = arith.constant 7 : i32
        %shift_right_logical3A_345 = vector.broadcast %shift_right_logical3A_344 : i32 to vector<16xi32>
        %shift_right_logical3A_346 = arith.shrui %get3A_343, %shift_right_logical3A_345 : vector<16xi32>
        %and3A_347 = arith.constant 31 : i32
        %and3A_348 = vector.broadcast %and3A_347 : i32 to vector<16xi32>
        %and3A_349 = arith.andi %shift_right_logical3A_346, %and3A_348 : vector<16xi32>
        %eq3A_350 = vector.broadcast %add3A : i32 to vector<16xi32>
        %eq3A_351 = arith.cmpi eq, %and3A_349, %eq3A_350 : vector<16xi32>
        %jit3A_352 = arith.constant 1 : i32
        %jit3A_353 = arith.constant 0 : i32
        %broadcast_in_dim3A_354 = vector.broadcast %jit3A_352 : i32 to vector<16xi32>
        %broadcast_in_dim3A_355 = vector.broadcast %jit3A_353 : i32 to vector<16xi32>
        %select_n3A_356 = arith.select %eq3A_351, %broadcast_in_dim3A_354, %broadcast_in_dim3A_355 : vector<16xi1>, vector<16xi32>
        %broadcast_in_dim3A_357 = arith.constant true
        %broadcast_in_dim3A_358 = vector.broadcast %broadcast_in_dim3A_357 : i1 to vector<16xi1>
        %masked_cumsum3A_359 = tpu.scan <sum>, %select_n3A_356 masked %broadcast_in_dim3A_358 : vector<16xi32>, vector<16xi1> -> vector<16xi32>
        %mul3A_360 = arith.constant 8 : i32
        %mul3A_361 = arith.muli %while3A_126, %mul3A_360 : i32
        %add3A_362 = arith.constant 0 : i32
        %add3A_363 = arith.addi %mul3A_361, %add3A_362 : i32
        %mul3A_364 = arith.constant 16 : i32
        %mul3A_365 = arith.muli %add3A_363, %mul3A_364 : i32
        %add3A_366 = vector.broadcast %mul3A_365 : i32 to vector<16xi32>
        %add3A_367 = arith.addi %add3A_366, %iota3A : vector<16xi32>
        %add3A_368 = vector.broadcast %while3A_128 : i32 to vector<16xi32>
        %add3A_369 = arith.addi %add3A_368, %masked_cumsum3A : vector<16xi32>
        %sub3A_370 = arith.constant 1 : i32
        %sub3A_371 = vector.broadcast %sub3A_370 : i32 to vector<16xi32>
        %sub3A_372 = arith.subi %add3A_369, %sub3A_371 : vector<16xi32>
        %lt3A_373 = arith.constant 1008 : i32
        %lt3A_374 = vector.broadcast %lt3A_373 : i32 to vector<16xi32>
        %lt3A_375 = arith.cmpi slt, %sub3A_372, %lt3A_374 : vector<16xi32>
        %and3A_376 = arith.andi %eq3A_185, %lt3A_375 : vector<16xi1>
        tpu.vector_store_idx %arg12[%sub3A_372], %get3A_179 masked %and3A_376 : memref<1008xi32, #tpu.memory_space<vmem>>[vector<16xi32>], vector<16xi32>, vector<16xi1>
        tpu.vector_store_idx %arg13[%sub3A_372], %add3A_367 masked %and3A_376 : memref<1008xi32, #tpu.memory_space<vmem>>[vector<16xi32>], vector<16xi32>, vector<16xi1>
        %slice3A = vector.extract_strided_slice %masked_cumsum3A {offsets = [15], sizes = [1], strides = [1]} : vector<16xi32> to vector<1xi32>
        %squeeze3A = vector.extract %slice3A[0] : i32 from vector<1xi32>
        %add3A_377 = arith.addi %while3A_128, %squeeze3A : i32
        %mul3A_378 = arith.constant 8 : i32
        %mul3A_379 = arith.muli %while3A_126, %mul3A_378 : i32
        %add3A_380 = arith.constant 1 : i32
        %add3A_381 = arith.addi %mul3A_379, %add3A_380 : i32
        %mul3A_382 = arith.constant 16 : i32
        %mul3A_383 = arith.muli %add3A_381, %mul3A_382 : i32
        %add3A_384 = vector.broadcast %mul3A_383 : i32 to vector<16xi32>
        %add3A_385 = arith.addi %add3A_384, %iota3A : vector<16xi32>
        %add3A_386 = vector.broadcast %add3A_377 : i32 to vector<16xi32>
        %add3A_387 = arith.addi %add3A_386, %masked_cumsum3A_215 : vector<16xi32>
        %sub3A_388 = arith.constant 1 : i32
        %sub3A_389 = vector.broadcast %sub3A_388 : i32 to vector<16xi32>
        %sub3A_390 = arith.subi %add3A_387, %sub3A_389 : vector<16xi32>
        %lt3A_391 = arith.constant 1008 : i32
        %lt3A_392 = vector.broadcast %lt3A_391 : i32 to vector<16xi32>
        %lt3A_393 = arith.cmpi slt, %sub3A_390, %lt3A_392 : vector<16xi32>
        %and3A_394 = arith.andi %eq3A_207, %lt3A_393 : vector<16xi1>
        tpu.vector_store_idx %arg12[%sub3A_390], %get3A_199 masked %and3A_394 : memref<1008xi32, #tpu.memory_space<vmem>>[vector<16xi32>], vector<16xi32>, vector<16xi1>
        tpu.vector_store_idx %arg13[%sub3A_390], %add3A_385 masked %and3A_394 : memref<1008xi32, #tpu.memory_space<vmem>>[vector<16xi32>], vector<16xi32>, vector<16xi1>
        %slice3A_395 = vector.extract_strided_slice %masked_cumsum3A_215 {offsets = [15], sizes = [1], strides = [1]} : vector<16xi32> to vector<1xi32>
        %squeeze3A_396 = vector.extract %slice3A_395[0] : i32 from vector<1xi32>
        %add3A_397 = arith.addi %add3A_377, %squeeze3A_396 : i32
        %mul3A_398 = arith.constant 8 : i32
        %mul3A_399 = arith.muli %while3A_126, %mul3A_398 : i32
        %add3A_400 = arith.constant 2 : i32
        %add3A_401 = arith.addi %mul3A_399, %add3A_400 : i32
        %mul3A_402 = arith.constant 16 : i32
        %mul3A_403 = arith.muli %add3A_401, %mul3A_402 : i32
        %add3A_404 = vector.broadcast %mul3A_403 : i32 to vector<16xi32>
        %add3A_405 = arith.addi %add3A_404, %iota3A : vector<16xi32>
        %add3A_406 = vector.broadcast %add3A_397 : i32 to vector<16xi32>
        %add3A_407 = arith.addi %add3A_406, %masked_cumsum3A_239 : vector<16xi32>
        %sub3A_408 = arith.constant 1 : i32
        %sub3A_409 = vector.broadcast %sub3A_408 : i32 to vector<16xi32>
        %sub3A_410 = arith.subi %add3A_407, %sub3A_409 : vector<16xi32>
        %lt3A_411 = arith.constant 1008 : i32
        %lt3A_412 = vector.broadcast %lt3A_411 : i32 to vector<16xi32>
        %lt3A_413 = arith.cmpi slt, %sub3A_410, %lt3A_412 : vector<16xi32>
        %and3A_414 = arith.andi %eq3A_231, %lt3A_413 : vector<16xi1>
        tpu.vector_store_idx %arg12[%sub3A_410], %get3A_223 masked %and3A_414 : memref<1008xi32, #tpu.memory_space<vmem>>[vector<16xi32>], vector<16xi32>, vector<16xi1>
        tpu.vector_store_idx %arg13[%sub3A_410], %add3A_405 masked %and3A_414 : memref<1008xi32, #tpu.memory_space<vmem>>[vector<16xi32>], vector<16xi32>, vector<16xi1>
        %slice3A_415 = vector.extract_strided_slice %masked_cumsum3A_239 {offsets = [15], sizes = [1], strides = [1]} : vector<16xi32> to vector<1xi32>
        %squeeze3A_416 = vector.extract %slice3A_415[0] : i32 from vector<1xi32>
        %add3A_417 = arith.addi %add3A_397, %squeeze3A_416 : i32
        %mul3A_418 = arith.constant 8 : i32
        %mul3A_419 = arith.muli %while3A_126, %mul3A_418 : i32
        %add3A_420 = arith.constant 3 : i32
        %add3A_421 = arith.addi %mul3A_419, %add3A_420 : i32
        %mul3A_422 = arith.constant 16 : i32
        %mul3A_423 = arith.muli %add3A_421, %mul3A_422 : i32
        %add3A_424 = vector.broadcast %mul3A_423 : i32 to vector<16xi32>
        %add3A_425 = arith.addi %add3A_424, %iota3A : vector<16xi32>
        %add3A_426 = vector.broadcast %add3A_417 : i32 to vector<16xi32>
        %add3A_427 = arith.addi %add3A_426, %masked_cumsum3A_263 : vector<16xi32>
        %sub3A_428 = arith.constant 1 : i32
        %sub3A_429 = vector.broadcast %sub3A_428 : i32 to vector<16xi32>
        %sub3A_430 = arith.subi %add3A_427, %sub3A_429 : vector<16xi32>
        %lt3A_431 = arith.constant 1008 : i32
        %lt3A_432 = vector.broadcast %lt3A_431 : i32 to vector<16xi32>
        %lt3A_433 = arith.cmpi slt, %sub3A_430, %lt3A_432 : vector<16xi32>
        %and3A_434 = arith.andi %eq3A_255, %lt3A_433 : vector<16xi1>
        tpu.vector_store_idx %arg12[%sub3A_430], %get3A_247 masked %and3A_434 : memref<1008xi32, #tpu.memory_space<vmem>>[vector<16xi32>], vector<16xi32>, vector<16xi1>
        tpu.vector_store_idx %arg13[%sub3A_430], %add3A_425 masked %and3A_434 : memref<1008xi32, #tpu.memory_space<vmem>>[vector<16xi32>], vector<16xi32>, vector<16xi1>
        %slice3A_435 = vector.extract_strided_slice %masked_cumsum3A_263 {offsets = [15], sizes = [1], strides = [1]} : vector<16xi32> to vector<1xi32>
        %squeeze3A_436 = vector.extract %slice3A_435[0] : i32 from vector<1xi32>
        %add3A_437 = arith.addi %add3A_417, %squeeze3A_436 : i32
        %mul3A_438 = arith.constant 8 : i32
        %mul3A_439 = arith.muli %while3A_126, %mul3A_438 : i32
        %add3A_440 = arith.constant 4 : i32
        %add3A_441 = arith.addi %mul3A_439, %add3A_440 : i32
        %mul3A_442 = arith.constant 16 : i32
        %mul3A_443 = arith.muli %add3A_441, %mul3A_442 : i32
        %add3A_444 = vector.broadcast %mul3A_443 : i32 to vector<16xi32>
        %add3A_445 = arith.addi %add3A_444, %iota3A : vector<16xi32>
        %add3A_446 = vector.broadcast %add3A_437 : i32 to vector<16xi32>
        %add3A_447 = arith.addi %add3A_446, %masked_cumsum3A_287 : vector<16xi32>
        %sub3A_448 = arith.constant 1 : i32
        %sub3A_449 = vector.broadcast %sub3A_448 : i32 to vector<16xi32>
        %sub3A_450 = arith.subi %add3A_447, %sub3A_449 : vector<16xi32>
        %lt3A_451 = arith.constant 1008 : i32
        %lt3A_452 = vector.broadcast %lt3A_451 : i32 to vector<16xi32>
        %lt3A_453 = arith.cmpi slt, %sub3A_450, %lt3A_452 : vector<16xi32>
        %and3A_454 = arith.andi %eq3A_279, %lt3A_453 : vector<16xi1>
        tpu.vector_store_idx %arg12[%sub3A_450], %get3A_271 masked %and3A_454 : memref<1008xi32, #tpu.memory_space<vmem>>[vector<16xi32>], vector<16xi32>, vector<16xi1>
        tpu.vector_store_idx %arg13[%sub3A_450], %add3A_445 masked %and3A_454 : memref<1008xi32, #tpu.memory_space<vmem>>[vector<16xi32>], vector<16xi32>, vector<16xi1>
        %slice3A_455 = vector.extract_strided_slice %masked_cumsum3A_287 {offsets = [15], sizes = [1], strides = [1]} : vector<16xi32> to vector<1xi32>
        %squeeze3A_456 = vector.extract %slice3A_455[0] : i32 from vector<1xi32>
        %add3A_457 = arith.addi %add3A_437, %squeeze3A_456 : i32
        %mul3A_458 = arith.constant 8 : i32
        %mul3A_459 = arith.muli %while3A_126, %mul3A_458 : i32
        %add3A_460 = arith.constant 5 : i32
        %add3A_461 = arith.addi %mul3A_459, %add3A_460 : i32
        %mul3A_462 = arith.constant 16 : i32
        %mul3A_463 = arith.muli %add3A_461, %mul3A_462 : i32
        %add3A_464 = vector.broadcast %mul3A_463 : i32 to vector<16xi32>
        %add3A_465 = arith.addi %add3A_464, %iota3A : vector<16xi32>
        %add3A_466 = vector.broadcast %add3A_457 : i32 to vector<16xi32>
        %add3A_467 = arith.addi %add3A_466, %masked_cumsum3A_311 : vector<16xi32>
        %sub3A_468 = arith.constant 1 : i32
        %sub3A_469 = vector.broadcast %sub3A_468 : i32 to vector<16xi32>
        %sub3A_470 = arith.subi %add3A_467, %sub3A_469 : vector<16xi32>
        %lt3A_471 = arith.constant 1008 : i32
        %lt3A_472 = vector.broadcast %lt3A_471 : i32 to vector<16xi32>
        %lt3A_473 = arith.cmpi slt, %sub3A_470, %lt3A_472 : vector<16xi32>
        %and3A_474 = arith.andi %eq3A_303, %lt3A_473 : vector<16xi1>
        tpu.vector_store_idx %arg12[%sub3A_470], %get3A_295 masked %and3A_474 : memref<1008xi32, #tpu.memory_space<vmem>>[vector<16xi32>], vector<16xi32>, vector<16xi1>
        tpu.vector_store_idx %arg13[%sub3A_470], %add3A_465 masked %and3A_474 : memref<1008xi32, #tpu.memory_space<vmem>>[vector<16xi32>], vector<16xi32>, vector<16xi1>
        %slice3A_475 = vector.extract_strided_slice %masked_cumsum3A_311 {offsets = [15], sizes = [1], strides = [1]} : vector<16xi32> to vector<1xi32>
        %squeeze3A_476 = vector.extract %slice3A_475[0] : i32 from vector<1xi32>
        %add3A_477 = arith.addi %add3A_457, %squeeze3A_476 : i32
        %mul3A_478 = arith.constant 8 : i32
        %mul3A_479 = arith.muli %while3A_126, %mul3A_478 : i32
        %add3A_480 = arith.constant 6 : i32
        %add3A_481 = arith.addi %mul3A_479, %add3A_480 : i32
        %mul3A_482 = arith.constant 16 : i32
        %mul3A_483 = arith.muli %add3A_481, %mul3A_482 : i32
        %add3A_484 = vector.broadcast %mul3A_483 : i32 to vector<16xi32>
        %add3A_485 = arith.addi %add3A_484, %iota3A : vector<16xi32>
        %add3A_486 = vector.broadcast %add3A_477 : i32 to vector<16xi32>
        %add3A_487 = arith.addi %add3A_486, %masked_cumsum3A_335 : vector<16xi32>
        %sub3A_488 = arith.constant 1 : i32
        %sub3A_489 = vector.broadcast %sub3A_488 : i32 to vector<16xi32>
        %sub3A_490 = arith.subi %add3A_487, %sub3A_489 : vector<16xi32>
        %lt3A_491 = arith.constant 1008 : i32
        %lt3A_492 = vector.broadcast %lt3A_491 : i32 to vector<16xi32>
        %lt3A_493 = arith.cmpi slt, %sub3A_490, %lt3A_492 : vector<16xi32>
        %and3A_494 = arith.andi %eq3A_327, %lt3A_493 : vector<16xi1>
        tpu.vector_store_idx %arg12[%sub3A_490], %get3A_319 masked %and3A_494 : memref<1008xi32, #tpu.memory_space<vmem>>[vector<16xi32>], vector<16xi32>, vector<16xi1>
        tpu.vector_store_idx %arg13[%sub3A_490], %add3A_485 masked %and3A_494 : memref<1008xi32, #tpu.memory_space<vmem>>[vector<16xi32>], vector<16xi32>, vector<16xi1>
        %slice3A_495 = vector.extract_strided_slice %masked_cumsum3A_335 {offsets = [15], sizes = [1], strides = [1]} : vector<16xi32> to vector<1xi32>
        %squeeze3A_496 = vector.extract %slice3A_495[0] : i32 from vector<1xi32>
        %add3A_497 = arith.addi %add3A_477, %squeeze3A_496 : i32
        %mul3A_498 = arith.constant 8 : i32
        %mul3A_499 = arith.muli %while3A_126, %mul3A_498 : i32
        %add3A_500 = arith.constant 7 : i32
        %add3A_501 = arith.addi %mul3A_499, %add3A_500 : i32
        %mul3A_502 = arith.constant 16 : i32
        %mul3A_503 = arith.muli %add3A_501, %mul3A_502 : i32
        %add3A_504 = vector.broadcast %mul3A_503 : i32 to vector<16xi32>
        %add3A_505 = arith.addi %add3A_504, %iota3A : vector<16xi32>
        %add3A_506 = vector.broadcast %add3A_497 : i32 to vector<16xi32>
        %add3A_507 = arith.addi %add3A_506, %masked_cumsum3A_359 : vector<16xi32>
        %sub3A_508 = arith.constant 1 : i32
        %sub3A_509 = vector.broadcast %sub3A_508 : i32 to vector<16xi32>
        %sub3A_510 = arith.subi %add3A_507, %sub3A_509 : vector<16xi32>
        %lt3A_511 = arith.constant 1008 : i32
        %lt3A_512 = vector.broadcast %lt3A_511 : i32 to vector<16xi32>
        %lt3A_513 = arith.cmpi slt, %sub3A_510, %lt3A_512 : vector<16xi32>
        %and3A_514 = arith.andi %eq3A_351, %lt3A_513 : vector<16xi1>
        tpu.vector_store_idx %arg12[%sub3A_510], %get3A_343 masked %and3A_514 : memref<1008xi32, #tpu.memory_space<vmem>>[vector<16xi32>], vector<16xi32>, vector<16xi1>
        tpu.vector_store_idx %arg13[%sub3A_510], %add3A_505 masked %and3A_514 : memref<1008xi32, #tpu.memory_space<vmem>>[vector<16xi32>], vector<16xi32>, vector<16xi1>
        %slice3A_515 = vector.extract_strided_slice %masked_cumsum3A_359 {offsets = [15], sizes = [1], strides = [1]} : vector<16xi32> to vector<1xi32>
        %squeeze3A_516 = vector.extract %slice3A_515[0] : i32 from vector<1xi32>
        %add3A_517 = arith.addi %add3A_497, %squeeze3A_516 : i32
        scf.yield %add3A_517 : i32
      } else {
        scf.yield %while3A_128 : i32
      }
      %ge3A = arith.constant 128 : i32
      %ge3A_137 = arith.cmpi sge, %while3A_126, %ge3A : i32
      %sub3A_138 = arith.constant 128 : i32
      %sub3A_139 = arith.subi %while3A_126, %sub3A_138 : i32
      %add3A_140 = arith.constant 16 : i32
      %add3A_141 = arith.addi %cond3A_136, %add3A_140 : i32
      %sub3A_142 = arith.constant 1 : i32
      %sub3A_143 = arith.subi %add3A_141, %sub3A_142 : i32
      %jit3A_144 = arith.constant 16 : i32
      %div3A_145 = arith.divsi %sub3A_143, %jit3A_144 : i32
      %sign3A_146 = arith.constant 0 : i32
      %sign3A_147 = arith.cmpi sgt, %sub3A_143, %sign3A_146 : i32
      %sign3A_148 = arith.extui %sign3A_147 : i1 to i32
      %sign3A_149 = arith.constant 0 : i32
      %sign3A_150 = arith.cmpi slt, %sub3A_143, %sign3A_149 : i32
      %sign3A_151 = arith.extui %sign3A_150 : i1 to i32
      %sign3A_152 = arith.subi %sign3A_148, %sign3A_151 : i32
      %sign3A_153 = arith.constant 0 : i32
      %sign3A_154 = arith.cmpi sgt, %jit3A_144, %sign3A_153 : i32
      %sign3A_155 = arith.extui %sign3A_154 : i1 to i32
      %sign3A_156 = arith.constant 0 : i32
      %sign3A_157 = arith.cmpi slt, %jit3A_144, %sign3A_156 : i32
      %sign3A_158 = arith.extui %sign3A_157 : i1 to i32
      %sign3A_159 = arith.subi %sign3A_155, %sign3A_158 : i32
      %ne3A_160 = arith.cmpi ne, %sign3A_152, %sign3A_159 : i32
      %rem3A_161 = arith.remsi %sub3A_143, %jit3A_144 : i32
      %ne3A_162 = arith.constant 0 : i32
      %ne3A_163 = arith.cmpi ne, %rem3A_161, %ne3A_162 : i32
      %and3A_164 = arith.andi %ne3A_160, %ne3A_163 : i1
      %sub3A_165 = arith.constant 1 : i32
      %sub3A_166 = arith.subi %div3A_145, %sub3A_165 : i32
      %select_n3A_167 = arith.select %and3A_164, %sub3A_166, %div3A_145 : i32
      %lt3A_168 = arith.cmpi slt, %sub3A_139, %select_n3A_167 : i32
      %and3A_169 = arith.andi %ge3A_137, %lt3A_168 : i1
      %convert_element_type3A_170 = arith.extui %and3A_169 : i1 to i32
      %cond3A_171 = arith.constant 0 : i32
      %cond3A_172 = arith.cmpi ne, %convert_element_type3A_170, %cond3A_171 : i32
      scf.if %cond3A_172 {
        %sub3A_173 = arith.constant 128 : i32
        %sub3A_174 = arith.subi %while3A_126, %sub3A_173 : i32
        %mul3A_175 = arith.constant 16 : i32
        %mul3A_176 = arith.muli %sub3A_174, %mul3A_175 : i32
        %get3A = arith.index_cast %mul3A_176 : i32 to index
        %get3A_177 = tpu.vector_load %arg12[%get3A] {strides = array<i32>} : memref<1008xi32, #tpu.memory_space<vmem>>, vector<16xi32>,
        %mul3A_178 = arith.constant 16 : i32
        %mul3A_179 = arith.muli %sub3A_174, %mul3A_178 : i32
        %get3A_180 = arith.index_cast %mul3A_179 : i32 to index
        %get3A_181 = tpu.vector_load %arg13[%get3A_180] {strides = array<i32>} : memref<1008xi32, #tpu.memory_space<vmem>>, vector<16xi32>,
        %mul3A_182 = arith.constant 16 : i32
        %mul3A_183 = arith.muli %sub3A_174, %mul3A_182 : i32
        %add3A_184 = vector.broadcast %mul3A_183 : i32 to vector<16xi32>
        %add3A_185 = arith.addi %add3A_184, %iota3A : vector<16xi32>
        %lt3A_186 = vector.broadcast %cond3A_136 : i32 to vector<16xi32>
        %lt3A_187 = arith.cmpi slt, %add3A_185, %lt3A_186 : vector<16xi32>
        %shift_right_logical3A = arith.constant 12 : i32
        %shift_right_logical3A_188 = vector.broadcast %shift_right_logical3A : i32 to vector<16xi32>
        %shift_right_logical3A_189 = arith.shrui %get3A_177, %shift_right_logical3A_188 : vector<16xi32>
        %jit3A_190 = arith.constant 255 : i32
        %broadcast_in_dim3A = vector.broadcast %jit3A_190 : i32 to vector<16xi32>
        %select_n3A_191 = arith.select %lt3A_187, %shift_right_logical3A_189, %broadcast_in_dim3A : vector<16xi1>, vector<16xi32>
        %broadcast_in_dim3A_192 = arith.constant 0 : i32
        %broadcast_in_dim3A_193 = vector.broadcast %broadcast_in_dim3A_192 : i32 to vector<16xi32>
        %slice3A = vector.extract_strided_slice %select_n3A_191 {offsets = [0], sizes = [1], strides = [1]} : vector<16xi32> to vector<1xi32>
        %squeeze3A = vector.extract %slice3A[0] : i32 from vector<1xi32>
        %get3A_194 = arith.index_cast %squeeze3A : i32 to index
        %get3A_195 = memref.load %arg21[%get3A_194] : memref<256xi32, #tpu.memory_space<smem>>
        %add3A_196 = arith.constant 1 : i32
        %add3A_197 = arith.addi %get3A_195, %add3A_196 : i32
        %swap3A = arith.index_cast %squeeze3A : i32 to index
        %swap3A_198 = memref.load %arg21[%swap3A] : memref<256xi32, #tpu.memory_space<smem>>
        memref.store %add3A_197, %arg21[%swap3A] : memref<256xi32, #tpu.memory_space<smem>>
        %mul3A_199 = arith.constant 16 : i32
        %mul3A_200 = arith.muli %squeeze3A, %mul3A_199 : i32
        %add3A_201 = arith.addi %mul3A_200, %get3A_195 : i32
        %broadcast_in_dim3A_202 = vector.broadcast %add3A_201 : i32 to vector<16xi32>
        %eq3A = arith.constant 0 : i32
        %eq3A_203 = vector.broadcast %eq3A : i32 to vector<16xi32>
        %eq3A_204 = arith.cmpi eq, %iota3A, %eq3A_203 : vector<16xi32>
        %select_n3A_205 = arith.select %eq3A_204, %broadcast_in_dim3A_202, %broadcast_in_dim3A_193 : vector<16xi1>, vector<16xi32>
        %slice3A_206 = vector.extract_strided_slice %select_n3A_191 {offsets = [1], sizes = [1], strides = [1]} : vector<16xi32> to vector<1xi32>
        %squeeze3A_207 = vector.extract %slice3A_206[0] : i32 from vector<1xi32>
        %get3A_208 = arith.index_cast %squeeze3A_207 : i32 to index
        %get3A_209 = memref.load %arg21[%get3A_208] : memref<256xi32, #tpu.memory_space<smem>>
        %add3A_210 = arith.constant 1 : i32
        %add3A_211 = arith.addi %get3A_209, %add3A_210 : i32
        %swap3A_212 = arith.index_cast %squeeze3A_207 : i32 to index
        %swap3A_213 = memref.load %arg21[%swap3A_212] : memref<256xi32, #tpu.memory_space<smem>>
        memref.store %add3A_211, %arg21[%swap3A_212] : memref<256xi32, #tpu.memory_space<smem>>
        %mul3A_214 = arith.constant 16 : i32
        %mul3A_215 = arith.muli %squeeze3A_207, %mul3A_214 : i32
        %add3A_216 = arith.addi %mul3A_215, %get3A_209 : i32
        %broadcast_in_dim3A_217 = vector.broadcast %add3A_216 : i32 to vector<16xi32>
        %eq3A_218 = arith.constant 1 : i32
        %eq3A_219 = vector.broadcast %eq3A_218 : i32 to vector<16xi32>
        %eq3A_220 = arith.cmpi eq, %iota3A, %eq3A_219 : vector<16xi32>
        %select_n3A_221 = arith.select %eq3A_220, %broadcast_in_dim3A_217, %select_n3A_205 : vector<16xi1>, vector<16xi32>
        %slice3A_222 = vector.extract_strided_slice %select_n3A_191 {offsets = [2], sizes = [1], strides = [1]} : vector<16xi32> to vector<1xi32>
        %squeeze3A_223 = vector.extract %slice3A_222[0] : i32 from vector<1xi32>
        %get3A_224 = arith.index_cast %squeeze3A_223 : i32 to index
        %get3A_225 = memref.load %arg21[%get3A_224] : memref<256xi32, #tpu.memory_space<smem>>
        %add3A_226 = arith.constant 1 : i32
        %add3A_227 = arith.addi %get3A_225, %add3A_226 : i32
        %swap3A_228 = arith.index_cast %squeeze3A_223 : i32 to index
        %swap3A_229 = memref.load %arg21[%swap3A_228] : memref<256xi32, #tpu.memory_space<smem>>
        memref.store %add3A_227, %arg21[%swap3A_228] : memref<256xi32, #tpu.memory_space<smem>>
        %mul3A_230 = arith.constant 16 : i32
        %mul3A_231 = arith.muli %squeeze3A_223, %mul3A_230 : i32
        %add3A_232 = arith.addi %mul3A_231, %get3A_225 : i32
        %broadcast_in_dim3A_233 = vector.broadcast %add3A_232 : i32 to vector<16xi32>
        %eq3A_234 = arith.constant 2 : i32
        %eq3A_235 = vector.broadcast %eq3A_234 : i32 to vector<16xi32>
        %eq3A_236 = arith.cmpi eq, %iota3A, %eq3A_235 : vector<16xi32>
        %select_n3A_237 = arith.select %eq3A_236, %broadcast_in_dim3A_233, %select_n3A_221 : vector<16xi1>, vector<16xi32>
        %slice3A_238 = vector.extract_strided_slice %select_n3A_191 {offsets = [3], sizes = [1], strides = [1]} : vector<16xi32> to vector<1xi32>
        %squeeze3A_239 = vector.extract %slice3A_238[0] : i32 from vector<1xi32>
        %get3A_240 = arith.index_cast %squeeze3A_239 : i32 to index
        %get3A_241 = memref.load %arg21[%get3A_240] : memref<256xi32, #tpu.memory_space<smem>>
        %add3A_242 = arith.constant 1 : i32
        %add3A_243 = arith.addi %get3A_241, %add3A_242 : i32
        %swap3A_244 = arith.index_cast %squeeze3A_239 : i32 to index
        %swap3A_245 = memref.load %arg21[%swap3A_244] : memref<256xi32, #tpu.memory_space<smem>>
        memref.store %add3A_243, %arg21[%swap3A_244] : memref<256xi32, #tpu.memory_space<smem>>
        %mul3A_246 = arith.constant 16 : i32
        %mul3A_247 = arith.muli %squeeze3A_239, %mul3A_246 : i32
        %add3A_248 = arith.addi %mul3A_247, %get3A_241 : i32
        %broadcast_in_dim3A_249 = vector.broadcast %add3A_248 : i32 to vector<16xi32>
        %eq3A_250 = arith.constant 3 : i32
        %eq3A_251 = vector.broadcast %eq3A_250 : i32 to vector<16xi32>
        %eq3A_252 = arith.cmpi eq, %iota3A, %eq3A_251 : vector<16xi32>
        %select_n3A_253 = arith.select %eq3A_252, %broadcast_in_dim3A_249, %select_n3A_237 : vector<16xi1>, vector<16xi32>
        %slice3A_254 = vector.extract_strided_slice %select_n3A_191 {offsets = [4], sizes = [1], strides = [1]} : vector<16xi32> to vector<1xi32>
        %squeeze3A_255 = vector.extract %slice3A_254[0] : i32 from vector<1xi32>
        %get3A_256 = arith.index_cast %squeeze3A_255 : i32 to index
        %get3A_257 = memref.load %arg21[%get3A_256] : memref<256xi32, #tpu.memory_space<smem>>
        %add3A_258 = arith.constant 1 : i32
        %add3A_259 = arith.addi %get3A_257, %add3A_258 : i32
        %swap3A_260 = arith.index_cast %squeeze3A_255 : i32 to index
        %swap3A_261 = memref.load %arg21[%swap3A_260] : memref<256xi32, #tpu.memory_space<smem>>
        memref.store %add3A_259, %arg21[%swap3A_260] : memref<256xi32, #tpu.memory_space<smem>>
        %mul3A_262 = arith.constant 16 : i32
        %mul3A_263 = arith.muli %squeeze3A_255, %mul3A_262 : i32
        %add3A_264 = arith.addi %mul3A_263, %get3A_257 : i32
        %broadcast_in_dim3A_265 = vector.broadcast %add3A_264 : i32 to vector<16xi32>
        %eq3A_266 = arith.constant 4 : i32
        %eq3A_267 = vector.broadcast %eq3A_266 : i32 to vector<16xi32>
        %eq3A_268 = arith.cmpi eq, %iota3A, %eq3A_267 : vector<16xi32>
        %select_n3A_269 = arith.select %eq3A_268, %broadcast_in_dim3A_265, %select_n3A_253 : vector<16xi1>, vector<16xi32>
        %slice3A_270 = vector.extract_strided_slice %select_n3A_191 {offsets = [5], sizes = [1], strides = [1]} : vector<16xi32> to vector<1xi32>
        %squeeze3A_271 = vector.extract %slice3A_270[0] : i32 from vector<1xi32>
        %get3A_272 = arith.index_cast %squeeze3A_271 : i32 to index
        %get3A_273 = memref.load %arg21[%get3A_272] : memref<256xi32, #tpu.memory_space<smem>>
        %add3A_274 = arith.constant 1 : i32
        %add3A_275 = arith.addi %get3A_273, %add3A_274 : i32
        %swap3A_276 = arith.index_cast %squeeze3A_271 : i32 to index
        %swap3A_277 = memref.load %arg21[%swap3A_276] : memref<256xi32, #tpu.memory_space<smem>>
        memref.store %add3A_275, %arg21[%swap3A_276] : memref<256xi32, #tpu.memory_space<smem>>
        %mul3A_278 = arith.constant 16 : i32
        %mul3A_279 = arith.muli %squeeze3A_271, %mul3A_278 : i32
        %add3A_280 = arith.addi %mul3A_279, %get3A_273 : i32
        %broadcast_in_dim3A_281 = vector.broadcast %add3A_280 : i32 to vector<16xi32>
        %eq3A_282 = arith.constant 5 : i32
        %eq3A_283 = vector.broadcast %eq3A_282 : i32 to vector<16xi32>
        %eq3A_284 = arith.cmpi eq, %iota3A, %eq3A_283 : vector<16xi32>
        %select_n3A_285 = arith.select %eq3A_284, %broadcast_in_dim3A_281, %select_n3A_269 : vector<16xi1>, vector<16xi32>
        %slice3A_286 = vector.extract_strided_slice %select_n3A_191 {offsets = [6], sizes = [1], strides = [1]} : vector<16xi32> to vector<1xi32>
        %squeeze3A_287 = vector.extract %slice3A_286[0] : i32 from vector<1xi32>
        %get3A_288 = arith.index_cast %squeeze3A_287 : i32 to index
        %get3A_289 = memref.load %arg21[%get3A_288] : memref<256xi32, #tpu.memory_space<smem>>
        %add3A_290 = arith.constant 1 : i32
        %add3A_291 = arith.addi %get3A_289, %add3A_290 : i32
        %swap3A_292 = arith.index_cast %squeeze3A_287 : i32 to index
        %swap3A_293 = memref.load %arg21[%swap3A_292] : memref<256xi32, #tpu.memory_space<smem>>
        memref.store %add3A_291, %arg21[%swap3A_292] : memref<256xi32, #tpu.memory_space<smem>>
        %mul3A_294 = arith.constant 16 : i32
        %mul3A_295 = arith.muli %squeeze3A_287, %mul3A_294 : i32
        %add3A_296 = arith.addi %mul3A_295, %get3A_289 : i32
        %broadcast_in_dim3A_297 = vector.broadcast %add3A_296 : i32 to vector<16xi32>
        %eq3A_298 = arith.constant 6 : i32
        %eq3A_299 = vector.broadcast %eq3A_298 : i32 to vector<16xi32>
        %eq3A_300 = arith.cmpi eq, %iota3A, %eq3A_299 : vector<16xi32>
        %select_n3A_301 = arith.select %eq3A_300, %broadcast_in_dim3A_297, %select_n3A_285 : vector<16xi1>, vector<16xi32>
        %slice3A_302 = vector.extract_strided_slice %select_n3A_191 {offsets = [7], sizes = [1], strides = [1]} : vector<16xi32> to vector<1xi32>
        %squeeze3A_303 = vector.extract %slice3A_302[0] : i32 from vector<1xi32>
        %get3A_304 = arith.index_cast %squeeze3A_303 : i32 to index
        %get3A_305 = memref.load %arg21[%get3A_304] : memref<256xi32, #tpu.memory_space<smem>>
        %add3A_306 = arith.constant 1 : i32
        %add3A_307 = arith.addi %get3A_305, %add3A_306 : i32
        %swap3A_308 = arith.index_cast %squeeze3A_303 : i32 to index
        %swap3A_309 = memref.load %arg21[%swap3A_308] : memref<256xi32, #tpu.memory_space<smem>>
        memref.store %add3A_307, %arg21[%swap3A_308] : memref<256xi32, #tpu.memory_space<smem>>
        %mul3A_310 = arith.constant 16 : i32
        %mul3A_311 = arith.muli %squeeze3A_303, %mul3A_310 : i32
        %add3A_312 = arith.addi %mul3A_311, %get3A_305 : i32
        %broadcast_in_dim3A_313 = vector.broadcast %add3A_312 : i32 to vector<16xi32>
        %eq3A_314 = arith.constant 7 : i32
        %eq3A_315 = vector.broadcast %eq3A_314 : i32 to vector<16xi32>
        %eq3A_316 = arith.cmpi eq, %iota3A, %eq3A_315 : vector<16xi32>
        %select_n3A_317 = arith.select %eq3A_316, %broadcast_in_dim3A_313, %select_n3A_301 : vector<16xi1>, vector<16xi32>
        %slice3A_318 = vector.extract_strided_slice %select_n3A_191 {offsets = [8], sizes = [1], strides = [1]} : vector<16xi32> to vector<1xi32>
        %squeeze3A_319 = vector.extract %slice3A_318[0] : i32 from vector<1xi32>
        %get3A_320 = arith.index_cast %squeeze3A_319 : i32 to index
        %get3A_321 = memref.load %arg21[%get3A_320] : memref<256xi32, #tpu.memory_space<smem>>
        %add3A_322 = arith.constant 1 : i32
        %add3A_323 = arith.addi %get3A_321, %add3A_322 : i32
        %swap3A_324 = arith.index_cast %squeeze3A_319 : i32 to index
        %swap3A_325 = memref.load %arg21[%swap3A_324] : memref<256xi32, #tpu.memory_space<smem>>
        memref.store %add3A_323, %arg21[%swap3A_324] : memref<256xi32, #tpu.memory_space<smem>>
        %mul3A_326 = arith.constant 16 : i32
        %mul3A_327 = arith.muli %squeeze3A_319, %mul3A_326 : i32
        %add3A_328 = arith.addi %mul3A_327, %get3A_321 : i32
        %broadcast_in_dim3A_329 = vector.broadcast %add3A_328 : i32 to vector<16xi32>
        %eq3A_330 = arith.constant 8 : i32
        %eq3A_331 = vector.broadcast %eq3A_330 : i32 to vector<16xi32>
        %eq3A_332 = arith.cmpi eq, %iota3A, %eq3A_331 : vector<16xi32>
        %select_n3A_333 = arith.select %eq3A_332, %broadcast_in_dim3A_329, %select_n3A_317 : vector<16xi1>, vector<16xi32>
        %slice3A_334 = vector.extract_strided_slice %select_n3A_191 {offsets = [9], sizes = [1], strides = [1]} : vector<16xi32> to vector<1xi32>
        %squeeze3A_335 = vector.extract %slice3A_334[0] : i32 from vector<1xi32>
        %get3A_336 = arith.index_cast %squeeze3A_335 : i32 to index
        %get3A_337 = memref.load %arg21[%get3A_336] : memref<256xi32, #tpu.memory_space<smem>>
        %add3A_338 = arith.constant 1 : i32
        %add3A_339 = arith.addi %get3A_337, %add3A_338 : i32
        %swap3A_340 = arith.index_cast %squeeze3A_335 : i32 to index
        %swap3A_341 = memref.load %arg21[%swap3A_340] : memref<256xi32, #tpu.memory_space<smem>>
        memref.store %add3A_339, %arg21[%swap3A_340] : memref<256xi32, #tpu.memory_space<smem>>
        %mul3A_342 = arith.constant 16 : i32
        %mul3A_343 = arith.muli %squeeze3A_335, %mul3A_342 : i32
        %add3A_344 = arith.addi %mul3A_343, %get3A_337 : i32
        %broadcast_in_dim3A_345 = vector.broadcast %add3A_344 : i32 to vector<16xi32>
        %eq3A_346 = arith.constant 9 : i32
        %eq3A_347 = vector.broadcast %eq3A_346 : i32 to vector<16xi32>
        %eq3A_348 = arith.cmpi eq, %iota3A, %eq3A_347 : vector<16xi32>
        %select_n3A_349 = arith.select %eq3A_348, %broadcast_in_dim3A_345, %select_n3A_333 : vector<16xi1>, vector<16xi32>
        %slice3A_350 = vector.extract_strided_slice %select_n3A_191 {offsets = [10], sizes = [1], strides = [1]} : vector<16xi32> to vector<1xi32>
        %squeeze3A_351 = vector.extract %slice3A_350[0] : i32 from vector<1xi32>
        %get3A_352 = arith.index_cast %squeeze3A_351 : i32 to index
        %get3A_353 = memref.load %arg21[%get3A_352] : memref<256xi32, #tpu.memory_space<smem>>
        %add3A_354 = arith.constant 1 : i32
        %add3A_355 = arith.addi %get3A_353, %add3A_354 : i32
        %swap3A_356 = arith.index_cast %squeeze3A_351 : i32 to index
        %swap3A_357 = memref.load %arg21[%swap3A_356] : memref<256xi32, #tpu.memory_space<smem>>
        memref.store %add3A_355, %arg21[%swap3A_356] : memref<256xi32, #tpu.memory_space<smem>>
        %mul3A_358 = arith.constant 16 : i32
        %mul3A_359 = arith.muli %squeeze3A_351, %mul3A_358 : i32
        %add3A_360 = arith.addi %mul3A_359, %get3A_353 : i32
        %broadcast_in_dim3A_361 = vector.broadcast %add3A_360 : i32 to vector<16xi32>
        %eq3A_362 = arith.constant 10 : i32
        %eq3A_363 = vector.broadcast %eq3A_362 : i32 to vector<16xi32>
        %eq3A_364 = arith.cmpi eq, %iota3A, %eq3A_363 : vector<16xi32>
        %select_n3A_365 = arith.select %eq3A_364, %broadcast_in_dim3A_361, %select_n3A_349 : vector<16xi1>, vector<16xi32>
        %slice3A_366 = vector.extract_strided_slice %select_n3A_191 {offsets = [11], sizes = [1], strides = [1]} : vector<16xi32> to vector<1xi32>
        %squeeze3A_367 = vector.extract %slice3A_366[0] : i32 from vector<1xi32>
        %get3A_368 = arith.index_cast %squeeze3A_367 : i32 to index
        %get3A_369 = memref.load %arg21[%get3A_368] : memref<256xi32, #tpu.memory_space<smem>>
        %add3A_370 = arith.constant 1 : i32
        %add3A_371 = arith.addi %get3A_369, %add3A_370 : i32
        %swap3A_372 = arith.index_cast %squeeze3A_367 : i32 to index
        %swap3A_373 = memref.load %arg21[%swap3A_372] : memref<256xi32, #tpu.memory_space<smem>>
        memref.store %add3A_371, %arg21[%swap3A_372] : memref<256xi32, #tpu.memory_space<smem>>
        %mul3A_374 = arith.constant 16 : i32
        %mul3A_375 = arith.muli %squeeze3A_367, %mul3A_374 : i32
        %add3A_376 = arith.addi %mul3A_375, %get3A_369 : i32
        %broadcast_in_dim3A_377 = vector.broadcast %add3A_376 : i32 to vector<16xi32>
        %eq3A_378 = arith.constant 11 : i32
        %eq3A_379 = vector.broadcast %eq3A_378 : i32 to vector<16xi32>
        %eq3A_380 = arith.cmpi eq, %iota3A, %eq3A_379 : vector<16xi32>
        %select_n3A_381 = arith.select %eq3A_380, %broadcast_in_dim3A_377, %select_n3A_365 : vector<16xi1>, vector<16xi32>
        %slice3A_382 = vector.extract_strided_slice %select_n3A_191 {offsets = [12], sizes = [1], strides = [1]} : vector<16xi32> to vector<1xi32>
        %squeeze3A_383 = vector.extract %slice3A_382[0] : i32 from vector<1xi32>
        %get3A_384 = arith.index_cast %squeeze3A_383 : i32 to index
        %get3A_385 = memref.load %arg21[%get3A_384] : memref<256xi32, #tpu.memory_space<smem>>
        %add3A_386 = arith.constant 1 : i32
        %add3A_387 = arith.addi %get3A_385, %add3A_386 : i32
        %swap3A_388 = arith.index_cast %squeeze3A_383 : i32 to index
        %swap3A_389 = memref.load %arg21[%swap3A_388] : memref<256xi32, #tpu.memory_space<smem>>
        memref.store %add3A_387, %arg21[%swap3A_388] : memref<256xi32, #tpu.memory_space<smem>>
        %mul3A_390 = arith.constant 16 : i32
        %mul3A_391 = arith.muli %squeeze3A_383, %mul3A_390 : i32
        %add3A_392 = arith.addi %mul3A_391, %get3A_385 : i32
        %broadcast_in_dim3A_393 = vector.broadcast %add3A_392 : i32 to vector<16xi32>
        %eq3A_394 = arith.constant 12 : i32
        %eq3A_395 = vector.broadcast %eq3A_394 : i32 to vector<16xi32>
        %eq3A_396 = arith.cmpi eq, %iota3A, %eq3A_395 : vector<16xi32>
        %select_n3A_397 = arith.select %eq3A_396, %broadcast_in_dim3A_393, %select_n3A_381 : vector<16xi1>, vector<16xi32>
        %slice3A_398 = vector.extract_strided_slice %select_n3A_191 {offsets = [13], sizes = [1], strides = [1]} : vector<16xi32> to vector<1xi32>
        %squeeze3A_399 = vector.extract %slice3A_398[0] : i32 from vector<1xi32>
        %get3A_400 = arith.index_cast %squeeze3A_399 : i32 to index
        %get3A_401 = memref.load %arg21[%get3A_400] : memref<256xi32, #tpu.memory_space<smem>>
        %add3A_402 = arith.constant 1 : i32
        %add3A_403 = arith.addi %get3A_401, %add3A_402 : i32
        %swap3A_404 = arith.index_cast %squeeze3A_399 : i32 to index
        %swap3A_405 = memref.load %arg21[%swap3A_404] : memref<256xi32, #tpu.memory_space<smem>>
        memref.store %add3A_403, %arg21[%swap3A_404] : memref<256xi32, #tpu.memory_space<smem>>
        %mul3A_406 = arith.constant 16 : i32
        %mul3A_407 = arith.muli %squeeze3A_399, %mul3A_406 : i32
        %add3A_408 = arith.addi %mul3A_407, %get3A_401 : i32
        %broadcast_in_dim3A_409 = vector.broadcast %add3A_408 : i32 to vector<16xi32>
        %eq3A_410 = arith.constant 13 : i32
        %eq3A_411 = vector.broadcast %eq3A_410 : i32 to vector<16xi32>
        %eq3A_412 = arith.cmpi eq, %iota3A, %eq3A_411 : vector<16xi32>
        %select_n3A_413 = arith.select %eq3A_412, %broadcast_in_dim3A_409, %select_n3A_397 : vector<16xi1>, vector<16xi32>
        %slice3A_414 = vector.extract_strided_slice %select_n3A_191 {offsets = [14], sizes = [1], strides = [1]} : vector<16xi32> to vector<1xi32>
        %squeeze3A_415 = vector.extract %slice3A_414[0] : i32 from vector<1xi32>
        %get3A_416 = arith.index_cast %squeeze3A_415 : i32 to index
        %get3A_417 = memref.load %arg21[%get3A_416] : memref<256xi32, #tpu.memory_space<smem>>
        %add3A_418 = arith.constant 1 : i32
        %add3A_419 = arith.addi %get3A_417, %add3A_418 : i32
        %swap3A_420 = arith.index_cast %squeeze3A_415 : i32 to index
        %swap3A_421 = memref.load %arg21[%swap3A_420] : memref<256xi32, #tpu.memory_space<smem>>
        memref.store %add3A_419, %arg21[%swap3A_420] : memref<256xi32, #tpu.memory_space<smem>>
        %mul3A_422 = arith.constant 16 : i32
        %mul3A_423 = arith.muli %squeeze3A_415, %mul3A_422 : i32
        %add3A_424 = arith.addi %mul3A_423, %get3A_417 : i32
        %broadcast_in_dim3A_425 = vector.broadcast %add3A_424 : i32 to vector<16xi32>
        %eq3A_426 = arith.constant 14 : i32
        %eq3A_427 = vector.broadcast %eq3A_426 : i32 to vector<16xi32>
        %eq3A_428 = arith.cmpi eq, %iota3A, %eq3A_427 : vector<16xi32>
        %select_n3A_429 = arith.select %eq3A_428, %broadcast_in_dim3A_425, %select_n3A_413 : vector<16xi1>, vector<16xi32>
        %slice3A_430 = vector.extract_strided_slice %select_n3A_191 {offsets = [15], sizes = [1], strides = [1]} : vector<16xi32> to vector<1xi32>
        %squeeze3A_431 = vector.extract %slice3A_430[0] : i32 from vector<1xi32>
        %get3A_432 = arith.index_cast %squeeze3A_431 : i32 to index
        %get3A_433 = memref.load %arg21[%get3A_432] : memref<256xi32, #tpu.memory_space<smem>>
        %add3A_434 = arith.constant 1 : i32
        %add3A_435 = arith.addi %get3A_433, %add3A_434 : i32
        %swap3A_436 = arith.index_cast %squeeze3A_431 : i32 to index
        %swap3A_437 = memref.load %arg21[%swap3A_436] : memref<256xi32, #tpu.memory_space<smem>>
        memref.store %add3A_435, %arg21[%swap3A_436] : memref<256xi32, #tpu.memory_space<smem>>
        %mul3A_438 = arith.constant 16 : i32
        %mul3A_439 = arith.muli %squeeze3A_431, %mul3A_438 : i32
        %add3A_440 = arith.addi %mul3A_439, %get3A_433 : i32
        %broadcast_in_dim3A_441 = vector.broadcast %add3A_440 : i32 to vector<16xi32>
        %eq3A_442 = arith.constant 15 : i32
        %eq3A_443 = vector.broadcast %eq3A_442 : i32 to vector<16xi32>
        %eq3A_444 = arith.cmpi eq, %iota3A, %eq3A_443 : vector<16xi32>
        %select_n3A_445 = arith.select %eq3A_444, %broadcast_in_dim3A_441, %select_n3A_429 : vector<16xi1>, vector<16xi32>
        tpu.vector_store_idx %arg16[%select_n3A_445], %get3A_177 masked %lt3A_187 : memref<4096xi32, #tpu.memory_space<vmem>>[vector<16xi32>], vector<16xi32>, vector<16xi1>
        tpu.vector_store_idx %arg17[%select_n3A_445], %get3A_181 masked %lt3A_187 : memref<4096xi32, #tpu.memory_space<vmem>>[vector<16xi32>], vector<16xi32>, vector<16xi1>
      } else {
      }
      scf.yield %cond3A_130, %cond3A_136 : i32, i32
    }
    %min3A = arith.constant 32 : i32
    %min3A_73 = arith.minsi %while3A_72#0, %min3A : i32
    %while3A_74 = arith.constant 0 : i32
    %while3A_75 = arith.constant 0 : i32
    %while3A_76 = arith.subi %min3A_73, %while3A_74 : i32
    %while3A_77 = arith.addi %while3A_74, %while3A_76 : i32
    %while3A_78 = arith.constant 1 : i32
    %while3A_79 = arith.divsi %while3A_76, %while3A_78 : i32
    %while3A_80 = arith.muli %while3A_79, %while3A_78 : i32
    %while3A_81 = arith.addi %while3A_74, %while3A_80 : i32
    %while3A_82 = arith.constant 1 : i32
    %while3A_83 = scf.for %while3A_126 = %while3A_74 to %while3A_81 step %while3A_82 iter_args(%while3A_127 = %while3A_75) -> (i32)  : i32 {
      %dma_wait3A = arith.constant 0 : i32
      %dma_wait3A_128 = arith.constant 0 : i32
      %dma_wait3A_129 = tpu.memref_slice %arg23[%dma_wait3A, %dma_wait3A_128] : memref<32x32xf32, #tpu.memory_space<vmem>> -> memref<1x32xf32, #tpu.memory_space<vmem>>
      %dma_wait3A_130 = tpu.memref_squeeze %dma_wait3A_129 : memref<1x32xf32, #tpu.memory_space<vmem>> -> memref<32xf32, #tpu.memory_space<vmem>>
      %dma_wait3A_131 = arith.constant 0 : i32
      %dma_wait3A_132 = tpu.memref_slice %arg6[%dma_wait3A_131] : memref<524288xf32, #tpu.memory_space<hbm>> -> memref<32xf32, #tpu.memory_space<hbm>>
      %dma_wait3A_133 = arith.constant 0 : i32
      %dma_wait3A_134 = tpu.memref_slice %arg6[%dma_wait3A_133] : memref<524288xf32, #tpu.memory_space<hbm>> -> memref<32xf32, #tpu.memory_space<hbm>>
      %dma_wait3A_135 = arith.constant 0 : i32
      %dma_wait3A_136 = tpu.memref_slice %arg23[%dma_wait3A, %dma_wait3A_135] : memref<32x32xf32, #tpu.memory_space<vmem>> -> memref<1x32xf32, #tpu.memory_space<vmem>>
      %dma_wait3A_137 = tpu.memref_squeeze %dma_wait3A_136 : memref<1x32xf32, #tpu.memory_space<vmem>> -> memref<32xf32, #tpu.memory_space<vmem>>
      tpu.wait_dma2 semaphore(%arg25 : memref<!tpu.dma_semaphore, #tpu.memory_space<semaphore_mem>>) src(%dma_wait3A_137 : memref<32xf32, #tpu.memory_space<vmem>>) dst(%dma_wait3A_134 : memref<32xf32, #tpu.memory_space<hbm>>)
      %while3A_138 = arith.constant 0 : i32
      scf.yield %while3A_138 : i32
    }
    %while3A_84 = arith.constant 1 : i32
    %while3A_85 = scf.for %while3A_126 = %while3A_81 to %while3A_77 step %while3A_84 iter_args(%while3A_127 = %while3A_83) -> (i32)  : i32 {
      %dma_wait3A = arith.constant 0 : i32
      %dma_wait3A_128 = arith.constant 0 : i32
      %dma_wait3A_129 = tpu.memref_slice %arg23[%dma_wait3A, %dma_wait3A_128] : memref<32x32xf32, #tpu.memory_space<vmem>> -> memref<1x32xf32, #tpu.memory_space<vmem>>
      %dma_wait3A_130 = tpu.memref_squeeze %dma_wait3A_129 : memref<1x32xf32, #tpu.memory_space<vmem>> -> memref<32xf32, #tpu.memory_space<vmem>>
      %dma_wait3A_131 = arith.constant 0 : i32
      %dma_wait3A_132 = tpu.memref_slice %arg6[%dma_wait3A_131] : memref<524288xf32, #tpu.memory_space<hbm>> -> memref<32xf32, #tpu.memory_space<hbm>>
      %dma_wait3A_133 = arith.constant 0 : i32
      %dma_wait3A_134 = tpu.memref_slice %arg6[%dma_wait3A_133] : memref<524288xf32, #tpu.memory_space<hbm>> -> memref<32xf32, #tpu.memory_space<hbm>>
      %dma_wait3A_135 = arith.constant 0 : i32
      %dma_wait3A_136 = tpu.memref_slice %arg23[%dma_wait3A, %dma_wait3A_135] : memref<32x32xf32, #tpu.memory_space<vmem>> -> memref<1x32xf32, #tpu.memory_space<vmem>>
      %dma_wait3A_137 = tpu.memref_squeeze %dma_wait3A_136 : memref<1x32xf32, #tpu.memory_space<vmem>> -> memref<32xf32, #tpu.memory_space<vmem>>
      tpu.wait_dma2 semaphore(%arg25 : memref<!tpu.dma_semaphore, #tpu.memory_space<semaphore_mem>>) src(%dma_wait3A_137 : memref<32xf32, #tpu.memory_space<vmem>>) dst(%dma_wait3A_134 : memref<32xf32, #tpu.memory_space<hbm>>)
      %while3A_138 = arith.constant 0 : i32
      scf.yield %while3A_138 : i32
    }
    %scan3A_86 = arith.constant 0 : i32
    %scan3A_87 = arith.constant 0 : i32
    %scan3A_88 = arith.constant 245 : i32
    %scan3A_89 = arith.addi %scan3A_87, %scan3A_88 : i32
    %scan3A_90 = arith.constant 1 : i32
    %scan3A_91 = scf.for %scan3A_126 = %scan3A_87 to %scan3A_89 step %scan3A_90 iter_args(%scan3A_127 = %scan3A_86) -> (i32)  : i32 {
      %get3A = arith.index_cast %scan3A_126 : i32 to index
      %get3A_128 = memref.load %arg21[%get3A] : memref<256xi32, #tpu.memory_space<smem>>
      %gt3A = arith.constant 0 : i32
      %gt3A_129 = arith.cmpi sgt, %get3A_128, %gt3A : i32
      %convert_element_type3A = arith.extui %gt3A_129 : i1 to i32
      %cond3A = arith.constant 0 : i32
      %cond3A_130 = arith.cmpi ne, %convert_element_type3A, %cond3A : i32
      %cond3A_131 = scf.if %cond3A_130 -> (i32) {
        %swap3A = arith.index_cast %scan3A_127 : i32 to index
        %swap3A_132 = memref.load %arg19[%swap3A] : memref<256xi32, #tpu.memory_space<smem>>
        memref.store %scan3A_126, %arg19[%swap3A] : memref<256xi32, #tpu.memory_space<smem>>
        %add3A_133 = arith.constant 1 : i32
        %add3A_134 = arith.addi %scan3A_127, %add3A_133 : i32
        scf.yield %add3A_134 : i32
      } else {
        scf.yield %scan3A_127 : i32
      }
      scf.yield %cond3A_131 : i32
    }
    %scan3A_92 = arith.constant 245 : i32
    %scan3A_93 = arith.constant 0 : i32
    %scan3A_94 = arith.constant 0 : i32
    %scan3A_95 = arith.constant 14 : i32
    %scan3A_96 = arith.addi %scan3A_94, %scan3A_95 : i32
    %scan3A_97 = arith.constant 1 : i32
    %scan3A_98 = scf.for %scan3A_126 = %scan3A_94 to %scan3A_96 step %scan3A_97 iter_args(%scan3A_127 = %scan3A_93) -> (i32)  : i32 {
      %lt3A = arith.cmpi slt, %scan3A_126, %scan3A_91 : i32
      %convert_element_type3A = arith.extui %lt3A : i1 to i32
      %cond3A = arith.constant 0 : i32
      %cond3A_128 = arith.cmpi ne, %convert_element_type3A, %cond3A : i32
      scf.if %cond3A_128 {
        %get3A = arith.index_cast %scan3A_126 : i32 to index
        %get3A_130 = memref.load %arg19[%get3A] : memref<256xi32, #tpu.memory_space<smem>>
        %mul3A_131 = arith.constant 32 : i32
        %mul3A_132 = arith.muli %get3A_130, %mul3A_131 : i32
        %add3A_133 = arith.addi %mul3A_132, %add3A : i32
        %mul3A_134 = arith.constant 128 : i32
        %mul3A_135 = arith.muli %add3A_133, %mul3A_134 : i32
        %multiple_of3A = tpu.assume_multiple %mul3A_135, 128 : i32
        %rem3A_136 = arith.constant 14 : i32
        %rem3A_137 = arith.remsi %scan3A_126, %rem3A_136 : i32
        %dma_start3A = arith.constant 0 : i32
        %dma_start3A_138 = arith.constant 0 : i32
        %dma_start3A_139 = tpu.memref_slice %arg22[%rem3A_137, %dma_start3A, %dma_start3A_138] : memref<14x32x128xf32, #tpu.memory_space<vmem>> -> memref<1x32x128xf32, #tpu.memory_space<vmem>>
        %dma_start3A_140 = tpu.memref_squeeze %dma_start3A_139 : memref<1x32x128xf32, #tpu.memory_space<vmem>> -> memref<32x128xf32, #tpu.memory_space<vmem>>
        %dma_start3A_141 = arith.constant 0 : i32
        %dma_start3A_142 = tpu.memref_slice %arg5[%dma_start3A_141, %multiple_of3A] : memref<32x1000000xf32, #tpu.memory_space<hbm>> -> memref<32x128xf32, #tpu.memory_space<hbm>>
        %dma_start3A_143 = arith.constant 0 : i32
        %dma_start3A_144 = arith.constant 0 : i32
        %dma_start3A_145 = tpu.memref_slice %arg22[%rem3A_137, %dma_start3A_143, %dma_start3A_144] : memref<14x32x128xf32, #tpu.memory_space<vmem>> -> memref<1x32x128xf32, #tpu.memory_space<vmem>>
        %dma_start3A_146 = tpu.memref_squeeze %dma_start3A_145 : memref<1x32x128xf32, #tpu.memory_space<vmem>> -> memref<32x128xf32, #tpu.memory_space<vmem>>
        %dma_start3A_147 = arith.constant 0 : i32
        %dma_start3A_148 = tpu.memref_slice %arg5[%dma_start3A_147, %multiple_of3A] : memref<32x1000000xf32, #tpu.memory_space<hbm>> -> memref<32x128xf32, #tpu.memory_space<hbm>>
        tpu.enqueue_dma source(%dma_start3A_148 : memref<32x128xf32, #tpu.memory_space<hbm>>) target(%dma_start3A_146 : memref<32x128xf32, #tpu.memory_space<vmem>>) target_semaphore(%arg24 : memref<!tpu.dma_semaphore, #tpu.memory_space<semaphore_mem>>)
      } else {
      }
      %scan3A_129 = arith.constant 0 : i32
      scf.yield %scan3A_129 : i32
    }
    %scan3A_99 = arith.constant 14 : i32
    %while3A_100 = arith.constant 0 : i32
    %while3A_101 = arith.constant 0 : i32
    %while3A_102 = arith.subi %scan3A_91, %while3A_100 : i32
    %while3A_103 = arith.addi %while3A_100, %while3A_102 : i32
    %while3A_104 = arith.constant 1 : i32
    %while3A_105 = arith.divsi %while3A_102, %while3A_104 : i32
    %while3A_106 = arith.muli %while3A_105, %while3A_104 : i32
    %while3A_107 = arith.addi %while3A_100, %while3A_106 : i32
    %while3A_108 = arith.constant 1 : i32
    %while3A_109 = scf.for %while3A_126 = %while3A_100 to %while3A_107 step %while3A_108 iter_args(%while3A_127 = %while3A_101) -> (i32)  : i32 {
      %rem3A_128 = arith.constant 14 : i32
      %rem3A_129 = arith.remsi %while3A_126, %rem3A_128 : i32
      %dma_wait3A = arith.constant 0 : i32
      %dma_wait3A_130 = arith.constant 0 : i32
      %dma_wait3A_131 = tpu.memref_slice %arg22[%rem3A_129, %dma_wait3A, %dma_wait3A_130] : memref<14x32x128xf32, #tpu.memory_space<vmem>> -> memref<1x32x128xf32, #tpu.memory_space<vmem>>
      %dma_wait3A_132 = tpu.memref_squeeze %dma_wait3A_131 : memref<1x32x128xf32, #tpu.memory_space<vmem>> -> memref<32x128xf32, #tpu.memory_space<vmem>>
      %dma_wait3A_133 = arith.constant 0 : i32
      %dma_wait3A_134 = arith.constant 0 : i32
      %dma_wait3A_135 = tpu.memref_slice %arg5[%dma_wait3A_133, %dma_wait3A_134] : memref<32x1000000xf32, #tpu.memory_space<hbm>> -> memref<32x128xf32, #tpu.memory_space<hbm>>
      %dma_wait3A_136 = arith.constant 0 : i32
      %dma_wait3A_137 = arith.constant 0 : i32
      %dma_wait3A_138 = tpu.memref_slice %arg22[%rem3A_129, %dma_wait3A_136, %dma_wait3A_137] : memref<14x32x128xf32, #tpu.memory_space<vmem>> -> memref<1x32x128xf32, #tpu.memory_space<vmem>>
      %dma_wait3A_139 = tpu.memref_squeeze %dma_wait3A_138 : memref<1x32x128xf32, #tpu.memory_space<vmem>> -> memref<32x128xf32, #tpu.memory_space<vmem>>
      %dma_wait3A_140 = arith.constant 0 : i32
      %dma_wait3A_141 = arith.constant 0 : i32
      %dma_wait3A_142 = tpu.memref_slice %arg5[%dma_wait3A_140, %dma_wait3A_141] : memref<32x1000000xf32, #tpu.memory_space<hbm>> -> memref<32x128xf32, #tpu.memory_space<hbm>>
      tpu.wait_dma2 semaphore(%arg24 : memref<!tpu.dma_semaphore, #tpu.memory_space<semaphore_mem>>) src(%dma_wait3A_142 : memref<32x128xf32, #tpu.memory_space<hbm>>) dst(%dma_wait3A_139 : memref<32x128xf32, #tpu.memory_space<vmem>>)
      %get3A = arith.index_cast %while3A_126 : i32 to index
      %get3A_143 = memref.load %arg19[%get3A] : memref<256xi32, #tpu.memory_space<smem>>
      %get3A_144 = arith.index_cast %get3A_143 : i32 to index
      %get3A_145 = memref.load %arg21[%get3A_144] : memref<256xi32, #tpu.memory_space<smem>>
      %mul3A_146 = arith.constant 16 : i32
      %mul3A_147 = arith.muli %get3A_143, %mul3A_146 : i32
      %add3A_148 = arith.constant 14 : i32
      %add3A_149 = arith.addi %while3A_126, %add3A_148 : i32
      %lt3A = arith.cmpi slt, %add3A_149, %scan3A_91 : i32
      %convert_element_type3A = arith.extui %lt3A : i1 to i32
      %cond3A = arith.constant 0 : i32
      %cond3A_150 = arith.cmpi ne, %convert_element_type3A, %cond3A : i32
      scf.if %cond3A_150 {
        %add3A_164 = arith.constant 14 : i32
        %add3A_165 = arith.addi %while3A_126, %add3A_164 : i32
        %get3A_166 = arith.index_cast %add3A_165 : i32 to index
        %get3A_167 = memref.load %arg19[%get3A_166] : memref<256xi32, #tpu.memory_space<smem>>
        %mul3A_168 = arith.constant 32 : i32
        %mul3A_169 = arith.muli %get3A_167, %mul3A_168 : i32
        %add3A_170 = arith.addi %mul3A_169, %add3A : i32
        %mul3A_171 = arith.constant 128 : i32
        %mul3A_172 = arith.muli %add3A_170, %mul3A_171 : i32
        %multiple_of3A = tpu.assume_multiple %mul3A_172, 128 : i32
        %rem3A_173 = arith.constant 14 : i32
        %rem3A_174 = arith.remsi %add3A_165, %rem3A_173 : i32
        %dma_start3A = arith.constant 0 : i32
        %dma_start3A_175 = arith.constant 0 : i32
        %dma_start3A_176 = tpu.memref_slice %arg22[%rem3A_174, %dma_start3A, %dma_start3A_175] : memref<14x32x128xf32, #tpu.memory_space<vmem>> -> memref<1x32x128xf32, #tpu.memory_space<vmem>>
        %dma_start3A_177 = tpu.memref_squeeze %dma_start3A_176 : memref<1x32x128xf32, #tpu.memory_space<vmem>> -> memref<32x128xf32, #tpu.memory_space<vmem>>
        %dma_start3A_178 = arith.constant 0 : i32
        %dma_start3A_179 = tpu.memref_slice %arg5[%dma_start3A_178, %multiple_of3A] : memref<32x1000000xf32, #tpu.memory_space<hbm>> -> memref<32x128xf32, #tpu.memory_space<hbm>>
        %dma_start3A_180 = arith.constant 0 : i32
        %dma_start3A_181 = arith.constant 0 : i32
        %dma_start3A_182 = tpu.memref_slice %arg22[%rem3A_174, %dma_start3A_180, %dma_start3A_181] : memref<14x32x128xf32, #tpu.memory_space<vmem>> -> memref<1x32x128xf32, #tpu.memory_space<vmem>>
        %dma_start3A_183 = tpu.memref_squeeze %dma_start3A_182 : memref<1x32x128xf32, #tpu.memory_space<vmem>> -> memref<32x128xf32, #tpu.memory_space<vmem>>
        %dma_start3A_184 = arith.constant 0 : i32
        %dma_start3A_185 = tpu.memref_slice %arg5[%dma_start3A_184, %multiple_of3A] : memref<32x1000000xf32, #tpu.memory_space<hbm>> -> memref<32x128xf32, #tpu.memory_space<hbm>>
        tpu.enqueue_dma source(%dma_start3A_185 : memref<32x128xf32, #tpu.memory_space<hbm>>) target(%dma_start3A_183 : memref<32x128xf32, #tpu.memory_space<vmem>>) target_semaphore(%arg24 : memref<!tpu.dma_semaphore, #tpu.memory_space<semaphore_mem>>)
      } else {
      }
      %while3A_151 = arith.constant 0 : i32
      %while3A_152 = arith.constant 0 : i32
      %while3A_153 = arith.subi %get3A_145, %while3A_151 : i32
      %while3A_154 = arith.addi %while3A_151, %while3A_153 : i32
      %while3A_155 = arith.constant 1 : i32
      %while3A_156 = arith.divsi %while3A_153, %while3A_155 : i32
      %while3A_157 = arith.muli %while3A_156, %while3A_155 : i32
      %while3A_158 = arith.addi %while3A_151, %while3A_157 : i32
      %while3A_159 = arith.constant 1 : i32
      %while3A_160 = scf.for %while3A_164 = %while3A_151 to %while3A_158 step %while3A_159 iter_args(%while3A_165 = %while3A_152) -> (i32)  : i32 {
        %add3A_166 = arith.addi %while3A_127, %while3A_164 : i32
        %ge3A = arith.constant 32 : i32
        %ge3A_167 = arith.cmpi sge, %add3A_166, %ge3A : i32
        %convert_element_type3A_168 = arith.extui %ge3A_167 : i1 to i32
        %cond3A_169 = arith.constant 0 : i32
        %cond3A_170 = arith.cmpi ne, %convert_element_type3A_168, %cond3A_169 : i32
        scf.if %cond3A_170 {
          %dma_wait3A_203 = arith.constant 0 : i32
          %dma_wait3A_204 = arith.constant 0 : i32
          %dma_wait3A_205 = tpu.memref_slice %arg23[%dma_wait3A_203, %dma_wait3A_204] : memref<32x32xf32, #tpu.memory_space<vmem>> -> memref<1x32xf32, #tpu.memory_space<vmem>>
          %dma_wait3A_206 = tpu.memref_squeeze %dma_wait3A_205 : memref<1x32xf32, #tpu.memory_space<vmem>> -> memref<32xf32, #tpu.memory_space<vmem>>
          %dma_wait3A_207 = arith.constant 0 : i32
          %dma_wait3A_208 = tpu.memref_slice %arg7[%dma_wait3A_207] : memref<524288xf32, #tpu.memory_space<hbm>> -> memref<32xf32, #tpu.memory_space<hbm>>
          %dma_wait3A_209 = arith.constant 0 : i32
          %dma_wait3A_210 = tpu.memref_slice %arg7[%dma_wait3A_209] : memref<524288xf32, #tpu.memory_space<hbm>> -> memref<32xf32, #tpu.memory_space<hbm>>
          %dma_wait3A_211 = arith.constant 0 : i32
          %dma_wait3A_212 = tpu.memref_slice %arg23[%dma_wait3A_203, %dma_wait3A_211] : memref<32x32xf32, #tpu.memory_space<vmem>> -> memref<1x32xf32, #tpu.memory_space<vmem>>
          %dma_wait3A_213 = tpu.memref_squeeze %dma_wait3A_212 : memref<1x32xf32, #tpu.memory_space<vmem>> -> memref<32xf32, #tpu.memory_space<vmem>>
          tpu.wait_dma2 semaphore(%arg25 : memref<!tpu.dma_semaphore, #tpu.memory_space<semaphore_mem>>) src(%dma_wait3A_213 : memref<32xf32, #tpu.memory_space<vmem>>) dst(%dma_wait3A_210 : memref<32xf32, #tpu.memory_space<hbm>>)
        } else {
        }
        %broadcast_in_dim3A = vector.broadcast %mul3A_147 : i32 to vector<16xi32>
        %add3A_171 = vector.broadcast %while3A_164 : i32 to vector<16xi32>
        %add3A_172 = arith.addi %broadcast_in_dim3A, %add3A_171 : vector<16xi32>
        %gather3A = tpu.vector_load_idx %arg16[%add3A_172] : memref<4096xi32, #tpu.memory_space<vmem>>[vector<16xi32>], vector<16xi32>,
        %broadcast_in_dim3A_173 = vector.broadcast %mul3A_147 : i32 to vector<16xi32>
        %add3A_174 = vector.broadcast %while3A_164 : i32 to vector<16xi32>
        %add3A_175 = arith.addi %broadcast_in_dim3A_173, %add3A_174 : vector<16xi32>
        %gather3A_176 = tpu.vector_load_idx %arg17[%add3A_175] : memref<4096xi32, #tpu.memory_space<vmem>>[vector<16xi32>], vector<16xi32>,
        %and3A_177 = arith.constant 127 : i32
        %and3A_178 = vector.broadcast %and3A_177 : i32 to vector<16xi32>
        %and3A_179 = arith.andi %gather3A, %and3A_178 : vector<16xi32>
        %broadcast_in_dim3A_180 = vector.broadcast %rem3A_129 : i32 to vector<16xi32>
        %gather3A_181 = tpu.vector_load_idx %arg22[%broadcast_in_dim3A_180, %iota3A, %and3A_179] : memref<14x32x128xf32, #tpu.memory_space<vmem>>[vector<16xi32>, vector<16xi32>, vector<16xi32>], vector<16xf32>,
        %add3A_182 = arith.constant 16 : i32
        %add3A_183 = vector.broadcast %add3A_182 : i32 to vector<16xi32>
        %add3A_184 = arith.addi %iota3A, %add3A_183 : vector<16xi32>
        %gather3A_185 = tpu.vector_load_idx %arg22[%broadcast_in_dim3A_180, %add3A_184, %and3A_179] : memref<14x32x128xf32, #tpu.memory_space<vmem>>[vector<16xi32>, vector<16xi32>, vector<16xi32>], vector<16xf32>,
        %rem3A_186 = arith.constant 32 : i32
        %rem3A_187 = arith.remsi %add3A_166, %rem3A_186 : i32
        %swap3A = arith.index_cast %rem3A_187 : i32 to index
        %swap3A_188 = arith.constant 0 : index
        %swap3A_189 = tpu.vector_load %arg23[%swap3A, %swap3A_188] {strides = array<i32>} : memref<32x32xf32, #tpu.memory_space<vmem>>, vector<16xf32>,
        tpu.vector_store %arg23[%swap3A, %swap3A_188], %gather3A_181 {strides = array<i32>} : memref<32x32xf32, #tpu.memory_space<vmem>>, vector<16xf32>,
        %swap3A_190 = arith.index_cast %rem3A_187 : i32 to index
        %swap3A_191 = arith.constant 16 : index
        %swap3A_192 = tpu.vector_load %arg23[%swap3A_190, %swap3A_191] {strides = array<i32>} : memref<32x32xf32, #tpu.memory_space<vmem>>, vector<16xf32>,
        tpu.vector_store %arg23[%swap3A_190, %swap3A_191], %gather3A_185 {strides = array<i32>} : memref<32x32xf32, #tpu.memory_space<vmem>>, vector<16xf32>,
        %slice3A = vector.extract_strided_slice %gather3A_176 {offsets = [0], sizes = [1], strides = [1]} : vector<16xi32> to vector<1xi32>
        %squeeze3A = vector.extract %slice3A[0] : i32 from vector<1xi32>
        %mul3A_193 = arith.constant 32 : i32
        %mul3A_194 = arith.muli %squeeze3A, %mul3A_193 : i32
        %dma_start3A = arith.constant 0 : i32
        %dma_start3A_195 = tpu.memref_slice %arg23[%rem3A_187, %dma_start3A] : memref<32x32xf32, #tpu.memory_space<vmem>> -> memref<1x32xf32, #tpu.memory_space<vmem>>
        %dma_start3A_196 = tpu.memref_squeeze %dma_start3A_195 : memref<1x32xf32, #tpu.memory_space<vmem>> -> memref<32xf32, #tpu.memory_space<vmem>>
        %dma_start3A_197 = tpu.memref_slice %arg7[%mul3A_194] : memref<524288xf32, #tpu.memory_space<hbm>> -> memref<32xf32, #tpu.memory_space<hbm>>
        %dma_start3A_198 = tpu.memref_slice %arg7[%mul3A_194] : memref<524288xf32, #tpu.memory_space<hbm>> -> memref<32xf32, #tpu.memory_space<hbm>>
        %dma_start3A_199 = arith.constant 0 : i32
        %dma_start3A_200 = tpu.memref_slice %arg23[%rem3A_187, %dma_start3A_199] : memref<32x32xf32, #tpu.memory_space<vmem>> -> memref<1x32xf32, #tpu.memory_space<vmem>>
        %dma_start3A_201 = tpu.memref_squeeze %dma_start3A_200 : memref<1x32xf32, #tpu.memory_space<vmem>> -> memref<32xf32, #tpu.memory_space<vmem>>
        tpu.enqueue_dma source(%dma_start3A_201 : memref<32xf32, #tpu.memory_space<vmem>>) target(%dma_start3A_198 : memref<32xf32, #tpu.memory_space<hbm>>) target_semaphore(%arg25 : memref<!tpu.dma_semaphore, #tpu.memory_space<semaphore_mem>>)
        %while3A_202 = arith.constant 0 : i32
        scf.yield %while3A_202 : i32
      }
      %while3A_161 = arith.constant 1 : i32
      %while3A_162 = scf.for %while3A_164 = %while3A_158 to %while3A_154 step %while3A_161 iter_args(%while3A_165 = %while3A_160) -> (i32)  : i32 {
        %add3A_166 = arith.addi %while3A_127, %while3A_164 : i32
        %ge3A = arith.constant 32 : i32
        %ge3A_167 = arith.cmpi sge, %add3A_166, %ge3A : i32
        %convert_element_type3A_168 = arith.extui %ge3A_167 : i1 to i32
        %cond3A_169 = arith.constant 0 : i32
        %cond3A_170 = arith.cmpi ne, %convert_element_type3A_168, %cond3A_169 : i32
        scf.if %cond3A_170 {
          %dma_wait3A_203 = arith.constant 0 : i32
          %dma_wait3A_204 = arith.constant 0 : i32
          %dma_wait3A_205 = tpu.memref_slice %arg23[%dma_wait3A_203, %dma_wait3A_204] : memref<32x32xf32, #tpu.memory_space<vmem>> -> memref<1x32xf32, #tpu.memory_space<vmem>>
          %dma_wait3A_206 = tpu.memref_squeeze %dma_wait3A_205 : memref<1x32xf32, #tpu.memory_space<vmem>> -> memref<32xf32, #tpu.memory_space<vmem>>
          %dma_wait3A_207 = arith.constant 0 : i32
          %dma_wait3A_208 = tpu.memref_slice %arg7[%dma_wait3A_207] : memref<524288xf32, #tpu.memory_space<hbm>> -> memref<32xf32, #tpu.memory_space<hbm>>
          %dma_wait3A_209 = arith.constant 0 : i32
          %dma_wait3A_210 = tpu.memref_slice %arg7[%dma_wait3A_209] : memref<524288xf32, #tpu.memory_space<hbm>> -> memref<32xf32, #tpu.memory_space<hbm>>
          %dma_wait3A_211 = arith.constant 0 : i32
          %dma_wait3A_212 = tpu.memref_slice %arg23[%dma_wait3A_203, %dma_wait3A_211] : memref<32x32xf32, #tpu.memory_space<vmem>> -> memref<1x32xf32, #tpu.memory_space<vmem>>
          %dma_wait3A_213 = tpu.memref_squeeze %dma_wait3A_212 : memref<1x32xf32, #tpu.memory_space<vmem>> -> memref<32xf32, #tpu.memory_space<vmem>>
          tpu.wait_dma2 semaphore(%arg25 : memref<!tpu.dma_semaphore, #tpu.memory_space<semaphore_mem>>) src(%dma_wait3A_213 : memref<32xf32, #tpu.memory_space<vmem>>) dst(%dma_wait3A_210 : memref<32xf32, #tpu.memory_space<hbm>>)
        } else {
        }
        %broadcast_in_dim3A = vector.broadcast %mul3A_147 : i32 to vector<16xi32>
        %add3A_171 = vector.broadcast %while3A_164 : i32 to vector<16xi32>
        %add3A_172 = arith.addi %broadcast_in_dim3A, %add3A_171 : vector<16xi32>
        %gather3A = tpu.vector_load_idx %arg16[%add3A_172] : memref<4096xi32, #tpu.memory_space<vmem>>[vector<16xi32>], vector<16xi32>,
        %broadcast_in_dim3A_173 = vector.broadcast %mul3A_147 : i32 to vector<16xi32>
        %add3A_174 = vector.broadcast %while3A_164 : i32 to vector<16xi32>
        %add3A_175 = arith.addi %broadcast_in_dim3A_173, %add3A_174 : vector<16xi32>
        %gather3A_176 = tpu.vector_load_idx %arg17[%add3A_175] : memref<4096xi32, #tpu.memory_space<vmem>>[vector<16xi32>], vector<16xi32>,
        %and3A_177 = arith.constant 127 : i32
        %and3A_178 = vector.broadcast %and3A_177 : i32 to vector<16xi32>
        %and3A_179 = arith.andi %gather3A, %and3A_178 : vector<16xi32>
        %broadcast_in_dim3A_180 = vector.broadcast %rem3A_129 : i32 to vector<16xi32>
        %gather3A_181 = tpu.vector_load_idx %arg22[%broadcast_in_dim3A_180, %iota3A, %and3A_179] : memref<14x32x128xf32, #tpu.memory_space<vmem>>[vector<16xi32>, vector<16xi32>, vector<16xi32>], vector<16xf32>,
        %add3A_182 = arith.constant 16 : i32
        %add3A_183 = vector.broadcast %add3A_182 : i32 to vector<16xi32>
        %add3A_184 = arith.addi %iota3A, %add3A_183 : vector<16xi32>
        %gather3A_185 = tpu.vector_load_idx %arg22[%broadcast_in_dim3A_180, %add3A_184, %and3A_179] : memref<14x32x128xf32, #tpu.memory_space<vmem>>[vector<16xi32>, vector<16xi32>, vector<16xi32>], vector<16xf32>,
        %rem3A_186 = arith.constant 32 : i32
        %rem3A_187 = arith.remsi %add3A_166, %rem3A_186 : i32
        %swap3A = arith.index_cast %rem3A_187 : i32 to index
        %swap3A_188 = arith.constant 0 : index
        %swap3A_189 = tpu.vector_load %arg23[%swap3A, %swap3A_188] {strides = array<i32>} : memref<32x32xf32, #tpu.memory_space<vmem>>, vector<16xf32>,
        tpu.vector_store %arg23[%swap3A, %swap3A_188], %gather3A_181 {strides = array<i32>} : memref<32x32xf32, #tpu.memory_space<vmem>>, vector<16xf32>,
        %swap3A_190 = arith.index_cast %rem3A_187 : i32 to index
        %swap3A_191 = arith.constant 16 : index
        %swap3A_192 = tpu.vector_load %arg23[%swap3A_190, %swap3A_191] {strides = array<i32>} : memref<32x32xf32, #tpu.memory_space<vmem>>, vector<16xf32>,
        tpu.vector_store %arg23[%swap3A_190, %swap3A_191], %gather3A_185 {strides = array<i32>} : memref<32x32xf32, #tpu.memory_space<vmem>>, vector<16xf32>,
        %slice3A = vector.extract_strided_slice %gather3A_176 {offsets = [0], sizes = [1], strides = [1]} : vector<16xi32> to vector<1xi32>
        %squeeze3A = vector.extract %slice3A[0] : i32 from vector<1xi32>
        %mul3A_193 = arith.constant 32 : i32
        %mul3A_194 = arith.muli %squeeze3A, %mul3A_193 : i32
        %dma_start3A = arith.constant 0 : i32
        %dma_start3A_195 = tpu.memref_slice %arg23[%rem3A_187, %dma_start3A] : memref<32x32xf32, #tpu.memory_space<vmem>> -> memref<1x32xf32, #tpu.memory_space<vmem>>
        %dma_start3A_196 = tpu.memref_squeeze %dma_start3A_195 : memref<1x32xf32, #tpu.memory_space<vmem>> -> memref<32xf32, #tpu.memory_space<vmem>>
        %dma_start3A_197 = tpu.memref_slice %arg7[%mul3A_194] : memref<524288xf32, #tpu.memory_space<hbm>> -> memref<32xf32, #tpu.memory_space<hbm>>
        %dma_start3A_198 = tpu.memref_slice %arg7[%mul3A_194] : memref<524288xf32, #tpu.memory_space<hbm>> -> memref<32xf32, #tpu.memory_space<hbm>>
        %dma_start3A_199 = arith.constant 0 : i32
        %dma_start3A_200 = tpu.memref_slice %arg23[%rem3A_187, %dma_start3A_199] : memref<32x32xf32, #tpu.memory_space<vmem>> -> memref<1x32xf32, #tpu.memory_space<vmem>>
        %dma_start3A_201 = tpu.memref_squeeze %dma_start3A_200 : memref<1x32xf32, #tpu.memory_space<vmem>> -> memref<32xf32, #tpu.memory_space<vmem>>
        tpu.enqueue_dma source(%dma_start3A_201 : memref<32xf32, #tpu.memory_space<vmem>>) target(%dma_start3A_198 : memref<32xf32, #tpu.memory_space<hbm>>) target_semaphore(%arg25 : memref<!tpu.dma_semaphore, #tpu.memory_space<semaphore_mem>>)
        %while3A_202 = arith.constant 0 : i32
        scf.yield %while3A_202 : i32
      }
      %add3A_163 = arith.addi %while3A_127, %get3A_145 : i32
      scf.yield %add3A_163 : i32
    }
    %while3A_110 = arith.constant 1 : i32
    %while3A_111 = scf.for %while3A_126 = %while3A_107 to %while3A_103 step %while3A_110 iter_args(%while3A_127 = %while3A_109) -> (i32)  : i32 {
      %rem3A_128 = arith.constant 14 : i32
      %rem3A_129 = arith.remsi %while3A_126, %rem3A_128 : i32
      %dma_wait3A = arith.constant 0 : i32
      %dma_wait3A_130 = arith.constant 0 : i32
      %dma_wait3A_131 = tpu.memref_slice %arg22[%rem3A_129, %dma_wait3A, %dma_wait3A_130] : memref<14x32x128xf32, #tpu.memory_space<vmem>> -> memref<1x32x128xf32, #tpu.memory_space<vmem>>
      %dma_wait3A_132 = tpu.memref_squeeze %dma_wait3A_131 : memref<1x32x128xf32, #tpu.memory_space<vmem>> -> memref<32x128xf32, #tpu.memory_space<vmem>>
      %dma_wait3A_133 = arith.constant 0 : i32
      %dma_wait3A_134 = arith.constant 0 : i32
      %dma_wait3A_135 = tpu.memref_slice %arg5[%dma_wait3A_133, %dma_wait3A_134] : memref<32x1000000xf32, #tpu.memory_space<hbm>> -> memref<32x128xf32, #tpu.memory_space<hbm>>
      %dma_wait3A_136 = arith.constant 0 : i32
      %dma_wait3A_137 = arith.constant 0 : i32
      %dma_wait3A_138 = tpu.memref_slice %arg22[%rem3A_129, %dma_wait3A_136, %dma_wait3A_137] : memref<14x32x128xf32, #tpu.memory_space<vmem>> -> memref<1x32x128xf32, #tpu.memory_space<vmem>>
      %dma_wait3A_139 = tpu.memref_squeeze %dma_wait3A_138 : memref<1x32x128xf32, #tpu.memory_space<vmem>> -> memref<32x128xf32, #tpu.memory_space<vmem>>
      %dma_wait3A_140 = arith.constant 0 : i32
      %dma_wait3A_141 = arith.constant 0 : i32
      %dma_wait3A_142 = tpu.memref_slice %arg5[%dma_wait3A_140, %dma_wait3A_141] : memref<32x1000000xf32, #tpu.memory_space<hbm>> -> memref<32x128xf32, #tpu.memory_space<hbm>>
      tpu.wait_dma2 semaphore(%arg24 : memref<!tpu.dma_semaphore, #tpu.memory_space<semaphore_mem>>) src(%dma_wait3A_142 : memref<32x128xf32, #tpu.memory_space<hbm>>) dst(%dma_wait3A_139 : memref<32x128xf32, #tpu.memory_space<vmem>>)
      %get3A = arith.index_cast %while3A_126 : i32 to index
      %get3A_143 = memref.load %arg19[%get3A] : memref<256xi32, #tpu.memory_space<smem>>
      %get3A_144 = arith.index_cast %get3A_143 : i32 to index
      %get3A_145 = memref.load %arg21[%get3A_144] : memref<256xi32, #tpu.memory_space<smem>>
      %mul3A_146 = arith.constant 16 : i32
      %mul3A_147 = arith.muli %get3A_143, %mul3A_146 : i32
      %add3A_148 = arith.constant 14 : i32
      %add3A_149 = arith.addi %while3A_126, %add3A_148 : i32
      %lt3A = arith.cmpi slt, %add3A_149, %scan3A_91 : i32
      %convert_element_type3A = arith.extui %lt3A : i1 to i32
      %cond3A = arith.constant 0 : i32
      %cond3A_150 = arith.cmpi ne, %convert_element_type3A, %cond3A : i32
      scf.if %cond3A_150 {
        %add3A_164 = arith.constant 14 : i32
        %add3A_165 = arith.addi %while3A_126, %add3A_164 : i32
        %get3A_166 = arith.index_cast %add3A_165 : i32 to index
        %get3A_167 = memref.load %arg19[%get3A_166] : memref<256xi32, #tpu.memory_space<smem>>
        %mul3A_168 = arith.constant 32 : i32
        %mul3A_169 = arith.muli %get3A_167, %mul3A_168 : i32
        %add3A_170 = arith.addi %mul3A_169, %add3A : i32
        %mul3A_171 = arith.constant 128 : i32
        %mul3A_172 = arith.muli %add3A_170, %mul3A_171 : i32
        %multiple_of3A = tpu.assume_multiple %mul3A_172, 128 : i32
        %rem3A_173 = arith.constant 14 : i32
        %rem3A_174 = arith.remsi %add3A_165, %rem3A_173 : i32
        %dma_start3A = arith.constant 0 : i32
        %dma_start3A_175 = arith.constant 0 : i32
        %dma_start3A_176 = tpu.memref_slice %arg22[%rem3A_174, %dma_start3A, %dma_start3A_175] : memref<14x32x128xf32, #tpu.memory_space<vmem>> -> memref<1x32x128xf32, #tpu.memory_space<vmem>>
        %dma_start3A_177 = tpu.memref_squeeze %dma_start3A_176 : memref<1x32x128xf32, #tpu.memory_space<vmem>> -> memref<32x128xf32, #tpu.memory_space<vmem>>
        %dma_start3A_178 = arith.constant 0 : i32
        %dma_start3A_179 = tpu.memref_slice %arg5[%dma_start3A_178, %multiple_of3A] : memref<32x1000000xf32, #tpu.memory_space<hbm>> -> memref<32x128xf32, #tpu.memory_space<hbm>>
        %dma_start3A_180 = arith.constant 0 : i32
        %dma_start3A_181 = arith.constant 0 : i32
        %dma_start3A_182 = tpu.memref_slice %arg22[%rem3A_174, %dma_start3A_180, %dma_start3A_181] : memref<14x32x128xf32, #tpu.memory_space<vmem>> -> memref<1x32x128xf32, #tpu.memory_space<vmem>>
        %dma_start3A_183 = tpu.memref_squeeze %dma_start3A_182 : memref<1x32x128xf32, #tpu.memory_space<vmem>> -> memref<32x128xf32, #tpu.memory_space<vmem>>
        %dma_start3A_184 = arith.constant 0 : i32
        %dma_start3A_185 = tpu.memref_slice %arg5[%dma_start3A_184, %multiple_of3A] : memref<32x1000000xf32, #tpu.memory_space<hbm>> -> memref<32x128xf32, #tpu.memory_space<hbm>>
        tpu.enqueue_dma source(%dma_start3A_185 : memref<32x128xf32, #tpu.memory_space<hbm>>) target(%dma_start3A_183 : memref<32x128xf32, #tpu.memory_space<vmem>>) target_semaphore(%arg24 : memref<!tpu.dma_semaphore, #tpu.memory_space<semaphore_mem>>)
      } else {
      }
      %while3A_151 = arith.constant 0 : i32
      %while3A_152 = arith.constant 0 : i32
      %while3A_153 = arith.subi %get3A_145, %while3A_151 : i32
      %while3A_154 = arith.addi %while3A_151, %while3A_153 : i32
      %while3A_155 = arith.constant 1 : i32
      %while3A_156 = arith.divsi %while3A_153, %while3A_155 : i32
      %while3A_157 = arith.muli %while3A_156, %while3A_155 : i32
      %while3A_158 = arith.addi %while3A_151, %while3A_157 : i32
      %while3A_159 = arith.constant 1 : i32
      %while3A_160 = scf.for %while3A_164 = %while3A_151 to %while3A_158 step %while3A_159 iter_args(%while3A_165 = %while3A_152) -> (i32)  : i32 {
        %add3A_166 = arith.addi %while3A_127, %while3A_164 : i32
        %ge3A = arith.constant 32 : i32
        %ge3A_167 = arith.cmpi sge, %add3A_166, %ge3A : i32
        %convert_element_type3A_168 = arith.extui %ge3A_167 : i1 to i32
        %cond3A_169 = arith.constant 0 : i32
        %cond3A_170 = arith.cmpi ne, %convert_element_type3A_168, %cond3A_169 : i32
        scf.if %cond3A_170 {
          %dma_wait3A_203 = arith.constant 0 : i32
          %dma_wait3A_204 = arith.constant 0 : i32
          %dma_wait3A_205 = tpu.memref_slice %arg23[%dma_wait3A_203, %dma_wait3A_204] : memref<32x32xf32, #tpu.memory_space<vmem>> -> memref<1x32xf32, #tpu.memory_space<vmem>>
          %dma_wait3A_206 = tpu.memref_squeeze %dma_wait3A_205 : memref<1x32xf32, #tpu.memory_space<vmem>> -> memref<32xf32, #tpu.memory_space<vmem>>
          %dma_wait3A_207 = arith.constant 0 : i32
          %dma_wait3A_208 = tpu.memref_slice %arg7[%dma_wait3A_207] : memref<524288xf32, #tpu.memory_space<hbm>> -> memref<32xf32, #tpu.memory_space<hbm>>
          %dma_wait3A_209 = arith.constant 0 : i32
          %dma_wait3A_210 = tpu.memref_slice %arg7[%dma_wait3A_209] : memref<524288xf32, #tpu.memory_space<hbm>> -> memref<32xf32, #tpu.memory_space<hbm>>
          %dma_wait3A_211 = arith.constant 0 : i32
          %dma_wait3A_212 = tpu.memref_slice %arg23[%dma_wait3A_203, %dma_wait3A_211] : memref<32x32xf32, #tpu.memory_space<vmem>> -> memref<1x32xf32, #tpu.memory_space<vmem>>
          %dma_wait3A_213 = tpu.memref_squeeze %dma_wait3A_212 : memref<1x32xf32, #tpu.memory_space<vmem>> -> memref<32xf32, #tpu.memory_space<vmem>>
          tpu.wait_dma2 semaphore(%arg25 : memref<!tpu.dma_semaphore, #tpu.memory_space<semaphore_mem>>) src(%dma_wait3A_213 : memref<32xf32, #tpu.memory_space<vmem>>) dst(%dma_wait3A_210 : memref<32xf32, #tpu.memory_space<hbm>>)
        } else {
        }
        %broadcast_in_dim3A = vector.broadcast %mul3A_147 : i32 to vector<16xi32>
        %add3A_171 = vector.broadcast %while3A_164 : i32 to vector<16xi32>
        %add3A_172 = arith.addi %broadcast_in_dim3A, %add3A_171 : vector<16xi32>
        %gather3A = tpu.vector_load_idx %arg16[%add3A_172] : memref<4096xi32, #tpu.memory_space<vmem>>[vector<16xi32>], vector<16xi32>,
        %broadcast_in_dim3A_173 = vector.broadcast %mul3A_147 : i32 to vector<16xi32>
        %add3A_174 = vector.broadcast %while3A_164 : i32 to vector<16xi32>
        %add3A_175 = arith.addi %broadcast_in_dim3A_173, %add3A_174 : vector<16xi32>
        %gather3A_176 = tpu.vector_load_idx %arg17[%add3A_175] : memref<4096xi32, #tpu.memory_space<vmem>>[vector<16xi32>], vector<16xi32>,
        %and3A_177 = arith.constant 127 : i32
        %and3A_178 = vector.broadcast %and3A_177 : i32 to vector<16xi32>
        %and3A_179 = arith.andi %gather3A, %and3A_178 : vector<16xi32>
        %broadcast_in_dim3A_180 = vector.broadcast %rem3A_129 : i32 to vector<16xi32>
        %gather3A_181 = tpu.vector_load_idx %arg22[%broadcast_in_dim3A_180, %iota3A, %and3A_179] : memref<14x32x128xf32, #tpu.memory_space<vmem>>[vector<16xi32>, vector<16xi32>, vector<16xi32>], vector<16xf32>,
        %add3A_182 = arith.constant 16 : i32
        %add3A_183 = vector.broadcast %add3A_182 : i32 to vector<16xi32>
        %add3A_184 = arith.addi %iota3A, %add3A_183 : vector<16xi32>
        %gather3A_185 = tpu.vector_load_idx %arg22[%broadcast_in_dim3A_180, %add3A_184, %and3A_179] : memref<14x32x128xf32, #tpu.memory_space<vmem>>[vector<16xi32>, vector<16xi32>, vector<16xi32>], vector<16xf32>,
        %rem3A_186 = arith.constant 32 : i32
        %rem3A_187 = arith.remsi %add3A_166, %rem3A_186 : i32
        %swap3A = arith.index_cast %rem3A_187 : i32 to index
        %swap3A_188 = arith.constant 0 : index
        %swap3A_189 = tpu.vector_load %arg23[%swap3A, %swap3A_188] {strides = array<i32>} : memref<32x32xf32, #tpu.memory_space<vmem>>, vector<16xf32>,
        tpu.vector_store %arg23[%swap3A, %swap3A_188], %gather3A_181 {strides = array<i32>} : memref<32x32xf32, #tpu.memory_space<vmem>>, vector<16xf32>,
        %swap3A_190 = arith.index_cast %rem3A_187 : i32 to index
        %swap3A_191 = arith.constant 16 : index
        %swap3A_192 = tpu.vector_load %arg23[%swap3A_190, %swap3A_191] {strides = array<i32>} : memref<32x32xf32, #tpu.memory_space<vmem>>, vector<16xf32>,
        tpu.vector_store %arg23[%swap3A_190, %swap3A_191], %gather3A_185 {strides = array<i32>} : memref<32x32xf32, #tpu.memory_space<vmem>>, vector<16xf32>,
        %slice3A = vector.extract_strided_slice %gather3A_176 {offsets = [0], sizes = [1], strides = [1]} : vector<16xi32> to vector<1xi32>
        %squeeze3A = vector.extract %slice3A[0] : i32 from vector<1xi32>
        %mul3A_193 = arith.constant 32 : i32
        %mul3A_194 = arith.muli %squeeze3A, %mul3A_193 : i32
        %dma_start3A = arith.constant 0 : i32
        %dma_start3A_195 = tpu.memref_slice %arg23[%rem3A_187, %dma_start3A] : memref<32x32xf32, #tpu.memory_space<vmem>> -> memref<1x32xf32, #tpu.memory_space<vmem>>
        %dma_start3A_196 = tpu.memref_squeeze %dma_start3A_195 : memref<1x32xf32, #tpu.memory_space<vmem>> -> memref<32xf32, #tpu.memory_space<vmem>>
        %dma_start3A_197 = tpu.memref_slice %arg7[%mul3A_194] : memref<524288xf32, #tpu.memory_space<hbm>> -> memref<32xf32, #tpu.memory_space<hbm>>
        %dma_start3A_198 = tpu.memref_slice %arg7[%mul3A_194] : memref<524288xf32, #tpu.memory_space<hbm>> -> memref<32xf32, #tpu.memory_space<hbm>>
        %dma_start3A_199 = arith.constant 0 : i32
        %dma_start3A_200 = tpu.memref_slice %arg23[%rem3A_187, %dma_start3A_199] : memref<32x32xf32, #tpu.memory_space<vmem>> -> memref<1x32xf32, #tpu.memory_space<vmem>>
        %dma_start3A_201 = tpu.memref_squeeze %dma_start3A_200 : memref<1x32xf32, #tpu.memory_space<vmem>> -> memref<32xf32, #tpu.memory_space<vmem>>
        tpu.enqueue_dma source(%dma_start3A_201 : memref<32xf32, #tpu.memory_space<vmem>>) target(%dma_start3A_198 : memref<32xf32, #tpu.memory_space<hbm>>) target_semaphore(%arg25 : memref<!tpu.dma_semaphore, #tpu.memory_space<semaphore_mem>>)
        %while3A_202 = arith.constant 0 : i32
        scf.yield %while3A_202 : i32
      }
      %while3A_161 = arith.constant 1 : i32
      %while3A_162 = scf.for %while3A_164 = %while3A_158 to %while3A_154 step %while3A_161 iter_args(%while3A_165 = %while3A_160) -> (i32)  : i32 {
        %add3A_166 = arith.addi %while3A_127, %while3A_164 : i32
        %ge3A = arith.constant 32 : i32
        %ge3A_167 = arith.cmpi sge, %add3A_166, %ge3A : i32
        %convert_element_type3A_168 = arith.extui %ge3A_167 : i1 to i32
        %cond3A_169 = arith.constant 0 : i32
        %cond3A_170 = arith.cmpi ne, %convert_element_type3A_168, %cond3A_169 : i32
        scf.if %cond3A_170 {
          %dma_wait3A_203 = arith.constant 0 : i32
          %dma_wait3A_204 = arith.constant 0 : i32
          %dma_wait3A_205 = tpu.memref_slice %arg23[%dma_wait3A_203, %dma_wait3A_204] : memref<32x32xf32, #tpu.memory_space<vmem>> -> memref<1x32xf32, #tpu.memory_space<vmem>>
          %dma_wait3A_206 = tpu.memref_squeeze %dma_wait3A_205 : memref<1x32xf32, #tpu.memory_space<vmem>> -> memref<32xf32, #tpu.memory_space<vmem>>
          %dma_wait3A_207 = arith.constant 0 : i32
          %dma_wait3A_208 = tpu.memref_slice %arg7[%dma_wait3A_207] : memref<524288xf32, #tpu.memory_space<hbm>> -> memref<32xf32, #tpu.memory_space<hbm>>
          %dma_wait3A_209 = arith.constant 0 : i32
          %dma_wait3A_210 = tpu.memref_slice %arg7[%dma_wait3A_209] : memref<524288xf32, #tpu.memory_space<hbm>> -> memref<32xf32, #tpu.memory_space<hbm>>
          %dma_wait3A_211 = arith.constant 0 : i32
          %dma_wait3A_212 = tpu.memref_slice %arg23[%dma_wait3A_203, %dma_wait3A_211] : memref<32x32xf32, #tpu.memory_space<vmem>> -> memref<1x32xf32, #tpu.memory_space<vmem>>
          %dma_wait3A_213 = tpu.memref_squeeze %dma_wait3A_212 : memref<1x32xf32, #tpu.memory_space<vmem>> -> memref<32xf32, #tpu.memory_space<vmem>>
          tpu.wait_dma2 semaphore(%arg25 : memref<!tpu.dma_semaphore, #tpu.memory_space<semaphore_mem>>) src(%dma_wait3A_213 : memref<32xf32, #tpu.memory_space<vmem>>) dst(%dma_wait3A_210 : memref<32xf32, #tpu.memory_space<hbm>>)
        } else {
        }
        %broadcast_in_dim3A = vector.broadcast %mul3A_147 : i32 to vector<16xi32>
        %add3A_171 = vector.broadcast %while3A_164 : i32 to vector<16xi32>
        %add3A_172 = arith.addi %broadcast_in_dim3A, %add3A_171 : vector<16xi32>
        %gather3A = tpu.vector_load_idx %arg16[%add3A_172] : memref<4096xi32, #tpu.memory_space<vmem>>[vector<16xi32>], vector<16xi32>,
        %broadcast_in_dim3A_173 = vector.broadcast %mul3A_147 : i32 to vector<16xi32>
        %add3A_174 = vector.broadcast %while3A_164 : i32 to vector<16xi32>
        %add3A_175 = arith.addi %broadcast_in_dim3A_173, %add3A_174 : vector<16xi32>
        %gather3A_176 = tpu.vector_load_idx %arg17[%add3A_175] : memref<4096xi32, #tpu.memory_space<vmem>>[vector<16xi32>], vector<16xi32>,
        %and3A_177 = arith.constant 127 : i32
        %and3A_178 = vector.broadcast %and3A_177 : i32 to vector<16xi32>
        %and3A_179 = arith.andi %gather3A, %and3A_178 : vector<16xi32>
        %broadcast_in_dim3A_180 = vector.broadcast %rem3A_129 : i32 to vector<16xi32>
        %gather3A_181 = tpu.vector_load_idx %arg22[%broadcast_in_dim3A_180, %iota3A, %and3A_179] : memref<14x32x128xf32, #tpu.memory_space<vmem>>[vector<16xi32>, vector<16xi32>, vector<16xi32>], vector<16xf32>,
        %add3A_182 = arith.constant 16 : i32
        %add3A_183 = vector.broadcast %add3A_182 : i32 to vector<16xi32>
        %add3A_184 = arith.addi %iota3A, %add3A_183 : vector<16xi32>
        %gather3A_185 = tpu.vector_load_idx %arg22[%broadcast_in_dim3A_180, %add3A_184, %and3A_179] : memref<14x32x128xf32, #tpu.memory_space<vmem>>[vector<16xi32>, vector<16xi32>, vector<16xi32>], vector<16xf32>,
        %rem3A_186 = arith.constant 32 : i32
        %rem3A_187 = arith.remsi %add3A_166, %rem3A_186 : i32
        %swap3A = arith.index_cast %rem3A_187 : i32 to index
        %swap3A_188 = arith.constant 0 : index
        %swap3A_189 = tpu.vector_load %arg23[%swap3A, %swap3A_188] {strides = array<i32>} : memref<32x32xf32, #tpu.memory_space<vmem>>, vector<16xf32>,
        tpu.vector_store %arg23[%swap3A, %swap3A_188], %gather3A_181 {strides = array<i32>} : memref<32x32xf32, #tpu.memory_space<vmem>>, vector<16xf32>,
        %swap3A_190 = arith.index_cast %rem3A_187 : i32 to index
        %swap3A_191 = arith.constant 16 : index
        %swap3A_192 = tpu.vector_load %arg23[%swap3A_190, %swap3A_191] {strides = array<i32>} : memref<32x32xf32, #tpu.memory_space<vmem>>, vector<16xf32>,
        tpu.vector_store %arg23[%swap3A_190, %swap3A_191], %gather3A_185 {strides = array<i32>} : memref<32x32xf32, #tpu.memory_space<vmem>>, vector<16xf32>,
        %slice3A = vector.extract_strided_slice %gather3A_176 {offsets = [0], sizes = [1], strides = [1]} : vector<16xi32> to vector<1xi32>
        %squeeze3A = vector.extract %slice3A[0] : i32 from vector<1xi32>
        %mul3A_193 = arith.constant 32 : i32
        %mul3A_194 = arith.muli %squeeze3A, %mul3A_193 : i32
        %dma_start3A = arith.constant 0 : i32
        %dma_start3A_195 = tpu.memref_slice %arg23[%rem3A_187, %dma_start3A] : memref<32x32xf32, #tpu.memory_space<vmem>> -> memref<1x32xf32, #tpu.memory_space<vmem>>
        %dma_start3A_196 = tpu.memref_squeeze %dma_start3A_195 : memref<1x32xf32, #tpu.memory_space<vmem>> -> memref<32xf32, #tpu.memory_space<vmem>>
        %dma_start3A_197 = tpu.memref_slice %arg7[%mul3A_194] : memref<524288xf32, #tpu.memory_space<hbm>> -> memref<32xf32, #tpu.memory_space<hbm>>
        %dma_start3A_198 = tpu.memref_slice %arg7[%mul3A_194] : memref<524288xf32, #tpu.memory_space<hbm>> -> memref<32xf32, #tpu.memory_space<hbm>>
        %dma_start3A_199 = arith.constant 0 : i32
        %dma_start3A_200 = tpu.memref_slice %arg23[%rem3A_187, %dma_start3A_199] : memref<32x32xf32, #tpu.memory_space<vmem>> -> memref<1x32xf32, #tpu.memory_space<vmem>>
        %dma_start3A_201 = tpu.memref_squeeze %dma_start3A_200 : memref<1x32xf32, #tpu.memory_space<vmem>> -> memref<32xf32, #tpu.memory_space<vmem>>
        tpu.enqueue_dma source(%dma_start3A_201 : memref<32xf32, #tpu.memory_space<vmem>>) target(%dma_start3A_198 : memref<32xf32, #tpu.memory_space<hbm>>) target_semaphore(%arg25 : memref<!tpu.dma_semaphore, #tpu.memory_space<semaphore_mem>>)
        %while3A_202 = arith.constant 0 : i32
        scf.yield %while3A_202 : i32
      }
      %add3A_163 = arith.addi %while3A_127, %get3A_145 : i32
      scf.yield %add3A_163 : i32
    }
    %min3A_112 = arith.constant 32 : i32
    %min3A_113 = arith.minsi %while3A_111, %min3A_112 : i32
    %while3A_114 = arith.constant 0 : i32
    %while3A_115 = arith.constant 0 : i32
    %while3A_116 = arith.subi %min3A_113, %while3A_114 : i32
    %while3A_117 = arith.addi %while3A_114, %while3A_116 : i32
    %while3A_118 = arith.constant 1 : i32
    %while3A_119 = arith.divsi %while3A_116, %while3A_118 : i32
    %while3A_120 = arith.muli %while3A_119, %while3A_118 : i32
    %while3A_121 = arith.addi %while3A_114, %while3A_120 : i32
    %while3A_122 = arith.constant 1 : i32
    %while3A_123 = scf.for %while3A_126 = %while3A_114 to %while3A_121 step %while3A_122 iter_args(%while3A_127 = %while3A_115) -> (i32)  : i32 {
      %dma_wait3A = arith.constant 0 : i32
      %dma_wait3A_128 = arith.constant 0 : i32
      %dma_wait3A_129 = tpu.memref_slice %arg23[%dma_wait3A, %dma_wait3A_128] : memref<32x32xf32, #tpu.memory_space<vmem>> -> memref<1x32xf32, #tpu.memory_space<vmem>>
      %dma_wait3A_130 = tpu.memref_squeeze %dma_wait3A_129 : memref<1x32xf32, #tpu.memory_space<vmem>> -> memref<32xf32, #tpu.memory_space<vmem>>
      %dma_wait3A_131 = arith.constant 0 : i32
      %dma_wait3A_132 = tpu.memref_slice %arg7[%dma_wait3A_131] : memref<524288xf32, #tpu.memory_space<hbm>> -> memref<32xf32, #tpu.memory_space<hbm>>
      %dma_wait3A_133 = arith.constant 0 : i32
      %dma_wait3A_134 = tpu.memref_slice %arg7[%dma_wait3A_133] : memref<524288xf32, #tpu.memory_space<hbm>> -> memref<32xf32, #tpu.memory_space<hbm>>
      %dma_wait3A_135 = arith.constant 0 : i32
      %dma_wait3A_136 = tpu.memref_slice %arg23[%dma_wait3A, %dma_wait3A_135] : memref<32x32xf32, #tpu.memory_space<vmem>> -> memref<1x32xf32, #tpu.memory_space<vmem>>
      %dma_wait3A_137 = tpu.memref_squeeze %dma_wait3A_136 : memref<1x32xf32, #tpu.memory_space<vmem>> -> memref<32xf32, #tpu.memory_space<vmem>>
      tpu.wait_dma2 semaphore(%arg25 : memref<!tpu.dma_semaphore, #tpu.memory_space<semaphore_mem>>) src(%dma_wait3A_137 : memref<32xf32, #tpu.memory_space<vmem>>) dst(%dma_wait3A_134 : memref<32xf32, #tpu.memory_space<hbm>>)
      %while3A_138 = arith.constant 0 : i32
      scf.yield %while3A_138 : i32
    }
    %while3A_124 = arith.constant 1 : i32
    %while3A_125 = scf.for %while3A_126 = %while3A_121 to %while3A_117 step %while3A_124 iter_args(%while3A_127 = %while3A_123) -> (i32)  : i32 {
      %dma_wait3A = arith.constant 0 : i32
      %dma_wait3A_128 = arith.constant 0 : i32
      %dma_wait3A_129 = tpu.memref_slice %arg23[%dma_wait3A, %dma_wait3A_128] : memref<32x32xf32, #tpu.memory_space<vmem>> -> memref<1x32xf32, #tpu.memory_space<vmem>>
      %dma_wait3A_130 = tpu.memref_squeeze %dma_wait3A_129 : memref<1x32xf32, #tpu.memory_space<vmem>> -> memref<32xf32, #tpu.memory_space<vmem>>
      %dma_wait3A_131 = arith.constant 0 : i32
      %dma_wait3A_132 = tpu.memref_slice %arg7[%dma_wait3A_131] : memref<524288xf32, #tpu.memory_space<hbm>> -> memref<32xf32, #tpu.memory_space<hbm>>
      %dma_wait3A_133 = arith.constant 0 : i32
      %dma_wait3A_134 = tpu.memref_slice %arg7[%dma_wait3A_133] : memref<524288xf32, #tpu.memory_space<hbm>> -> memref<32xf32, #tpu.memory_space<hbm>>
      %dma_wait3A_135 = arith.constant 0 : i32
      %dma_wait3A_136 = tpu.memref_slice %arg23[%dma_wait3A, %dma_wait3A_135] : memref<32x32xf32, #tpu.memory_space<vmem>> -> memref<1x32xf32, #tpu.memory_space<vmem>>
      %dma_wait3A_137 = tpu.memref_squeeze %dma_wait3A_136 : memref<1x32xf32, #tpu.memory_space<vmem>> -> memref<32xf32, #tpu.memory_space<vmem>>
      tpu.wait_dma2 semaphore(%arg25 : memref<!tpu.dma_semaphore, #tpu.memory_space<semaphore_mem>>) src(%dma_wait3A_137 : memref<32xf32, #tpu.memory_space<vmem>>) dst(%dma_wait3A_134 : memref<32xf32, #tpu.memory_space<hbm>>)
      %while3A_138 = arith.constant 0 : i32
      scf.yield %while3A_138 : i32
    }
    return
  }
}

</mosaic_0001>

<sc_bundles>
// kernel: _run.4.cloned.1.call-start
scs
__scs_entry_jumppad:
0x0: {  	(pc) =	sbr.rel $0x88, $3  }
0x1: {  	(tag) =	ssettag $0x0;
	lr =	simm.s32 $0x1  }
0x2: {  	[smem:$0x3F9D] =	sst lr;
	_ =	strace $0xD0000000  }
0x3: {  	_ = 	snop  }
0x4: {  	_ = 	snop  }
0x5: {  	_ = 	snop  }
0x6: {  	_ = 	snop  }
0x7: {  	_ = 	snop  }
__scs_overlays_trampoline_lowered:
0x8: {  	[smem:$0x3FAC] =	sst s0  }
0x9: {  	[smem:$0x3FAD] =	sst s1  }
0xa: {  	[smem:$0x3FAE] =	sst s2  }
0xb: {  	[smem:$0x3FAF] =	sst s3  }
0xc: {  	[smem:$0x3FB0] =	sst s4  }
0xd: {  	[smem:$0x3FB1] =	sst s5  }
0xe: {  	[smem:$0x3FB2] =	sst s6  }
0xf: {  	[smem:$0x3FB3] =	sst s7  }
0x10: {  	[smem:$0x3FB4] =	sst s8  }
0x11: {  	[smem:$0x3FB5] =	sst s9;
	s0 =	simm.s32 @!p0 $0x0  }
0x12: {  	s1 =	sld [smem:$0x3F9B];
	s0 =	simm.s32 @p0 $0x1  }
0x13: {  	[smem:$0x3FB6] =	sst s0;
	s0 =	simm.s32 @!p1 $0x0  }
0x14: {  	s2 =	sld [smem:$0x3F9A];
	s0 =	simm.s32 @p1 $0x1  }
0x15: {  	[smem:$0x3FB7] =	sst s0;
	s0 =	simm.s32 @!p2 $0x0  }
0x16: {  	s3 =	sld [smem:$0x3FDB];
	s0 =	simm.s32 @p2 $0x1  }
0x17: {  	s4 =	simm.s32 $0x1BF5;
	[smem:$0x3FB9] =	sst s0  }
0x18: {  	s0 =	sld [smem:$0x3F9C];
	_ =	swait.ge [sflag:s4], $0x0  }
0x19: {  	s7 =	sld [smem:$0x3F9D]  }
0x1a: {  	s8 =	sadd.s32 $0xFFFFE003, lr  }
0x1b: {  	s9 =	sadd.s32 $0xFFFFFEF7, lr;
	s5 =	simm.s32 $0xFFFFFFFF;
	p2 =	slt.u32 s8, $0xFFFFF086  }
0x1c: {  	p1 =	slt.u32 s9, $0xF7A;
	s5 =	simm.s32 @!p2 $0x0  }
0x1d: {  	s5 =	simm.s32 @p1 $0x1;
	p0 =	seq.s32 s7, s2  }
0x1e: {  	s7 =	smul.u32 @!p0 $0xF7A, s2;
	p2 =	seq.s32 @!p0 s5, $0x0  }
0x1f: {  	s9 =	smul.u32 $0xF7A, s1;
	s8 =	simm.s32 @!p0 $0x1BF5;
	p2 =	por !p2, p0  }
0x20: {  	[sflag:s8] =	ssyncset.s32 @!p0 $0xFFFFF086;
	s6 =	sadd.s32 @!p0 s3, s7;
	s7 =	simm.s32 @!p0 $0x108  }
0x21: {  	s3 =	sadd.s32 s3, s9;
	s6 =	sadd.s32 @!p0 $0x88, s6;
	s7 =	simm.s32 @p2 $0x1082  }
0x22: {  	[simem:s7], [sflag:s8] =	dma.local @!p0 [hbm:s6], $0xF7A  }
0x23: {  	s9 =	sor.u32 $0xD0000000, s2;
	s6 =	simm.s32 $0x108;
	_ =	swait.ge @!p0 [sflag:s8], $0x0  }
0x24: {  	s3 =	sadd.s32 $0x88, s3;
	s6 =	simm.s32 @!p1 $0x1082;
	[sflag:s4] =	ssyncset.s32 $0xFFFFF086  }
0x25: {  	[simem:s6], [sflag:s4] =	dma.local [hbm:s3], $0xF7A  }
0x26: {  	[smem:$0x3F9D] =	sst s1;
	(tag) =	ssettag s2;
	_ =	strace s9  }
0x27: {  	s1 =	sld [smem:$0x3FAD]  }
0x28: {  	s2 =	sld [smem:$0x3FAE]  }
0x29: {  	s4 =	sld [smem:$0x3FB0]  }
0x2a: {  	p0 =	seq.s32 s5, $0x0;
	s5 =	sld [smem:$0x3FB1]  }
0x2b: {  	s6 =	sld [smem:$0x3FB2]  }
0x2c: {  	s7 =	sld [smem:$0x3FB3]  }
0x2d: {  	s3 =	simm.s32 $0x108;
	s8 =	sld [smem:$0x3FB4]  }
0x2e: {  	s3 =	simm.s32 @!p0 $0x1082;
	s9 =	sld [smem:$0x3FB5]  }
0x2f: {  	lr =	sadd.s32 s0, s3;
	s0 =	sld [smem:$0x3FAC]  }
0x30: {  	s3 =	sld [smem:$0x3FAF]  }
0x31: {  	[smem:$0x3FB8] =	sst s10  }
0x32: {  	s10 =	sld [smem:$0x3FB6];
	_ =	sdelay $0x3  }
0x33: {  	p0 =	seq.s32 s10, $0x1;
	s10 =	sld [smem:$0x3FB8];
	_ =	sdelay $0x3  }
0x34: {  	[smem:$0x3FB8] =	sst s10  }
0x35: {  	s10 =	sld [smem:$0x3FB7];
	_ =	sdelay $0x3  }
0x36: {  	p1 =	seq.s32 s10, $0x1;
	s10 =	sld [smem:$0x3FB8];
	_ =	sdelay $0x3  }
0x37: {  	[smem:$0x3FB8] =	sst s10  }
0x38: {  	s10 =	sld [smem:$0x3FB9]  }
0x39: {  	_ = 	snop;
	(pc) =	sbr.ind lr, $3  }
0x3a: {  	_ = 	snop  }
0x3b: {  	_ = 	snop  }
0x3c: {  	p2 =	seq.s32 s10, $0x1;
	s10 =	sld [smem:$0x3FB8]  }
0x3d: {  	_ =	shalt  }
0x3e: {  	_ =	shalt  }
0x3f: {  	_ =	shalt  }
0x40: {  	_ =	shalt  }
0x41: {  	_ =	shalt  }
0x42: {  	_ =	shalt  }
0x43: {  	_ =	shalt  }
0x44: {  	_ =	shalt  }
0x45: {  	_ =	shalt  }
0x46: {  	_ =	shalt  }
0x47: {  	_ =	shalt  }
0x48: {  	_ =	shalt  }
0x49: {  	_ =	shalt  }
0x4a: {  	_ =	shalt  }
0x4b: {  	_ =	shalt  }
0x4c: {  	_ =	shalt  }
0x4d: {  	_ =	shalt  }
0x4e: {  	_ =	shalt  }
0x4f: {  	_ =	shalt  }
0x50: {  	_ =	shalt  }
0x51: {  	_ =	shalt  }
0x52: {  	_ =	shalt  }
0x53: {  	_ =	shalt  }
0x54: {  	_ =	shalt  }
0x55: {  	_ =	shalt  }
0x56: {  	_ =	shalt  }
0x57: {  	_ =	shalt  }
0x58: {  	_ =	shalt  }
0x59: {  	_ =	shalt  }
0x5a: {  	_ =	shalt  }
0x5b: {  	_ =	shalt  }
0x5c: {  	_ =	shalt  }
0x5d: {  	_ =	shalt  }
0x5e: {  	_ =	shalt  }
0x5f: {  	_ =	shalt  }
0x60: {  	_ =	shalt  }
0x61: {  	_ =	shalt  }
0x62: {  	_ =	shalt  }
0x63: {  	_ =	shalt  }
0x64: {  	_ =	shalt  }
0x65: {  	_ =	shalt  }
0x66: {  	_ =	shalt  }
0x67: {  	_ =	shalt  }
0x68: {  	_ =	shalt  }
0x69: {  	_ =	shalt  }
0x6a: {  	_ =	shalt  }
0x6b: {  	_ =	shalt  }
0x6c: {  	_ =	shalt  }
0x6d: {  	_ =	shalt  }
0x6e: {  	_ =	shalt  }
0x6f: {  	_ =	shalt  }
0x70: {  	_ =	shalt  }
0x71: {  	_ =	shalt  }
0x72: {  	_ =	shalt  }
0x73: {  	_ =	shalt  }
0x74: {  	_ =	shalt  }
0x75: {  	_ =	shalt  }
0x76: {  	_ =	shalt  }
0x77: {  	_ =	shalt  }
0x78: {  	_ =	shalt  }
0x79: {  	_ =	shalt  }
0x7a: {  	_ =	shalt  }
0x7b: {  	_ =	shalt  }
0x7c: {  	_ =	shalt  }
0x7d: {  	_ =	shalt  }
0x7e: {  	_ =	shalt  }
0x7f: {  	_ =	shalt  }
0x80: {  	_ =	shalt  }
0x81: {  	_ =	shalt  }
0x82: {  	_ =	shalt  }
0x83: {  	_ =	shalt  }
0x84: {  	_ =	shalt  }
0x85: {  	_ =	shalt  }
0x86: {  	_ =	shalt  }
0x87: {  	_ =	shalt  }
.Lfunc_end0:
.L_simem_size_0:
called_computation_lowered:
.L_overlay_start_0:
0x88: {  	s2 =	sld [smem:$0x3FD9]  }
0x89: {  	s3 =	sld [smem:$0x3FFE];
	_ =	sdelay $0x1  }
0x8a: {  	s1 =	srdreg.scid  }
0x8b: {  	s0 =	sand.u32 $0x1, s1  }
0x8c: {  	s17 =	sshll.u32 s0, $0xA;
	s2 =	sadd.s32 s3, s2  }
0x8d: {  	s2 =	sadd.s32 s2, s17  }
0x8e: {  	[smem:$0x3FC4] =	sst s2  }
0x8f: {  	_ = 	snop  }
0x90: {  	s2 =	sld [smem:$0x3FC9]  }
0x91: {  	s18 =	sld [smem:$0x3FC8]  }
0x92: {  	s4 =	sld [smem:$0x3FC7]  }
0x93: {  	s5 =	sld [smem:$0x3FC6];
	(tm) =	ssettm $0x1  }
0x94: {  	s6 =	sld [smem:$0x3FFB];
	_ =	sdelay $0x3  }
0x95: {  	_ =	strace s6  }
0x96: {  	s6 =	sld [smem:$0x3FFC];
	_ =	sdelay $0x3  }
0x97: {  	_ =	strace s6  }
0x98: {  	s6 =	sld [smem:$0x3FFD];
	_ =	sdelay $0x3  }
0x99: {  	_ =	strace s6  }
0x9a: {  	_ =	strace $0x8FFFFFFF  }
0x9b: {  	s19 =	sld [smem:$0x3FDB];
	_ =	sdelay $0x1  }
0x9c: {  	s7 =	simm.s32 $_scs_section_size  }
0x9d: {  	s8 =	simm.s32 $_size__tile_overlayer_lowered;
	s9 =	simm.s32 $_tile_overlayer_lowered  }
0x9e: {  	s22 =	simm.s32 $0x1BFF;
	s21 =	sshll.u32 s9, $0x1;
	s6 =	sadd.s32 s7, s19  }
0x9f: {  	s10 =	simm.s32 $0x0;
	s20 =	sshll.u32 s8, $0x1;
	s8 =	sadd.s32 s21, s6  }
0xa0: {  	[timem:s10], [sflag:s22] =	dma.local [hbm:s8], s20  }
0xa1: {  	_ =	swait.ge [sflag:s22], s20  }
0xa2: {  	s7 =	ssub.s32 $0x0, s20;
	[sflag:s22] =	ssyncset.done $0x0  }
0xa3: {  	[sflag:s22] =	ssyncadd.s32 s7;
	_ =	sdelay $0x1  }
0xa4: {  	s23 =	simm.s32 $0x1B8B  }
0xa5: {  	_ =	swait.ge [sflag:s23], $0x1  }
0xa6: {  	[sflag:s23] =	ssyncset.done $0x0  }
0xa7: {  	s25 =	simm.s32 $0x1B8E;
	s24 =	sld [smem:$0x3FFE];
	[sflag:s23] =	ssyncadd.s32 $0xFFFFFFFF  }
0xa8: {  	s26 =	simm.s32 $execute0_lowered;
	[smem:$0x3FD2] =	sst s25  }
0xa9: {  	s8 =	sshll.u32 s26, $0x1;
	_ =	strace $0x80000046;
	[dreg:$0x1] =	wrdreg $0xFFFFFFFF  }
0xaa: {  	s28 =	simm.s32 $_size_execute0_lowered;
	s6 =	sadd.s32 s6, s8;
	[dreg:$0x0] =	wrdreg $0x0  }
0xab: {  	s8 =	sshll.u32 s28, $0x1;
	[dreg:$0x2] =	wrdreg s6  }
0xac: {  	[dreg:$0x3] =	wrdreg s8  }
0xad: {  	[dreg:$0x4] =	wrdreg $0xC0  }
0xae: {  	_ =	task [dreg:s10], $0x5FFFF  }
0xaf: {  	[dreg:$0x1] =	wrdreg $0xFFFFFFFF  }
0xb0: {  	[dreg:$0x0] =	wrdreg $0x60  }
0xb1: {  	[dreg:$0x2] =	wrdreg s2  }
0xb2: {  	[dreg:$0x3] =	wrdreg s18  }
0xb3: {  	[dreg:$0x4] =	wrdreg s4  }
0xb4: {  	[dreg:$0x5] =	wrdreg s5  }
0xb5: {  	[dreg:$0x6] =	wrdreg s24  }
0xb6: {  	[dreg:$0x7] =	wrdreg $0x9  }
0xb7: {  	_ =	task.clear_ibuf [dreg:s10], $0x8FFFF;
	_ =	strace $0x90000046  }
0xb8: {  	s29 =	simm.s32 $0x9;
	_ =	strace $0x80000048  }
0xb9: {  	_ =	swait.ge [sflag:s29], $0x1  }
0xba: {  	[sflag:s29] =	ssyncadd.s32 $0xFFFFFFFF  }
0xbb: {  	_ =	strace $0x90000048  }
0xbc: {  	_ =	sfence  }
0xbd: {  	s30 =	sld [smem:$0x0];
	_ =	sdelay $0x2  }
0xbe: {  	s31 =	sshll.u32 s1, $0xD;
	s1 =	sshrl.u32 s1, $0x2  }
0xbf: {  	s3 =	sand.u32 $0x4000, s31;
	s1 =	sadd.s32 s1, s30  }
0xc0: {  	s0 =	sor.u32 s3, s0;
	s1 =	sshll.u32 s1, $0x11  }
0xc1: {  	s0 =	sor.u32 s1, s0  }
0xc2: {  	s0 =	sadd.s32 $0x8F2B, s0  }
0xc3: {  	[sflag:s0] =	ssyncadd.remote.s32 $0x1  }
0xc4: {  	_ =	sfence.sel $0xFFFF  }
0xc5: {  	[dreg:$0x0] =	wrdreg $0xFFFFFFFF;
	(pc) =	sbr.abs _section_cstart, $3  }
0xc6: {  	[dreg:$0x1] =	wrdreg $0xFFFFFFFF  }
0xc7: {  	_ =	task.clear_ibuf [dreg:s10], $0x2FFFF;
	_ =	strace $0x9FFFFFFF  }
0xc8: {  	(tm) =	ssettm $0x7FFFFFFF  }
0xc9: {  	_ =	shalt  }
tec
execute0_lowered:
.L_overlay_start_1:
0x0: {  	(tag) =	ssettag $0x1  }
0x1: {  	s0 =	rddreg [dreg:$0x4];
	s1 =	srdreg.scid  }
0x2: {  	s2 =	stileid.u32;
	s9 =	simm.s32 $0x0;
	s4 =	simm.s32 $0x8400  }
0x3: {  	s24 =	simm.s32 $0x9000;
	s14 =	simm.s32 $0xA000;
	s15 =	simm.s32 $0xD000  }
0x4: {  	s16 =	simm.s32 $0xB000;
	s1 =	sand.u32 $0x1, s1;
	s2 =	sshll.u32 s2, $0x1  }
0x5: {  	[smem:$0x7FF] =	sst s9;
	s10 =	sadd.s32 $0xC00, s0;
	s0 =	sadd.s32 $0x10C00, s0  }
.Ltmp0:
0x6: {  	s3 =	ssub.s32 $0x2, s1;
	s1 =	sor.u32 s1, s2;
	(pc) =	sbr.rel .LBB2_1-.Ltmp0, $4  }
0x7: {  	v1 =	vimm.s32 $0x0;
	v2 =	vlaneseq.u32;
	vm8 =	vcmask $0x2320;
	_ =	strace $0x80000047;
	[dreg:$0xe] =	wrdreg s0;
	s30 =	sshrl.u32 s3, $0x1  }
0x8: {  	vm9 =	vcmask $0x2724;
	vm10 =	vcmask $0x2B28;
	v3 =	vmul.u32 $0x80, v2;
	[dreg:$0xd] =	wrdreg s10;
	s12 =	sshll.u32 s1, $0xA;
	s31 =	ssub.s32 s3, s30  }
0x9: {  	vm11 =	vcmask $0x2F2C;
	vm12 =	vcmask $0x3330;
	vm13 =	vcmask $0x3734;
	s17 =	simm.s32 $0xC000;
	[dreg:$0xf] =	wrdreg s12;
	s0 =	smax.u32 s31, $0x1  }
0xa: {  	vm14 =	vcmask $0x3B38;
	v0 =	vmov s1;
	v4 =	vor.u32 $0x800, v3;
	s1 =	simm.s32 $0x0;
	s3 =	simm.s32 $0x8000;
	[dreg:$0x10] =	wrdreg s0  }
.LBB2_46:
0xb: {  	[sflag:s1] =	ssyncadd.s32 $0xFFFFFFE0  }
.LBB2_47:
0xc: {  	s1 =	rddreg [dreg:$0x11]  }
0xd: {  	s0 =	rddreg [dreg:$0x10];
	s1 =	sadd.s32 $0x1, s1  }
0xe: {  	p0 =	sne.s32 s1, s0  }
.Ltmp1:
0xf: {  	_ = 	snop;
	(pc) =	sbr.rel @!p0 .LBB2_48-.Ltmp1, $2  }
0x10: {  	_ =	sdelay $0x2  }
0x11: {  	s3 =	simm.s32 $0x8000;
	s4 =	simm.s32 $0x8400  }
.LBB2_1:
0x12: {  	[dreg:$0x11] =	wrdreg s1  }
0x13: {  	s0 =	rddreg [dreg:$0x0];
	s30 =	simm.s32 $0x3  }
0x14: {  	[tilespmem:s9], [sflag:$0x3] =	stream.linear.gather [hbm4b:s0+s9], $0x4000, $0x38;
	[tilespmem:$0x1C000] =	vst v63  }
0x15: {  	_ =	swait.ge [sflag:s30], $0x4000  }
0x16: {  	[sflag:s30] =	ssyncset.done $0x0  }
0x17: {  	[sflag:s30] =	ssyncadd.s32 $0xFFFFC000  }
0x18: {  	s2 =	simm.s32 $0x4000;
	s31 =	rddreg [dreg:$0x1]  }
0x19: {  	[tilespmem:s2], [sflag:$0x3] =	stream.linear.gather [hbm4b:s31+s9], $0x4000, $0x38;
	[tilespmem:$0x1C000] =	vst v63  }
0x1a: {  	_ =	swait.ge [sflag:s30], $0x4000  }
0x1b: {  	[sflag:s30] =	ssyncset.done $0x0  }
0x1c: {  	s0 =	simm.s32 $0x0;
	[sflag:s30] =	ssyncadd.s32 $0xFFFFC000  }
.LBB2_2:
0x1d: {  	p0 =	sne.s32 s0, $0x3FC  }
.Ltmp2:
0x1e: {  	_ = 	snop;
	(pc) =	sbr.rel @p0 .LBB2_2-.Ltmp2, $4  }
0x1f: {  	_ = 	snop  }
0x20: {  	s2 =	sshra.s32 s0, $0x2;
	s1 =	simm.s32 $0x0  }
0x21: {  	[smem:s2+$0x200] =	sst s1  }
0x22: {  	s0 =	sadd.s32 $0x4, s0;
	[smem:s2+$0x300] =	sst s1  }
0x23: {  	s25 =	simm.s32 $0x70;
	s26 =	simm.s32 $0x40  }
.LBB2_4:
0x24: {  	v7 =	vld [tilespmem:s26+$0xFFFFFFC0];
	_ =	sdelay $0x1  }
0x25: {  	v8 =	vld [tilespmem:s26+$0xFFFFFFD0];
	_ =	sdelay $0x1  }
0x26: {  	v9 =	vld [tilespmem:s26+$0xFFFFFFE0]  }
0x27: {  	v6 =	vshrl.u32 v7, $0x7  }
0x28: {  	v5 =	vld [tilespmem:s26+$0xFFFFFFF0];
	v6 =	vand.u32 $0x1F, v6  }
0x29: {  	vm6 =	veq.s32 v6, v0;
	v6 =	vshrl.u32 v8, $0x7  }
0x2a: {  	v6 =	vand.u32 $0x1F, v6  }
0x2b: {  	v34 =	vshrl.u32 v9, $0x7;
	v10 =	vsel vm6, $0x1, v1;
	vm3 =	veq.s32 v6, v0;
	v6 =	vld [tilespmem:s26+$0x0]  }
0x2c: {  	(xrf0) =	vadd.scan.msk.s32 $0xffff, v10;
	v10 =	vand.u32 $0x1F, v34  }
0x2d: {  	v36 =	vld [tilespmem:s26+$0x10];
	v12 =	vshrl.u32 v5, $0x7;
	v11 =	vsel vm3, $0x1, v1;
	vm5 =	veq.s32 v10, v0  }
0x2e: {  	v35 =	vand.u32 $0x1F, v12;
	(xrf0) =	vadd.scan.msk.s32 $0xffff, v11;
	v37 =	vsel vm5, $0x1, v1  }
0x2f: {  	v38 =	vld [tilespmem:s26+$0x20];
	vm2 =	veq.s32 v35, v0;
	(xrf0) =	vadd.scan.msk.s32 $0xffff, v37  }
0x30: {  	v10 =	vsel vm2, $0x1, v1;
	v39 =	vshrl.u32 v6, $0x7  }
0x31: {  	(xrf0) =	vadd.scan.msk.s32 $0xffff, v10;
	v10 =	vand.u32 $0x1F, v39  }
0x32: {  	v40 =	vshrl.u32 v36, $0x7;
	v13, _, _ =	vpop (xrf0);
	vm1 =	veq.s32 v10, v0  }
0x33: {  	(v2sf) =	vpush v13, $0xF;
	v10 =	vand.u32 $0x1F, v40;
	v15 =	vsel vm1, $0x1, v1  }
0x34: {  	v41 =	vshrl.u32 v38, $0x7;
	v14, _, _ =	vpop (xrf0);
	vm15 =	veq.s32 v10, v0;
	(xrf0) =	vadd.scan.msk.s32 $0xffff, v15  }
0x35: {  	v10 =	vand.u32 $0x1F, v41;
	(v2sf) =	vpush v14, $0xF;
	v42, _, _ =	vpop (xrf0);
	v16 =	vsel vm15, $0x1, v1  }
0x36: {  	vm0 =	veq.s32 v10, v0;
	(xrf0) =	vadd.scan.msk.s32 $0xffff, v16;
	(v2sf) =	vpush v42, $0xF  }
0x37: {  	v18 =	vld [tilespmem:s26+$0x30];
	v17, _, _ =	vpop (xrf0);
	v10 =	vsel vm0, $0x1, v1  }
0x38: {  	(v2sf) =	vpush v17, $0xF;
	(xrf0) =	vadd.scan.msk.s32 $0xffff, v10;
	_ =	sdelay $0x1  }
0x39: {  	v43, _, _ =	vpop (xrf0)  }
0x3a: {  	(v2sf) =	vpush v43, $0xF  }
0x3b: {  	v21 =	vshrl.u32 v18, $0x7;
	v16, _, _ =	vpop (xrf0)  }
0x3c: {  	v21 =	vand.u32 $0x1F, v21;
	(v2sf) =	vpush v16, $0xF  }
0x3d: {  	vm4 =	veq.s32 v21, v0;
	v19, _, _ =	vpop (xrf0)  }
0x3e: {  	v22 =	vsel vm4, $0x1, v1;
	(v2sf) =	vpush v19, $0xF  }
0x3f: {  	v20 =	vmov s1;
	(xrf0) =	vadd.scan.msk.s32 $0xffff, v22  }
0x40: {  	v20 =	vadd.s32 $0xFFFFFFFF, v20  }
0x41: {  	v20 =	vbroadcast v20, $0x0;
	s0 =	spop (v2sf)  }
0x42: {  	s0 =	sadd.s32 s1, s0  }
0x43: {  	s18 =	sadd.s32 $0xFFFFFF90, s25;
	v13 =	vadd.s32 v13, v20;
	s8 =	spop (v2sf);
	v44 =	vmov s0  }
0x44: {  	v52 =	vor.u32 s18, v2;
	vm7 =	vlt.s32 v13, $0x3F0;
	v45 =	vadd.s32 $0xFFFFFFFF, v44;
	s0 =	sadd.s32 s8, s0;
	s11 =	spop (v2sf)  }
0x45: {  	vm6 =	vmand vm6, vm7;
	v53, _, _ =	vpop (xrf0);
	v20 =	vbroadcast v45, $0x0;
	v46 =	vmov s0;
	s0 =	sadd.s32 s11, s0  }
0x46: {  	(v2sf) =	vpush v53, $0xF;
	s2 =	spop (v2sf);
	v21 =	vadd.s32 $0xFFFFFFFF, v46;
	v48 =	vmov s0  }
0x47: {  	s0 =	sadd.s32 s2, s0;
	v14 =	vadd.s32 v14, v20;
	v47 =	vbroadcast v21, $0x0;
	v21 =	vadd.s32 $0xFFFFFFFF, v48  }
0x48: {  	v49 =	vmov s0;
	vm7 =	vlt.s32 v14, $0x3F0;
	v50 =	vbroadcast v21, $0x0  }
0x49: {  	v51 =	vadd.s32 $0xFFFFFFFF, v49;
	v15 =	vadd.s32 v42, v47;
	vm7 =	vmand vm3, vm7;
	s13 =	spop (v2sf)  }
0x4a: {  	v21 =	vbroadcast v51, $0x0;
	vm3 =	vlt.s32 v15, $0x3F0;
	v17 =	vadd.s32 v17, v50;
	s0 =	sadd.s32 s13, s0  }
0x4b: {  	vm3 =	vmand vm5, vm3;
	vm5 =	vlt.s32 v17, $0x3F0;
	s19 =	spop (v2sf);
	v54 =	vmov s0  }
0x4c: {  	v10 =	vadd.s32 v43, v21;
	vm2 =	vmand vm2, vm5;
	s0 =	sadd.s32 s19, s0;
	v21 =	vadd.s32 $0xFFFFFFFF, v54  }
0x4d: {  	s21 =	sadd.s32 $0xFFFFFFA0, s25;
	[tilespmem:v13+s3+$0x0] =	vst.idx.msk vm6, v7;
	s20 =	spop (v2sf);
	vm5 =	vlt.s32 v10, $0x3F0;
	v55 =	vmov s0;
	v7 =	vbroadcast v21, $0x0  }
0x4e: {  	v56 =	vor.u32 s21, v2;
	[tilespmem:v13+s4+$0x0] =	vst.idx.msk vm6, v52;
	vm1 =	vmand vm1, vm5;
	s0 =	sadd.s32 s20, s0;
	v21 =	vadd.s32 $0xFFFFFFFF, v55  }
0x4f: {  	s22 =	sadd.s32 $0xFFFFFFB0, s25;
	v58 =	vmov s0;
	[tilespmem:v14+s3+$0x0] =	vst.idx.msk vm7, v8;
	v57 =	vbroadcast v21, $0x0;
	v7 =	vadd.s32 v16, v7  }
0x50: {  	v59 =	vor.u32 s22, v2;
	v60 =	vadd.s32 $0xFFFFFFFF, v58;
	[tilespmem:v14+s4+$0x0] =	vst.idx.msk vm7, v56;
	vm5 =	vlt.s32 v7, $0x3F0  }
0x51: {  	v61 =	vbroadcast v60, $0x0;
	[tilespmem:v15+s3+$0x0] =	vst.idx.msk vm3, v9;
	v8 =	vadd.s32 v19, v57;
	vm5 =	vmand vm15, vm5  }
0x52: {  	s23 =	sadd.s32 $0xFFFFFFC0, s25;
	[tilespmem:v15+s4+$0x0] =	vst.idx.msk vm3, v59;
	vm3 =	vlt.s32 v8, $0x3F0  }
0x53: {  	v62 =	vor.u32 s23, v2;
	[tilespmem:v17+s3+$0x0] =	vst.idx.msk vm2, v5;
	vm0 =	vmand vm0, vm3;
	v5 =	vadd.s32 v53, v61  }
0x54: {  	s28 =	sadd.s32 $0xFFFFFFD0, s25;
	[tilespmem:v17+s4+$0x0] =	vst.idx.msk vm2, v62;
	vm2 =	vlt.s32 v5, $0x3F0  }
0x55: {  	v63 =	vor.u32 s28, v2;
	[tilespmem:v10+s3+$0x0] =	vst.idx.msk vm1, v6;
	vm2 =	vmand vm4, vm2  }
0x56: {  	s29 =	sadd.s32 $0xFFFFFFE0, s25;
	[tilespmem:v10+s4+$0x0] =	vst.idx.msk vm1, v63  }
0x57: {  	p0 =	sne.s32 s25, $0x3FF0;
	v6 =	vor.u32 s29, v2;
	[tilespmem:v7+s3+$0x0] =	vst.idx.msk vm5, v36  }
.Ltmp3:
0x58: {  	s30 =	sadd.s32 $0xFFFFFFF0, s25;
	[tilespmem:v7+s4+$0x0] =	vst.idx.msk vm5, v6;
	(pc) =	sbr.rel @p0 .LBB2_4-.Ltmp3, $4  }
0x59: {  	v6 =	vor.u32 s30, v2;
	[tilespmem:v8+s3+$0x0] =	vst.idx.msk vm0, v38  }
0x5a: {  	[tilespmem:v8+s4+$0x0] =	vst.idx.msk vm0, v6  }
0x5b: {  	s31 =	spop (v2sf);
	v6 =	vor.u32 s25, v2;
	[tilespmem:v5+s3+$0x0] =	vst.idx.msk vm2, v18  }
0x5c: {  	s26 =	sadd.s32 $0x80, s26;
	s1 =	sadd.s32 s31, s0;
	s25 =	sadd.s32 $0x80, s25;
	[tilespmem:v5+s4+$0x0] =	vst.idx.msk vm2, v6  }
0x5d: {  	s0 =	sadd.s32 $0xF, s1  }
0x5e: {  	s2 =	sand.u32 $0xF, s0  }
0x5f: {  	s3 =	sshra.s32 s0, $0x1F;
	p0 =	slt.s32 s0, $0x1;
	p1 =	sne.s32 s2, $0x0  }
0x60: {  	s31 =	sshrl.u32 s3, $0x1C;
	p0 =	por !p0, !p1  }
0x61: {  	s2 =	simm.s32 $0x1;
	s0 =	sadd.s32 s31, s0;
	p0 =	por !p0, !p0  }
0x62: {  	s0 =	sshra.s32 s0, $0x4;
	s2 =	simm.s32 @!p0 $0x0  }
0x63: {  	s0 =	ssub.s32 s0, s2  }
0x64: {  	p0 =	slt.s32 s0, $0x1  }
.Ltmp4:
0x65: {  	_ = 	snop;
	(pc) =	sbr.rel @p0 .LBB2_9-.Ltmp4, $4  }
0x66: {  	_ = 	snop  }
0x67: {  	vm0 =	vcmask $0x300;
	vm1 =	vcmask $0x704  }
0x68: {  	vm2 =	vcmask $0xB08;
	vm3 =	vcmask $0xF0C;
	vm4 =	vcmask $0x1310  }
0x69: {  	vm5 =	vcmask $0x1714;
	vm6 =	vcmask $0x1B18;
	vm7 =	vcmask $0x1F1C  }
0x6a: {  	s2 =	simm.s32 $0x8000  }
0x6b: {  	v6 =	vld [tilespmem:s2+$0x0];
	_ =	sdelay $0x2  }
0x6c: {  	s28 =	simm.s32 $0x0  }
0x6d: {  	v5 =	vmov s1;
	v7 =	vor.u32 s28, v2  }
0x6e: {  	vm15 =	vlt.s32 v7, v5;
	v7 =	vshrl.u32 v6, $0xC  }
0x6f: {  	v7 =	vnsel vm15, $0xFF, v7  }
0x70: {  	(v2sf) =	vpush v7, $0x0;
	_ =	sdelay $0x4  }
0x71: {  	(v2sf) =	vpush v7, $0x1;
	_ =	sdelay $0x4  }
0x72: {  	(v2sf) =	vpush v7, $0x2;
	_ =	sdelay $0x4  }
0x73: {  	s2 =	spop (v2sf);
	(v2sf) =	vpush v7, $0x3  }
0x74: {  	s31 =	sld [smem:s2+$0x200];
	_ =	sdelay $0x2  }
0x75: {  	s3 =	sadd.s32 $0x1, s31  }
0x76: {  	[smem:s2+$0x200] =	sst s3;
	s3 =	spop (v2sf);
	(v2sf) =	vpush v7, $0x4  }
0x77: {  	s1 =	sld [smem:s3+$0x200];
	_ =	sdelay $0x2  }
0x78: {  	s5 =	sadd.s32 $0x1, s1  }
0x79: {  	(v2sf) =	vpush v7, $0x5;
	[smem:s3+$0x200] =	sst s5;
	s5 =	spop (v2sf)  }
0x7a: {  	s4 =	sld [smem:s5+$0x200];
	_ =	sdelay $0x2  }
0x7b: {  	s7 =	sadd.s32 $0x1, s4  }
0x7c: {  	[smem:s5+$0x200] =	sst s7;
	s7 =	spop (v2sf);
	(v2sf) =	vpush v7, $0x6  }
0x7d: {  	s6 =	sld [smem:s7+$0x200];
	_ =	sdelay $0x1  }
0x7e: {  	s30 =	simm.s32 $0x0  }
0x7f: {  	[dreg:$0x7] =	wrdreg s30;
	s9 =	sadd.s32 $0x1, s6  }
0x80: {  	[smem:s7+$0x200] =	sst s9;
	s9 =	spop (v2sf);
	(v2sf) =	vpush v7, $0x7  }
0x81: {  	s30 =	sld [smem:s9+$0x200];
	_ =	sdelay $0x2  }
0x82: {  	s11 =	sadd.s32 $0x1, s30  }
0x83: {  	[smem:s9+$0x200] =	sst s11;
	s11 =	spop (v2sf);
	(v2sf) =	vpush v7, $0x8  }
0x84: {  	s12 =	sld [smem:s11+$0x200];
	_ =	sdelay $0x2  }
0x85: {  	s13 =	sadd.s32 $0x1, s12  }
0x86: {  	[smem:s11+$0x200] =	sst s13;
	s13 =	spop (v2sf);
	(v2sf) =	vpush v7, $0x9  }
0x87: {  	s14 =	sld [smem:s13+$0x200];
	_ =	sdelay $0x2  }
0x88: {  	s15 =	sadd.s32 $0x1, s14  }
0x89: {  	[smem:s13+$0x200] =	sst s15;
	s15 =	spop (v2sf);
	(v2sf) =	vpush v7, $0xA  }
0x8a: {  	s16 =	sld [smem:s15+$0x200];
	_ =	sdelay $0x2  }
0x8b: {  	s17 =	sadd.s32 $0x1, s16  }
0x8c: {  	[smem:s15+$0x200] =	sst s17;
	s17 =	spop (v2sf);
	(v2sf) =	vpush v7, $0xB  }
0x8d: {  	s18 =	sld [smem:s17+$0x200];
	_ =	sdelay $0x2  }
0x8e: {  	s19 =	sadd.s32 $0x1, s18  }
0x8f: {  	[smem:s17+$0x200] =	sst s19;
	s19 =	spop (v2sf);
	(v2sf) =	vpush v7, $0xC  }
0x90: {  	s20 =	sld [smem:s19+$0x200];
	_ =	sdelay $0x2  }
0x91: {  	s21 =	sadd.s32 $0x1, s20  }
0x92: {  	[smem:s19+$0x200] =	sst s21;
	s21 =	spop (v2sf);
	(v2sf) =	vpush v7, $0xD  }
0x93: {  	s22 =	sld [smem:s21+$0x200];
	_ =	sdelay $0x2  }
0x94: {  	s23 =	sadd.s32 $0x1, s22  }
0x95: {  	(v2sf) =	vpush v7, $0xE;
	[smem:s21+$0x200] =	sst s23;
	s23 =	spop (v2sf)  }
0x96: {  	s10 =	sld [smem:s23+$0x200];
	_ =	sdelay $0x1  }
0x97: {  	s26 =	simm.s32 $0x8000  }
0x98: {  	[dreg:$0x6] =	wrdreg s26;
	s25 =	sadd.s32 $0x1, s10  }
0x99: {  	(v2sf) =	vpush v7, $0xF;
	[smem:s23+$0x200] =	sst s25;
	s25 =	spop (v2sf)  }
0x9a: {  	s26 =	sld [smem:s25+$0x200];
	_ =	sdelay $0x2  }
0x9b: {  	s28 =	sadd.s32 $0x1, s26  }
0x9c: {  	[smem:s25+$0x200] =	sst s28;
	s28 =	spop (v2sf)  }
0x9d: {  	s29 =	sld [smem:s28+$0x200];
	_ =	sdelay $0x1  }
0x9e: {  	[dreg:$0x1b] =	wrdreg s31  }
0x9f: {  	[dreg:$0x1a] =	wrdreg s1;
	s31 =	sadd.s32 $0x1, s29  }
0xa0: {  	[smem:s28+$0x200] =	sst s31;
	s31 =	spop (v2sf)  }
0xa1: {  	s1 =	sld [smem:s31+$0x200];
	_ =	sdelay $0x1  }
0xa2: {  	[dreg:$0x19] =	wrdreg s4  }
0xa3: {  	[dreg:$0x1d] =	wrdreg s6;
	s4 =	sadd.s32 $0x1, s1  }
0xa4: {  	[smem:s31+$0x200] =	sst s4;
	s4 =	spop (v2sf)  }
0xa5: {  	s6 =	sld [smem:s4+$0x200];
	_ =	sdelay $0x1  }
0xa6: {  	[dreg:$0x15] =	wrdreg s0;
	s8 =	sshll.u32 s4, $0x4  }
0xa7: {  	s2 =	sshll.u32 s2, $0x4;
	s0 =	sadd.s32 s8, s6;
	s8 =	rddreg [dreg:$0x1b]  }
0xa8: {  	s3 =	sshll.u32 s3, $0x4;
	s2 =	sadd.s32 s8, s2;
	v7 =	vmov s0;
	s8 =	rddreg [dreg:$0x1a]  }
0xa9: {  	s0 =	sadd.s32 s8, s3;
	v7 =	vsel vm0, s2, v7;
	s3 =	sshll.u32 s5, $0x4;
	s5 =	rddreg [dreg:$0x19]  }
0xaa: {  	s7 =	sshll.u32 s7, $0x4;
	s8 =	rddreg [dreg:$0x1d];
	s2 =	sadd.s32 s3, s5;
	v7 =	vsel vm1, s0, v7  }
0xab: {  	s9 =	sshll.u32 s9, $0x4;
	s0 =	sadd.s32 s7, s8;
	v7 =	vsel vm2, s2, v7  }
0xac: {  	s11 =	sshll.u32 s11, $0x4;
	s2 =	sadd.s32 s9, s30;
	v7 =	vsel vm3, s0, v7  }
0xad: {  	s13 =	sshll.u32 s13, $0x4;
	s0 =	sadd.s32 s11, s12;
	v7 =	vsel vm4, s2, v7  }
0xae: {  	s15 =	sshll.u32 s15, $0x4;
	s2 =	sadd.s32 s13, s14;
	v7 =	vsel vm5, s0, v7  }
0xaf: {  	s17 =	sshll.u32 s17, $0x4;
	s0 =	sadd.s32 s15, s16;
	v7 =	vsel vm6, s2, v7  }
0xb0: {  	s19 =	sshll.u32 s19, $0x4;
	s2 =	sadd.s32 s17, s18;
	v7 =	vsel vm7, s0, v7  }
0xb1: {  	s21 =	sshll.u32 s21, $0x4;
	s0 =	sadd.s32 s19, s20;
	v7 =	vsel vm8, s2, v7  }
0xb2: {  	s23 =	sshll.u32 s23, $0x4;
	s2 =	sadd.s32 s21, s22;
	v7 =	vsel vm9, s0, v7  }
0xb3: {  	s25 =	sshll.u32 s25, $0x4;
	s0 =	sadd.s32 s23, s10;
	v7 =	vsel vm10, s2, v7  }
0xb4: {  	s2 =	sadd.s32 s25, s26;
	s26 =	sshll.u32 s28, $0x4;
	v7 =	vsel vm11, s0, v7  }
0xb5: {  	s28 =	sshll.u32 s31, $0x4;
	s0 =	sadd.s32 s26, s29;
	v7 =	vsel vm12, s2, v7  }
0xb6: {  	s30 =	rddreg [dreg:$0x15];
	s1 =	sadd.s32 s28, s1;
	v7 =	vsel vm13, s0, v7  }
0xb7: {  	p0 =	sne.s32 s30, $0x1;
	v7 =	vsel vm14, s1, v7  }
.Ltmp5:
0xb8: {  	_ = 	snop;
	(pc) =	sbr.rel @!p0 .LBB2_8-.Ltmp5, $3  }
0xb9: {  	_ =	sdelay $0x1  }
0xba: {  	s31 =	sadd.s32 $0x1, s6;
	s2 =	simm.s32 $0x8400  }
0xbb: {  	[smem:s4+$0x200] =	sst s31;
	s29 =	sadd.s32 $0xFFFFFFFF, s30;
	v8 =	vld [tilespmem:s2+$0x0];
	[tilespmem:v7+s24+$0x0] =	vst.idx.msk vm15, v6  }
.LBB2_7:
0xbc: {  	_ =	sdelay $0x2  }
0xbd: {  	s0 =	simm.s32 $0xA000;
	s15 =	rddreg [dreg:$0x6]  }
0xbe: {  	[tilespmem:v7+s0+$0x0] =	vst.idx.msk vm15, v8;
	s0 =	sadd.s32 $0x10, s15  }
0xbf: {  	v6 =	vld [tilespmem:s0+$0x0];
	_ =	sdelay $0x1  }
0xc0: {  	s1 =	rddreg [dreg:$0x7]  }
0xc1: {  	s1 =	sadd.s32 $0x10, s1  }
0xc2: {  	v7 =	vor.u32 s1, v2  }
0xc3: {  	vm15 =	vlt.s32 v7, v5;
	v7 =	vshrl.u32 v6, $0xC  }
0xc4: {  	v7 =	vnsel vm15, $0xFF, v7  }
0xc5: {  	(v2sf) =	vpush v7, $0x0;
	_ =	sdelay $0x4  }
0xc6: {  	(v2sf) =	vpush v7, $0x1;
	_ =	sdelay $0x4  }
0xc7: {  	(v2sf) =	vpush v7, $0x2;
	_ =	sdelay $0x4  }
0xc8: {  	s31 =	spop (v2sf);
	(v2sf) =	vpush v7, $0x3  }
0xc9: {  	s16 =	sld [smem:s31+$0x200];
	_ =	sdelay $0x2  }
0xca: {  	[dreg:$0x6] =	wrdreg s0;
	s0 =	sadd.s32 $0x1, s16  }
0xcb: {  	s4 =	spop (v2sf);
	(v2sf) =	vpush v7, $0x4;
	[smem:s31+$0x200] =	sst s0  }
0xcc: {  	s0 =	sld [smem:s4+$0x200];
	_ =	sdelay $0x1  }
0xcd: {  	[dreg:$0x7] =	wrdreg s1  }
0xce: {  	[dreg:$0x9] =	wrdreg s0;
	s0 =	sadd.s32 $0x1, s0  }
0xcf: {  	s1 =	spop (v2sf);
	(v2sf) =	vpush v7, $0x5;
	[smem:s4+$0x200] =	sst s0  }
0xd0: {  	s0 =	sld [smem:s1+$0x200];
	_ =	sdelay $0x2  }
0xd1: {  	[dreg:$0xa] =	wrdreg s0;
	s0 =	sadd.s32 $0x1, s0  }
0xd2: {  	[smem:s1+$0x200] =	sst s0;
	s12 =	spop (v2sf);
	(v2sf) =	vpush v7, $0x6  }
0xd3: {  	s0 =	sld [smem:s12+$0x200];
	_ =	sdelay $0x2  }
0xd4: {  	[dreg:$0xb] =	wrdreg s0;
	s0 =	sadd.s32 $0x1, s0  }
0xd5: {  	s11 =	spop (v2sf);
	(v2sf) =	vpush v7, $0x7;
	[smem:s12+$0x200] =	sst s0  }
0xd6: {  	s0 =	sld [smem:s11+$0x200];
	_ =	sdelay $0x2  }
0xd7: {  	[dreg:$0xc] =	wrdreg s0;
	s0 =	sadd.s32 $0x1, s0  }
0xd8: {  	s15 =	spop (v2sf);
	(v2sf) =	vpush v7, $0x8;
	[smem:s11+$0x200] =	sst s0  }
0xd9: {  	s19 =	sld [smem:s15+$0x200];
	_ =	sdelay $0x2  }
0xda: {  	s17 =	sadd.s32 $0x1, s19  }
0xdb: {  	[smem:s15+$0x200] =	sst s17;
	s20 =	spop (v2sf);
	(v2sf) =	vpush v7, $0x9  }
0xdc: {  	s13 =	sld [smem:s20+$0x200];
	_ =	sdelay $0x2  }
0xdd: {  	s18 =	sadd.s32 $0x1, s13  }
0xde: {  	s14 =	spop (v2sf);
	(v2sf) =	vpush v7, $0xA;
	[smem:s20+$0x200] =	sst s18  }
0xdf: {  	s3 =	sld [smem:s14+$0x200];
	_ =	sdelay $0x2  }
0xe0: {  	s21 =	sadd.s32 $0x1, s3  }
0xe1: {  	s5 =	spop (v2sf);
	(v2sf) =	vpush v7, $0xB;
	[smem:s14+$0x200] =	sst s21  }
0xe2: {  	s23 =	sld [smem:s5+$0x200];
	_ =	sdelay $0x2  }
0xe3: {  	[dreg:$0x8] =	wrdreg s16;
	s22 =	sadd.s32 $0x1, s23  }
0xe4: {  	[smem:s5+$0x200] =	sst s22;
	s9 =	spop (v2sf);
	(v2sf) =	vpush v7, $0xC  }
0xe5: {  	s16 =	sld [smem:s9+$0x200];
	_ =	sdelay $0x2  }
0xe6: {  	s24 =	sadd.s32 $0x1, s16  }
0xe7: {  	s17 =	spop (v2sf);
	(v2sf) =	vpush v7, $0xD;
	[smem:s9+$0x200] =	sst s24  }
0xe8: {  	s21 =	sld [smem:s17+$0x200];
	_ =	sdelay $0x2  }
0xe9: {  	s25 =	sadd.s32 $0x1, s21  }
0xea: {  	s22 =	spop (v2sf);
	(v2sf) =	vpush v7, $0xE;
	[smem:s17+$0x200] =	sst s25  }
0xeb: {  	s7 =	sld [smem:s22+$0x200];
	_ =	sdelay $0x2  }
0xec: {  	s26 =	sadd.s32 $0x1, s7  }
0xed: {  	[smem:s22+$0x200] =	sst s26;
	s6 =	spop (v2sf);
	(v2sf) =	vpush v7, $0xF  }
0xee: {  	s8 =	sld [smem:s6+$0x200];
	_ =	sdelay $0x2  }
0xef: {  	s28 =	sadd.s32 $0x1, s8  }
0xf0: {  	s26 =	spop (v2sf);
	[smem:s6+$0x200] =	sst s28  }
0xf1: {  	s25 =	sld [smem:s26+$0x200];
	_ =	sdelay $0x2  }
0xf2: {  	s30 =	sadd.s32 $0x1, s25  }
0xf3: {  	s18 =	spop (v2sf);
	[smem:s26+$0x200] =	sst s30  }
0xf4: {  	s0 =	sld [smem:s18+$0x200];
	_ =	sdelay $0x2  }
0xf5: {  	s30 =	sadd.s32 $0x1, s0  }
0xf6: {  	[smem:s18+$0x200] =	sst s30;
	s30 =	spop (v2sf)  }
0xf7: {  	s10 =	sld [smem:s30+$0x200];
	_ =	sdelay $0x1  }
0xf8: {  	s24 =	sshll.u32 s30, $0x4  }
0xf9: {  	s28 =	sadd.s32 $0x1, s10;
	s10 =	sadd.s32 s24, s10;
	s24 =	rddreg [dreg:$0x8]  }
0xfa: {  	s31 =	sshll.u32 s31, $0x4;
	[smem:s30+$0x200] =	sst s28  }
0xfb: {  	s4 =	sshll.u32 s4, $0x4;
	s24 =	sadd.s32 s24, s31;
	v7 =	vmov s10;
	s31 =	rddreg [dreg:$0x9]  }
0xfc: {  	s1 =	sshll.u32 s1, $0x4;
	s28 =	rddreg [dreg:$0xa];
	s4 =	sadd.s32 s31, s4;
	v7 =	vsel vm0, s24, v7  }
0xfd: {  	s30 =	sshll.u32 s12, $0x4;
	s1 =	sadd.s32 s1, s28;
	s31 =	rddreg [dreg:$0xb];
	v7 =	vsel vm1, s4, v7  }
0xfe: {  	s11 =	sshll.u32 s11, $0x4;
	s12 =	rddreg [dreg:$0xc];
	s4 =	sadd.s32 s30, s31;
	v7 =	vsel vm2, s1, v7  }
0xff: {  	s28 =	sshll.u32 s15, $0x4;
	s1 =	sadd.s32 s11, s12;
	v7 =	vsel vm3, s4, v7  }
0x100: {  	s30 =	sadd.s32 s28, s19;
	s31 =	sshll.u32 s20, $0x4;
	v7 =	vsel vm4, s1, v7  }
0x101: {  	s11 =	sadd.s32 s31, s13;
	s12 =	sshll.u32 s14, $0x4;
	v7 =	vsel vm5, s30, v7  }
0x102: {  	s13 =	sshll.u32 s5, $0x4;
	s3 =	sadd.s32 s12, s3;
	v7 =	vsel vm6, s11, v7  }
0x103: {  	s15 =	sshll.u32 s9, $0x4;
	s14 =	sadd.s32 s13, s23;
	v7 =	vsel vm7, s3, v7  }
0x104: {  	s17 =	sshll.u32 s17, $0x4;
	s16 =	sadd.s32 s15, s16;
	v7 =	vsel vm8, s14, v7  }
0x105: {  	s19 =	sadd.s32 s17, s21;
	s20 =	sshll.u32 s22, $0x4;
	v7 =	vsel vm9, s16, v7  }
0x106: {  	s22 =	sshll.u32 s6, $0x4;
	s21 =	sadd.s32 s20, s7;
	v7 =	vsel vm10, s19, v7  }
0x107: {  	s28 =	sshll.u32 s26, $0x4;
	s23 =	sadd.s32 s22, s8;
	v7 =	vsel vm11, s21, v7  }
0x108: {  	s31 =	sshll.u32 s18, $0x4;
	s30 =	sadd.s32 s28, s25;
	v7 =	vsel vm12, s23, v7  }
0x109: {  	s0 =	sadd.s32 s31, s0;
	v7 =	vsel vm13, s30, v7  }
0x10a: {  	p0 =	sne.s32 s29, $0x1;
	v7 =	vsel vm14, s0, v7  }
.Ltmp6:
0x10b: {  	_ = 	snop;
	(pc) =	sbr.rel @p0 .LBB2_7-.Ltmp6, $3  }
0x10c: {  	_ =	sdelay $0x1  }
0x10d: {  	s2 =	sadd.s32 $0x10, s2;
	s24 =	simm.s32 $0x9000  }
0x10e: {  	s29 =	sadd.s32 $0xFFFFFFFF, s29;
	v8 =	vld [tilespmem:s2+$0x0];
	[tilespmem:v7+s24+$0x0] =	vst.idx.msk vm15, v6  }
.LBB2_8:
0x10f: {  	_ =	sdelay $0x2  }
0x110: {  	s0 =	simm.s32 $0xA000;
	s10 =	rddreg [dreg:$0xd]  }
0x111: {  	s9 =	simm.s32 $0x0;
	s12 =	rddreg [dreg:$0xf];
	s14 =	simm.s32 $0xA000  }
0x112: {  	s15 =	simm.s32 $0xD000;
	s16 =	simm.s32 $0xB000;
	s17 =	simm.s32 $0xC000;
	[tilespmem:v7+s0+$0x0] =	vst.idx.msk vm15, v8  }
.LBB2_9:
0x113: {  	s2 =	sld [smem:$0x200];
	_ =	sdelay $0x2  }
0x114: {  	s0 =	simm.s32 $0x0;
	s1 =	simm.s32 $0x200;
	p0 =	slt.s32 s2, $0x1  }
0x115: {  	s2 =	simm.s32 $0x1;
	[smem:s0] =	sst @!p0 s0;
	s25 =	simm.s32 @!p0 $0x1  }
.LBB2_10:
0x116: {  	s3 =	smov.u32 s0;
	s0 =	smov.u32 s25  }
0x117: {  	s0 =	smov.u32 @p0 s3;
	s3 =	smov.u32 s2;
	s2 =	sadd.s32 $0x1, s2  }
0x118: {  	s1 =	sadd.s32 $0x1, s1;
	p1 =	sne.s32 s2, $0xF5  }
.Ltmp7:
0x119: {  	s4 =	sld [smem:s1+$0x0];
	(pc) =	sbr.rel @p1 .LBB2_10-.Ltmp7, $3  }
0x11a: {  	_ =	sdelay $0x1  }
0x11b: {  	p0 =	slt.s32 s4, $0x1  }
0x11c: {  	[smem:s0] =	sst @!p0 s3;
	s25 =	sadd.s32 @!p0 $0x1, s0  }
0x11d: {  	s25 =	smov.u32 @p0 s0  }
0x11e: {  	p0 =	sle.s32 s25, $0x0  }
0x11f: {  	s0 =	sld @!p0 [smem:$0x0];
	_ =	sdelay $0x1  }
0x120: {  	p0 =	por p0, p0  }
0x121: {  	s0 =	sshll.u32 @!p0 s0, $0xF  }
0x122: {  	s1 =	simm.s32 $0xD000;
	p1 =	sle.s32 s25, $0x1;
	s4 =	sor.u32 @!p0 s12, s0  }
0x123: {  	s2 =	simm.s32 $0x1;
	s6 =	sshrl.u32 @!p0 s4, $0x3;
	s4 =	sld @!p1 [smem:$0x1]  }
0x124: {  	s3 =	simm.s32 $0x2;
	s5 =	simm.s32 @!p0 $0x7A1400;
	s8 =	rddreg [dreg:$0x2]  }
0x125: {  	s7 =	simm.s32 @!p0 $0x400;
	s0 =	simm.s32 $0xE000;
	s6 =	sadd.s32 @!p0 s8, s6  }
.LBB2_12:
0x126: {  	[tilespmem:s1], [sflag:$0x1] =	stream.strided.gather @!p0 [hbm4b:s6+s7], $0x1000, s5, s7, $0x38;
	[tilespmem:$0x1C000] =	vst v63  }
0x127: {  	s5 =	smov.u32 s3;
	s3 =	sadd.s32 $0x1, s3  }
0x128: {  	s1 =	smov.u32 s0;
	p0 =	por p1, p1;
	p2 =	sne.s32 s3, $0xE  }
.Ltmp8:
0x129: {  	(pc) =	sbr.rel @p2 .LBB2_12-.Ltmp8, $4  }
0x12a: {  	s4 =	sshll.u32 @!p0 s4, $0xF  }
0x12b: {  	s2 =	sadd.s32 $0x1, s2;
	s0 =	sadd.s32 $0x1000, s0;
	s4 =	sor.u32 @!p0 s12, s4  }
0x12c: {  	p1 =	sge.s32 s5, s25;
	s5 =	simm.s32 @!p0 $0x7A1400;
	s6 =	sshrl.u32 @!p0 s4, $0x3  }
0x12d: {  	s7 =	simm.s32 @!p0 $0x400;
	s4 =	sld @!p1 [smem:s2+$0x0];
	s6 =	sadd.s32 @!p0 s8, s6  }
0x12e: {  	[tilespmem:s1], [sflag:$0x1] =	stream.strided.gather @!p0 [hbm4b:s6+s7], $0x1000, s5, s7, $0x38;
	[tilespmem:$0x1C000] =	vst v63  }
0x12f: {  	p0 =	por p1, p1  }
0x130: {  	s1 =	sshll.u32 @!p0 s4, $0xF  }
0x131: {  	s1 =	sor.u32 @!p0 s12, s1  }
0x132: {  	s2 =	simm.s32 @!p0 $0x7A1400;
	s1 =	sshrl.u32 @!p0 s1, $0x3  }
.Ltmp9:
0x133: {  	s3 =	simm.s32 @!p0 $0x400;
	s1 =	sadd.s32 @!p0 s8, s1;
	(pc) =	sbr.rel .LBB2_14-.Ltmp9, $4  }
0x134: {  	[tilespmem:s0], [sflag:$0x1] =	stream.strided.gather @!p0 [hbm4b:s1+s3], $0x1000, s2, s3, $0x38;
	[tilespmem:$0x1C000] =	vst v63  }
0x135: {  	p0 =	sgt.s32 s25, $0xC0;
	s0 =	smov.u32 s25  }
0x136: {  	s26 =	simm.s32 $0x0;
	s0 =	simm.s32 @!p0 $0xC0  }
0x137: {  	s13 =	simm.s32 $0x0;
	s4 =	simm.s32 $0x0;
	[dreg:$0x12] =	wrdreg s0  }
.LBB2_26:
0x138: {  	s13 =	sadd.s32 $0x1, s13;
	s0 =	rddreg [dreg:$0x12]  }
0x139: {  	p0 =	sne.s32 s13, s0  }
.Ltmp10:
0x13a: {  	_ = 	snop;
	(pc) =	sbr.rel @!p0 .LBB2_27-.Ltmp10, $1  }
0x13b: {  	_ =	sdelay $0x3  }
.LBB2_14:
0x13c: {  	p0 =	sge.s32 s13, s25  }
.Ltmp11:
0x13d: {  	_ = 	snop;
	(pc) =	sbr.rel @p0 .LBB2_22-.Ltmp11, $1  }
0x13e: {  	_ =	sdelay $0x3  }
0x13f: {  	s1 =	sadd.s32 $0xE, s13  }
0x140: {  	p0 =	sge.s32 s1, s25  }
0x141: {  	s0 =	smulhi.u32 @!p0 $0x92492493, s1;
	s2 =	sshra.s32 @!p0 s1, $0x1F  }
0x142: {  	s2 =	smul.u32 @!p0 $0x92492493, s2  }
0x143: {  	s3 =	simm.s32 $0x1;
	s0 =	ssub.s32 @!p0 s0, s1  }
0x144: {  	_ =	swait.ge [sflag:s3], $0x1000;
	s0 =	sadd.s32 @!p0 s2, s0  }
0x145: {  	[sflag:s3] =	ssyncset.done $0x0;
	s0 =	sadd.s32 @!p0 s1, s0  }
0x146: {  	[sflag:s3] =	ssyncadd.s32 $0xFFFFF000;
	s2 =	sshrl.u32 @!p0 s0, $0x1F;
	s0 =	sshrl.u32 @!p0 s0, $0x3  }
0x147: {  	s0 =	sadd.s32 @!p0 s2, s0;
	s2 =	sld @!p0 [smem:s1+$0x0]  }
0x148: {  	s3 =	smul.u32 @!p0 $0xE, s0;
	s0 =	sld [smem:s13+$0x0]  }
0x149: {  	s5 =	simm.s32 @!p0 $0x7A1400  }
0x14a: {  	s1 =	ssub.s32 @!p0 s1, s3;
	s2 =	sshll.u32 @!p0 s2, $0xF;
	s3 =	rddreg [dreg:$0xf]  }
0x14b: {  	s1 =	sshll.u32 @!p0 s1, $0xE;
	s2 =	sor.u32 @!p0 s3, s2;
	s31 =	sld [smem:s0+$0x200]  }
0x14c: {  	s3 =	rddreg [dreg:$0x2];
	s1 =	sshra.s32 @!p0 s1, $0x2;
	s2 =	sshrl.u32 @!p0 s2, $0x3  }
0x14d: {  	s1 =	sadd.s32 @!p0 $0xD000, s1;
	s2 =	sadd.s32 @!p0 s3, s2;
	s3 =	simm.s32 @!p0 $0x400  }
0x14e: {  	[tilespmem:s1], [sflag:$0x1] =	stream.strided.gather @!p0 [hbm4b:s2+s3], $0x1000, s5, s3, $0x38;
	[tilespmem:$0x1C000] =	vst v63  }
0x14f: {  	p0 =	slt.s32 s31, $0x1  }
.Ltmp12:
0x150: {  	_ = 	snop;
	(pc) =	sbr.rel @p0 .LBB2_21-.Ltmp12, $1  }
0x151: {  	_ =	sdelay $0x3  }
0x152: {  	s1 =	sshrl.u32 s13, $0x1  }
0x153: {  	s1 =	smulhi.u32 $0x92492493, s1;
	_ =	sdelay $0x1  }
0x154: {  	s1 =	sshrl.u32 s1, $0x2  }
0x155: {  	p1 =	sne.s32 s31, $0x1;
	s1 =	smul.u32 $0xE, s1  }
.Ltmp13:
0x156: {  	_ = 	snop;
	(pc) =	sbr.rel @!p1 .LBB2_17-.Ltmp13, $4  }
0x157: {  	_ = 	snop  }
0x158: {  	s2 =	ssub.s32 s13, s1;
	s1 =	sshll.u32 s0, $0x4  }
0x159: {  	s0 =	sadd.s32 $0x0, s26;
	s2 =	sshll.u32 s2, $0xC;
	s3 =	sadd.s32 $0x0, s1  }
0x15a: {  	p0 =	por $0x0, $0x0;
	p2 =	slt.s32 s0, $0x20;
	v5 =	vor.u32 s2, v3;
	v6 =	vor.u32 s2, v4;
	v7 =	vmov s3;
	s3 =	sshra.s32 s0, $0x1F  }
0x15b: {  	s2 =	simm.s32 @!p2 $0x2  }
0x15c: {  	_ =	swait.ge @!p2 [sflag:s2], $0x20  }
0x15d: {  	[sflag:s2] =	ssyncset.done @!p2 $0x0  }
0x15e: {  	[sflag:s2] =	ssyncadd.s32 @!p2 $0xFFFFFFE0  }
0x15f: {  	v8 =	vld.idx.msk [tilespmem:v7+s14+$0x0], $0xffff;
	_ =	sdelay $0x4  }
0x160: {  	v7 =	vld.idx.msk [tilespmem:v7+s24+$0x0], $0xffff;
	(v2sf) =	vpush v8, $0x0;
	_ =	sdelay $0x4  }
0x161: {  	v7 =	vand.u32 $0x7F, v7  }
0x162: {  	v8 =	vor.u32 v5, v7  }
0x163: {  	v7 =	vor.u32 v6, v7;
	_ =	sdelay $0x2  }
0x164: {  	s28 =	sshrl.u32 s3, $0x1B  }
0x165: {  	s2 =	sadd.s32 s28, s0;
	v8 =	vld.idx.msk [tilespmem:v8+s15+$0x0], $0xffff  }
0x166: {  	p1 =	sne.s32 s31, $0x2;
	s2 =	sand.u32 $0x7FFFE0, s2;
	v7 =	vld.idx.msk [tilespmem:v7+s15+$0x0], $0xffff  }
.Ltmp14:
0x167: {  	s29 =	ssub.s32 s0, s2;
	(pc) =	sbr.rel @!p1 .LBB2_20-.Ltmp14, $4  }
0x168: {  	s7 =	sadd.s32 $0x1, s1;
	p0 =	por $0x1, $0x1;
	s0 =	sshll.u32 s29, $0x9  }
0x169: {  	s2 =	simm.s32 $0x2;
	s30 =	sshra.s32 s0, $0x2;
	s6 =	spop (v2sf)  }
0x16a: {  	s0 =	sadd.s32 $0x1, s26;
	s5 =	sadd.s32 $0x1B000, s30;
	[tilespmem:s30+$0x1B000] =	vst v8;
	s6 =	sshll.u32 s6, $0x2  }
0x16b: {  	p2 =	slt.s32 s0, $0x20;
	s3 =	sshra.s32 s0, $0x1F;
	[tilespmem:s30+$0x1B010] =	vst v7;
	v7 =	vmov s7;
	s6 =	sand.u32 $0x1FFFFFFC, s6  }
.LBB2_19:
0x16c: {  	s7 =	simm.s32 @!p2 $0x2  }
0x16d: {  	s6 =	sadd.s32 s10, s6;
	s8 =	smov.u32 s2;
	s2 =	sadd.s32 $0x1, s2  }
0x16e: {  	[hbm4b:s6+s9] =	stream.linear.scatter [tilespmem:s5], [sflag:$0x2], $0x20, $0x38;
	[tilespmem:$0x1C000] =	vst v63  }
0x16f: {  	p1 =	sne.s32 s31, s2;
	_ =	swait.ge @!p2 [sflag:s7], $0x20  }
0x170: {  	[sflag:s7] =	ssyncset.done @!p2 $0x0  }
0x171: {  	[sflag:s7] =	ssyncadd.s32 @!p2 $0xFFFFFFE0  }
0x172: {  	v8 =	vld.idx.msk [tilespmem:v7+s14+$0x0], $0xffff  }
0x173: {  	v7 =	vld.idx.msk [tilespmem:v7+s24+$0x0], $0xffff;
	_ =	sdelay $0x4  }
0x174: {  	(v2sf) =	vpush v8, $0x0  }
0x175: {  	v7 =	vand.u32 $0x7F, v7  }
0x176: {  	v8 =	vor.u32 v5, v7;
	v7 =	vor.u32 v6, v7;
	_ =	sdelay $0x4  }
0x177: {  	s3 =	sshrl.u32 s3, $0x1B;
	v8 =	vld.idx.msk [tilespmem:v8+s15+$0x0], $0xffff  }
0x178: {  	s3 =	sadd.s32 s3, s0;
	v7 =	vld.idx.msk [tilespmem:v7+s15+$0x0], $0xffff  }
0x179: {  	s3 =	sand.u32 $0x7FFFE0, s3  }
0x17a: {  	s0 =	ssub.s32 s0, s3  }
0x17b: {  	s0 =	sshll.u32 s0, $0x9  }
0x17c: {  	s0 =	sshra.s32 s0, $0x2  }
.Ltmp15:
0x17d: {  	[tilespmem:s0+$0x1B000] =	vst v8;
	(pc) =	sbr.rel @p1 .LBB2_19-.Ltmp15, $4  }
0x17e: {  	[tilespmem:s0+$0x1B010] =	vst v7  }
0x17f: {  	s5 =	sadd.s32 $0x1B000, s0;
	s3 =	spop (v2sf)  }
0x180: {  	s6 =	sadd.s32 s1, s8;
	s0 =	sadd.s32 s8, s26;
	s7 =	sshll.u32 s3, $0x2  }
0x181: {  	v7 =	vmov s6;
	p2 =	slt.s32 s0, $0x20;
	s3 =	sshra.s32 s0, $0x1F;
	s6 =	sand.u32 $0x1FFFFFFC, s7  }
.LBB2_20:
0x182: {  	s1 =	simm.s32 @!p2 $0x2;
	s2 =	sadd.s32 @p0 s10, s6  }
0x183: {  	[hbm4b:s2+s9] =	stream.linear.scatter @p0 [tilespmem:s5], [sflag:$0x2], $0x20, $0x38;
	[tilespmem:$0x1C000] =	vst v63  }
0x184: {  	_ =	swait.ge @!p2 [sflag:s1], $0x20  }
0x185: {  	[sflag:s1] =	ssyncset.done @!p2 $0x0  }
0x186: {  	[sflag:s1] =	ssyncadd.s32 @!p2 $0xFFFFFFE0  }
0x187: {  	v8 =	vld.idx.msk [tilespmem:v7+s14+$0x0], $0xffff;
	_ =	sdelay $0x4  }
0x188: {  	(v2sf) =	vpush v8, $0x0  }
0x189: {  	v7 =	vld.idx.msk [tilespmem:v7+s24+$0x0], $0xffff;
	_ =	sdelay $0x4  }
0x18a: {  	v7 =	vand.u32 $0x7F, v7  }
0x18b: {  	v5 =	vor.u32 v5, v7  }
0x18c: {  	v6 =	vor.u32 v6, v7;
	_ =	sdelay $0x2  }
0x18d: {  	s28 =	sshrl.u32 s3, $0x1B  }
0x18e: {  	s1 =	sadd.s32 s28, s0;
	v5 =	vld.idx.msk [tilespmem:v5+s15+$0x0], $0xffff  }
0x18f: {  	s1 =	sand.u32 $0x7FFFE0, s1;
	v6 =	vld.idx.msk [tilespmem:v6+s15+$0x0], $0xffff  }
0x190: {  	s29 =	ssub.s32 s0, s1  }
0x191: {  	s0 =	sshll.u32 s29, $0x9;
	s30 =	spop (v2sf)  }
0x192: {  	s0 =	sshra.s32 s0, $0x2;
	s1 =	sshll.u32 s30, $0x2  }
0x193: {  	[tilespmem:s0+$0x1B000] =	vst v5;
	s1 =	sand.u32 $0x1FFFFFFC, s1  }
0x194: {  	[tilespmem:s0+$0x1B010] =	vst v6;
	s0 =	sadd.s32 $0x1B000, s0;
	s1 =	sadd.s32 s10, s1  }
0x195: {  	[hbm4b:s1+s9] =	stream.linear.scatter [tilespmem:s0], [sflag:$0x2], $0x20, $0x38;
	[tilespmem:$0x1C000] =	vst v63  }
.LBB2_21:
0x196: {  	s26 =	sadd.s32 s26, s31  }
.LBB2_22:
0x197: {  	p0 =	sgt.u32 s13, $0x7F  }
.Ltmp16:
0x198: {  	_ = 	snop;
	(pc) =	sbr.rel @p0 .LBB2_24-.Ltmp16, $1  }
0x199: {  	_ =	sdelay $0x3  }
0x19a: {  	s31 =	sshll.u32 s13, $0x7  }
0x19b: {  	s0 =	sand.u32 $0x3FFFFF80, s31  }
0x19c: {  	v7 =	vld [tilespmem:s0+$0x4000];
	_ =	sdelay $0x1  }
0x19d: {  	v8 =	vld [tilespmem:s0+$0x4010];
	_ =	sdelay $0x1  }
0x19e: {  	v9 =	vld [tilespmem:s0+$0x4020]  }
0x19f: {  	v6 =	vshrl.u32 v7, $0x7  }
0x1a0: {  	v5 =	vld [tilespmem:s0+$0x4030];
	v6 =	vand.u32 $0x1F, v6  }
0x1a1: {  	vm6 =	veq.s32 v6, v0;
	v6 =	vshrl.u32 v8, $0x7  }
0x1a2: {  	v6 =	vand.u32 $0x1F, v6  }
0x1a3: {  	v34 =	vshrl.u32 v9, $0x7;
	v10 =	vsel vm6, $0x1, v1;
	vm3 =	veq.s32 v6, v0;
	v6 =	vld [tilespmem:s0+$0x4040]  }
0x1a4: {  	(xrf0) =	vadd.scan.msk.s32 $0xffff, v10;
	v10 =	vand.u32 $0x1F, v34  }
0x1a5: {  	v36 =	vld [tilespmem:s0+$0x4050];
	v12 =	vshrl.u32 v5, $0x7;
	v11 =	vsel vm3, $0x1, v1;
	vm5 =	veq.s32 v10, v0  }
0x1a6: {  	v35 =	vand.u32 $0x1F, v12;
	(xrf0) =	vadd.scan.msk.s32 $0xffff, v11;
	v37 =	vsel vm5, $0x1, v1  }
0x1a7: {  	v38 =	vld [tilespmem:s0+$0x4060];
	vm2 =	veq.s32 v35, v0;
	(xrf0) =	vadd.scan.msk.s32 $0xffff, v37  }
0x1a8: {  	v10 =	vsel vm2, $0x1, v1;
	v39 =	vshrl.u32 v6, $0x7  }
0x1a9: {  	(xrf0) =	vadd.scan.msk.s32 $0xffff, v10;
	v10 =	vand.u32 $0x1F, v39  }
0x1aa: {  	v40 =	vshrl.u32 v36, $0x7;
	v13, _, _ =	vpop (xrf0);
	vm1 =	veq.s32 v10, v0  }
0x1ab: {  	(v2sf) =	vpush v13, $0xF;
	v10 =	vand.u32 $0x1F, v40;
	v15 =	vsel vm1, $0x1, v1  }
0x1ac: {  	v41 =	vshrl.u32 v38, $0x7;
	v14, _, _ =	vpop (xrf0);
	vm0 =	veq.s32 v10, v0;
	(xrf0) =	vadd.scan.msk.s32 $0xffff, v15  }
0x1ad: {  	v10 =	vand.u32 $0x1F, v41;
	(v2sf) =	vpush v14, $0xF;
	v42, _, _ =	vpop (xrf0);
	v16 =	vsel vm0, $0x1, v1  }
0x1ae: {  	vm15 =	veq.s32 v10, v0;
	(xrf0) =	vadd.scan.msk.s32 $0xffff, v16;
	(v2sf) =	vpush v42, $0xF  }
0x1af: {  	v18 =	vld [tilespmem:s0+$0x4070];
	v17, _, _ =	vpop (xrf0);
	v10 =	vsel vm15, $0x1, v1  }
0x1b0: {  	(v2sf) =	vpush v17, $0xF;
	(xrf0) =	vadd.scan.msk.s32 $0xffff, v10;
	_ =	sdelay $0x1  }
0x1b1: {  	v43, _, _ =	vpop (xrf0)  }
0x1b2: {  	(v2sf) =	vpush v43, $0xF  }
0x1b3: {  	v21 =	vshrl.u32 v18, $0x7;
	v16, _, _ =	vpop (xrf0)  }
0x1b4: {  	v21 =	vand.u32 $0x1F, v21;
	(v2sf) =	vpush v16, $0xF  }
0x1b5: {  	vm4 =	veq.s32 v21, v0;
	v19, _, _ =	vpop (xrf0)  }
0x1b6: {  	v22 =	vsel vm4, $0x1, v1;
	(v2sf) =	vpush v19, $0xF  }
0x1b7: {  	v20 =	vmov s4;
	(xrf0) =	vadd.scan.msk.s32 $0xffff, v22  }
0x1b8: {  	v20 =	vadd.s32 $0xFFFFFFFF, v20  }
0x1b9: {  	v20 =	vbroadcast v20, $0x0;
	s7 =	spop (v2sf)  }
0x1ba: {  	s0 =	sadd.s32 s4, s7  }
0x1bb: {  	v13 =	vadd.s32 v13, v20;
	s1 =	spop (v2sf);
	v44 =	vmov s0  }
0x1bc: {  	v52 =	vor.u32 s31, v2;
	vm7 =	vlt.s32 v13, $0x3F0;
	v45 =	vadd.s32 $0xFFFFFFFF, v44;
	s0 =	sadd.s32 s1, s0;
	s8 =	spop (v2sf)  }
0x1bd: {  	vm6 =	vmand vm6, vm7;
	v53, _, _ =	vpop (xrf0);
	v20 =	vbroadcast v45, $0x0;
	v46 =	vmov s0;
	s0 =	sadd.s32 s8, s0  }
0x1be: {  	(v2sf) =	vpush v53, $0xF;
	s2 =	spop (v2sf);
	v21 =	vadd.s32 $0xFFFFFFFF, v46;
	v48 =	vmov s0  }
0x1bf: {  	s0 =	sadd.s32 s2, s0;
	v14 =	vadd.s32 v14, v20;
	v47 =	vbroadcast v21, $0x0;
	v21 =	vadd.s32 $0xFFFFFFFF, v48  }
0x1c0: {  	v49 =	vmov s0;
	vm7 =	vlt.s32 v14, $0x3F0;
	v50 =	vbroadcast v21, $0x0  }
0x1c1: {  	v51 =	vadd.s32 $0xFFFFFFFF, v49;
	v15 =	vadd.s32 v42, v47;
	vm7 =	vmand vm3, vm7;
	s11 =	spop (v2sf)  }
0x1c2: {  	v21 =	vbroadcast v51, $0x0;
	vm3 =	vlt.s32 v15, $0x3F0;
	v17 =	vadd.s32 v17, v50;
	s0 =	sadd.s32 s11, s0  }
0x1c3: {  	vm3 =	vmand vm5, vm3;
	vm5 =	vlt.s32 v17, $0x3F0;
	s12 =	spop (v2sf);
	v54 =	vmov s0  }
0x1c4: {  	s3 =	simm.s32 $0x8800;
	v10 =	vadd.s32 v43, v21;
	vm2 =	vmand vm2, vm5;
	s0 =	sadd.s32 s12, s0;
	v21 =	vadd.s32 $0xFFFFFFFF, v54  }
0x1c5: {  	s20 =	simm.s32 $0x8C00;
	s19 =	sor.u32 $0x10, s31;
	[tilespmem:v13+s3+$0x0] =	vst.idx.msk vm6, v7;
	s18 =	spop (v2sf);
	vm5 =	vlt.s32 v10, $0x3F0;
	v55 =	vmov s0;
	v7 =	vbroadcast v21, $0x0  }
0x1c6: {  	v56 =	vor.u32 s19, v2;
	[tilespmem:v13+s20+$0x0] =	vst.idx.msk vm6, v52;
	vm1 =	vmand vm1, vm5;
	s0 =	sadd.s32 s18, s0;
	v21 =	vadd.s32 $0xFFFFFFFF, v55  }
0x1c7: {  	s21 =	sor.u32 $0x20, s31;
	v58 =	vmov s0;
	[tilespmem:v14+s3+$0x0] =	vst.idx.msk vm7, v8;
	v57 =	vbroadcast v21, $0x0;
	v7 =	vadd.s32 v16, v7  }
0x1c8: {  	v59 =	vor.u32 s21, v2;
	v60 =	vadd.s32 $0xFFFFFFFF, v58;
	[tilespmem:v14+s20+$0x0] =	vst.idx.msk vm7, v56;
	vm5 =	vlt.s32 v7, $0x3F0  }
0x1c9: {  	v61 =	vbroadcast v60, $0x0;
	[tilespmem:v15+s3+$0x0] =	vst.idx.msk vm3, v9;
	v8 =	vadd.s32 v19, v57;
	vm0 =	vmand vm0, vm5  }
0x1ca: {  	s22 =	sor.u32 $0x30, s31;
	[tilespmem:v15+s20+$0x0] =	vst.idx.msk vm3, v59;
	vm3 =	vlt.s32 v8, $0x3F0  }
0x1cb: {  	v62 =	vor.u32 s22, v2;
	[tilespmem:v17+s3+$0x0] =	vst.idx.msk vm2, v5;
	vm3 =	vmand vm15, vm3;
	v5 =	vadd.s32 v53, v61  }
0x1cc: {  	s23 =	sor.u32 $0x40, s31;
	[tilespmem:v17+s20+$0x0] =	vst.idx.msk vm2, v62;
	vm2 =	vlt.s32 v5, $0x3F0  }
0x1cd: {  	v63 =	vor.u32 s23, v2;
	[tilespmem:v10+s3+$0x0] =	vst.idx.msk vm1, v6;
	vm2 =	vmand vm4, vm2  }
0x1ce: {  	s28 =	sor.u32 $0x50, s31;
	[tilespmem:v10+s20+$0x0] =	vst.idx.msk vm1, v63  }
0x1cf: {  	v6 =	vor.u32 s28, v2;
	[tilespmem:v7+s3+$0x0] =	vst.idx.msk vm0, v36  }
0x1d0: {  	s29 =	sor.u32 $0x60, s31;
	[tilespmem:v7+s20+$0x0] =	vst.idx.msk vm0, v6  }
0x1d1: {  	v6 =	vor.u32 s29, v2;
	[tilespmem:v8+s3+$0x0] =	vst.idx.msk vm3, v38  }
0x1d2: {  	s30 =	sor.u32 $0x70, s31;
	vm6 =	vcmask $0x1B18;
	vm7 =	vcmask $0x1F1C;
	vm5 =	vcmask $0x1714;
	[tilespmem:v8+s20+$0x0] =	vst.idx.msk vm3, v6  }
0x1d3: {  	s31 =	spop (v2sf);
	vm4 =	vcmask $0x1310;
	vm1 =	vcmask $0x704;
	v6 =	vor.u32 s30, v2;
	[tilespmem:v5+s3+$0x0] =	vst.idx.msk vm2, v18  }
0x1d4: {  	s4 =	sadd.s32 s31, s0;
	vm0 =	vcmask $0x300;
	vm3 =	vcmask $0xF0C;
	[tilespmem:v5+s20+$0x0] =	vst.idx.msk vm2, v6;
	vm2 =	vcmask $0xB08  }
.LBB2_24:
0x1d5: {  	s0 =	sadd.s32 $0xF, s4  }
0x1d6: {  	s1 =	sand.u32 $0xF, s0  }
0x1d7: {  	s2 =	sshra.s32 s0, $0x1F;
	p0 =	slt.s32 s0, $0x1;
	p1 =	sne.s32 s1, $0x0  }
0x1d8: {  	s30 =	sshrl.u32 s2, $0x1C;
	p0 =	por !p0, !p1  }
0x1d9: {  	s1 =	simm.s32 $0x1;
	s0 =	sadd.s32 s30, s0;
	p0 =	por !p0, !p0  }
0x1da: {  	s31 =	sshra.s32 s0, $0x4;
	s1 =	simm.s32 @!p0 $0x0  }
0x1db: {  	s0 =	sadd.s32 $0xFFFFFF80, s13;
	p0 =	slt.u32 s13, $0x80;
	s1 =	ssub.s32 s31, s1  }
0x1dc: {  	p1 =	sge.s32 @!p0 s0, s1  }
0x1dd: {  	p0 =	por p0, p1  }
.Ltmp17:
0x1de: {  	_ = 	snop;
	(pc) =	sbr.rel @p0 .LBB2_26-.Ltmp17, $1  }
0x1df: {  	_ =	sdelay $0x3  }
0x1e0: {  	s0 =	sshll.u32 s0, $0x4  }
0x1e1: {  	v5 =	vld [tilespmem:s0+$0x8800];
	_ =	sdelay $0x3  }
0x1e2: {  	v6 =	vor.u32 s0, v2  }
0x1e3: {  	vm15 =	vlt.s32 v6, s4;
	v6 =	vshrl.u32 v5, $0xC  }
0x1e4: {  	v6 =	vnsel vm15, $0xFF, v6  }
0x1e5: {  	(v2sf) =	vpush v6, $0x0;
	_ =	sdelay $0x4  }
0x1e6: {  	(v2sf) =	vpush v6, $0x1;
	_ =	sdelay $0x4  }
0x1e7: {  	(v2sf) =	vpush v6, $0x2;
	_ =	sdelay $0x4  }
0x1e8: {  	s1 =	spop (v2sf);
	(v2sf) =	vpush v6, $0x3  }
0x1e9: {  	s24 =	sld [smem:s1+$0x300];
	_ =	sdelay $0x2  }
0x1ea: {  	s3 =	sadd.s32 $0x1, s24  }
0x1eb: {  	[smem:s1+$0x300] =	sst s3;
	s3 =	spop (v2sf);
	(v2sf) =	vpush v6, $0x4  }
0x1ec: {  	s28 =	sld [smem:s3+$0x300];
	_ =	sdelay $0x2  }
0x1ed: {  	s6 =	sadd.s32 $0x1, s28  }
0x1ee: {  	[smem:s3+$0x300] =	sst s6;
	s6 =	spop (v2sf);
	(v2sf) =	vpush v6, $0x5  }
0x1ef: {  	s29 =	sld [smem:s6+$0x300];
	_ =	sdelay $0x2  }
0x1f0: {  	s8 =	sadd.s32 $0x1, s29  }
0x1f1: {  	[smem:s6+$0x300] =	sst s8;
	s8 =	spop (v2sf);
	(v2sf) =	vpush v6, $0x6  }
0x1f2: {  	s30 =	sld [smem:s8+$0x300];
	_ =	sdelay $0x2  }
0x1f3: {  	s10 =	sadd.s32 $0x1, s30  }
0x1f4: {  	[smem:s8+$0x300] =	sst s10;
	s17 =	spop (v2sf);
	(v2sf) =	vpush v6, $0x7  }
0x1f5: {  	s31 =	sld [smem:s17+$0x300];
	_ =	sdelay $0x2  }
0x1f6: {  	[dreg:$0x14] =	wrdreg s0;
	s0 =	sadd.s32 $0x1, s31  }
0x1f7: {  	[smem:s17+$0x300] =	sst s0;
	s12 =	spop (v2sf);
	(v2sf) =	vpush v6, $0x8  }
0x1f8: {  	s2 =	sld [smem:s12+$0x300];
	_ =	sdelay $0x2  }
0x1f9: {  	s5 =	sadd.s32 $0x1, s2  }
0x1fa: {  	[smem:s12+$0x300] =	sst s5;
	s14 =	spop (v2sf);
	(v2sf) =	vpush v6, $0x9  }
0x1fb: {  	s15 =	sld [smem:s14+$0x300];
	_ =	sdelay $0x2  }
0x1fc: {  	s7 =	sadd.s32 $0x1, s15  }
0x1fd: {  	[smem:s14+$0x300] =	sst s7;
	s16 =	spop (v2sf);
	(v2sf) =	vpush v6, $0xA  }
0x1fe: {  	s10 =	sld [smem:s16+$0x300];
	_ =	sdelay $0x2  }
0x1ff: {  	s18 =	sadd.s32 $0x1, s10  }
0x200: {  	[smem:s16+$0x300] =	sst s18;
	s18 =	spop (v2sf);
	(v2sf) =	vpush v6, $0xB  }
0x201: {  	s19 =	sld [smem:s18+$0x300];
	_ =	sdelay $0x2  }
0x202: {  	s20 =	sadd.s32 $0x1, s19  }
0x203: {  	[smem:s18+$0x300] =	sst s20;
	s20 =	spop (v2sf);
	(v2sf) =	vpush v6, $0xC  }
0x204: {  	s21 =	sld [smem:s20+$0x300];
	_ =	sdelay $0x2  }
0x205: {  	s22 =	sadd.s32 $0x1, s21  }
0x206: {  	[smem:s20+$0x300] =	sst s22;
	s22 =	spop (v2sf);
	(v2sf) =	vpush v6, $0xD  }
0x207: {  	s23 =	sld [smem:s22+$0x300];
	_ =	sdelay $0x1  }
0x208: {  	[dreg:$0x16] =	wrdreg s24  }
0x209: {  	[dreg:$0x1c] =	wrdreg s30;
	s24 =	sadd.s32 $0x1, s23  }
0x20a: {  	[smem:s22+$0x300] =	sst s24;
	s24 =	spop (v2sf);
	(v2sf) =	vpush v6, $0xE  }
0x20b: {  	s30 =	sld [smem:s24+$0x300];
	_ =	sdelay $0x1  }
0x20c: {  	[dreg:$0x17] =	wrdreg s28  }
0x20d: {  	[dreg:$0x1e] =	wrdreg s31;
	s31 =	sadd.s32 $0x1, s30  }
0x20e: {  	[smem:s24+$0x300] =	sst s31;
	s31 =	spop (v2sf);
	(v2sf) =	vpush v6, $0xF  }
0x20f: {  	s28 =	sld [smem:s31+$0x300];
	_ =	sdelay $0x2  }
0x210: {  	[dreg:$0x13] =	wrdreg s4;
	s9 =	sadd.s32 $0x1, s28  }
0x211: {  	[smem:s31+$0x300] =	sst s9;
	s4 =	spop (v2sf)  }
0x212: {  	s0 =	sld [smem:s4+$0x300];
	_ =	sdelay $0x1  }
0x213: {  	[dreg:$0x18] =	wrdreg s29  }
0x214: {  	[dreg:$0x1f] =	wrdreg s2;
	s2 =	sadd.s32 $0x1, s0  }
0x215: {  	[smem:s4+$0x300] =	sst s2;
	s2 =	spop (v2sf)  }
0x216: {  	s29 =	sld [smem:s2+$0x300];
	_ =	sdelay $0x2  }
0x217: {  	s7 =	sadd.s32 $0x1, s29  }
0x218: {  	[smem:s2+$0x300] =	sst s7;
	s7 =	spop (v2sf)  }
0x219: {  	s9 =	sld [smem:s7+$0x300];
	_ =	sdelay $0x1  }
0x21a: {  	s11 =	sshll.u32 s7, $0x4  }
0x21b: {  	s1 =	sshll.u32 s1, $0x4;
	s5 =	rddreg [dreg:$0x16];
	s11 =	sadd.s32 s11, s9  }
0x21c: {  	s3 =	sshll.u32 s3, $0x4;
	s1 =	sadd.s32 s5, s1;
	v6 =	vmov s11;
	s11 =	rddreg [dreg:$0x17]  }
0x21d: {  	s5 =	sshll.u32 s6, $0x4;
	s6 =	rddreg [dreg:$0x18];
	s3 =	sadd.s32 s11, s3;
	v6 =	vsel vm0, s1, v6  }
0x21e: {  	s8 =	sshll.u32 s8, $0x4;
	s1 =	sadd.s32 s5, s6;
	s11 =	rddreg [dreg:$0x1c];
	v6 =	vsel vm1, s3, v6  }
0x21f: {  	s6 =	sshll.u32 s17, $0x4;
	s3 =	sadd.s32 s8, s11;
	s8 =	rddreg [dreg:$0x1e];
	v6 =	vsel vm2, s1, v6  }
0x220: {  	s11 =	sshll.u32 s12, $0x4;
	s12 =	rddreg [dreg:$0x1f];
	s1 =	sadd.s32 s6, s8;
	v6 =	vsel vm3, s3, v6  }
0x221: {  	s6 =	sshll.u32 s14, $0x4;
	s3 =	sadd.s32 s11, s12;
	v6 =	vsel vm4, s1, v6  }
0x222: {  	s8 =	sshll.u32 s16, $0x4;
	s1 =	sadd.s32 s6, s15;
	v6 =	vsel vm5, s3, v6  }
0x223: {  	s11 =	sshll.u32 s18, $0x4;
	s3 =	sadd.s32 s8, s10;
	v6 =	vsel vm6, s1, v6  }
0x224: {  	s12 =	sshll.u32 s20, $0x4;
	s1 =	sadd.s32 s11, s19;
	v6 =	vsel vm7, s3, v6  }
0x225: {  	s18 =	sadd.s32 s12, s21;
	s19 =	sshll.u32 s22, $0x4;
	v6 =	vsel vm8, s1, v6  }
0x226: {  	s21 =	sshll.u32 s24, $0x4;
	s20 =	sadd.s32 s19, s23;
	v6 =	vsel vm9, s18, v6  }
0x227: {  	s22 =	sadd.s32 s21, s30;
	s23 =	sshll.u32 s31, $0x4;
	v6 =	vsel vm10, s20, v6  }
0x228: {  	s4 =	sshll.u32 s4, $0x4;
	s28 =	sadd.s32 s23, s28;
	v6 =	vsel vm11, s22, v6  }
0x229: {  	s0 =	sadd.s32 s4, s0;
	s2 =	sshll.u32 s2, $0x4;
	v6 =	vsel vm12, s28, v6  }
0x22a: {  	s29 =	sadd.s32 s2, s29;
	v6 =	vsel vm13, s0, v6  }
0x22b: {  	s30 =	rddreg [dreg:$0x14];
	v6 =	vsel vm14, s29, v6  }
0x22c: {  	v7 =	vld [tilespmem:s30+$0x8C00]  }
.Ltmp18:
0x22d: {  	_ = 	snop;
	(pc) =	sbr.rel .LBB2_26-.Ltmp18, $4  }
0x22e: {  	s4 =	rddreg [dreg:$0x13]  }
0x22f: {  	s17 =	simm.s32 $0xC000;
	s14 =	simm.s32 $0xA000;
	s16 =	simm.s32 $0xB000  }
0x230: {  	s15 =	simm.s32 $0xD000;
	s10 =	rddreg [dreg:$0xd];
	s31 =	sadd.s32 $0x1, s9;
	[tilespmem:v6+s16+$0x0] =	vst.idx.msk vm15, v5  }
0x231: {  	s24 =	simm.s32 $0x9000;
	s9 =	simm.s32 $0x0;
	[smem:s7+$0x300] =	sst s31;
	[tilespmem:v6+s17+$0x0] =	vst.idx.msk vm15, v7  }
.LBB2_17:
.Ltmp19:
0x232: {  	(pc) =	sbr.rel .LBB2_20-.Ltmp19, $2  }
0x233: {  	_ =	sdelay $0x2  }
0x234: {  	_ = 	snop  }
.LBB2_27:
0x235: {  	p0 =	slt.s32 s26, $0x1  }
.Ltmp20:
0x236: {  	_ = 	snop;
	(pc) =	sbr.rel @p0 .LBB2_31-.Ltmp20, $4  }
0x237: {  	_ = 	snop  }
0x238: {  	s8 =	rddreg [dreg:$0x3]  }
0x239: {  	s11 =	rddreg [dreg:$0xe]  }
0x23a: {  	s12 =	rddreg [dreg:$0xf];
	s13 =	simm.s32 $0x1  }
0x23b: {  	p0 =	slt.s32 s26, $0x20  }
0x23c: {  	s26 =	simm.s32 @!p0 $0x20  }
0x23d: {  	p0 =	sne.s32 s26, $0x1  }
.Ltmp21:
0x23e: {  	_ = 	snop;
	(pc) =	sbr.rel @!p0 .LBB2_30-.Ltmp21, $4  }
0x23f: {  	_ = 	snop  }
0x240: {  	s1 =	simm.s32 $0x2  }
0x241: {  	_ =	swait.ge [sflag:s1], $0x20  }
0x242: {  	s0 =	sadd.s32 $0xFFFFFFFF, s26;
	[sflag:s1] =	ssyncset.done $0x0  }
.LBB2_29:
0x243: {  	p0 =	sne.s32 s0, $0x1;
	s0 =	sadd.s32 $0xFFFFFFFF, s0;
	[sflag:s1] =	ssyncadd.s32 $0xFFFFFFE0  }
.Ltmp22:
0x244: {  	(pc) =	sbr.rel @p0 .LBB2_29-.Ltmp22, $3  }
0x245: {  	_ =	sdelay $0x1  }
0x246: {  	_ =	swait.ge [sflag:s1], $0x20  }
0x247: {  	[sflag:s1] =	ssyncset.done $0x0  }
.LBB2_30:
0x248: {  	[sflag:s1] =	ssyncadd.s32 $0xFFFFFFE0  }
.LBB2_31:
0x249: {  	p1 =	por $0x0, $0x0  }
.Ltmp23:
0x24a: {  	s2 =	sld [smem:$0x300];
	(pc) =	sbr.rel @p1 .LBB2_33-.Ltmp23, $3  }
0x24b: {  	_ =	sdelay $0x1  }
0x24c: {  	s0 =	simm.s32 $0x0;
	s1 =	simm.s32 $0x300;
	p0 =	slt.s32 s2, $0x1  }
0x24d: {  	s2 =	simm.s32 $0x1;
	[smem:$0x100] =	sst @!p0 s0;
	s25 =	simm.s32 @!p0 $0x1  }
.LBB2_32:
0x24e: {  	s3 =	smov.u32 s0;
	s0 =	smov.u32 s25  }
0x24f: {  	s0 =	smov.u32 @p0 s3;
	s3 =	smov.u32 s2;
	s2 =	sadd.s32 $0x1, s2  }
0x250: {  	s1 =	sadd.s32 $0x1, s1;
	p1 =	seq.s32 s2, $0xF5  }
.Ltmp24:
0x251: {  	s4 =	sld [smem:s1+$0x0];
	(pc) =	sbr.rel @!p1 .LBB2_32-.Ltmp24, $3  }
0x252: {  	_ =	sdelay $0x1  }
0x253: {  	p0 =	slt.s32 s4, $0x1  }
0x254: {  	[smem:s0+$0x100] =	sst @!p0 s3;
	s25 =	sadd.s32 @!p0 $0x1, s0  }
.LBB2_33:
0x255: {  	s25 =	smov.u32 @p0 s0  }
0x256: {  	p0 =	sle.s32 s25, $0x0  }
0x257: {  	s1 =	sld @!p0 [smem:$0x100];
	_ =	sdelay $0x1  }
0x258: {  	p0 =	por p0, p0  }
0x259: {  	s0 =	simm.s32 $0xD000;
	s2 =	simm.s32 $0x2;
	s1 =	sshll.u32 @!p0 s1, $0xF  }
0x25a: {  	s3 =	simm.s32 $0x101;
	p1 =	sle.s32 s25, $0x1;
	s4 =	sor.u32 @!p0 s12, s1  }
0x25b: {  	s5 =	simm.s32 @!p0 $0x7A1400;
	s7 =	simm.s32 @!p0 $0x400;
	s6 =	sshrl.u32 @!p0 s4, $0x3  }
0x25c: {  	s1 =	simm.s32 $0xE000;
	s4 =	sld @!p1 [smem:$0x101];
	s6 =	sadd.s32 @!p0 s8, s6  }
.LBB2_34:
0x25d: {  	[tilespmem:s0], [sflag:$0x1] =	stream.strided.gather @!p0 [hbm4b:s6+s7], $0x1000, s5, s7, $0x38;
	[tilespmem:$0x1C000] =	vst v63  }
0x25e: {  	s5 =	smov.u32 s2;
	s2 =	sadd.s32 $0x1, s2  }
0x25f: {  	s0 =	smov.u32 s1;
	p0 =	por p1, p1;
	p2 =	seq.s32 s2, $0xE  }
.Ltmp25:
0x260: {  	(pc) =	sbr.rel @!p2 .LBB2_34-.Ltmp25, $4  }
0x261: {  	s4 =	sshll.u32 @!p0 s4, $0xF  }
0x262: {  	s3 =	sadd.s32 $0x1, s3;
	s1 =	sadd.s32 $0x1000, s1;
	s4 =	sor.u32 @!p0 s12, s4  }
0x263: {  	p1 =	sge.s32 s5, s25;
	s5 =	simm.s32 @!p0 $0x7A1400;
	s6 =	sshrl.u32 @!p0 s4, $0x3  }
0x264: {  	s7 =	simm.s32 @!p0 $0x400;
	s4 =	sld @!p1 [smem:s3+$0x0];
	s6 =	sadd.s32 @!p0 s8, s6  }
0x265: {  	[tilespmem:s0], [sflag:$0x1] =	stream.strided.gather @!p0 [hbm4b:s6+s7], $0x1000, s5, s7, $0x38;
	[tilespmem:$0x1C000] =	vst v63  }
0x266: {  	p0 =	por p1, p1  }
0x267: {  	s0 =	sshll.u32 @!p0 s4, $0xF  }
0x268: {  	s0 =	sor.u32 @!p0 s12, s0  }
0x269: {  	s0 =	sshrl.u32 @!p0 s0, $0x3  }
0x26a: {  	s2 =	simm.s32 @!p0 $0x7A1400;
	s3 =	simm.s32 @!p0 $0x400;
	s0 =	sadd.s32 @!p0 s8, s0  }
0x26b: {  	[tilespmem:s1], [sflag:$0x1] =	stream.strided.gather @!p0 [hbm4b:s0+s3], $0x1000, s2, s3, $0x38;
	[tilespmem:$0x1C000] =	vst v63  }
0x26c: {  	p0 =	sgt.s32 s25, $0x0  }
.Ltmp26:
0x26d: {  	_ = 	snop;
	(pc) =	sbr.rel @p0 .LBB2_36-.Ltmp26, $4  }
.Ltmp27:
0x26e: {  	_ = 	snop;
	(pc) =	sbr.rel @!p0 .LBB2_47-.Ltmp27, $4  }
0x26f: {  	_ = 	snop  }
0x270: {  	_ = 	snop  }
0x271: {  	s26 =	simm.s32 $0x0;
	s28 =	simm.s32 $0x0  }
0x272: {  	_ = 	snop  }
.LBB2_38:
0x273: {  	_ = 	snop  }
.LBB2_41:
0x274: {  	s1 =	simm.s32 @!p2 $0x2;
	s2 =	sadd.s32 @p0 s11, s5  }
0x275: {  	[hbm4b:s2+s9] =	stream.linear.scatter @p0 [tilespmem:s4], [sflag:$0x2], $0x20, $0x38;
	[tilespmem:$0x1C000] =	vst v63  }
0x276: {  	_ =	swait.ge @!p2 [sflag:s1], $0x20  }
0x277: {  	[sflag:s1] =	ssyncset.done @!p2 $0x0  }
0x278: {  	[sflag:s1] =	ssyncadd.s32 @!p2 $0xFFFFFFE0  }
0x279: {  	v8 =	vld.idx.msk [tilespmem:v7+s17+$0x0], $0xffff;
	_ =	sdelay $0x4  }
0x27a: {  	(v2sf) =	vpush v8, $0x0  }
0x27b: {  	v7 =	vld.idx.msk [tilespmem:v7+s16+$0x0], $0xffff;
	_ =	sdelay $0x4  }
0x27c: {  	v7 =	vand.u32 $0x7F, v7  }
0x27d: {  	v5 =	vor.u32 v5, v7  }
0x27e: {  	v6 =	vor.u32 v6, v7;
	_ =	sdelay $0x2  }
0x27f: {  	s23 =	sshrl.u32 s3, $0x1B  }
0x280: {  	s1 =	sadd.s32 s23, s0;
	v5 =	vld.idx.msk [tilespmem:v5+s15+$0x0], $0xffff  }
0x281: {  	s1 =	sand.u32 $0x7FFFE0, s1;
	v6 =	vld.idx.msk [tilespmem:v6+s15+$0x0], $0xffff  }
0x282: {  	s30 =	ssub.s32 s0, s1  }
0x283: {  	s0 =	sshll.u32 s30, $0x9;
	s31 =	spop (v2sf)  }
0x284: {  	s0 =	sshra.s32 s0, $0x2;
	s1 =	sshll.u32 s31, $0x2  }
0x285: {  	[tilespmem:s0+$0x1B000] =	vst v5;
	s1 =	sand.u32 $0x1FFFFFFC, s1  }
0x286: {  	[tilespmem:s0+$0x1B010] =	vst v6;
	s0 =	sadd.s32 $0x1B000, s0;
	s1 =	sadd.s32 s11, s1  }
0x287: {  	[hbm4b:s1+s9] =	stream.linear.scatter [tilespmem:s0], [sflag:$0x2], $0x20, $0x38;
	[tilespmem:$0x1C000] =	vst v63  }
.LBB2_42:
0x288: {  	s28 =	sadd.s32 $0x1, s28  }
0x289: {  	p0 =	sne.s32 s28, s25  }
.Ltmp28:
0x28a: {  	_ = 	snop;
	(pc) =	sbr.rel @!p0 .LBB2_43-.Ltmp28, $2  }
0x28b: {  	_ =	sdelay $0x2  }
0x28c: {  	s26 =	sadd.s32 s26, s29  }
.LBB2_36:
0x28d: {  	s1 =	sadd.s32 $0xE, s28  }
0x28e: {  	p0 =	sge.s32 s1, s25  }
0x28f: {  	s0 =	smulhi.u32 @!p0 $0x92492493, s1;
	s2 =	sshra.s32 @!p0 s1, $0x1F  }
0x290: {  	s2 =	smul.u32 @!p0 $0x92492493, s2  }
0x291: {  	s0 =	ssub.s32 @!p0 s0, s1  }
0x292: {  	_ =	swait.ge [sflag:s13], $0x1000;
	s0 =	sadd.s32 @!p0 s2, s0  }
0x293: {  	[sflag:s13] =	ssyncset.done $0x0;
	s0 =	sadd.s32 @!p0 s1, s0  }
0x294: {  	[sflag:s13] =	ssyncadd.s32 $0xFFFFF000;
	s2 =	sshrl.u32 @!p0 s0, $0x1F;
	s0 =	sshrl.u32 @!p0 s0, $0x3  }
0x295: {  	s0 =	sadd.s32 @!p0 s2, s0;
	s2 =	sld @!p0 [smem:s1+$0x100]  }
0x296: {  	s3 =	smul.u32 @!p0 $0xE, s0  }
0x297: {  	s0 =	sld [smem:s28+$0x100]  }
0x298: {  	s1 =	ssub.s32 @!p0 s1, s3;
	s2 =	sshll.u32 @!p0 s2, $0xF  }
0x299: {  	s4 =	simm.s32 @!p0 $0x7A1400;
	s1 =	sshll.u32 @!p0 s1, $0xE;
	s2 =	sor.u32 @!p0 s12, s2  }
0x29a: {  	s29 =	sld [smem:s0+$0x300];
	s1 =	sshra.s32 @!p0 s1, $0x2;
	s2 =	sshrl.u32 @!p0 s2, $0x3  }
0x29b: {  	s3 =	simm.s32 @!p0 $0x400;
	s1 =	sadd.s32 @!p0 $0xD000, s1;
	s2 =	sadd.s32 @!p0 s8, s2  }
0x29c: {  	[tilespmem:s1], [sflag:$0x1] =	stream.strided.gather @!p0 [hbm4b:s2+s3], $0x1000, s4, s3, $0x38;
	[tilespmem:$0x1C000] =	vst v63  }
0x29d: {  	p0 =	slt.s32 s29, $0x1  }
.Ltmp29:
0x29e: {  	_ = 	snop;
	(pc) =	sbr.rel @p0 .LBB2_42-.Ltmp29, $1  }
0x29f: {  	_ =	sdelay $0x3  }
0x2a0: {  	s1 =	sshrl.u32 s28, $0x1  }
0x2a1: {  	s1 =	smulhi.u32 $0x92492493, s1;
	_ =	sdelay $0x1  }
0x2a2: {  	s1 =	sshrl.u32 s1, $0x2  }
0x2a3: {  	p1 =	sne.s32 s29, $0x1;
	s1 =	smul.u32 $0xE, s1  }
.Ltmp30:
0x2a4: {  	_ = 	snop;
	(pc) =	sbr.rel @!p1 .LBB2_38-.Ltmp30, $4  }
0x2a5: {  	_ = 	snop  }
0x2a6: {  	s2 =	ssub.s32 s28, s1;
	s1 =	sshll.u32 s0, $0x4  }
0x2a7: {  	s0 =	sadd.s32 $0x0, s26;
	s2 =	sshll.u32 s2, $0xC;
	s3 =	sadd.s32 $0x0, s1  }
0x2a8: {  	p0 =	por $0x0, $0x0;
	p2 =	slt.s32 s0, $0x20;
	v5 =	vor.u32 s2, v3;
	v6 =	vor.u32 s2, v4;
	v7 =	vmov s3;
	s3 =	sshra.s32 s0, $0x1F  }
0x2a9: {  	s2 =	simm.s32 @!p2 $0x2  }
0x2aa: {  	_ =	swait.ge @!p2 [sflag:s2], $0x20  }
0x2ab: {  	[sflag:s2] =	ssyncset.done @!p2 $0x0  }
0x2ac: {  	[sflag:s2] =	ssyncadd.s32 @!p2 $0xFFFFFFE0  }
0x2ad: {  	v8 =	vld.idx.msk [tilespmem:v7+s17+$0x0], $0xffff;
	_ =	sdelay $0x4  }
0x2ae: {  	v7 =	vld.idx.msk [tilespmem:v7+s16+$0x0], $0xffff;
	(v2sf) =	vpush v8, $0x0;
	_ =	sdelay $0x4  }
0x2af: {  	v7 =	vand.u32 $0x7F, v7  }
0x2b0: {  	v8 =	vor.u32 v5, v7  }
0x2b1: {  	v7 =	vor.u32 v6, v7;
	_ =	sdelay $0x2  }
0x2b2: {  	s23 =	sshrl.u32 s3, $0x1B  }
0x2b3: {  	s2 =	sadd.s32 s23, s0;
	v8 =	vld.idx.msk [tilespmem:v8+s15+$0x0], $0xffff  }
0x2b4: {  	p1 =	sne.s32 s29, $0x2;
	s2 =	sand.u32 $0x7FFFE0, s2;
	v7 =	vld.idx.msk [tilespmem:v7+s15+$0x0], $0xffff  }
.Ltmp31:
0x2b5: {  	s30 =	ssub.s32 s0, s2;
	(pc) =	sbr.rel @!p1 .LBB2_41-.Ltmp31, $4  }
0x2b6: {  	s6 =	sadd.s32 $0x1, s1;
	p0 =	por $0x1, $0x1;
	s0 =	sshll.u32 s30, $0x9  }
0x2b7: {  	s2 =	simm.s32 $0x2;
	s31 =	sshra.s32 s0, $0x2;
	s5 =	spop (v2sf)  }
0x2b8: {  	s0 =	sadd.s32 $0x1, s26;
	s4 =	sadd.s32 $0x1B000, s31;
	[tilespmem:s31+$0x1B000] =	vst v8;
	s5 =	sshll.u32 s5, $0x2  }
0x2b9: {  	p2 =	slt.s32 s0, $0x20;
	s3 =	sshra.s32 s0, $0x1F;
	[tilespmem:s31+$0x1B010] =	vst v7;
	v7 =	vmov s6;
	s5 =	sand.u32 $0x1FFFFFFC, s5  }
.LBB2_40:
0x2ba: {  	s6 =	simm.s32 @!p2 $0x2  }
0x2bb: {  	s5 =	sadd.s32 s11, s5;
	s7 =	smov.u32 s2;
	s2 =	sadd.s32 $0x1, s2  }
0x2bc: {  	[hbm4b:s5+s9] =	stream.linear.scatter [tilespmem:s4], [sflag:$0x2], $0x20, $0x38;
	[tilespmem:$0x1C000] =	vst v63  }
0x2bd: {  	p1 =	sne.s32 s29, s2;
	_ =	swait.ge @!p2 [sflag:s6], $0x20  }
0x2be: {  	[sflag:s6] =	ssyncset.done @!p2 $0x0  }
0x2bf: {  	[sflag:s6] =	ssyncadd.s32 @!p2 $0xFFFFFFE0  }
0x2c0: {  	v8 =	vld.idx.msk [tilespmem:v7+s17+$0x0], $0xffff  }
0x2c1: {  	v7 =	vld.idx.msk [tilespmem:v7+s16+$0x0], $0xffff;
	_ =	sdelay $0x4  }
0x2c2: {  	(v2sf) =	vpush v8, $0x0  }
0x2c3: {  	v7 =	vand.u32 $0x7F, v7  }
0x2c4: {  	v8 =	vor.u32 v5, v7;
	v7 =	vor.u32 v6, v7;
	_ =	sdelay $0x4  }
0x2c5: {  	s3 =	sshrl.u32 s3, $0x1B;
	v8 =	vld.idx.msk [tilespmem:v8+s15+$0x0], $0xffff  }
0x2c6: {  	s3 =	sadd.s32 s3, s0;
	v7 =	vld.idx.msk [tilespmem:v7+s15+$0x0], $0xffff  }
0x2c7: {  	s3 =	sand.u32 $0x7FFFE0, s3  }
0x2c8: {  	s0 =	ssub.s32 s0, s3  }
0x2c9: {  	s0 =	sshll.u32 s0, $0x9  }
0x2ca: {  	s0 =	sshra.s32 s0, $0x2  }
.Ltmp32:
0x2cb: {  	[tilespmem:s0+$0x1B000] =	vst v8;
	(pc) =	sbr.rel @p1 .LBB2_40-.Ltmp32, $4  }
0x2cc: {  	[tilespmem:s0+$0x1B010] =	vst v7  }
0x2cd: {  	s4 =	sadd.s32 $0x1B000, s0;
	s3 =	spop (v2sf)  }
0x2ce: {  	s5 =	sadd.s32 s1, s7;
	s0 =	sadd.s32 s7, s26;
	s6 =	sshll.u32 s3, $0x2  }
0x2cf: {  	v7 =	vmov s5;
	p2 =	slt.s32 s0, $0x20;
	s3 =	sshra.s32 s0, $0x1F;
	s5 =	sand.u32 $0x1FFFFFFC, s6  }
.Ltmp33:
0x2d0: {  	_ = 	snop;
	(pc) =	sbr.rel .LBB2_41-.Ltmp33, $1  }
0x2d1: {  	_ =	sdelay $0x3  }
.LBB2_43:
0x2d2: {  	p0 =	slt.s32 s26, $0x1  }
.Ltmp34:
0x2d3: {  	_ = 	snop;
	(pc) =	sbr.rel @p0 .LBB2_47-.Ltmp34, $1  }
0x2d4: {  	_ =	sdelay $0x3  }
0x2d5: {  	p0 =	slt.s32 s26, $0x20  }
0x2d6: {  	s26 =	simm.s32 @!p0 $0x20  }
0x2d7: {  	p0 =	sne.s32 s26, $0x1  }
.Ltmp35:
0x2d8: {  	_ = 	snop;
	(pc) =	sbr.rel @!p0 .LBB2_46-.Ltmp35, $4  }
0x2d9: {  	_ = 	snop  }
0x2da: {  	s1 =	simm.s32 $0x2  }
0x2db: {  	_ =	swait.ge [sflag:s1], $0x20  }
0x2dc: {  	s0 =	sadd.s32 $0xFFFFFFFF, s26;
	[sflag:s1] =	ssyncset.done $0x0  }
.LBB2_45:
0x2dd: {  	p0 =	sne.s32 s0, $0x1;
	s0 =	sadd.s32 $0xFFFFFFFF, s0;
	[sflag:s1] =	ssyncadd.s32 $0xFFFFFFE0  }
.Ltmp36:
0x2de: {  	(pc) =	sbr.rel @p0 .LBB2_45-.Ltmp36, $3  }
0x2df: {  	_ =	sdelay $0x1  }
0x2e0: {  	_ =	swait.ge [sflag:s1], $0x20  }
0x2e1: {  	[sflag:s1] =	ssyncset.done $0x0  }
.Ltmp37:
0x2e2: {  	_ = 	snop;
	(pc) =	sbr.rel .LBB2_46-.Ltmp37, $1  }
0x2e3: {  	_ =	sdelay $0x3  }
.LBB2_48:
0x2e4: {  	_ =	sfence.sel $0x180000  }
0x2e5: {  	[bflag:$0x0] =	sbarrier.arrive $0xFFFF  }
0x2e6: {  	_ =	strace $0x90000047  }
0x2e7: {  	s0 =	stileid.u32;
	[bflag:$0x2] =	sbarrier.arrive $0xFFFF  }
0x2e8: {  	p0 =	sne.s32 s0, $0x0;
	s0 =	rddreg [dreg:$0x5]  }
0x2e9: {  	s0 =	sadd.s32 @!p0 $0x100000, s0  }
0x2ea: {  	[sflag:s0] =	ssyncadd.tile.s32 @!p0 $0x1;
	_ =	shalt  }
.Lfunc_end2:
_tile_overlayer_lowered:
.L_overlay_start_2:
0x2eb: {  	(tag) =	ssettag $0x2  }
0x2ec: {  	s0 =	rddreg [dreg:$0x0];
	s2 =	stileid.u32  }
0x2ed: {  	s1 =	rddreg [dreg:$0x1];
	p0 =	sne.s32 s2, $0x0  }
0x2ee: {  	s3 =	rddreg [dreg:$0x2];
	[bflag:$0x3] =	sbarrier.arrive $0xFFFF;
	s2 =	simm.s32 @!p0 $0x1C03  }
0x2ef: {  	[timem:s3], [sflag:s2] =	dma.local @!p0 [hbm:s0], s1  }
0x2f0: {  	s0 =	simm.s32 @!p0 $0x3  }
0x2f1: {  	_ =	swait.ge @!p0 [sflag:s0], s1  }
0x2f2: {  	s1 =	ssub.s32 @!p0 $0x0, s1;
	[sflag:s0] =	ssyncset.done @!p0 $0x0  }
0x2f3: {  	[sflag:s0] =	ssyncadd.s32 @!p0 s1  }
0x2f4: {  	[bflag:$0x3] =	sbarrier.arrive $0xFFFF  }
0x2f5: {  	_ =	shalt  }

// kernel: _run.7.cloned.1.call-start
scs
__scs_entry_jumppad:
0x0: {  	(pc) =	sbr.rel $0x88, $3  }
0x1: {  	(tag) =	ssettag $0x0;
	lr =	simm.s32 $0x1  }
0x2: {  	[smem:$0x3F9D] =	sst lr;
	_ =	strace $0xD0000000  }
0x3: {  	_ = 	snop  }
0x4: {  	_ = 	snop  }
0x5: {  	_ = 	snop  }
0x6: {  	_ = 	snop  }
0x7: {  	_ = 	snop  }
__scs_overlays_trampoline_lowered:
0x8: {  	[smem:$0x3FAC] =	sst s0  }
0x9: {  	[smem:$0x3FAD] =	sst s1  }
0xa: {  	[smem:$0x3FAE] =	sst s2  }
0xb: {  	[smem:$0x3FAF] =	sst s3  }
0xc: {  	[smem:$0x3FB0] =	sst s4  }
0xd: {  	[smem:$0x3FB1] =	sst s5  }
0xe: {  	[smem:$0x3FB2] =	sst s6  }
0xf: {  	[smem:$0x3FB3] =	sst s7  }
0x10: {  	[smem:$0x3FB4] =	sst s8  }
0x11: {  	[smem:$0x3FB5] =	sst s9;
	s0 =	simm.s32 @!p0 $0x0  }
0x12: {  	s1 =	sld [smem:$0x3F9B];
	s0 =	simm.s32 @p0 $0x1  }
0x13: {  	[smem:$0x3FB6] =	sst s0;
	s0 =	simm.s32 @!p1 $0x0  }
0x14: {  	s2 =	sld [smem:$0x3F9A];
	s0 =	simm.s32 @p1 $0x1  }
0x15: {  	[smem:$0x3FB7] =	sst s0;
	s0 =	simm.s32 @!p2 $0x0  }
0x16: {  	s3 =	sld [smem:$0x3FDB];
	s0 =	simm.s32 @p2 $0x1  }
0x17: {  	s4 =	simm.s32 $0x1BF5;
	[smem:$0x3FB9] =	sst s0  }
0x18: {  	s0 =	sld [smem:$0x3F9C];
	_ =	swait.ge [sflag:s4], $0x0  }
0x19: {  	s7 =	sld [smem:$0x3F9D]  }
0x1a: {  	s8 =	sadd.s32 $0xFFFFE003, lr  }
0x1b: {  	s9 =	sadd.s32 $0xFFFFFEF7, lr;
	s5 =	simm.s32 $0xFFFFFFFF;
	p2 =	slt.u32 s8, $0xFFFFF086  }
0x1c: {  	p1 =	slt.u32 s9, $0xF7A;
	s5 =	simm.s32 @!p2 $0x0  }
0x1d: {  	s5 =	simm.s32 @p1 $0x1;
	p0 =	seq.s32 s7, s2  }
0x1e: {  	s7 =	smul.u32 @!p0 $0xF7A, s2;
	p2 =	seq.s32 @!p0 s5, $0x0  }
0x1f: {  	s9 =	smul.u32 $0xF7A, s1;
	s8 =	simm.s32 @!p0 $0x1BF5;
	p2 =	por !p2, p0  }
0x20: {  	[sflag:s8] =	ssyncset.s32 @!p0 $0xFFFFF086;
	s6 =	sadd.s32 @!p0 s3, s7;
	s7 =	simm.s32 @!p0 $0x108  }
0x21: {  	s3 =	sadd.s32 s3, s9;
	s6 =	sadd.s32 @!p0 $0x88, s6;
	s7 =	simm.s32 @p2 $0x1082  }
0x22: {  	[simem:s7], [sflag:s8] =	dma.local @!p0 [hbm:s6], $0xF7A  }
0x23: {  	s9 =	sor.u32 $0xD0000000, s2;
	s6 =	simm.s32 $0x108;
	_ =	swait.ge @!p0 [sflag:s8], $0x0  }
0x24: {  	s3 =	sadd.s32 $0x88, s3;
	s6 =	simm.s32 @!p1 $0x1082;
	[sflag:s4] =	ssyncset.s32 $0xFFFFF086  }
0x25: {  	[simem:s6], [sflag:s4] =	dma.local [hbm:s3], $0xF7A  }
0x26: {  	[smem:$0x3F9D] =	sst s1;
	(tag) =	ssettag s2;
	_ =	strace s9  }
0x27: {  	s1 =	sld [smem:$0x3FAD]  }
0x28: {  	s2 =	sld [smem:$0x3FAE]  }
0x29: {  	s4 =	sld [smem:$0x3FB0]  }
0x2a: {  	p0 =	seq.s32 s5, $0x0;
	s5 =	sld [smem:$0x3FB1]  }
0x2b: {  	s6 =	sld [smem:$0x3FB2]  }
0x2c: {  	s7 =	sld [smem:$0x3FB3]  }
0x2d: {  	s3 =	simm.s32 $0x108;
	s8 =	sld [smem:$0x3FB4]  }
0x2e: {  	s3 =	simm.s32 @!p0 $0x1082;
	s9 =	sld [smem:$0x3FB5]  }
0x2f: {  	lr =	sadd.s32 s0, s3;
	s0 =	sld [smem:$0x3FAC]  }
0x30: {  	s3 =	sld [smem:$0x3FAF]  }
0x31: {  	[smem:$0x3FB8] =	sst s10  }
0x32: {  	s10 =	sld [smem:$0x3FB6];
	_ =	sdelay $0x3  }
0x33: {  	p0 =	seq.s32 s10, $0x1;
	s10 =	sld [smem:$0x3FB8];
	_ =	sdelay $0x3  }
0x34: {  	[smem:$0x3FB8] =	sst s10  }
0x35: {  	s10 =	sld [smem:$0x3FB7];
	_ =	sdelay $0x3  }
0x36: {  	p1 =	seq.s32 s10, $0x1;
	s10 =	sld [smem:$0x3FB8];
	_ =	sdelay $0x3  }
0x37: {  	[smem:$0x3FB8] =	sst s10  }
0x38: {  	s10 =	sld [smem:$0x3FB9]  }
0x39: {  	_ = 	snop;
	(pc) =	sbr.ind lr, $3  }
0x3a: {  	_ = 	snop  }
0x3b: {  	_ = 	snop  }
0x3c: {  	p2 =	seq.s32 s10, $0x1;
	s10 =	sld [smem:$0x3FB8]  }
0x3d: {  	_ =	shalt  }
0x3e: {  	_ =	shalt  }
0x3f: {  	_ =	shalt  }
0x40: {  	_ =	shalt  }
0x41: {  	_ =	shalt  }
0x42: {  	_ =	shalt  }
0x43: {  	_ =	shalt  }
0x44: {  	_ =	shalt  }
0x45: {  	_ =	shalt  }
0x46: {  	_ =	shalt  }
0x47: {  	_ =	shalt  }
0x48: {  	_ =	shalt  }
0x49: {  	_ =	shalt  }
0x4a: {  	_ =	shalt  }
0x4b: {  	_ =	shalt  }
0x4c: {  	_ =	shalt  }
0x4d: {  	_ =	shalt  }
0x4e: {  	_ =	shalt  }
0x4f: {  	_ =	shalt  }
0x50: {  	_ =	shalt  }
0x51: {  	_ =	shalt  }
0x52: {  	_ =	shalt  }
0x53: {  	_ =	shalt  }
0x54: {  	_ =	shalt  }
0x55: {  	_ =	shalt  }
0x56: {  	_ =	shalt  }
0x57: {  	_ =	shalt  }
0x58: {  	_ =	shalt  }
0x59: {  	_ =	shalt  }
0x5a: {  	_ =	shalt  }
0x5b: {  	_ =	shalt  }
0x5c: {  	_ =	shalt  }
0x5d: {  	_ =	shalt  }
0x5e: {  	_ =	shalt  }
0x5f: {  	_ =	shalt  }
0x60: {  	_ =	shalt  }
0x61: {  	_ =	shalt  }
0x62: {  	_ =	shalt  }
0x63: {  	_ =	shalt  }
0x64: {  	_ =	shalt  }
0x65: {  	_ =	shalt  }
0x66: {  	_ =	shalt  }
0x67: {  	_ =	shalt  }
0x68: {  	_ =	shalt  }
0x69: {  	_ =	shalt  }
0x6a: {  	_ =	shalt  }
0x6b: {  	_ =	shalt  }
0x6c: {  	_ =	shalt  }
0x6d: {  	_ =	shalt  }
0x6e: {  	_ =	shalt  }
0x6f: {  	_ =	shalt  }
0x70: {  	_ =	shalt  }
0x71: {  	_ =	shalt  }
0x72: {  	_ =	shalt  }
0x73: {  	_ =	shalt  }
0x74: {  	_ =	shalt  }
0x75: {  	_ =	shalt  }
0x76: {  	_ =	shalt  }
0x77: {  	_ =	shalt  }
0x78: {  	_ =	shalt  }
0x79: {  	_ =	shalt  }
0x7a: {  	_ =	shalt  }
0x7b: {  	_ =	shalt  }
0x7c: {  	_ =	shalt  }
0x7d: {  	_ =	shalt  }
0x7e: {  	_ =	shalt  }
0x7f: {  	_ =	shalt  }
0x80: {  	_ =	shalt  }
0x81: {  	_ =	shalt  }
0x82: {  	_ =	shalt  }
0x83: {  	_ =	shalt  }
0x84: {  	_ =	shalt  }
0x85: {  	_ =	shalt  }
0x86: {  	_ =	shalt  }
0x87: {  	_ =	shalt  }
.Lfunc_end0:
.L_simem_size_0:
called_computation.1_lowered:
.L_overlay_start_0:
0x88: {  	s2 =	sld [smem:$0x3FD9]  }
0x89: {  	s3 =	sld [smem:$0x3FFE];
	_ =	sdelay $0x1  }
0x8a: {  	s1 =	srdreg.scid  }
0x8b: {  	s0 =	sand.u32 $0x1, s1  }
0x8c: {  	s17 =	sshll.u32 s0, $0xA;
	s2 =	sadd.s32 s3, s2  }
0x8d: {  	s2 =	sadd.s32 s2, s17  }
0x8e: {  	[smem:$0x3FC4] =	sst s2  }
0x8f: {  	_ = 	snop  }
0x90: {  	s2 =	sld [smem:$0x3FD0];
	(tm) =	ssettm $0x1  }
0x91: {  	s18 =	sld [smem:$0x3FFB];
	_ =	sdelay $0x3  }
0x92: {  	_ =	strace s18  }
0x93: {  	s3 =	sld [smem:$0x3FFC];
	_ =	sdelay $0x3  }
0x94: {  	_ =	strace s3  }
0x95: {  	s3 =	sld [smem:$0x3FFD];
	_ =	sdelay $0x3  }
0x96: {  	_ =	strace s3  }
0x97: {  	_ =	strace $0x8FFFFFFF  }
0x98: {  	s19 =	sld [smem:$0x3FDB];
	_ =	sdelay $0x1  }
0x99: {  	s4 =	simm.s32 $_scs_section_size  }
0x9a: {  	s5 =	simm.s32 $_size__tile_overlayer_lowered;
	s6 =	simm.s32 $_tile_overlayer_lowered  }
0x9b: {  	s22 =	simm.s32 $0x1BFF;
	s21 =	sshll.u32 s6, $0x1;
	s3 =	sadd.s32 s4, s19  }
0x9c: {  	s7 =	simm.s32 $0x0;
	s20 =	sshll.u32 s5, $0x1;
	s5 =	sadd.s32 s21, s3  }
0x9d: {  	[timem:s7], [sflag:s22] =	dma.local [hbm:s5], s20  }
0x9e: {  	_ =	swait.ge [sflag:s22], s20  }
0x9f: {  	s4 =	ssub.s32 $0x0, s20;
	[sflag:s22] =	ssyncset.done $0x0  }
0xa0: {  	[sflag:s22] =	ssyncadd.s32 s4;
	_ =	sdelay $0x1  }
0xa1: {  	s23 =	simm.s32 $0x1B8B  }
0xa2: {  	_ =	swait.ge [sflag:s23], $0x1  }
0xa3: {  	[sflag:s23] =	ssyncset.done $0x0  }
0xa4: {  	s25 =	simm.s32 $0x1B8E;
	s24 =	sld [smem:$0x3FFE];
	[sflag:s23] =	ssyncadd.s32 $0xFFFFFFFF  }
0xa5: {  	s26 =	simm.s32 $execute0_lowered;
	[smem:$0x3FD2] =	sst s25  }
0xa6: {  	s5 =	sshll.u32 s26, $0x1;
	_ =	strace $0x80000049;
	[dreg:$0x1] =	wrdreg $0xFFFFFFFF  }
0xa7: {  	s28 =	simm.s32 $_size_execute0_lowered;
	s3 =	sadd.s32 s3, s5;
	[dreg:$0x0] =	wrdreg $0x0  }
0xa8: {  	s5 =	sshll.u32 s28, $0x1;
	[dreg:$0x2] =	wrdreg s3  }
0xa9: {  	[dreg:$0x3] =	wrdreg s5  }
0xaa: {  	[dreg:$0x4] =	wrdreg $0xC0  }
0xab: {  	_ =	task [dreg:s7], $0x5FFFF  }
0xac: {  	[dreg:$0x1] =	wrdreg $0xFFFFFFFF  }
0xad: {  	[dreg:$0x0] =	wrdreg $0x60  }
0xae: {  	[dreg:$0x2] =	wrdreg s24  }
0xaf: {  	[dreg:$0x3] =	wrdreg s2  }
0xb0: {  	[dreg:$0x4] =	wrdreg $0x9  }
0xb1: {  	_ =	task.clear_ibuf [dreg:s7], $0x5FFFF;
	_ =	strace $0x90000049  }
0xb2: {  	s29 =	simm.s32 $0x9;
	_ =	strace $0x8000004B  }
0xb3: {  	_ =	swait.ge [sflag:s29], $0x1  }
0xb4: {  	[sflag:s29] =	ssyncadd.s32 $0xFFFFFFFF  }
0xb5: {  	_ =	strace $0x9000004B  }
0xb6: {  	_ =	sfence  }
0xb7: {  	s30 =	sld [smem:$0x0];
	_ =	sdelay $0x2  }
0xb8: {  	s31 =	sshll.u32 s1, $0xD;
	s1 =	sshrl.u32 s1, $0x2  }
0xb9: {  	s3 =	sand.u32 $0x4000, s31;
	s1 =	sadd.s32 s1, s30  }
0xba: {  	s0 =	sor.u32 s3, s0;
	s1 =	sshll.u32 s1, $0x11  }
0xbb: {  	s0 =	sor.u32 s1, s0  }
0xbc: {  	s0 =	sadd.s32 $0x8F2B, s0  }
0xbd: {  	[sflag:s0] =	ssyncadd.remote.s32 $0x1  }
0xbe: {  	_ =	sfence.sel $0xFFFF  }
0xbf: {  	[dreg:$0x0] =	wrdreg $0xFFFFFFFF;
	(pc) =	sbr.abs _section_cstart, $3  }
0xc0: {  	[dreg:$0x1] =	wrdreg $0xFFFFFFFF  }
0xc1: {  	_ =	task.clear_ibuf [dreg:s7], $0x2FFFF;
	_ =	strace $0x9FFFFFFF  }
0xc2: {  	(tm) =	ssettm $0x7FFFFFFF  }
0xc3: {  	_ =	shalt  }
tec
execute0_lowered:
.L_overlay_start_1:
0x0: {  	(tag) =	ssettag $0x1  }
0x1: {  	v0 =	vlaneseq.u32  }
0x2: {  	v1 =	vand.u32 $0x3, v0;
	v0 =	vmul.u32 $0x20, v0;
	_ =	sdelay $0x1  }
0x3: {  	v1 =	vmul.u32 $0x20, v1;
	v2 =	vor.u32 $0x1, v0;
	v3 =	vor.u32 $0x2, v0  }
0x4: {  	s3 =	rddreg [dreg:$0x0];
	v4 =	vor.u32 $0x3, v0;
	v5 =	vor.u32 $0x4, v0;
	v6 =	vor.u32 $0x5, v0  }
0x5: {  	s1 =	srdreg.scid;
	s0 =	stileid.u32;
	v7 =	vor.u32 $0x6, v0;
	v8 =	vor.u32 $0x7, v0;
	v9 =	vor.u32 $0x8, v0  }
0x6: {  	s5 =	rddreg [dreg:$0x1];
	s2 =	simm.s32 $0x0;
	s9 =	simm.s32 $0x2;
	v10 =	vor.u32 $0x9, v0;
	v11 =	vor.u32 $0xA, v0;
	v12 =	vor.u32 $0xB, v0  }
0x7: {  	s10 =	simm.s32 $0x8000;
	s11 =	simm.s32 $0x3;
	s12 =	simm.s32 $0x0;
	v13 =	vor.u32 $0xC, v0;
	v14 =	vor.u32 $0xD, v0;
	v15 =	vor.u32 $0xE, v0  }
0x8: {  	s4 =	sand.u32 $0x1, s1;
	s6 =	sshll.u32 s0, $0x1;
	s1 =	rddreg [dreg:$0x2];
	v16 =	vor.u32 $0xF, v0;
	v17 =	vor.u32 $0x10, v0;
	v18 =	vor.u32 $0x11, v0  }
0x9: {  	[smem:$0x7FF] =	sst s2;
	s6 =	sor.u32 s4, s6;
	s4 =	ssub.s32 $0x2, s4;
	v19 =	vor.u32 $0x12, v0;
	v20 =	vor.u32 $0x13, v0;
	v21 =	vor.u32 $0x14, v0  }
0xa: {  	_ =	strace $0x8000004A;
	s7 =	sshll.u32 s6, $0xB;
	s31 =	sshrl.u32 s4, $0x1;
	v22 =	vor.u32 $0x15, v0;
	v23 =	vor.u32 $0x16, v0;
	v24 =	vor.u32 $0x17, v0  }
0xb: {  	s6 =	sshll.u32 s6, $0x6;
	v25 =	vor.u32 $0x18, v0;
	v26 =	vor.u32 $0x19, v0;
	v27 =	vor.u32 $0x1A, v0;
	s7 =	sadd.s32 s7, s3;
	s8 =	ssub.s32 s4, s31  }
0xc: {  	v28 =	vor.u32 $0x1B, v0;
	v29 =	vor.u32 $0x1C, v0;
	v30 =	vor.u32 $0x1D, v0;
	s5 =	sadd.s32 s5, s6;
	s3 =	sadd.s32 $0xC00, s7;
	s4 =	sadd.s32 $0x10C00, s7  }
0xd: {  	v31 =	vor.u32 $0x1E, v0;
	v32 =	vor.u32 $0x1F, v0;
	v1 =	vor.u32 $0xFFFFFF80, v1;
	s6 =	smax.u32 s8, $0x1;
	s7 =	simm.s32 $0x4000;
	s8 =	simm.s32 $0x1  }
.LBB2_1:
0xe: {  	[tilespmem:s2], [sflag:$0x1] =	stream.linear.gather [hbm4b:s3+s2], $0x4000, $0x38;
	[tilespmem:$0x8200] =	vst v63  }
0xf: {  	_ = 	snop  }
0x10: {  	[tilespmem:s7], [sflag:$0x2] =	stream.linear.gather [hbm4b:s4+s2], $0x4000, $0x38;
	[tilespmem:$0x8200] =	vst v63  }
0x11: {  	v33 =	vor.u32 s2, v0;
	_ =	swait.ge [sflag:s8], $0x4000  }
0x12: {  	v33 =	vand.u32 v1, v33;
	[sflag:s8] =	ssyncset.done $0x0  }
0x13: {  	[sflag:s8] =	ssyncadd.s32 $0xFFFFC000  }
0x14: {  	v34 =	vor.u32 s2, v2;
	_ =	swait.ge [sflag:s9], $0x4000  }
0x15: {  	[sflag:s9] =	ssyncset.done $0x0  }
0x16: {  	v35 =	vor.u32 s2, v3;
	[sflag:s9] =	ssyncadd.s32 $0xFFFFC000  }
0x17: {  	v36 =	vld.idx.msk [tilespmem:v33+s7+$0x0], $0xffff  }
0x18: {  	v37 =	vor.u32 s2, v4;
	v33 =	vld.idx.msk [tilespmem:v33+s2+$0x0], $0xffff  }
0x19: {  	v38 =	vld.idx.msk [tilespmem:v34+s2+$0x0], $0xffff  }
0x1a: {  	v39 =	vor.u32 s2, v5;
	v34 =	vld.idx.msk [tilespmem:v34+s7+$0x0], $0xffff  }
0x1b: {  	v40 =	vld.idx.msk [tilespmem:v35+s2+$0x0], $0xffff  }
0x1c: {  	v41 =	vor.u32 s2, v6;
	v35 =	vld.idx.msk [tilespmem:v35+s7+$0x0], $0xffff  }
0x1d: {  	v42 =	vld.idx.msk [tilespmem:v37+s2+$0x0], $0xffff;
	v33 =	vmul.f32 v36, v33  }
0x1e: {  	v61 =	vor.u32 s2, v7;
	v60 =	vld.idx.msk [tilespmem:v37+s7+$0x0], $0xffff  }
0x1f: {  	v43 =	vld.idx.msk [tilespmem:v39+s2+$0x0], $0xffff;
	v34 =	vmul.f32 v34, v38;
	v33 =	vadd.f32 $0.0e+00, v33  }
0x20: {  	v63 =	vor.u32 s2, v8;
	v62 =	vld.idx.msk [tilespmem:v39+s7+$0x0], $0xffff  }
0x21: {  	v44 =	vld.idx.msk [tilespmem:v41+s2+$0x0], $0xffff;
	v48 =	vmul.f32 v35, v40;
	v33 =	vadd.f32 v34, v33  }
0x22: {  	v50 =	vor.u32 s2, v9;
	v49 =	vld.idx.msk [tilespmem:v41+s7+$0x0], $0xffff  }
0x23: {  	v51 =	vld.idx.msk [tilespmem:v61+s2+$0x0], $0xffff;
	v52 =	vmul.f32 v60, v42;
	v33 =	vadd.f32 v48, v33  }
0x24: {  	v54 =	vor.u32 s2, v10;
	v53 =	vld.idx.msk [tilespmem:v61+s7+$0x0], $0xffff  }
0x25: {  	v55 =	vld.idx.msk [tilespmem:v63+s2+$0x0], $0xffff;
	v56 =	vmul.f32 v62, v43;
	v33 =	vadd.f32 v52, v33  }
0x26: {  	v58 =	vor.u32 s2, v11;
	v57 =	vld.idx.msk [tilespmem:v63+s7+$0x0], $0xffff  }
0x27: {  	v59 =	vld.idx.msk [tilespmem:v50+s2+$0x0], $0xffff;
	v60 =	vmul.f32 v49, v44;
	v33 =	vadd.f32 v56, v33  }
0x28: {  	v61 =	vld.idx.msk [tilespmem:v50+s7+$0x0], $0xffff;
	v62 =	vor.u32 s2, v12  }
0x29: {  	v63 =	vld.idx.msk [tilespmem:v54+s2+$0x0], $0xffff;
	v48 =	vmul.f32 v53, v51;
	v33 =	vadd.f32 v60, v33  }
0x2a: {  	v50 =	vor.u32 s2, v13;
	v49 =	vld.idx.msk [tilespmem:v54+s7+$0x0], $0xffff  }
0x2b: {  	v51 =	vld.idx.msk [tilespmem:v58+s2+$0x0], $0xffff;
	v52 =	vmul.f32 v57, v55;
	v33 =	vadd.f32 v48, v33  }
0x2c: {  	v54 =	vor.u32 s2, v14;
	v53 =	vld.idx.msk [tilespmem:v58+s7+$0x0], $0xffff  }
0x2d: {  	v55 =	vld.idx.msk [tilespmem:v62+s2+$0x0], $0xffff;
	v56 =	vmul.f32 v61, v59;
	v33 =	vadd.f32 v52, v33  }
0x2e: {  	v58 =	vor.u32 s2, v15;
	v57 =	vld.idx.msk [tilespmem:v62+s7+$0x0], $0xffff  }
0x2f: {  	v59 =	vld.idx.msk [tilespmem:v50+s2+$0x0], $0xffff;
	v60 =	vmul.f32 v49, v63;
	v33 =	vadd.f32 v56, v33  }
0x30: {  	v62 =	vor.u32 s2, v16;
	v61 =	vld.idx.msk [tilespmem:v50+s7+$0x0], $0xffff  }
0x31: {  	v63 =	vld.idx.msk [tilespmem:v54+s2+$0x0], $0xffff;
	v48 =	vmul.f32 v53, v51;
	v33 =	vadd.f32 v60, v33  }
0x32: {  	v50 =	vor.u32 s2, v17;
	v49 =	vld.idx.msk [tilespmem:v54+s7+$0x0], $0xffff  }
0x33: {  	v51 =	vld.idx.msk [tilespmem:v58+s2+$0x0], $0xffff;
	v52 =	vmul.f32 v57, v55;
	v33 =	vadd.f32 v48, v33  }
0x34: {  	v54 =	vor.u32 s2, v18;
	v53 =	vld.idx.msk [tilespmem:v58+s7+$0x0], $0xffff  }
0x35: {  	v55 =	vld.idx.msk [tilespmem:v62+s2+$0x0], $0xffff;
	v56 =	vmul.f32 v61, v59;
	v33 =	vadd.f32 v52, v33  }
0x36: {  	v58 =	vor.u32 s2, v19;
	v57 =	vld.idx.msk [tilespmem:v62+s7+$0x0], $0xffff  }
0x37: {  	v59 =	vld.idx.msk [tilespmem:v50+s2+$0x0], $0xffff;
	v60 =	vmul.f32 v49, v63;
	v33 =	vadd.f32 v56, v33  }
0x38: {  	v62 =	vor.u32 s2, v20;
	v61 =	vld.idx.msk [tilespmem:v50+s7+$0x0], $0xffff  }
0x39: {  	v63 =	vld.idx.msk [tilespmem:v54+s2+$0x0], $0xffff;
	v48 =	vmul.f32 v53, v51;
	v33 =	vadd.f32 v60, v33  }
0x3a: {  	v50 =	vor.u32 s2, v21;
	v49 =	vld.idx.msk [tilespmem:v54+s7+$0x0], $0xffff  }
0x3b: {  	v51 =	vld.idx.msk [tilespmem:v58+s2+$0x0], $0xffff;
	v52 =	vmul.f32 v57, v55;
	v33 =	vadd.f32 v48, v33  }
0x3c: {  	v54 =	vor.u32 s2, v22;
	v53 =	vld.idx.msk [tilespmem:v58+s7+$0x0], $0xffff  }
0x3d: {  	v55 =	vld.idx.msk [tilespmem:v62+s2+$0x0], $0xffff;
	v56 =	vmul.f32 v61, v59;
	v33 =	vadd.f32 v52, v33  }
0x3e: {  	v58 =	vor.u32 s2, v23;
	v57 =	vld.idx.msk [tilespmem:v62+s7+$0x0], $0xffff  }
0x3f: {  	v59 =	vld.idx.msk [tilespmem:v50+s2+$0x0], $0xffff;
	v60 =	vmul.f32 v49, v63;
	v33 =	vadd.f32 v56, v33  }
0x40: {  	v62 =	vor.u32 s2, v24;
	v61 =	vld.idx.msk [tilespmem:v50+s7+$0x0], $0xffff  }
0x41: {  	v63 =	vld.idx.msk [tilespmem:v54+s2+$0x0], $0xffff;
	v48 =	vmul.f32 v53, v51;
	v33 =	vadd.f32 v60, v33  }
0x42: {  	v50 =	vor.u32 s2, v25;
	v49 =	vld.idx.msk [tilespmem:v54+s7+$0x0], $0xffff  }
0x43: {  	v51 =	vld.idx.msk [tilespmem:v58+s2+$0x0], $0xffff;
	v52 =	vmul.f32 v57, v55;
	v33 =	vadd.f32 v48, v33  }
0x44: {  	v54 =	vor.u32 s2, v26;
	v53 =	vld.idx.msk [tilespmem:v58+s7+$0x0], $0xffff  }
0x45: {  	v55 =	vld.idx.msk [tilespmem:v62+s2+$0x0], $0xffff;
	v56 =	vmul.f32 v61, v59;
	v33 =	vadd.f32 v52, v33  }
0x46: {  	v58 =	vor.u32 s2, v27;
	v57 =	vld.idx.msk [tilespmem:v62+s7+$0x0], $0xffff  }
0x47: {  	v59 =	vld.idx.msk [tilespmem:v50+s2+$0x0], $0xffff;
	v60 =	vmul.f32 v49, v63;
	v33 =	vadd.f32 v56, v33  }
0x48: {  	v62 =	vor.u32 s2, v28;
	v61 =	vld.idx.msk [tilespmem:v50+s7+$0x0], $0xffff  }
0x49: {  	v63 =	vld.idx.msk [tilespmem:v54+s2+$0x0], $0xffff;
	v48 =	vmul.f32 v53, v51;
	v33 =	vadd.f32 v60, v33  }
0x4a: {  	v50 =	vor.u32 s2, v29;
	v49 =	vld.idx.msk [tilespmem:v54+s7+$0x0], $0xffff  }
0x4b: {  	v51 =	vld.idx.msk [tilespmem:v58+s2+$0x0], $0xffff;
	v52 =	vmul.f32 v57, v55;
	v33 =	vadd.f32 v48, v33  }
0x4c: {  	v54 =	vor.u32 s2, v30;
	v53 =	vld.idx.msk [tilespmem:v58+s7+$0x0], $0xffff  }
0x4d: {  	v55 =	vld.idx.msk [tilespmem:v62+s2+$0x0], $0xffff;
	v56 =	vmul.f32 v61, v59;
	v33 =	vadd.f32 v52, v33  }
0x4e: {  	v58 =	vor.u32 s2, v31;
	v57 =	vld.idx.msk [tilespmem:v62+s7+$0x0], $0xffff  }
0x4f: {  	v59 =	vld.idx.msk [tilespmem:v50+s2+$0x0], $0xffff;
	v60 =	vmul.f32 v49, v63;
	v33 =	vadd.f32 v56, v33  }
0x50: {  	v62 =	vor.u32 s2, v32;
	v61 =	vld.idx.msk [tilespmem:v50+s7+$0x0], $0xffff  }
0x51: {  	v46 =	vld.idx.msk [tilespmem:v54+s7+$0x0], $0xffff;
	v45 =	vmul.f32 v53, v51;
	v33 =	vadd.f32 v60, v33  }
0x52: {  	v63 =	vld.idx.msk [tilespmem:v54+s2+$0x0], $0xffff  }
0x53: {  	v47 =	vld.idx.msk [tilespmem:v58+s2+$0x0], $0xffff;
	v48 =	vmul.f32 v57, v55;
	v33 =	vadd.f32 v45, v33  }
0x54: {  	v49 =	vld.idx.msk [tilespmem:v58+s7+$0x0], $0xffff  }
0x55: {  	v50 =	vld.idx.msk [tilespmem:v62+s2+$0x0], $0xffff;
	v51 =	vmul.f32 v61, v59;
	v33 =	vadd.f32 v48, v33  }
0x56: {  	v52 =	vld.idx.msk [tilespmem:v62+s7+$0x0], $0xffff  }
0x57: {  	v53 =	vmul.f32 v46, v63;
	v33 =	vadd.f32 v51, v33;
	_ =	sdelay $0x1  }
0x58: {  	s13 =	simm.s32 $0x200;
	v54 =	vmul.f32 v49, v47;
	v33 =	vadd.f32 v53, v33  }
0x59: {  	v55 =	vor.u32 s13, v0  }
0x5a: {  	v35 =	vand.u32 v1, v55;
	v56 =	vmul.f32 v52, v50;
	v33 =	vadd.f32 v54, v33;
	_ =	sdelay $0x1  }
0x5b: {  	v57 =	vor.u32 s13, v2;
	v33 =	vadd.f32 v56, v33;
	_ =	sdelay $0x1  }
0x5c: {  	v58 =	vor.u32 s13, v3;
	[tilespmem:s10+$0x0] =	vst v33  }
0x5d: {  	v33 =	vld.idx.msk [tilespmem:v35+s7+$0x0], $0xffff  }
0x5e: {  	v59 =	vor.u32 s13, v4;
	v35 =	vld.idx.msk [tilespmem:v35+s2+$0x0], $0xffff  }
0x5f: {  	v60 =	vld.idx.msk [tilespmem:v57+s2+$0x0], $0xffff  }
0x60: {  	v61 =	vor.u32 s13, v5;
	v36 =	vld.idx.msk [tilespmem:v57+s7+$0x0], $0xffff  }
0x61: {  	v62 =	vld.idx.msk [tilespmem:v58+s2+$0x0], $0xffff  }
0x62: {  	v63 =	vor.u32 s13, v6;
	v34 =	vld.idx.msk [tilespmem:v58+s7+$0x0], $0xffff  }
0x63: {  	v48 =	vld.idx.msk [tilespmem:v59+s2+$0x0], $0xffff;
	v33 =	vmul.f32 v33, v35  }
0x64: {  	v50 =	vor.u32 s13, v7;
	v49 =	vld.idx.msk [tilespmem:v59+s7+$0x0], $0xffff  }
0x65: {  	v51 =	vld.idx.msk [tilespmem:v61+s2+$0x0], $0xffff;
	v36 =	vmul.f32 v36, v60;
	v33 =	vadd.f32 $0.0e+00, v33  }
0x66: {  	v53 =	vor.u32 s13, v8;
	v52 =	vld.idx.msk [tilespmem:v61+s7+$0x0], $0xffff  }
0x67: {  	v54 =	vld.idx.msk [tilespmem:v63+s2+$0x0], $0xffff;
	v34 =	vmul.f32 v34, v62;
	v33 =	vadd.f32 v36, v33  }
0x68: {  	v56 =	vor.u32 s13, v9;
	v55 =	vld.idx.msk [tilespmem:v63+s7+$0x0], $0xffff  }
0x69: {  	v57 =	vld.idx.msk [tilespmem:v50+s2+$0x0], $0xffff;
	v58 =	vmul.f32 v49, v48;
	v33 =	vadd.f32 v34, v33  }
0x6a: {  	v59 =	vld.idx.msk [tilespmem:v50+s7+$0x0], $0xffff;
	v60 =	vor.u32 s13, v10  }
0x6b: {  	v61 =	vld.idx.msk [tilespmem:v53+s2+$0x0], $0xffff;
	v62 =	vmul.f32 v52, v51;
	v33 =	vadd.f32 v58, v33  }
0x6c: {  	v63 =	vld.idx.msk [tilespmem:v53+s7+$0x0], $0xffff;
	v48 =	vor.u32 s13, v11  }
0x6d: {  	v49 =	vld.idx.msk [tilespmem:v56+s2+$0x0], $0xffff;
	v50 =	vmul.f32 v55, v54;
	v33 =	vadd.f32 v62, v33  }
0x6e: {  	v51 =	vld.idx.msk [tilespmem:v56+s7+$0x0], $0xffff;
	v52 =	vor.u32 s13, v12  }
0x6f: {  	v54 =	vmul.f32 v59, v57;
	v53 =	vld.idx.msk [tilespmem:v60+s2+$0x0], $0xffff;
	v33 =	vadd.f32 v50, v33  }
0x70: {  	v56 =	vor.u32 s13, v13;
	v55 =	vld.idx.msk [tilespmem:v60+s7+$0x0], $0xffff  }
0x71: {  	v57 =	vld.idx.msk [tilespmem:v48+s2+$0x0], $0xffff;
	v58 =	vmul.f32 v63, v61;
	v33 =	vadd.f32 v54, v33  }
0x72: {  	v59 =	vld.idx.msk [tilespmem:v48+s7+$0x0], $0xffff;
	v60 =	vor.u32 s13, v14  }
0x73: {  	v61 =	vld.idx.msk [tilespmem:v52+s2+$0x0], $0xffff;
	v62 =	vmul.f32 v51, v49;
	v33 =	vadd.f32 v58, v33  }
0x74: {  	v48 =	vor.u32 s13, v15;
	v63 =	vld.idx.msk [tilespmem:v52+s7+$0x0], $0xffff  }
0x75: {  	v49 =	vld.idx.msk [tilespmem:v56+s2+$0x0], $0xffff;
	v50 =	vmul.f32 v55, v53;
	v33 =	vadd.f32 v62, v33  }
0x76: {  	v52 =	vor.u32 s13, v16;
	v51 =	vld.idx.msk [tilespmem:v56+s7+$0x0], $0xffff  }
0x77: {  	v53 =	vld.idx.msk [tilespmem:v60+s2+$0x0], $0xffff;
	v54 =	vmul.f32 v59, v57;
	v33 =	vadd.f32 v50, v33  }
0x78: {  	v56 =	vor.u32 s13, v17;
	v55 =	vld.idx.msk [tilespmem:v60+s7+$0x0], $0xffff  }
0x79: {  	v57 =	vld.idx.msk [tilespmem:v48+s2+$0x0], $0xffff;
	v58 =	vmul.f32 v63, v61;
	v33 =	vadd.f32 v54, v33  }
0x7a: {  	v60 =	vor.u32 s13, v18;
	v59 =	vld.idx.msk [tilespmem:v48+s7+$0x0], $0xffff  }
0x7b: {  	v61 =	vld.idx.msk [tilespmem:v52+s2+$0x0], $0xffff;
	v62 =	vmul.f32 v51, v49;
	v33 =	vadd.f32 v58, v33  }
0x7c: {  	v48 =	vor.u32 s13, v19;
	v63 =	vld.idx.msk [tilespmem:v52+s7+$0x0], $0xffff  }
0x7d: {  	v49 =	vld.idx.msk [tilespmem:v56+s2+$0x0], $0xffff;
	v50 =	vmul.f32 v55, v53;
	v33 =	vadd.f32 v62, v33  }
0x7e: {  	v52 =	vor.u32 s13, v20;
	v51 =	vld.idx.msk [tilespmem:v56+s7+$0x0], $0xffff  }
0x7f: {  	v53 =	vld.idx.msk [tilespmem:v60+s2+$0x0], $0xffff;
	v54 =	vmul.f32 v59, v57;
	v33 =	vadd.f32 v50, v33  }
0x80: {  	v56 =	vor.u32 s13, v21;
	v55 =	vld.idx.msk [tilespmem:v60+s7+$0x0], $0xffff  }
0x81: {  	v57 =	vld.idx.msk [tilespmem:v48+s2+$0x0], $0xffff;
	v58 =	vmul.f32 v63, v61;
	v33 =	vadd.f32 v54, v33  }
0x82: {  	v60 =	vor.u32 s13, v22;
	v59 =	vld.idx.msk [tilespmem:v48+s7+$0x0], $0xffff  }
0x83: {  	v61 =	vld.idx.msk [tilespmem:v52+s2+$0x0], $0xffff;
	v62 =	vmul.f32 v51, v49;
	v33 =	vadd.f32 v58, v33  }
0x84: {  	v48 =	vor.u32 s13, v23;
	v63 =	vld.idx.msk [tilespmem:v52+s7+$0x0], $0xffff  }
0x85: {  	v49 =	vld.idx.msk [tilespmem:v56+s2+$0x0], $0xffff;
	v50 =	vmul.f32 v55, v53;
	v33 =	vadd.f32 v62, v33  }
0x86: {  	v52 =	vor.u32 s13, v24;
	v51 =	vld.idx.msk [tilespmem:v56+s7+$0x0], $0xffff  }
0x87: {  	v53 =	vld.idx.msk [tilespmem:v60+s2+$0x0], $0xffff;
	v54 =	vmul.f32 v59, v57;
	v33 =	vadd.f32 v50, v33  }
0x88: {  	v56 =	vor.u32 s13, v25;
	v55 =	vld.idx.msk [tilespmem:v60+s7+$0x0], $0xffff  }
0x89: {  	v57 =	vld.idx.msk [tilespmem:v48+s2+$0x0], $0xffff;
	v58 =	vmul.f32 v63, v61;
	v33 =	vadd.f32 v54, v33  }
0x8a: {  	v60 =	vor.u32 s13, v26;
	v59 =	vld.idx.msk [tilespmem:v48+s7+$0x0], $0xffff  }
0x8b: {  	v61 =	vld.idx.msk [tilespmem:v52+s2+$0x0], $0xffff;
	v62 =	vmul.f32 v51, v49;
	v33 =	vadd.f32 v58, v33  }
0x8c: {  	v48 =	vor.u32 s13, v27;
	v63 =	vld.idx.msk [tilespmem:v52+s7+$0x0], $0xffff  }
0x8d: {  	v49 =	vld.idx.msk [tilespmem:v56+s2+$0x0], $0xffff;
	v50 =	vmul.f32 v55, v53;
	v33 =	vadd.f32 v62, v33  }
0x8e: {  	v52 =	vor.u32 s13, v28;
	v51 =	vld.idx.msk [tilespmem:v56+s7+$0x0], $0xffff  }
0x8f: {  	v53 =	vld.idx.msk [tilespmem:v60+s2+$0x0], $0xffff;
	v54 =	vmul.f32 v59, v57;
	v33 =	vadd.f32 v50, v33  }
0x90: {  	v56 =	vor.u32 s13, v29;
	v55 =	vld.idx.msk [tilespmem:v60+s7+$0x0], $0xffff  }
0x91: {  	v57 =	vld.idx.msk [tilespmem:v48+s2+$0x0], $0xffff;
	v58 =	vmul.f32 v63, v61;
	v33 =	vadd.f32 v54, v33  }
0x92: {  	v60 =	vor.u32 s13, v30;
	v59 =	vld.idx.msk [tilespmem:v48+s7+$0x0], $0xffff  }
0x93: {  	v61 =	vld.idx.msk [tilespmem:v52+s2+$0x0], $0xffff;
	v62 =	vmul.f32 v51, v49;
	v33 =	vadd.f32 v58, v33  }
0x94: {  	v48 =	vor.u32 s13, v31;
	v63 =	vld.idx.msk [tilespmem:v52+s7+$0x0], $0xffff  }
0x95: {  	v49 =	vld.idx.msk [tilespmem:v56+s2+$0x0], $0xffff;
	v50 =	vmul.f32 v55, v53;
	v33 =	vadd.f32 v62, v33  }
0x96: {  	v52 =	vor.u32 s13, v32;
	v51 =	vld.idx.msk [tilespmem:v56+s7+$0x0], $0xffff  }
0x97: {  	v53 =	vld.idx.msk [tilespmem:v60+s2+$0x0], $0xffff;
	v54 =	vmul.f32 v59, v57;
	v33 =	vadd.f32 v50, v33  }
0x98: {  	v55 =	vld.idx.msk [tilespmem:v60+s7+$0x0], $0xffff  }
0x99: {  	v56 =	vld.idx.msk [tilespmem:v48+s2+$0x0], $0xffff;
	v57 =	vmul.f32 v63, v61;
	v33 =	vadd.f32 v54, v33  }
0x9a: {  	v58 =	vld.idx.msk [tilespmem:v48+s7+$0x0], $0xffff  }
0x9b: {  	v59 =	vld.idx.msk [tilespmem:v52+s2+$0x0], $0xffff;
	v60 =	vmul.f32 v51, v49;
	v33 =	vadd.f32 v57, v33  }
0x9c: {  	v61 =	vld.idx.msk [tilespmem:v52+s7+$0x0], $0xffff  }
0x9d: {  	v62 =	vmul.f32 v55, v53;
	v33 =	vadd.f32 v60, v33;
	_ =	sdelay $0x1  }
0x9e: {  	s13 =	simm.s32 $0x400;
	v35 =	vmul.f32 v58, v56;
	v34 =	vadd.f32 v62, v33  }
0x9f: {  	v63 =	vor.u32 s13, v0  }
0xa0: {  	s15 =	simm.s32 $0x600;
	s14 =	simm.s32 $0x8000;
	v33 =	vand.u32 v1, v63;
	v34 =	vadd.f32 v35, v34;
	v35 =	vmul.f32 v61, v59  }
.LBB2_2:
0xa1: {  	p0 =	sne.s32 s15, $0x3E00  }
0xa2: {  	v36 =	vor.u32 s13, v2;
	v34 =	vadd.f32 v35, v34  }
0xa3: {  	s14 =	sadd.s32 $0x10, s14  }
0xa4: {  	v35 =	vor.u32 s13, v3;
	[tilespmem:s14+$0x0] =	vst v34  }
0xa5: {  	v34 =	vld.idx.msk [tilespmem:v33+s7+$0x0], $0xffff  }
0xa6: {  	v37 =	vor.u32 s13, v4;
	v33 =	vld.idx.msk [tilespmem:v33+s2+$0x0], $0xffff  }
0xa7: {  	v38 =	vld.idx.msk [tilespmem:v36+s2+$0x0], $0xffff  }
0xa8: {  	v39 =	vor.u32 s13, v5;
	v36 =	vld.idx.msk [tilespmem:v36+s7+$0x0], $0xffff  }
0xa9: {  	v40 =	vld.idx.msk [tilespmem:v35+s2+$0x0], $0xffff  }
0xaa: {  	v41 =	vor.u32 s13, v6;
	v35 =	vld.idx.msk [tilespmem:v35+s7+$0x0], $0xffff  }
0xab: {  	v42 =	vld.idx.msk [tilespmem:v37+s2+$0x0], $0xffff  }
0xac: {  	v33 =	vmul.f32 v34, v33;
	v34 =	vld.idx.msk [tilespmem:v37+s7+$0x0], $0xffff;
	v37 =	vor.u32 s13, v7  }
0xad: {  	v43 =	vld.idx.msk [tilespmem:v39+s2+$0x0], $0xffff  }
0xae: {  	v33 =	vadd.f32 $0.0e+00, v33;
	v36 =	vmul.f32 v36, v38;
	v38 =	vld.idx.msk [tilespmem:v39+s7+$0x0], $0xffff;
	v39 =	vor.u32 s13, v8  }
0xaf: {  	v44 =	vld.idx.msk [tilespmem:v41+s2+$0x0], $0xffff  }
0xb0: {  	v33 =	vadd.f32 v36, v33;
	v35 =	vmul.f32 v35, v40;
	v40 =	vor.u32 s13, v9;
	v36 =	vld.idx.msk [tilespmem:v41+s7+$0x0], $0xffff  }
0xb1: {  	v41 =	vld.idx.msk [tilespmem:v37+s2+$0x0], $0xffff  }
0xb2: {  	v33 =	vadd.f32 v35, v33;
	v34 =	vmul.f32 v34, v42;
	v35 =	vld.idx.msk [tilespmem:v37+s7+$0x0], $0xffff;
	v37 =	vor.u32 s13, v10  }
0xb3: {  	v42 =	vld.idx.msk [tilespmem:v39+s2+$0x0], $0xffff  }
0xb4: {  	v33 =	vadd.f32 v34, v33;
	v34 =	vmul.f32 v38, v43;
	v38 =	vld.idx.msk [tilespmem:v39+s7+$0x0], $0xffff;
	v39 =	vor.u32 s13, v11  }
0xb5: {  	v43 =	vld.idx.msk [tilespmem:v40+s2+$0x0], $0xffff  }
0xb6: {  	v33 =	vadd.f32 v34, v33;
	v34 =	vmul.f32 v36, v44;
	v36 =	vld.idx.msk [tilespmem:v40+s7+$0x0], $0xffff;
	v40 =	vor.u32 s13, v12  }
0xb7: {  	v44 =	vld.idx.msk [tilespmem:v37+s2+$0x0], $0xffff  }
0xb8: {  	v33 =	vadd.f32 v34, v33;
	v34 =	vmul.f32 v35, v41;
	v35 =	vld.idx.msk [tilespmem:v37+s7+$0x0], $0xffff;
	v37 =	vor.u32 s13, v13  }
0xb9: {  	v41 =	vld.idx.msk [tilespmem:v39+s2+$0x0], $0xffff  }
0xba: {  	v33 =	vadd.f32 v34, v33;
	v34 =	vmul.f32 v38, v42;
	v38 =	vld.idx.msk [tilespmem:v39+s7+$0x0], $0xffff;
	v39 =	vor.u32 s13, v14  }
0xbb: {  	v42 =	vld.idx.msk [tilespmem:v40+s2+$0x0], $0xffff  }
0xbc: {  	v33 =	vadd.f32 v34, v33;
	v34 =	vmul.f32 v36, v43;
	v36 =	vld.idx.msk [tilespmem:v40+s7+$0x0], $0xffff;
	v40 =	vor.u32 s13, v15  }
0xbd: {  	v43 =	vld.idx.msk [tilespmem:v37+s2+$0x0], $0xffff  }
0xbe: {  	v33 =	vadd.f32 v34, v33;
	v34 =	vmul.f32 v35, v44;
	v35 =	vld.idx.msk [tilespmem:v37+s7+$0x0], $0xffff;
	v37 =	vor.u32 s13, v16  }
0xbf: {  	v44 =	vld.idx.msk [tilespmem:v39+s2+$0x0], $0xffff  }
0xc0: {  	v33 =	vadd.f32 v34, v33;
	v34 =	vmul.f32 v38, v41;
	v38 =	vld.idx.msk [tilespmem:v39+s7+$0x0], $0xffff;
	v39 =	vor.u32 s13, v17  }
0xc1: {  	v41 =	vld.idx.msk [tilespmem:v40+s2+$0x0], $0xffff  }
0xc2: {  	v33 =	vadd.f32 v34, v33;
	v34 =	vmul.f32 v36, v42;
	v36 =	vld.idx.msk [tilespmem:v40+s7+$0x0], $0xffff;
	v40 =	vor.u32 s13, v18  }
0xc3: {  	v42 =	vld.idx.msk [tilespmem:v37+s2+$0x0], $0xffff  }
0xc4: {  	v33 =	vadd.f32 v34, v33;
	v34 =	vmul.f32 v35, v43;
	v35 =	vld.idx.msk [tilespmem:v37+s7+$0x0], $0xffff;
	v37 =	vor.u32 s13, v19  }
0xc5: {  	v43 =	vld.idx.msk [tilespmem:v39+s2+$0x0], $0xffff  }
0xc6: {  	v33 =	vadd.f32 v34, v33;
	v34 =	vmul.f32 v38, v44;
	v38 =	vld.idx.msk [tilespmem:v39+s7+$0x0], $0xffff;
	v39 =	vor.u32 s13, v20  }
0xc7: {  	v44 =	vld.idx.msk [tilespmem:v40+s2+$0x0], $0xffff  }
0xc8: {  	v33 =	vadd.f32 v34, v33;
	v34 =	vmul.f32 v36, v41;
	v36 =	vld.idx.msk [tilespmem:v40+s7+$0x0], $0xffff;
	v40 =	vor.u32 s13, v21  }
0xc9: {  	v41 =	vld.idx.msk [tilespmem:v37+s2+$0x0], $0xffff  }
0xca: {  	v33 =	vadd.f32 v34, v33;
	v34 =	vmul.f32 v35, v42;
	v35 =	vld.idx.msk [tilespmem:v37+s7+$0x0], $0xffff;
	v37 =	vor.u32 s13, v22  }
0xcb: {  	v42 =	vld.idx.msk [tilespmem:v39+s2+$0x0], $0xffff  }
0xcc: {  	v33 =	vadd.f32 v34, v33;
	v34 =	vmul.f32 v38, v43;
	v38 =	vld.idx.msk [tilespmem:v39+s7+$0x0], $0xffff;
	v39 =	vor.u32 s13, v23  }
0xcd: {  	v43 =	vld.idx.msk [tilespmem:v40+s2+$0x0], $0xffff  }
0xce: {  	v33 =	vadd.f32 v34, v33;
	v34 =	vmul.f32 v36, v44;
	v36 =	vld.idx.msk [tilespmem:v40+s7+$0x0], $0xffff;
	v40 =	vor.u32 s13, v24  }
0xcf: {  	v44 =	vld.idx.msk [tilespmem:v37+s2+$0x0], $0xffff  }
0xd0: {  	v33 =	vadd.f32 v34, v33;
	v34 =	vmul.f32 v35, v41;
	v35 =	vld.idx.msk [tilespmem:v37+s7+$0x0], $0xffff;
	v37 =	vor.u32 s13, v25  }
0xd1: {  	v41 =	vld.idx.msk [tilespmem:v39+s2+$0x0], $0xffff  }
0xd2: {  	v33 =	vadd.f32 v34, v33;
	v34 =	vmul.f32 v38, v42;
	v38 =	vld.idx.msk [tilespmem:v39+s7+$0x0], $0xffff;
	v39 =	vor.u32 s13, v26  }
0xd3: {  	v42 =	vld.idx.msk [tilespmem:v40+s2+$0x0], $0xffff  }
0xd4: {  	v33 =	vadd.f32 v34, v33;
	v34 =	vmul.f32 v36, v43;
	v36 =	vld.idx.msk [tilespmem:v40+s7+$0x0], $0xffff;
	v40 =	vor.u32 s13, v27  }
0xd5: {  	v43 =	vld.idx.msk [tilespmem:v37+s2+$0x0], $0xffff  }
0xd6: {  	v33 =	vadd.f32 v34, v33;
	v34 =	vmul.f32 v35, v44;
	v35 =	vld.idx.msk [tilespmem:v37+s7+$0x0], $0xffff;
	v37 =	vor.u32 s13, v28  }
0xd7: {  	v44 =	vld.idx.msk [tilespmem:v39+s2+$0x0], $0xffff  }
0xd8: {  	v33 =	vadd.f32 v34, v33;
	v34 =	vmul.f32 v38, v41;
	v38 =	vld.idx.msk [tilespmem:v39+s7+$0x0], $0xffff;
	v39 =	vor.u32 s13, v29  }
0xd9: {  	v41 =	vld.idx.msk [tilespmem:v40+s2+$0x0], $0xffff  }
0xda: {  	v33 =	vadd.f32 v34, v33;
	v34 =	vmul.f32 v36, v42;
	v36 =	vld.idx.msk [tilespmem:v40+s7+$0x0], $0xffff;
	v40 =	vor.u32 s13, v30  }
0xdb: {  	v42 =	vld.idx.msk [tilespmem:v37+s2+$0x0], $0xffff  }
0xdc: {  	v33 =	vadd.f32 v34, v33;
	v34 =	vmul.f32 v35, v43;
	v35 =	vld.idx.msk [tilespmem:v37+s7+$0x0], $0xffff;
	v37 =	vor.u32 s13, v31  }
0xdd: {  	v43 =	vld.idx.msk [tilespmem:v39+s2+$0x0], $0xffff  }
0xde: {  	v33 =	vadd.f32 v34, v33;
	v34 =	vmul.f32 v38, v44;
	v38 =	vld.idx.msk [tilespmem:v39+s7+$0x0], $0xffff;
	v39 =	vor.u32 s13, v32;
	s13 =	smov.u32 s15  }
0xdf: {  	v44 =	vld.idx.msk [tilespmem:v40+s2+$0x0], $0xffff  }
0xe0: {  	v33 =	vadd.f32 v34, v33;
	v34 =	vmul.f32 v36, v41;
	v36 =	vld.idx.msk [tilespmem:v40+s7+$0x0], $0xffff  }
0xe1: {  	v40 =	vld.idx.msk [tilespmem:v37+s2+$0x0], $0xffff  }
0xe2: {  	v33 =	vadd.f32 v34, v33;
	v34 =	vmul.f32 v35, v42;
	v35 =	vld.idx.msk [tilespmem:v37+s7+$0x0], $0xffff  }
0xe3: {  	v37 =	vld.idx.msk [tilespmem:v39+s2+$0x0], $0xffff  }
0xe4: {  	v33 =	vadd.f32 v34, v33;
	v34 =	vmul.f32 v38, v43;
	v38 =	vld.idx.msk [tilespmem:v39+s7+$0x0], $0xffff;
	_ =	sdelay $0x1  }
.Ltmp0:
0xe5: {  	v33 =	vadd.f32 v34, v33;
	v34 =	vmul.f32 v36, v44;
	(pc) =	sbr.rel @p0 .LBB2_2-.Ltmp0, $4  }
0xe6: {  	_ = 	snop  }
0xe7: {  	v34 =	vadd.f32 v34, v33;
	v35 =	vmul.f32 v35, v40  }
0xe8: {  	v33 =	vor.u32 s15, v0  }
0xe9: {  	s15 =	sadd.s32 $0x200, s15;
	v33 =	vand.u32 v1, v33;
	v34 =	vadd.f32 v35, v34;
	v35 =	vmul.f32 v38, v37  }
0xea: {  	_ = 	snop  }
0xeb: {  	v36 =	vor.u32 s13, v2;
	v34 =	vadd.f32 v35, v34  }
0xec: {  	s14 =	sadd.s32 $0x10, s14  }
0xed: {  	v49 =	vor.u32 s13, v3;
	[tilespmem:s14+$0x0] =	vst v34  }
0xee: {  	v34 =	vld.idx.msk [tilespmem:v33+s7+$0x0], $0xffff  }
0xef: {  	v37 =	vor.u32 s13, v4;
	v50 =	vld.idx.msk [tilespmem:v33+s2+$0x0], $0xffff  }
0xf0: {  	v38 =	vld.idx.msk [tilespmem:v36+s2+$0x0], $0xffff  }
0xf1: {  	v39 =	vor.u32 s13, v5;
	v36 =	vld.idx.msk [tilespmem:v36+s7+$0x0], $0xffff  }
0xf2: {  	v40 =	vld.idx.msk [tilespmem:v49+s2+$0x0], $0xffff  }
0xf3: {  	v41 =	vor.u32 s13, v6;
	v35 =	vld.idx.msk [tilespmem:v49+s7+$0x0], $0xffff  }
0xf4: {  	v42 =	vld.idx.msk [tilespmem:v37+s2+$0x0], $0xffff;
	v33 =	vmul.f32 v34, v50  }
0xf5: {  	v52 =	vor.u32 s13, v7;
	v51 =	vld.idx.msk [tilespmem:v37+s7+$0x0], $0xffff  }
0xf6: {  	v43 =	vld.idx.msk [tilespmem:v39+s2+$0x0], $0xffff;
	v36 =	vmul.f32 v36, v38;
	v33 =	vadd.f32 $0.0e+00, v33  }
0xf7: {  	v54 =	vor.u32 s13, v8;
	v53 =	vld.idx.msk [tilespmem:v39+s7+$0x0], $0xffff  }
0xf8: {  	v44 =	vld.idx.msk [tilespmem:v41+s2+$0x0], $0xffff;
	v35 =	vmul.f32 v35, v40;
	v33 =	vadd.f32 v36, v33  }
0xf9: {  	v56 =	vor.u32 s13, v9;
	v55 =	vld.idx.msk [tilespmem:v41+s7+$0x0], $0xffff  }
0xfa: {  	v57 =	vld.idx.msk [tilespmem:v52+s2+$0x0], $0xffff;
	v34 =	vmul.f32 v51, v42;
	v33 =	vadd.f32 v35, v33  }
0xfb: {  	v59 =	vor.u32 s13, v10;
	v58 =	vld.idx.msk [tilespmem:v52+s7+$0x0], $0xffff  }
0xfc: {  	v60 =	vld.idx.msk [tilespmem:v54+s2+$0x0], $0xffff;
	v61 =	vmul.f32 v53, v43;
	v33 =	vadd.f32 v34, v33  }
0xfd: {  	v63 =	vor.u32 s13, v11;
	v62 =	vld.idx.msk [tilespmem:v54+s7+$0x0], $0xffff  }
0xfe: {  	v48 =	vld.idx.msk [tilespmem:v56+s2+$0x0], $0xffff;
	v49 =	vmul.f32 v55, v44;
	v33 =	vadd.f32 v61, v33  }
0xff: {  	v50 =	vld.idx.msk [tilespmem:v56+s7+$0x0], $0xffff;
	v51 =	vor.u32 s13, v12  }
0x100: {  	v52 =	vld.idx.msk [tilespmem:v59+s2+$0x0], $0xffff;
	v53 =	vmul.f32 v58, v57;
	v33 =	vadd.f32 v49, v33  }
0x101: {  	v54 =	vld.idx.msk [tilespmem:v59+s7+$0x0], $0xffff;
	v55 =	vor.u32 s13, v13  }
0x102: {  	v56 =	vld.idx.msk [tilespmem:v63+s2+$0x0], $0xffff;
	v57 =	vmul.f32 v62, v60;
	v33 =	vadd.f32 v53, v33  }
0x103: {  	v59 =	vor.u32 s13, v14;
	v58 =	vld.idx.msk [tilespmem:v63+s7+$0x0], $0xffff  }
0x104: {  	v60 =	vld.idx.msk [tilespmem:v51+s2+$0x0], $0xffff;
	v61 =	vmul.f32 v50, v48;
	v33 =	vadd.f32 v57, v33  }
0x105: {  	v63 =	vor.u32 s13, v15;
	v62 =	vld.idx.msk [tilespmem:v51+s7+$0x0], $0xffff  }
0x106: {  	v48 =	vld.idx.msk [tilespmem:v55+s2+$0x0], $0xffff;
	v49 =	vmul.f32 v54, v52;
	v33 =	vadd.f32 v61, v33  }
0x107: {  	v51 =	vor.u32 s13, v16;
	v50 =	vld.idx.msk [tilespmem:v55+s7+$0x0], $0xffff  }
0x108: {  	v52 =	vld.idx.msk [tilespmem:v59+s2+$0x0], $0xffff;
	v53 =	vmul.f32 v58, v56;
	v33 =	vadd.f32 v49, v33  }
0x109: {  	v55 =	vor.u32 s13, v17;
	v54 =	vld.idx.msk [tilespmem:v59+s7+$0x0], $0xffff  }
0x10a: {  	v56 =	vld.idx.msk [tilespmem:v63+s2+$0x0], $0xffff;
	v57 =	vmul.f32 v62, v60;
	v33 =	vadd.f32 v53, v33  }
0x10b: {  	v59 =	vor.u32 s13, v18;
	v58 =	vld.idx.msk [tilespmem:v63+s7+$0x0], $0xffff  }
0x10c: {  	v60 =	vld.idx.msk [tilespmem:v51+s2+$0x0], $0xffff;
	v61 =	vmul.f32 v50, v48;
	v33 =	vadd.f32 v57, v33  }
0x10d: {  	v63 =	vor.u32 s13, v19;
	v62 =	vld.idx.msk [tilespmem:v51+s7+$0x0], $0xffff  }
0x10e: {  	v48 =	vld.idx.msk [tilespmem:v55+s2+$0x0], $0xffff;
	v49 =	vmul.f32 v54, v52;
	v33 =	vadd.f32 v61, v33  }
0x10f: {  	v51 =	vor.u32 s13, v20;
	v50 =	vld.idx.msk [tilespmem:v55+s7+$0x0], $0xffff  }
0x110: {  	v52 =	vld.idx.msk [tilespmem:v59+s2+$0x0], $0xffff;
	v53 =	vmul.f32 v58, v56;
	v33 =	vadd.f32 v49, v33  }
0x111: {  	v55 =	vor.u32 s13, v21;
	v54 =	vld.idx.msk [tilespmem:v59+s7+$0x0], $0xffff  }
0x112: {  	v56 =	vld.idx.msk [tilespmem:v63+s2+$0x0], $0xffff;
	v57 =	vmul.f32 v62, v60;
	v33 =	vadd.f32 v53, v33  }
0x113: {  	v59 =	vor.u32 s13, v22;
	v58 =	vld.idx.msk [tilespmem:v63+s7+$0x0], $0xffff  }
0x114: {  	v60 =	vld.idx.msk [tilespmem:v51+s2+$0x0], $0xffff;
	v61 =	vmul.f32 v50, v48;
	v33 =	vadd.f32 v57, v33  }
0x115: {  	v63 =	vor.u32 s13, v23;
	v62 =	vld.idx.msk [tilespmem:v51+s7+$0x0], $0xffff  }
0x116: {  	v48 =	vld.idx.msk [tilespmem:v55+s2+$0x0], $0xffff;
	v49 =	vmul.f32 v54, v52;
	v33 =	vadd.f32 v61, v33  }
0x117: {  	v51 =	vor.u32 s13, v24;
	v50 =	vld.idx.msk [tilespmem:v55+s7+$0x0], $0xffff  }
0x118: {  	v52 =	vld.idx.msk [tilespmem:v59+s2+$0x0], $0xffff;
	v53 =	vmul.f32 v58, v56;
	v33 =	vadd.f32 v49, v33  }
0x119: {  	v55 =	vor.u32 s13, v25;
	v54 =	vld.idx.msk [tilespmem:v59+s7+$0x0], $0xffff  }
0x11a: {  	v56 =	vld.idx.msk [tilespmem:v63+s2+$0x0], $0xffff;
	v57 =	vmul.f32 v62, v60;
	v33 =	vadd.f32 v53, v33  }
0x11b: {  	v59 =	vor.u32 s13, v26;
	v58 =	vld.idx.msk [tilespmem:v63+s7+$0x0], $0xffff  }
0x11c: {  	v60 =	vld.idx.msk [tilespmem:v51+s2+$0x0], $0xffff;
	v61 =	vmul.f32 v50, v48;
	v33 =	vadd.f32 v57, v33  }
0x11d: {  	v63 =	vor.u32 s13, v27;
	v62 =	vld.idx.msk [tilespmem:v51+s7+$0x0], $0xffff  }
0x11e: {  	v48 =	vld.idx.msk [tilespmem:v55+s2+$0x0], $0xffff;
	v49 =	vmul.f32 v54, v52;
	v33 =	vadd.f32 v61, v33  }
0x11f: {  	v51 =	vor.u32 s13, v28;
	v50 =	vld.idx.msk [tilespmem:v55+s7+$0x0], $0xffff  }
0x120: {  	v52 =	vld.idx.msk [tilespmem:v59+s2+$0x0], $0xffff;
	v53 =	vmul.f32 v58, v56;
	v33 =	vadd.f32 v49, v33  }
0x121: {  	v55 =	vor.u32 s13, v29;
	v54 =	vld.idx.msk [tilespmem:v59+s7+$0x0], $0xffff  }
0x122: {  	v56 =	vld.idx.msk [tilespmem:v63+s2+$0x0], $0xffff;
	v57 =	vmul.f32 v62, v60;
	v33 =	vadd.f32 v53, v33  }
0x123: {  	v59 =	vor.u32 s13, v30;
	v58 =	vld.idx.msk [tilespmem:v63+s7+$0x0], $0xffff  }
0x124: {  	v60 =	vld.idx.msk [tilespmem:v51+s2+$0x0], $0xffff;
	v61 =	vmul.f32 v50, v48;
	v33 =	vadd.f32 v57, v33  }
0x125: {  	v63 =	vor.u32 s13, v31;
	v62 =	vld.idx.msk [tilespmem:v51+s7+$0x0], $0xffff  }
0x126: {  	v48 =	vld.idx.msk [tilespmem:v55+s2+$0x0], $0xffff;
	v49 =	vmul.f32 v54, v52;
	v33 =	vadd.f32 v61, v33  }
0x127: {  	v51 =	vor.u32 s13, v32;
	v50 =	vld.idx.msk [tilespmem:v55+s7+$0x0], $0xffff  }
0x128: {  	v52 =	vld.idx.msk [tilespmem:v59+s2+$0x0], $0xffff;
	v53 =	vmul.f32 v58, v56;
	v33 =	vadd.f32 v49, v33  }
0x129: {  	v54 =	vld.idx.msk [tilespmem:v59+s7+$0x0], $0xffff  }
0x12a: {  	v55 =	vld.idx.msk [tilespmem:v63+s2+$0x0], $0xffff;
	v56 =	vmul.f32 v62, v60;
	v33 =	vadd.f32 v53, v33  }
0x12b: {  	v57 =	vld.idx.msk [tilespmem:v63+s7+$0x0], $0xffff  }
0x12c: {  	v58 =	vld.idx.msk [tilespmem:v51+s2+$0x0], $0xffff;
	v59 =	vmul.f32 v50, v48;
	v33 =	vadd.f32 v56, v33  }
0x12d: {  	v60 =	vld.idx.msk [tilespmem:v51+s7+$0x0], $0xffff  }
0x12e: {  	v61 =	vmul.f32 v54, v52;
	v33 =	vadd.f32 v59, v33;
	_ =	sdelay $0x1  }
0x12f: {  	v62 =	vmul.f32 v57, v55;
	v33 =	vadd.f32 v61, v33;
	_ =	sdelay $0x1  }
0x130: {  	v63 =	vmul.f32 v60, v58;
	v33 =	vadd.f32 v62, v33;
	_ =	sdelay $0x1  }
0x131: {  	s12 =	sadd.s32 $0x1, s12;
	v33 =	vadd.f32 v63, v33  }
0x132: {  	s31 =	sadd.s32 $0x10, s14;
	p0 =	sne.s32 s12, s6  }
.Ltmp1:
0x133: {  	[tilespmem:s31+$0x0] =	vst v33;
	(pc) =	sbr.rel @p0 .LBB2_1-.Ltmp1, $4  }
0x134: {  	[hbm4b:s5+s2] =	stream.linear.scatter [tilespmem:s10], [sflag:$0x3], $0x200, $0x38;
	[tilespmem:$0x8200] =	vst v63  }
0x135: {  	_ =	swait.ge [sflag:s11], $0x200  }
0x136: {  	[sflag:s11] =	ssyncset.done $0x0  }
0x137: {  	[sflag:s11] =	ssyncadd.s32 $0xFFFFFE00  }
0x138: {  	_ =	sfence.sel $0x180000  }
0x139: {  	[bflag:$0x0] =	sbarrier.arrive $0xFFFF  }
0x13a: {  	p0 =	sne.s32 s0, $0x0;
	_ =	strace $0x9000004A  }
0x13b: {  	s0 =	sadd.s32 @!p0 $0x100000, s1;
	[bflag:$0x2] =	sbarrier.arrive $0xFFFF  }
0x13c: {  	[sflag:s0] =	ssyncadd.tile.s32 @!p0 $0x1;
	_ =	shalt  }
.Lfunc_end2:
_tile_overlayer_lowered:
.L_overlay_start_2:
0x13d: {  	(tag) =	ssettag $0x2  }
0x13e: {  	s0 =	rddreg [dreg:$0x0];
	s2 =	stileid.u32  }
0x13f: {  	s1 =	rddreg [dreg:$0x1];
	p0 =	sne.s32 s2, $0x0  }
0x140: {  	s3 =	rddreg [dreg:$0x2];
	[bflag:$0x3] =	sbarrier.arrive $0xFFFF;
	s2 =	simm.s32 @!p0 $0x1C03  }
0x141: {  	[timem:s3], [sflag:s2] =	dma.local @!p0 [hbm:s0], s1  }
0x142: {  	s0 =	simm.s32 @!p0 $0x3  }
0x143: {  	_ =	swait.ge @!p0 [sflag:s0], s1  }
0x144: {  	s1 =	ssub.s32 @!p0 $0x0, s1;
	[sflag:s0] =	ssyncset.done @!p0 $0x0  }
0x145: {  	[sflag:s0] =	ssyncadd.s32 @!p0 s1  }
0x146: {  	[bflag:$0x3] =	sbarrier.arrive $0xFFFF  }
0x147: {  	_ =	shalt  }

</sc_bundles>
